<compile_context>
chip_gen: v7x
topology: tpu7x:2x2x1
jax: 0.10.2.dev20260603
libtpu: 0.0.44.dev20260713+nightly
codegen_flags: <defaults>
</compile_context>

<pallas_src>
import jax
import jax.numpy as jnp
from jax import lax
from jax.experimental import pallas as pl
from jax.experimental.pallas import tpu as pltpu
from jax.experimental.pallas import tpu_sc as plsc

_C = 128
_NSUB = 16
_NCORE = 2
_BSZ = 80
_NBUF = 1
_NROUND = 1
_BLK = 1000


def _sc_agg(h_chunks, src3, dst3, zeros):
    n = h_chunks[0].shape[0]
    nch = len(h_chunks)
    per_core = nch // _NCORE
    tile_rows = zeros.shape[0]
    n_pad = tile_rows * _NSUB
    nbatch, bsz = src3.shape[1], src3.shape[2]

    mesh = plsc.VectorSubcoreMesh(core_axis_name="c", subcore_axis_name="s")

    nbuf = _NBUF
    assert nbatch % nbuf == 0
    nouter = nbatch // nbuf

    nround = _NROUND
    assert nbatch % (nround * nbuf) == 0
    nsub = nbatch // nround
    nsub_outer = nsub // nbuf

    def body(src_hbm, dst_hbm, zeros_hbm, *refs):
        h_refs = refs[:nch]
        out_refs = refs[nch:2 * nch]
        spmem, src_v, dst_v = refs[2 * nch:2 * nch + 3]
        r0 = 2 * nch + 3
        gbufs = refs[r0:r0 + nbuf]
        gsems = refs[r0 + nbuf:r0 + 2 * nbuf]
        ssems = refs[r0 + 2 * nbuf:r0 + 3 * nbuf]
        cid = lax.axis_index("c")
        tid = lax.axis_index("s")
        row0 = tid * tile_rows

        def run_chunk(h_ref, out_ref):
            pltpu.sync_copy(zeros_hbm, spmem.at[pl.ds(row0, tile_rows)])
            plsc.subcore_barrier()

            for rr in range(nround):
                pltpu.sync_copy(src_hbm.at[tid, rr], src_v)
                pltpu.sync_copy(dst_hbm.at[tid, rr], dst_v)
                for j in range(nbuf):
                    pltpu.async_copy(h_ref.at[src_v.at[j]],
                                     gbufs[j], gsems[j])

                def outer(o, carry):
                    for j in range(nbuf):
                        b = o * nbuf + j
                        pltpu.make_async_copy(
                            h_ref.at[src_v.at[b]], gbufs[j], gsems[j]).wait()
                        pltpu.async_copy(gbufs[j], spmem.at[dst_v.at[b]],
                                         ssems[j], add=True)
                    for j in range(nbuf):
                        b = o * nbuf + j
                        pltpu.make_async_copy(
                            gbufs[j], spmem.at[dst_v.at[b]], ssems[j]).wait()

                        @pl.when(o < nsub_outer - 1)
                        def _(j=j, b=b):
                            pltpu.async_copy(h_ref.at[src_v.at[b + nbuf]],
                                             gbufs[j], gsems[j])
                    return carry

                lax.fori_loop(0, nsub_outer, outer, 0)
            plsc.subcore_barrier()
            pltpu.sync_copy(spmem.at[pl.ds(row0, tile_rows)],
                            out_ref.at[pl.ds(row0, tile_rows)])
            plsc.subcore_barrier()

        for core in range(_NCORE):
            def core_work(core=core):
                for j in range(per_core):
                    ch = core * per_core + j
                    run_chunk(h_refs[ch], out_refs[ch])
            pl.when(cid == core)(core_work)

    kern = pl.kernel(
        body,
        out_type=[jax.ShapeDtypeStruct((n_pad, _C), jnp.float32)] * nch,
        scratch_types=[
            pltpu.VMEM_SHARED((n_pad, _C), jnp.float32),
            pltpu.VMEM((nsub, bsz), jnp.int32),
            pltpu.VMEM((nsub, bsz), jnp.int32),
        ] + [pltpu.VMEM((bsz, _C), jnp.float32)] * nbuf
          + [pltpu.SemaphoreType.DMA] * (2 * nbuf),
        mesh=mesh,
    )
    src4 = src3.reshape(_NSUB, nround, nsub, bsz)
    dst4 = dst3.reshape(_NSUB, nround, nsub, bsz)
    outs = kern(src4, dst4, zeros, *h_chunks)
    return outs if isinstance(outs, (tuple, list)) else (outs,)


def _mlp(h_chunks, agg_chunks, w1, b1, w2, b2):
    n = h_chunks[0].shape[0]
    din = w1.shape[0]
    dh = w1.shape[1]
    nch = len(agg_chunks)
    nb = n // _BLK

    def body(*refs):
        h_refs = refs[:nch]
        agg_refs = refs[nch:2 * nch]
        w1_ref, b1_ref, w2_ref, b2_ref, z_ref, ps_ref, pss_ref = refs[2 * nch:]
        i = pl.program_id(0)
        hcat = jnp.concatenate([r[...] for r in h_refs], axis=1)
        agg = jnp.concatenate([r[...] for r in agg_refs], axis=1)
        u = hcat + agg
        z1 = jnp.dot(u, w1_ref[...], preferred_element_type=jnp.float32)
        z1 = jnp.maximum(z1 + b1_ref[...], 0.0)
        z = jnp.dot(z1, w2_ref[...], preferred_element_type=jnp.float32)
        z = jnp.maximum(z + b2_ref[...], 0.0)
        z_ref[...] = z
        s = jnp.sum(z, axis=0, keepdims=True)
        ss = jnp.sum(z * z, axis=0, keepdims=True)

        @pl.when(i == 0)
        def _():
            ps_ref[...] = s
            pss_ref[...] = ss

        @pl.when(i > 0)
        def _():
            ps_ref[...] = ps_ref[...] + s
            pss_ref[...] = pss_ref[...] + ss

    in_specs = [pl.BlockSpec((_BLK, _C), lambda i: (i, 0))] * (2 * nch)
    in_specs += [
        pl.BlockSpec((din, dh), lambda i: (0, 0)),
        pl.BlockSpec((1, dh), lambda i: (0, 0)),
        pl.BlockSpec((dh, dh), lambda i: (0, 0)),
        pl.BlockSpec((1, dh), lambda i: (0, 0)),
    ]
    out_specs = [
        pl.BlockSpec((_BLK, dh), lambda i: (i, 0)),
        pl.BlockSpec((1, dh), lambda i: (0, 0)),
        pl.BlockSpec((1, dh), lambda i: (0, 0)),
    ]
    return pl.pallas_call(
        body,
        grid=(nb,),
        in_specs=in_specs,
        out_specs=out_specs,
        out_shape=[
            jax.ShapeDtypeStruct((n, dh), jnp.float32),
            jax.ShapeDtypeStruct((1, dh), jnp.float32),
            jax.ShapeDtypeStruct((1, dh), jnp.float32),
        ],
    )(*h_chunks, *agg_chunks, w1, b1.reshape(1, -1), w2, b2.reshape(1, -1))


def _bn_apply(z, ps, pss, gamma, beta):
    n, dh = z.shape
    nb = n // _BLK
    nch_out = dh // _C
    inv_n = 1.0 / n

    def body(z_ref, ps_ref, pss_ref, g_ref, b_ref, *chunk_refs):
        mean = ps_ref[...] * inv_n
        var = pss_ref[...] * inv_n - mean * mean
        scale = lax.rsqrt(var + 1e-5) * g_ref[...]
        hv = (z_ref[...] - mean) * scale + b_ref[...]
        for c, cr in enumerate(chunk_refs):
            cr[...] = hv[:, c * _C:(c + 1) * _C]

    in_specs = [
        pl.BlockSpec((_BLK, dh), lambda i: (i, 0)),
        pl.BlockSpec((1, dh), lambda i: (0, 0)),
        pl.BlockSpec((1, dh), lambda i: (0, 0)),
        pl.BlockSpec((1, dh), lambda i: (0, 0)),
        pl.BlockSpec((1, dh), lambda i: (0, 0)),
    ]
    out_specs = [pl.BlockSpec((_BLK, _C), lambda i: (i, 0))] * nch_out
    out_shape = [jax.ShapeDtypeStruct((n, _C), jnp.float32)] * nch_out
    outs = pl.pallas_call(
        body,
        grid=(nb,),
        in_specs=in_specs,
        out_specs=out_specs,
        out_shape=out_shape,
    )(z, ps, pss, gamma.reshape(1, -1), beta.reshape(1, -1))
    return list(outs)


def _pool_head(z, ps, pss, gamma, beta, batch3, w1, b1, w2, b2, g):
    n, dh = z.shape
    nb = n // _BLK
    dout = w2.shape[1]
    inv_n = 1.0 / n

    def body(b_ref, z_ref, ps_ref, pss_ref, ga_ref, be_ref,
             w1_ref, b1_ref, w2_ref, b2_ref, out_ref, acc, cnt):
        i = pl.program_id(0)
        mean = ps_ref[...] * inv_n
        var = pss_ref[...] * inv_n - mean * mean
        scale = lax.rsqrt(var + 1e-5) * ga_ref[...]
        hv = (z_ref[...] - mean) * scale + be_ref[...]
        bvec = b_ref[0, 0, :]
        seg = lax.broadcasted_iota(jnp.int32, (g, _BLK), 0)
        onehot = (bvec[None, :] == seg).astype(jnp.float32)
        part = jnp.dot(onehot, hv, preferred_element_type=jnp.float32)
        c = jnp.sum(onehot, axis=1, keepdims=True)

        @pl.when(i == 0)
        def _():
            acc[...] = part
            cnt[...] = c

        @pl.when(i > 0)
        def _():
            acc[...] = acc[...] + part
            cnt[...] = cnt[...] + c

        @pl.when(i == nb - 1)
        def _():
            pooled = acc[...] / jnp.maximum(cnt[...], 1.0)
            y = jnp.dot(pooled, w1_ref[...], preferred_element_type=jnp.float32)
            y = jnp.maximum(y + b1_ref[...], 0.0)
            y = jnp.dot(y, w2_ref[...], preferred_element_type=jnp.float32)
            y = y + b2_ref[...]
            m = jnp.max(y, axis=-1, keepdims=True)
            lse = jnp.log(jnp.sum(jnp.exp(y - m), axis=-1, keepdims=True)) + m
            out_ref[...] = y - lse

    in_specs = [
        pl.BlockSpec((1, 1, _BLK), lambda i: (i, 0, 0)),
        pl.BlockSpec((_BLK, dh), lambda i: (i, 0)),
        pl.BlockSpec((1, dh), lambda i: (0, 0)),
        pl.BlockSpec((1, dh), lambda i: (0, 0)),
        pl.BlockSpec((1, dh), lambda i: (0, 0)),
        pl.BlockSpec((1, dh), lambda i: (0, 0)),
        pl.BlockSpec((dh, dh), lambda i: (0, 0)),
        pl.BlockSpec((1, dh), lambda i: (0, 0)),
        pl.BlockSpec((dh, dout), lambda i: (0, 0)),
        pl.BlockSpec((1, dout), lambda i: (0, 0)),
    ]
    return pl.pallas_call(
        body,
        grid=(nb,),
        in_specs=in_specs,
        out_specs=pl.BlockSpec((g, dout), lambda i: (0, 0)),
        out_shape=jax.ShapeDtypeStruct((g, dout), jnp.float32),
        scratch_shapes=[
            pltpu.VMEM((g, dh), jnp.float32),
            pltpu.VMEM((g, 1), jnp.float32),
        ],
    )(batch3, z, ps, pss, gamma.reshape(1, -1), beta.reshape(1, -1),
      w1, b1.reshape(1, -1), w2, b2.reshape(1, -1))


def kernel(x, edge_index, batch, params):
    n, d = x.shape
    e = edge_index.shape[1]
    num_layers = sum(1 for k in params if k.startswith("W1_"))
    g = 16

    tile_rows = -(-n // (8 * _NSUB)) * 8
    n_pad = tile_rows * _NSUB
    q = _NBUF * _NROUND
    nbatch_min = -(-e // (_NSUB * _BSZ))
    nbatch = -(-nbatch_min // q) * q
    per_tile = nbatch * _BSZ
    e_pad = per_tile * _NSUB
    assert n_pad > n
    src_p = jnp.concatenate(
        [edge_index[0], jnp.zeros((e_pad - e,), jnp.int32)])
    pad_dst = n + jnp.arange(e_pad - e, dtype=jnp.int32) % (n_pad - n)
    dst_p = jnp.concatenate([edge_index[1], pad_dst])
    src3 = src_p.reshape(_NSUB, nbatch, _BSZ)
    dst3 = dst_p.reshape(_NSUB, nbatch, _BSZ)
    zeros = jnp.zeros((tile_rows, _C), jnp.float32)

    h_chunks = [x[:, c * _C:(c + 1) * _C] for c in range(d // _C)]
    for i in range(num_layers):
        aggs = _sc_agg(h_chunks, src3, dst3, zeros)
        z, ps, pss = _mlp(h_chunks, list(aggs), params[f"W1_{i}"],
                          params[f"b1_{i}"], params[f"W2_{i}"],
                          params[f"b2_{i}"])
        if i < num_layers - 1:
            h_chunks = _bn_apply(z, ps, pss, params[f"gamma_{i}"],
                                 params[f"beta_{i}"])

    batch3 = batch.reshape(n // _BLK, 1, _BLK)
    i = num_layers - 1
    return _pool_head(z, ps, pss, params[f"gamma_{i}"], params[f"beta_{i}"],
                      batch3, params["fc1_W"], params["fc1_b"],
                      params["fc2_W"], params["fc2_b"], g)

# --- scband reference (transcript-rebuilt; emitter-appended) ---
"""Pipeline reference for scband-gin-44487271251989 (READ-ONLY COPY).

The authoritative reference and input builder live on the scoring server;
editing this copy changes nothing except your own understanding.
"""

import jax, jax.numpy as jnp
import numpy as np

N = 10000
E = 160000
D = 256
H = 512
OUT = 128
G = 16
L = 4  # num_layers - 1 conv layers


def setup_inputs(seed: int = 0) -> dict:
    key = jax.random.key(seed)
    ks = jax.random.split(key, 8)
    x = jax.random.normal(ks[0], (N, D), dtype=jnp.float32)
    edge_index = jax.random.randint(ks[1], (2, E), 0, N, dtype=jnp.int32)
    batch = jnp.sort(jax.random.randint(ks[2], (N,), 0, G, dtype=jnp.int32))
    params = {}
    dims = [(D, H)] + [(H, H)] * (L - 1)
    for i, (di, do) in enumerate(dims):
        k1, k2 = jax.random.split(jax.random.fold_in(key, 100 + i))
        params[f"W1_{i}"] = jax.random.normal(k1, (di, do), dtype=jnp.float32) * (1.0 / np.sqrt(di))
        params[f"b1_{i}"] = jnp.zeros((do,), dtype=jnp.float32)
        params[f"W2_{i}"] = jax.random.normal(k2, (do, do), dtype=jnp.float32) * (1.0 / np.sqrt(do))
        params[f"b2_{i}"] = jnp.zeros((do,), dtype=jnp.float32)
        params[f"gamma_{i}"] = jnp.ones((do,), dtype=jnp.float32)
        params[f"beta_{i}"] = jnp.zeros((do,), dtype=jnp.float32)
    params["fc1_W"] = jax.random.normal(ks[3], (H, H), dtype=jnp.float32) * (1.0 / np.sqrt(H))
    params["fc1_b"] = jnp.zeros((H,), dtype=jnp.float32)
    params["fc2_W"] = jax.random.normal(ks[4], (H, OUT), dtype=jnp.float32) * (1.0 / np.sqrt(H))
    params["fc2_b"] = jnp.zeros((OUT,), dtype=jnp.float32)
    return {"x": x, "edge_index": edge_index, "batch": batch, "params": params}


def _forward(x, params, edge_index, batch):
    src, dst = edge_index[0], edge_index[1]
    h = x
    for i in range(L):
        # GINConv with eps=0: mlp((1+eps)*x + sum_{j in N(i)} x_j)
        agg = jnp.zeros_like(h).at[dst].add(h[src])
        z = h + agg
        z = jnp.maximum(z @ params[f"W1_{i}"] + params[f"b1_{i}"], 0.0)
        z = z @ params[f"W2_{i}"] + params[f"b2_{i}"]
        z = jnp.maximum(z, 0.0)  # F.relu after conv
        # BatchNorm1d (training-mode batch statistics)
        mean = jnp.mean(z, axis=0)
        var = jnp.var(z, axis=0)
        h = (z - mean) / jnp.sqrt(var + 1e-5) * params[f"gamma_{i}"] + params[f"beta_{i}"]
    # global_mean_pool
    sums = jax.ops.segment_sum(h, batch, num_segments=G)
    cnts = jax.ops.segment_sum(jnp.ones((h.shape[0], 1), h.dtype), batch, num_segments=G)
    pooled = sums / jnp.maximum(cnts, 1.0)
    y = jnp.maximum(pooled @ params["fc1_W"] + params["fc1_b"], 0.0)
    # dropout skipped (eval-mode determinism)
    y = y @ params["fc2_W"] + params["fc2_b"]
    return y - jax.scipy.special.logsumexp(y, axis=-1, keepdims=True)


def reference(x, edge_index, batch, params):
    return _forward(x, params, edge_index, batch)

if __name__ == "__main__":
    import jax
    _d = setup_inputs()
    print(jax.jit(kernel)(*tuple(_d.values())))

</pallas_src>

<mosaic_0001>
#map = affine_map<(d0, d1) -> (0, 0, 0, 0)>
#map1 = affine_map<(d0, d1) -> (0, 0)>
module attributes {stable_mosaic.version = 14 : i64} {
  func.func @body(%arg0: i32, %arg1: i32, %arg2: memref<16x1x125x80xi32, #tpu.memory_space<hbm>>, %arg3: memref<16x1x125x80xi32, #tpu.memory_space<hbm>>, %arg4: memref<632x128xf32, #tpu.memory_space<hbm>>, %arg5: memref<10000x128xf32, #tpu.memory_space<hbm>>, %arg6: memref<10000x128xf32, #tpu.memory_space<hbm>>, %arg7: memref<10000x128xf32, #tpu.memory_space<hbm>>, %arg8: memref<10000x128xf32, #tpu.memory_space<hbm>>, %arg9: memref<10112x128xf32, #tpu.memory_space<hbm>>, %arg10: memref<10112x128xf32, #tpu.memory_space<hbm>>, %arg11: memref<10112x128xf32, #tpu.memory_space<hbm>>, %arg12: memref<10112x128xf32, #tpu.memory_space<hbm>>, %arg13: memref<10112x128xf32, #tpu.memory_space<vmem_shared>>, %arg14: memref<125x80xi32, #tpu.memory_space<vmem>>, %arg15: memref<125x80xi32, #tpu.memory_space<vmem>>, %arg16: memref<80x128xf32, #tpu.memory_space<vmem>>, %arg17: memref<!tpu.dma_semaphore, #tpu.memory_space<semaphore_mem>>, %arg18: memref<!tpu.dma_semaphore, #tpu.memory_space<semaphore_mem>>) attributes {dimension_semantics = [#tpu.dimension_semantics<core_parallel>, #tpu.dimension_semantics<subcore_parallel>], iteration_bounds = array<i64: 2, 16>, scalar_prefetch = 0 : i64, scratch_operands = 6 : i64, tpu.core_type = #tpu.core_type<sc_vector_subcore>, window_params = [{transform_indices = #map}, {transform_indices = #map}, {transform_indices = #map1}, {transform_indices = #map1}, {transform_indices = #map1}, {transform_indices = #map1}, {transform_indices = #map1}, {transform_indices = #map1}, {transform_indices = #map1}, {transform_indices = #map1}, {transform_indices = #map1}]} {
    %mul3A = arith.constant 632 : i32
    %mul3A_0 = arith.muli %arg1, %mul3A : i32
    %eq3A = arith.constant 0 : i32
    %eq3A_1 = arith.cmpi eq, %arg0, %eq3A : i32
    %convert_element_type3A = arith.extui %eq3A_1 : i1 to i32
    %cond3A = arith.constant 0 : i32
    %cond3A_2 = arith.cmpi ne, %convert_element_type3A, %cond3A : i32
    scf.if %cond3A_2 {
      "tpu.region"() ({
        %run_scoped3A_40 = tpu.sem_alloc : memref<!tpu.dma_semaphore, #tpu.memory_space<semaphore_mem>>
        %dma_start3A_41 = arith.constant 0 : i32
        %dma_start3A_42 = tpu.memref_slice %arg13[%mul3A_0, %dma_start3A_41] : memref<10112x128xf32, #tpu.memory_space<vmem_shared>> -> memref<632x128xf32, #tpu.memory_space<vmem_shared>>
        tpu.enqueue_dma source(%arg4 : memref<632x128xf32, #tpu.memory_space<hbm>>) target(%dma_start3A_42 : memref<632x128xf32, #tpu.memory_space<vmem_shared>>) target_semaphore(%run_scoped3A_40 : memref<!tpu.dma_semaphore, #tpu.memory_space<semaphore_mem>>)
        %dma_wait3A = arith.constant 0 : i32
        %dma_wait3A_43 = tpu.memref_slice %arg13[%mul3A_0, %dma_wait3A] : memref<10112x128xf32, #tpu.memory_space<vmem_shared>> -> memref<632x128xf32, #tpu.memory_space<vmem_shared>>
        tpu.wait_dma2 semaphore(%run_scoped3A_40 : memref<!tpu.dma_semaphore, #tpu.memory_space<semaphore_mem>>) src(%arg4 : memref<632x128xf32, #tpu.memory_space<hbm>>) dst(%dma_wait3A_43 : memref<632x128xf32, #tpu.memory_space<vmem_shared>>)
        tpu.yield
      }) : () -> ()
      %barrier3A = arith.constant 0 : index
      tpu.barrier barrier_id(%barrier3A)
      %run_scoped3A = arith.constant 0 : i32
      "tpu.region"() ({
        %run_scoped3A_40 = tpu.sem_alloc : memref<!tpu.dma_semaphore, #tpu.memory_space<semaphore_mem>>
        %dma_start3A_41 = arith.constant 0 : i32
        %dma_start3A_42 = arith.constant 0 : i32
        %dma_start3A_43 = tpu.memref_slice %arg2[%arg1, %run_scoped3A, %dma_start3A_41, %dma_start3A_42] : memref<16x1x125x80xi32, #tpu.memory_space<hbm>> -> memref<1x1x125x80xi32, #tpu.memory_space<hbm>>
        %dma_start3A_44 = tpu.memref_squeeze %dma_start3A_43 : memref<1x1x125x80xi32, #tpu.memory_space<hbm>> -> memref<125x80xi32, #tpu.memory_space<hbm>>
        %dma_start3A_45 = arith.constant 0 : i32
        %dma_start3A_46 = arith.constant 0 : i32
        %dma_start3A_47 = tpu.memref_slice %arg2[%arg1, %run_scoped3A, %dma_start3A_45, %dma_start3A_46] : memref<16x1x125x80xi32, #tpu.memory_space<hbm>> -> memref<1x1x125x80xi32, #tpu.memory_space<hbm>>
        %dma_start3A_48 = tpu.memref_squeeze %dma_start3A_47 : memref<1x1x125x80xi32, #tpu.memory_space<hbm>> -> memref<125x80xi32, #tpu.memory_space<hbm>>
        tpu.enqueue_dma source(%dma_start3A_48 : memref<125x80xi32, #tpu.memory_space<hbm>>) target(%arg14 : memref<125x80xi32, #tpu.memory_space<vmem>>) target_semaphore(%run_scoped3A_40 : memref<!tpu.dma_semaphore, #tpu.memory_space<semaphore_mem>>)
        %dma_wait3A = arith.constant 0 : i32
        %dma_wait3A_49 = arith.constant 0 : i32
        %dma_wait3A_50 = tpu.memref_slice %arg2[%arg1, %run_scoped3A, %dma_wait3A, %dma_wait3A_49] : memref<16x1x125x80xi32, #tpu.memory_space<hbm>> -> memref<1x1x125x80xi32, #tpu.memory_space<hbm>>
        %dma_wait3A_51 = tpu.memref_squeeze %dma_wait3A_50 : memref<1x1x125x80xi32, #tpu.memory_space<hbm>> -> memref<125x80xi32, #tpu.memory_space<hbm>>
        %dma_wait3A_52 = arith.constant 0 : i32
        %dma_wait3A_53 = arith.constant 0 : i32
        %dma_wait3A_54 = tpu.memref_slice %arg2[%arg1, %run_scoped3A, %dma_wait3A_52, %dma_wait3A_53] : memref<16x1x125x80xi32, #tpu.memory_space<hbm>> -> memref<1x1x125x80xi32, #tpu.memory_space<hbm>>
        %dma_wait3A_55 = tpu.memref_squeeze %dma_wait3A_54 : memref<1x1x125x80xi32, #tpu.memory_space<hbm>> -> memref<125x80xi32, #tpu.memory_space<hbm>>
        tpu.wait_dma2 semaphore(%run_scoped3A_40 : memref<!tpu.dma_semaphore, #tpu.memory_space<semaphore_mem>>) src(%dma_wait3A_55 : memref<125x80xi32, #tpu.memory_space<hbm>>) dst(%arg14 : memref<125x80xi32, #tpu.memory_space<vmem>>)
        tpu.yield
      }) : () -> ()
      %run_scoped3A_8 = arith.constant 0 : i32
      "tpu.region"() ({
        %run_scoped3A_40 = tpu.sem_alloc : memref<!tpu.dma_semaphore, #tpu.memory_space<semaphore_mem>>
        %dma_start3A_41 = arith.constant 0 : i32
        %dma_start3A_42 = arith.constant 0 : i32
        %dma_start3A_43 = tpu.memref_slice %arg3[%arg1, %run_scoped3A_8, %dma_start3A_41, %dma_start3A_42] : memref<16x1x125x80xi32, #tpu.memory_space<hbm>> -> memref<1x1x125x80xi32, #tpu.memory_space<hbm>>
        %dma_start3A_44 = tpu.memref_squeeze %dma_start3A_43 : memref<1x1x125x80xi32, #tpu.memory_space<hbm>> -> memref<125x80xi32, #tpu.memory_space<hbm>>
        %dma_start3A_45 = arith.constant 0 : i32
        %dma_start3A_46 = arith.constant 0 : i32
        %dma_start3A_47 = tpu.memref_slice %arg3[%arg1, %run_scoped3A_8, %dma_start3A_45, %dma_start3A_46] : memref<16x1x125x80xi32, #tpu.memory_space<hbm>> -> memref<1x1x125x80xi32, #tpu.memory_space<hbm>>
        %dma_start3A_48 = tpu.memref_squeeze %dma_start3A_47 : memref<1x1x125x80xi32, #tpu.memory_space<hbm>> -> memref<125x80xi32, #tpu.memory_space<hbm>>
        tpu.enqueue_dma source(%dma_start3A_48 : memref<125x80xi32, #tpu.memory_space<hbm>>) target(%arg15 : memref<125x80xi32, #tpu.memory_space<vmem>>) target_semaphore(%run_scoped3A_40 : memref<!tpu.dma_semaphore, #tpu.memory_space<semaphore_mem>>)
        %dma_wait3A = arith.constant 0 : i32
        %dma_wait3A_49 = arith.constant 0 : i32
        %dma_wait3A_50 = tpu.memref_slice %arg3[%arg1, %run_scoped3A_8, %dma_wait3A, %dma_wait3A_49] : memref<16x1x125x80xi32, #tpu.memory_space<hbm>> -> memref<1x1x125x80xi32, #tpu.memory_space<hbm>>
        %dma_wait3A_51 = tpu.memref_squeeze %dma_wait3A_50 : memref<1x1x125x80xi32, #tpu.memory_space<hbm>> -> memref<125x80xi32, #tpu.memory_space<hbm>>
        %dma_wait3A_52 = arith.constant 0 : i32
        %dma_wait3A_53 = arith.constant 0 : i32
        %dma_wait3A_54 = tpu.memref_slice %arg3[%arg1, %run_scoped3A_8, %dma_wait3A_52, %dma_wait3A_53] : memref<16x1x125x80xi32, #tpu.memory_space<hbm>> -> memref<1x1x125x80xi32, #tpu.memory_space<hbm>>
        %dma_wait3A_55 = tpu.memref_squeeze %dma_wait3A_54 : memref<1x1x125x80xi32, #tpu.memory_space<hbm>> -> memref<125x80xi32, #tpu.memory_space<hbm>>
        tpu.wait_dma2 semaphore(%run_scoped3A_40 : memref<!tpu.dma_semaphore, #tpu.memory_space<semaphore_mem>>) src(%dma_wait3A_55 : memref<125x80xi32, #tpu.memory_space<hbm>>) dst(%arg15 : memref<125x80xi32, #tpu.memory_space<vmem>>)
        tpu.yield
      }) : () -> ()
      %dma_start3A = arith.constant 0 : i32
      %dma_start3A_9 = arith.constant 0 : i32
      %dma_start3A_10 = tpu.memref_slice %arg14[%dma_start3A, %dma_start3A_9] : memref<125x80xi32, #tpu.memory_space<vmem>> -> memref<1x80xi32, #tpu.memory_space<vmem>>
      %dma_start3A_11 = tpu.memref_squeeze %dma_start3A_10 : memref<1x80xi32, #tpu.memory_space<vmem>> -> memref<80xi32, #tpu.memory_space<vmem>>
      %dma_start3A_12 = arith.constant 0 : i32
      %dma_start3A_13 = arith.constant 0 : i32
      %dma_start3A_14 = tpu.memref_slice %arg5[%dma_start3A_12, %dma_start3A_13] : memref<10000x128xf32, #tpu.memory_space<hbm>> -> memref<10000x128xf32, #tpu.memory_space<hbm>>
      tpu.enqueue_indirect_dma source(%dma_start3A_14 : memref<10000x128xf32, #tpu.memory_space<hbm>>) target(%arg16 : memref<80x128xf32, #tpu.memory_space<vmem>>) offsets(%dma_start3A_11 : memref<80xi32, #tpu.memory_space<vmem>>) semaphore(%arg17 : memref<!tpu.dma_semaphore, #tpu.memory_space<semaphore_mem>>)
      %scan3A = arith.constant 0 : i32
      %scan3A_15 = arith.constant 0 : i32
      %scan3A_16 = arith.constant 125 : i32
      %scan3A_17 = arith.addi %scan3A_15, %scan3A_16 : i32
      %scan3A_18 = arith.constant 1 : i32
      scf.for %scan3A_40 = %scan3A_15 to %scan3A_17 step %scan3A_18  : i32 {
        %mul3A_41 = arith.constant 1 : i32
        %mul3A_42 = arith.muli %scan3A_40, %mul3A_41 : i32
        %add3A = arith.constant 0 : i32
        %add3A_43 = arith.addi %mul3A_42, %add3A : i32
        %dma_wait3A = arith.constant 0 : i32
        %dma_wait3A_44 = tpu.memref_slice %arg14[%add3A_43, %dma_wait3A] : memref<125x80xi32, #tpu.memory_space<vmem>> -> memref<1x80xi32, #tpu.memory_space<vmem>>
        %dma_wait3A_45 = tpu.memref_squeeze %dma_wait3A_44 : memref<1x80xi32, #tpu.memory_space<vmem>> -> memref<80xi32, #tpu.memory_space<vmem>>
        %dma_wait3A_46 = arith.constant 0 : i32
        %dma_wait3A_47 = arith.constant 0 : i32
        %dma_wait3A_48 = tpu.memref_slice %arg5[%dma_wait3A_46, %dma_wait3A_47] : memref<10000x128xf32, #tpu.memory_space<hbm>> -> memref<10000x128xf32, #tpu.memory_space<hbm>>
        tpu.wait_indirect_dma semaphore(%arg17 : memref<!tpu.dma_semaphore, #tpu.memory_space<semaphore_mem>>) src(%dma_wait3A_48 : memref<10000x128xf32, #tpu.memory_space<hbm>>) dst(%arg16 : memref<80x128xf32, #tpu.memory_space<vmem>>)
        %dma_start3A_49 = arith.constant 0 : i32
        %dma_start3A_50 = tpu.memref_slice %arg15[%add3A_43, %dma_start3A_49] : memref<125x80xi32, #tpu.memory_space<vmem>> -> memref<1x80xi32, #tpu.memory_space<vmem>>
        %dma_start3A_51 = tpu.memref_squeeze %dma_start3A_50 : memref<1x80xi32, #tpu.memory_space<vmem>> -> memref<80xi32, #tpu.memory_space<vmem>>
        %dma_start3A_52 = arith.constant 0 : i32
        %dma_start3A_53 = arith.constant 0 : i32
        %dma_start3A_54 = tpu.memref_slice %arg13[%dma_start3A_52, %dma_start3A_53] : memref<10112x128xf32, #tpu.memory_space<vmem_shared>> -> memref<10112x128xf32, #tpu.memory_space<vmem_shared>>
        tpu.enqueue_indirect_dma source(%arg16 : memref<80x128xf32, #tpu.memory_space<vmem>>) target(%dma_start3A_54 : memref<10112x128xf32, #tpu.memory_space<vmem_shared>>) offsets(%dma_start3A_51 : memref<80xi32, #tpu.memory_space<vmem>>) semaphore(%arg18 : memref<!tpu.dma_semaphore, #tpu.memory_space<semaphore_mem>>) {add = true}
        %mul3A_55 = arith.constant 1 : i32
        %mul3A_56 = arith.muli %scan3A_40, %mul3A_55 : i32
        %add3A_57 = arith.constant 0 : i32
        %add3A_58 = arith.addi %mul3A_56, %add3A_57 : i32
        %dma_wait3A_59 = arith.constant 0 : i32
        %dma_wait3A_60 = tpu.memref_slice %arg15[%add3A_58, %dma_wait3A_59] : memref<125x80xi32, #tpu.memory_space<vmem>> -> memref<1x80xi32, #tpu.memory_space<vmem>>
        %dma_wait3A_61 = tpu.memref_squeeze %dma_wait3A_60 : memref<1x80xi32, #tpu.memory_space<vmem>> -> memref<80xi32, #tpu.memory_space<vmem>>
        %dma_wait3A_62 = arith.constant 0 : i32
        %dma_wait3A_63 = arith.constant 0 : i32
        %dma_wait3A_64 = tpu.memref_slice %arg13[%dma_wait3A_62, %dma_wait3A_63] : memref<10112x128xf32, #tpu.memory_space<vmem_shared>> -> memref<10112x128xf32, #tpu.memory_space<vmem_shared>>
        tpu.wait_indirect_dma semaphore(%arg18 : memref<!tpu.dma_semaphore, #tpu.memory_space<semaphore_mem>>) src(%arg16 : memref<80x128xf32, #tpu.memory_space<vmem>>) dst(%dma_wait3A_64 : memref<10112x128xf32, #tpu.memory_space<vmem_shared>>)
        %lt3A = arith.constant 124 : i32
        %lt3A_65 = arith.cmpi slt, %scan3A_40, %lt3A : i32
        %convert_element_type3A_66 = arith.extui %lt3A_65 : i1 to i32
        %cond3A_67 = arith.constant 0 : i32
        %cond3A_68 = arith.cmpi ne, %convert_element_type3A_66, %cond3A_67 : i32
        scf.if %cond3A_68 {
          %add3A_69 = arith.constant 1 : i32
          %add3A_70 = arith.addi %add3A_58, %add3A_69 : i32
          %dma_start3A_71 = arith.constant 0 : i32
          %dma_start3A_72 = tpu.memref_slice %arg14[%add3A_70, %dma_start3A_71] : memref<125x80xi32, #tpu.memory_space<vmem>> -> memref<1x80xi32, #tpu.memory_space<vmem>>
          %dma_start3A_73 = tpu.memref_squeeze %dma_start3A_72 : memref<1x80xi32, #tpu.memory_space<vmem>> -> memref<80xi32, #tpu.memory_space<vmem>>
          %dma_start3A_74 = arith.constant 0 : i32
          %dma_start3A_75 = arith.constant 0 : i32
          %dma_start3A_76 = tpu.memref_slice %arg5[%dma_start3A_74, %dma_start3A_75] : memref<10000x128xf32, #tpu.memory_space<hbm>> -> memref<10000x128xf32, #tpu.memory_space<hbm>>
          tpu.enqueue_indirect_dma source(%dma_start3A_76 : memref<10000x128xf32, #tpu.memory_space<hbm>>) target(%arg16 : memref<80x128xf32, #tpu.memory_space<vmem>>) offsets(%dma_start3A_73 : memref<80xi32, #tpu.memory_space<vmem>>) semaphore(%arg17 : memref<!tpu.dma_semaphore, #tpu.memory_space<semaphore_mem>>)
        } else {
        }
      }
      %scan3A_19 = arith.constant 125 : i32
      %barrier3A_20 = arith.constant 0 : index
      tpu.barrier barrier_id(%barrier3A_20)
      "tpu.region"() ({
        %run_scoped3A_40 = tpu.sem_alloc : memref<!tpu.dma_semaphore, #tpu.memory_space<semaphore_mem>>
        %dma_start3A_41 = arith.constant 0 : i32
        %dma_start3A_42 = tpu.memref_slice %arg9[%mul3A_0, %dma_start3A_41] : memref<10112x128xf32, #tpu.memory_space<hbm>> -> memref<632x128xf32, #tpu.memory_space<hbm>>
        %dma_start3A_43 = arith.constant 0 : i32
        %dma_start3A_44 = tpu.memref_slice %arg13[%mul3A_0, %dma_start3A_43] : memref<10112x128xf32, #tpu.memory_space<vmem_shared>> -> memref<632x128xf32, #tpu.memory_space<vmem_shared>>
        tpu.enqueue_dma source(%dma_start3A_44 : memref<632x128xf32, #tpu.memory_space<vmem_shared>>) target(%dma_start3A_42 : memref<632x128xf32, #tpu.memory_space<hbm>>) target_semaphore(%run_scoped3A_40 : memref<!tpu.dma_semaphore, #tpu.memory_space<semaphore_mem>>)
        %dma_wait3A = arith.constant 0 : i32
        %dma_wait3A_45 = tpu.memref_slice %arg9[%mul3A_0, %dma_wait3A] : memref<10112x128xf32, #tpu.memory_space<hbm>> -> memref<632x128xf32, #tpu.memory_space<hbm>>
        %dma_wait3A_46 = arith.constant 0 : i32
        %dma_wait3A_47 = tpu.memref_slice %arg13[%mul3A_0, %dma_wait3A_46] : memref<10112x128xf32, #tpu.memory_space<vmem_shared>> -> memref<632x128xf32, #tpu.memory_space<vmem_shared>>
        tpu.wait_dma2 semaphore(%run_scoped3A_40 : memref<!tpu.dma_semaphore, #tpu.memory_space<semaphore_mem>>) src(%dma_wait3A_47 : memref<632x128xf32, #tpu.memory_space<vmem_shared>>) dst(%dma_wait3A_45 : memref<632x128xf32, #tpu.memory_space<hbm>>)
        tpu.yield
      }) : () -> ()
      %barrier3A_21 = arith.constant 0 : index
      tpu.barrier barrier_id(%barrier3A_21)
      "tpu.region"() ({
        %run_scoped3A_40 = tpu.sem_alloc : memref<!tpu.dma_semaphore, #tpu.memory_space<semaphore_mem>>
        %dma_start3A_41 = arith.constant 0 : i32
        %dma_start3A_42 = tpu.memref_slice %arg13[%mul3A_0, %dma_start3A_41] : memref<10112x128xf32, #tpu.memory_space<vmem_shared>> -> memref<632x128xf32, #tpu.memory_space<vmem_shared>>
        tpu.enqueue_dma source(%arg4 : memref<632x128xf32, #tpu.memory_space<hbm>>) target(%dma_start3A_42 : memref<632x128xf32, #tpu.memory_space<vmem_shared>>) target_semaphore(%run_scoped3A_40 : memref<!tpu.dma_semaphore, #tpu.memory_space<semaphore_mem>>)
        %dma_wait3A = arith.constant 0 : i32
        %dma_wait3A_43 = tpu.memref_slice %arg13[%mul3A_0, %dma_wait3A] : memref<10112x128xf32, #tpu.memory_space<vmem_shared>> -> memref<632x128xf32, #tpu.memory_space<vmem_shared>>
        tpu.wait_dma2 semaphore(%run_scoped3A_40 : memref<!tpu.dma_semaphore, #tpu.memory_space<semaphore_mem>>) src(%arg4 : memref<632x128xf32, #tpu.memory_space<hbm>>) dst(%dma_wait3A_43 : memref<632x128xf32, #tpu.memory_space<vmem_shared>>)
        tpu.yield
      }) : () -> ()
      %barrier3A_22 = arith.constant 0 : index
      tpu.barrier barrier_id(%barrier3A_22)
      %run_scoped3A_23 = arith.constant 0 : i32
      "tpu.region"() ({
        %run_scoped3A_40 = tpu.sem_alloc : memref<!tpu.dma_semaphore, #tpu.memory_space<semaphore_mem>>
        %dma_start3A_41 = arith.constant 0 : i32
        %dma_start3A_42 = arith.constant 0 : i32
        %dma_start3A_43 = tpu.memref_slice %arg2[%arg1, %run_scoped3A_23, %dma_start3A_41, %dma_start3A_42] : memref<16x1x125x80xi32, #tpu.memory_space<hbm>> -> memref<1x1x125x80xi32, #tpu.memory_space<hbm>>
        %dma_start3A_44 = tpu.memref_squeeze %dma_start3A_43 : memref<1x1x125x80xi32, #tpu.memory_space<hbm>> -> memref<125x80xi32, #tpu.memory_space<hbm>>
        %dma_start3A_45 = arith.constant 0 : i32
        %dma_start3A_46 = arith.constant 0 : i32
        %dma_start3A_47 = tpu.memref_slice %arg2[%arg1, %run_scoped3A_23, %dma_start3A_45, %dma_start3A_46] : memref<16x1x125x80xi32, #tpu.memory_space<hbm>> -> memref<1x1x125x80xi32, #tpu.memory_space<hbm>>
        %dma_start3A_48 = tpu.memref_squeeze %dma_start3A_47 : memref<1x1x125x80xi32, #tpu.memory_space<hbm>> -> memref<125x80xi32, #tpu.memory_space<hbm>>
        tpu.enqueue_dma source(%dma_start3A_48 : memref<125x80xi32, #tpu.memory_space<hbm>>) target(%arg14 : memref<125x80xi32, #tpu.memory_space<vmem>>) target_semaphore(%run_scoped3A_40 : memref<!tpu.dma_semaphore, #tpu.memory_space<semaphore_mem>>)
        %dma_wait3A = arith.constant 0 : i32
        %dma_wait3A_49 = arith.constant 0 : i32
        %dma_wait3A_50 = tpu.memref_slice %arg2[%arg1, %run_scoped3A_23, %dma_wait3A, %dma_wait3A_49] : memref<16x1x125x80xi32, #tpu.memory_space<hbm>> -> memref<1x1x125x80xi32, #tpu.memory_space<hbm>>
        %dma_wait3A_51 = tpu.memref_squeeze %dma_wait3A_50 : memref<1x1x125x80xi32, #tpu.memory_space<hbm>> -> memref<125x80xi32, #tpu.memory_space<hbm>>
        %dma_wait3A_52 = arith.constant 0 : i32
        %dma_wait3A_53 = arith.constant 0 : i32
        %dma_wait3A_54 = tpu.memref_slice %arg2[%arg1, %run_scoped3A_23, %dma_wait3A_52, %dma_wait3A_53] : memref<16x1x125x80xi32, #tpu.memory_space<hbm>> -> memref<1x1x125x80xi32, #tpu.memory_space<hbm>>
        %dma_wait3A_55 = tpu.memref_squeeze %dma_wait3A_54 : memref<1x1x125x80xi32, #tpu.memory_space<hbm>> -> memref<125x80xi32, #tpu.memory_space<hbm>>
        tpu.wait_dma2 semaphore(%run_scoped3A_40 : memref<!tpu.dma_semaphore, #tpu.memory_space<semaphore_mem>>) src(%dma_wait3A_55 : memref<125x80xi32, #tpu.memory_space<hbm>>) dst(%arg14 : memref<125x80xi32, #tpu.memory_space<vmem>>)
        tpu.yield
      }) : () -> ()
      %run_scoped3A_24 = arith.constant 0 : i32
      "tpu.region"() ({
        %run_scoped3A_40 = tpu.sem_alloc : memref<!tpu.dma_semaphore, #tpu.memory_space<semaphore_mem>>
        %dma_start3A_41 = arith.constant 0 : i32
        %dma_start3A_42 = arith.constant 0 : i32
        %dma_start3A_43 = tpu.memref_slice %arg3[%arg1, %run_scoped3A_24, %dma_start3A_41, %dma_start3A_42] : memref<16x1x125x80xi32, #tpu.memory_space<hbm>> -> memref<1x1x125x80xi32, #tpu.memory_space<hbm>>
        %dma_start3A_44 = tpu.memref_squeeze %dma_start3A_43 : memref<1x1x125x80xi32, #tpu.memory_space<hbm>> -> memref<125x80xi32, #tpu.memory_space<hbm>>
        %dma_start3A_45 = arith.constant 0 : i32
        %dma_start3A_46 = arith.constant 0 : i32
        %dma_start3A_47 = tpu.memref_slice %arg3[%arg1, %run_scoped3A_24, %dma_start3A_45, %dma_start3A_46] : memref<16x1x125x80xi32, #tpu.memory_space<hbm>> -> memref<1x1x125x80xi32, #tpu.memory_space<hbm>>
        %dma_start3A_48 = tpu.memref_squeeze %dma_start3A_47 : memref<1x1x125x80xi32, #tpu.memory_space<hbm>> -> memref<125x80xi32, #tpu.memory_space<hbm>>
        tpu.enqueue_dma source(%dma_start3A_48 : memref<125x80xi32, #tpu.memory_space<hbm>>) target(%arg15 : memref<125x80xi32, #tpu.memory_space<vmem>>) target_semaphore(%run_scoped3A_40 : memref<!tpu.dma_semaphore, #tpu.memory_space<semaphore_mem>>)
        %dma_wait3A = arith.constant 0 : i32
        %dma_wait3A_49 = arith.constant 0 : i32
        %dma_wait3A_50 = tpu.memref_slice %arg3[%arg1, %run_scoped3A_24, %dma_wait3A, %dma_wait3A_49] : memref<16x1x125x80xi32, #tpu.memory_space<hbm>> -> memref<1x1x125x80xi32, #tpu.memory_space<hbm>>
        %dma_wait3A_51 = tpu.memref_squeeze %dma_wait3A_50 : memref<1x1x125x80xi32, #tpu.memory_space<hbm>> -> memref<125x80xi32, #tpu.memory_space<hbm>>
        %dma_wait3A_52 = arith.constant 0 : i32
        %dma_wait3A_53 = arith.constant 0 : i32
        %dma_wait3A_54 = tpu.memref_slice %arg3[%arg1, %run_scoped3A_24, %dma_wait3A_52, %dma_wait3A_53] : memref<16x1x125x80xi32, #tpu.memory_space<hbm>> -> memref<1x1x125x80xi32, #tpu.memory_space<hbm>>
        %dma_wait3A_55 = tpu.memref_squeeze %dma_wait3A_54 : memref<1x1x125x80xi32, #tpu.memory_space<hbm>> -> memref<125x80xi32, #tpu.memory_space<hbm>>
        tpu.wait_dma2 semaphore(%run_scoped3A_40 : memref<!tpu.dma_semaphore, #tpu.memory_space<semaphore_mem>>) src(%dma_wait3A_55 : memref<125x80xi32, #tpu.memory_space<hbm>>) dst(%arg15 : memref<125x80xi32, #tpu.memory_space<vmem>>)
        tpu.yield
      }) : () -> ()
      %dma_start3A_25 = arith.constant 0 : i32
      %dma_start3A_26 = arith.constant 0 : i32
      %dma_start3A_27 = tpu.memref_slice %arg14[%dma_start3A_25, %dma_start3A_26] : memref<125x80xi32, #tpu.memory_space<vmem>> -> memref<1x80xi32, #tpu.memory_space<vmem>>
      %dma_start3A_28 = tpu.memref_squeeze %dma_start3A_27 : memref<1x80xi32, #tpu.memory_space<vmem>> -> memref<80xi32, #tpu.memory_space<vmem>>
      %dma_start3A_29 = arith.constant 0 : i32
      %dma_start3A_30 = arith.constant 0 : i32
      %dma_start3A_31 = tpu.memref_slice %arg6[%dma_start3A_29, %dma_start3A_30] : memref<10000x128xf32, #tpu.memory_space<hbm>> -> memref<10000x128xf32, #tpu.memory_space<hbm>>
      tpu.enqueue_indirect_dma source(%dma_start3A_31 : memref<10000x128xf32, #tpu.memory_space<hbm>>) target(%arg16 : memref<80x128xf32, #tpu.memory_space<vmem>>) offsets(%dma_start3A_28 : memref<80xi32, #tpu.memory_space<vmem>>) semaphore(%arg17 : memref<!tpu.dma_semaphore, #tpu.memory_space<semaphore_mem>>)
      %scan3A_32 = arith.constant 0 : i32
      %scan3A_33 = arith.constant 0 : i32
      %scan3A_34 = arith.constant 125 : i32
      %scan3A_35 = arith.addi %scan3A_33, %scan3A_34 : i32
      %scan3A_36 = arith.constant 1 : i32
      scf.for %scan3A_40 = %scan3A_33 to %scan3A_35 step %scan3A_36  : i32 {
        %mul3A_41 = arith.constant 1 : i32
        %mul3A_42 = arith.muli %scan3A_40, %mul3A_41 : i32
        %add3A = arith.constant 0 : i32
        %add3A_43 = arith.addi %mul3A_42, %add3A : i32
        %dma_wait3A = arith.constant 0 : i32
        %dma_wait3A_44 = tpu.memref_slice %arg14[%add3A_43, %dma_wait3A] : memref<125x80xi32, #tpu.memory_space<vmem>> -> memref<1x80xi32, #tpu.memory_space<vmem>>
        %dma_wait3A_45 = tpu.memref_squeeze %dma_wait3A_44 : memref<1x80xi32, #tpu.memory_space<vmem>> -> memref<80xi32, #tpu.memory_space<vmem>>
        %dma_wait3A_46 = arith.constant 0 : i32
        %dma_wait3A_47 = arith.constant 0 : i32
        %dma_wait3A_48 = tpu.memref_slice %arg6[%dma_wait3A_46, %dma_wait3A_47] : memref<10000x128xf32, #tpu.memory_space<hbm>> -> memref<10000x128xf32, #tpu.memory_space<hbm>>
        tpu.wait_indirect_dma semaphore(%arg17 : memref<!tpu.dma_semaphore, #tpu.memory_space<semaphore_mem>>) src(%dma_wait3A_48 : memref<10000x128xf32, #tpu.memory_space<hbm>>) dst(%arg16 : memref<80x128xf32, #tpu.memory_space<vmem>>)
        %dma_start3A_49 = arith.constant 0 : i32
        %dma_start3A_50 = tpu.memref_slice %arg15[%add3A_43, %dma_start3A_49] : memref<125x80xi32, #tpu.memory_space<vmem>> -> memref<1x80xi32, #tpu.memory_space<vmem>>
        %dma_start3A_51 = tpu.memref_squeeze %dma_start3A_50 : memref<1x80xi32, #tpu.memory_space<vmem>> -> memref<80xi32, #tpu.memory_space<vmem>>
        %dma_start3A_52 = arith.constant 0 : i32
        %dma_start3A_53 = arith.constant 0 : i32
        %dma_start3A_54 = tpu.memref_slice %arg13[%dma_start3A_52, %dma_start3A_53] : memref<10112x128xf32, #tpu.memory_space<vmem_shared>> -> memref<10112x128xf32, #tpu.memory_space<vmem_shared>>
        tpu.enqueue_indirect_dma source(%arg16 : memref<80x128xf32, #tpu.memory_space<vmem>>) target(%dma_start3A_54 : memref<10112x128xf32, #tpu.memory_space<vmem_shared>>) offsets(%dma_start3A_51 : memref<80xi32, #tpu.memory_space<vmem>>) semaphore(%arg18 : memref<!tpu.dma_semaphore, #tpu.memory_space<semaphore_mem>>) {add = true}
        %mul3A_55 = arith.constant 1 : i32
        %mul3A_56 = arith.muli %scan3A_40, %mul3A_55 : i32
        %add3A_57 = arith.constant 0 : i32
        %add3A_58 = arith.addi %mul3A_56, %add3A_57 : i32
        %dma_wait3A_59 = arith.constant 0 : i32
        %dma_wait3A_60 = tpu.memref_slice %arg15[%add3A_58, %dma_wait3A_59] : memref<125x80xi32, #tpu.memory_space<vmem>> -> memref<1x80xi32, #tpu.memory_space<vmem>>
        %dma_wait3A_61 = tpu.memref_squeeze %dma_wait3A_60 : memref<1x80xi32, #tpu.memory_space<vmem>> -> memref<80xi32, #tpu.memory_space<vmem>>
        %dma_wait3A_62 = arith.constant 0 : i32
        %dma_wait3A_63 = arith.constant 0 : i32
        %dma_wait3A_64 = tpu.memref_slice %arg13[%dma_wait3A_62, %dma_wait3A_63] : memref<10112x128xf32, #tpu.memory_space<vmem_shared>> -> memref<10112x128xf32, #tpu.memory_space<vmem_shared>>
        tpu.wait_indirect_dma semaphore(%arg18 : memref<!tpu.dma_semaphore, #tpu.memory_space<semaphore_mem>>) src(%arg16 : memref<80x128xf32, #tpu.memory_space<vmem>>) dst(%dma_wait3A_64 : memref<10112x128xf32, #tpu.memory_space<vmem_shared>>)
        %lt3A = arith.constant 124 : i32
        %lt3A_65 = arith.cmpi slt, %scan3A_40, %lt3A : i32
        %convert_element_type3A_66 = arith.extui %lt3A_65 : i1 to i32
        %cond3A_67 = arith.constant 0 : i32
        %cond3A_68 = arith.cmpi ne, %convert_element_type3A_66, %cond3A_67 : i32
        scf.if %cond3A_68 {
          %add3A_69 = arith.constant 1 : i32
          %add3A_70 = arith.addi %add3A_58, %add3A_69 : i32
          %dma_start3A_71 = arith.constant 0 : i32
          %dma_start3A_72 = tpu.memref_slice %arg14[%add3A_70, %dma_start3A_71] : memref<125x80xi32, #tpu.memory_space<vmem>> -> memref<1x80xi32, #tpu.memory_space<vmem>>
          %dma_start3A_73 = tpu.memref_squeeze %dma_start3A_72 : memref<1x80xi32, #tpu.memory_space<vmem>> -> memref<80xi32, #tpu.memory_space<vmem>>
          %dma_start3A_74 = arith.constant 0 : i32
          %dma_start3A_75 = arith.constant 0 : i32
          %dma_start3A_76 = tpu.memref_slice %arg6[%dma_start3A_74, %dma_start3A_75] : memref<10000x128xf32, #tpu.memory_space<hbm>> -> memref<10000x128xf32, #tpu.memory_space<hbm>>
          tpu.enqueue_indirect_dma source(%dma_start3A_76 : memref<10000x128xf32, #tpu.memory_space<hbm>>) target(%arg16 : memref<80x128xf32, #tpu.memory_space<vmem>>) offsets(%dma_start3A_73 : memref<80xi32, #tpu.memory_space<vmem>>) semaphore(%arg17 : memref<!tpu.dma_semaphore, #tpu.memory_space<semaphore_mem>>)
        } else {
        }
      }
      %scan3A_37 = arith.constant 125 : i32
      %barrier3A_38 = arith.constant 0 : index
      tpu.barrier barrier_id(%barrier3A_38)
      "tpu.region"() ({
        %run_scoped3A_40 = tpu.sem_alloc : memref<!tpu.dma_semaphore, #tpu.memory_space<semaphore_mem>>
        %dma_start3A_41 = arith.constant 0 : i32
        %dma_start3A_42 = tpu.memref_slice %arg10[%mul3A_0, %dma_start3A_41] : memref<10112x128xf32, #tpu.memory_space<hbm>> -> memref<632x128xf32, #tpu.memory_space<hbm>>
        %dma_start3A_43 = arith.constant 0 : i32
        %dma_start3A_44 = tpu.memref_slice %arg13[%mul3A_0, %dma_start3A_43] : memref<10112x128xf32, #tpu.memory_space<vmem_shared>> -> memref<632x128xf32, #tpu.memory_space<vmem_shared>>
        tpu.enqueue_dma source(%dma_start3A_44 : memref<632x128xf32, #tpu.memory_space<vmem_shared>>) target(%dma_start3A_42 : memref<632x128xf32, #tpu.memory_space<hbm>>) target_semaphore(%run_scoped3A_40 : memref<!tpu.dma_semaphore, #tpu.memory_space<semaphore_mem>>)
        %dma_wait3A = arith.constant 0 : i32
        %dma_wait3A_45 = tpu.memref_slice %arg10[%mul3A_0, %dma_wait3A] : memref<10112x128xf32, #tpu.memory_space<hbm>> -> memref<632x128xf32, #tpu.memory_space<hbm>>
        %dma_wait3A_46 = arith.constant 0 : i32
        %dma_wait3A_47 = tpu.memref_slice %arg13[%mul3A_0, %dma_wait3A_46] : memref<10112x128xf32, #tpu.memory_space<vmem_shared>> -> memref<632x128xf32, #tpu.memory_space<vmem_shared>>
        tpu.wait_dma2 semaphore(%run_scoped3A_40 : memref<!tpu.dma_semaphore, #tpu.memory_space<semaphore_mem>>) src(%dma_wait3A_47 : memref<632x128xf32, #tpu.memory_space<vmem_shared>>) dst(%dma_wait3A_45 : memref<632x128xf32, #tpu.memory_space<hbm>>)
        tpu.yield
      }) : () -> ()
      %barrier3A_39 = arith.constant 0 : index
      tpu.barrier barrier_id(%barrier3A_39)
    } else {
    }
    %eq3A_3 = arith.constant 1 : i32
    %eq3A_4 = arith.cmpi eq, %arg0, %eq3A_3 : i32
    %convert_element_type3A_5 = arith.extui %eq3A_4 : i1 to i32
    %cond3A_6 = arith.constant 0 : i32
    %cond3A_7 = arith.cmpi ne, %convert_element_type3A_5, %cond3A_6 : i32
    scf.if %cond3A_7 {
      "tpu.region"() ({
        %run_scoped3A_40 = tpu.sem_alloc : memref<!tpu.dma_semaphore, #tpu.memory_space<semaphore_mem>>
        %dma_start3A_41 = arith.constant 0 : i32
        %dma_start3A_42 = tpu.memref_slice %arg13[%mul3A_0, %dma_start3A_41] : memref<10112x128xf32, #tpu.memory_space<vmem_shared>> -> memref<632x128xf32, #tpu.memory_space<vmem_shared>>
        tpu.enqueue_dma source(%arg4 : memref<632x128xf32, #tpu.memory_space<hbm>>) target(%dma_start3A_42 : memref<632x128xf32, #tpu.memory_space<vmem_shared>>) target_semaphore(%run_scoped3A_40 : memref<!tpu.dma_semaphore, #tpu.memory_space<semaphore_mem>>)
        %dma_wait3A = arith.constant 0 : i32
        %dma_wait3A_43 = tpu.memref_slice %arg13[%mul3A_0, %dma_wait3A] : memref<10112x128xf32, #tpu.memory_space<vmem_shared>> -> memref<632x128xf32, #tpu.memory_space<vmem_shared>>
        tpu.wait_dma2 semaphore(%run_scoped3A_40 : memref<!tpu.dma_semaphore, #tpu.memory_space<semaphore_mem>>) src(%arg4 : memref<632x128xf32, #tpu.memory_space<hbm>>) dst(%dma_wait3A_43 : memref<632x128xf32, #tpu.memory_space<vmem_shared>>)
        tpu.yield
      }) : () -> ()
      %barrier3A = arith.constant 0 : index
      tpu.barrier barrier_id(%barrier3A)
      %run_scoped3A = arith.constant 0 : i32
      "tpu.region"() ({
        %run_scoped3A_40 = tpu.sem_alloc : memref<!tpu.dma_semaphore, #tpu.memory_space<semaphore_mem>>
        %dma_start3A_41 = arith.constant 0 : i32
        %dma_start3A_42 = arith.constant 0 : i32
        %dma_start3A_43 = tpu.memref_slice %arg2[%arg1, %run_scoped3A, %dma_start3A_41, %dma_start3A_42] : memref<16x1x125x80xi32, #tpu.memory_space<hbm>> -> memref<1x1x125x80xi32, #tpu.memory_space<hbm>>
        %dma_start3A_44 = tpu.memref_squeeze %dma_start3A_43 : memref<1x1x125x80xi32, #tpu.memory_space<hbm>> -> memref<125x80xi32, #tpu.memory_space<hbm>>
        %dma_start3A_45 = arith.constant 0 : i32
        %dma_start3A_46 = arith.constant 0 : i32
        %dma_start3A_47 = tpu.memref_slice %arg2[%arg1, %run_scoped3A, %dma_start3A_45, %dma_start3A_46] : memref<16x1x125x80xi32, #tpu.memory_space<hbm>> -> memref<1x1x125x80xi32, #tpu.memory_space<hbm>>
        %dma_start3A_48 = tpu.memref_squeeze %dma_start3A_47 : memref<1x1x125x80xi32, #tpu.memory_space<hbm>> -> memref<125x80xi32, #tpu.memory_space<hbm>>
        tpu.enqueue_dma source(%dma_start3A_48 : memref<125x80xi32, #tpu.memory_space<hbm>>) target(%arg14 : memref<125x80xi32, #tpu.memory_space<vmem>>) target_semaphore(%run_scoped3A_40 : memref<!tpu.dma_semaphore, #tpu.memory_space<semaphore_mem>>)
        %dma_wait3A = arith.constant 0 : i32
        %dma_wait3A_49 = arith.constant 0 : i32
        %dma_wait3A_50 = tpu.memref_slice %arg2[%arg1, %run_scoped3A, %dma_wait3A, %dma_wait3A_49] : memref<16x1x125x80xi32, #tpu.memory_space<hbm>> -> memref<1x1x125x80xi32, #tpu.memory_space<hbm>>
        %dma_wait3A_51 = tpu.memref_squeeze %dma_wait3A_50 : memref<1x1x125x80xi32, #tpu.memory_space<hbm>> -> memref<125x80xi32, #tpu.memory_space<hbm>>
        %dma_wait3A_52 = arith.constant 0 : i32
        %dma_wait3A_53 = arith.constant 0 : i32
        %dma_wait3A_54 = tpu.memref_slice %arg2[%arg1, %run_scoped3A, %dma_wait3A_52, %dma_wait3A_53] : memref<16x1x125x80xi32, #tpu.memory_space<hbm>> -> memref<1x1x125x80xi32, #tpu.memory_space<hbm>>
        %dma_wait3A_55 = tpu.memref_squeeze %dma_wait3A_54 : memref<1x1x125x80xi32, #tpu.memory_space<hbm>> -> memref<125x80xi32, #tpu.memory_space<hbm>>
        tpu.wait_dma2 semaphore(%run_scoped3A_40 : memref<!tpu.dma_semaphore, #tpu.memory_space<semaphore_mem>>) src(%dma_wait3A_55 : memref<125x80xi32, #tpu.memory_space<hbm>>) dst(%arg14 : memref<125x80xi32, #tpu.memory_space<vmem>>)
        tpu.yield
      }) : () -> ()
      %run_scoped3A_8 = arith.constant 0 : i32
      "tpu.region"() ({
        %run_scoped3A_40 = tpu.sem_alloc : memref<!tpu.dma_semaphore, #tpu.memory_space<semaphore_mem>>
        %dma_start3A_41 = arith.constant 0 : i32
        %dma_start3A_42 = arith.constant 0 : i32
        %dma_start3A_43 = tpu.memref_slice %arg3[%arg1, %run_scoped3A_8, %dma_start3A_41, %dma_start3A_42] : memref<16x1x125x80xi32, #tpu.memory_space<hbm>> -> memref<1x1x125x80xi32, #tpu.memory_space<hbm>>
        %dma_start3A_44 = tpu.memref_squeeze %dma_start3A_43 : memref<1x1x125x80xi32, #tpu.memory_space<hbm>> -> memref<125x80xi32, #tpu.memory_space<hbm>>
        %dma_start3A_45 = arith.constant 0 : i32
        %dma_start3A_46 = arith.constant 0 : i32
        %dma_start3A_47 = tpu.memref_slice %arg3[%arg1, %run_scoped3A_8, %dma_start3A_45, %dma_start3A_46] : memref<16x1x125x80xi32, #tpu.memory_space<hbm>> -> memref<1x1x125x80xi32, #tpu.memory_space<hbm>>
        %dma_start3A_48 = tpu.memref_squeeze %dma_start3A_47 : memref<1x1x125x80xi32, #tpu.memory_space<hbm>> -> memref<125x80xi32, #tpu.memory_space<hbm>>
        tpu.enqueue_dma source(%dma_start3A_48 : memref<125x80xi32, #tpu.memory_space<hbm>>) target(%arg15 : memref<125x80xi32, #tpu.memory_space<vmem>>) target_semaphore(%run_scoped3A_40 : memref<!tpu.dma_semaphore, #tpu.memory_space<semaphore_mem>>)
        %dma_wait3A = arith.constant 0 : i32
        %dma_wait3A_49 = arith.constant 0 : i32
        %dma_wait3A_50 = tpu.memref_slice %arg3[%arg1, %run_scoped3A_8, %dma_wait3A, %dma_wait3A_49] : memref<16x1x125x80xi32, #tpu.memory_space<hbm>> -> memref<1x1x125x80xi32, #tpu.memory_space<hbm>>
        %dma_wait3A_51 = tpu.memref_squeeze %dma_wait3A_50 : memref<1x1x125x80xi32, #tpu.memory_space<hbm>> -> memref<125x80xi32, #tpu.memory_space<hbm>>
        %dma_wait3A_52 = arith.constant 0 : i32
        %dma_wait3A_53 = arith.constant 0 : i32
        %dma_wait3A_54 = tpu.memref_slice %arg3[%arg1, %run_scoped3A_8, %dma_wait3A_52, %dma_wait3A_53] : memref<16x1x125x80xi32, #tpu.memory_space<hbm>> -> memref<1x1x125x80xi32, #tpu.memory_space<hbm>>
        %dma_wait3A_55 = tpu.memref_squeeze %dma_wait3A_54 : memref<1x1x125x80xi32, #tpu.memory_space<hbm>> -> memref<125x80xi32, #tpu.memory_space<hbm>>
        tpu.wait_dma2 semaphore(%run_scoped3A_40 : memref<!tpu.dma_semaphore, #tpu.memory_space<semaphore_mem>>) src(%dma_wait3A_55 : memref<125x80xi32, #tpu.memory_space<hbm>>) dst(%arg15 : memref<125x80xi32, #tpu.memory_space<vmem>>)
        tpu.yield
      }) : () -> ()
      %dma_start3A = arith.constant 0 : i32
      %dma_start3A_9 = arith.constant 0 : i32
      %dma_start3A_10 = tpu.memref_slice %arg14[%dma_start3A, %dma_start3A_9] : memref<125x80xi32, #tpu.memory_space<vmem>> -> memref<1x80xi32, #tpu.memory_space<vmem>>
      %dma_start3A_11 = tpu.memref_squeeze %dma_start3A_10 : memref<1x80xi32, #tpu.memory_space<vmem>> -> memref<80xi32, #tpu.memory_space<vmem>>
      %dma_start3A_12 = arith.constant 0 : i32
      %dma_start3A_13 = arith.constant 0 : i32
      %dma_start3A_14 = tpu.memref_slice %arg7[%dma_start3A_12, %dma_start3A_13] : memref<10000x128xf32, #tpu.memory_space<hbm>> -> memref<10000x128xf32, #tpu.memory_space<hbm>>
      tpu.enqueue_indirect_dma source(%dma_start3A_14 : memref<10000x128xf32, #tpu.memory_space<hbm>>) target(%arg16 : memref<80x128xf32, #tpu.memory_space<vmem>>) offsets(%dma_start3A_11 : memref<80xi32, #tpu.memory_space<vmem>>) semaphore(%arg17 : memref<!tpu.dma_semaphore, #tpu.memory_space<semaphore_mem>>)
      %scan3A = arith.constant 0 : i32
      %scan3A_15 = arith.constant 0 : i32
      %scan3A_16 = arith.constant 125 : i32
      %scan3A_17 = arith.addi %scan3A_15, %scan3A_16 : i32
      %scan3A_18 = arith.constant 1 : i32
      scf.for %scan3A_40 = %scan3A_15 to %scan3A_17 step %scan3A_18  : i32 {
        %mul3A_41 = arith.constant 1 : i32
        %mul3A_42 = arith.muli %scan3A_40, %mul3A_41 : i32
        %add3A = arith.constant 0 : i32
        %add3A_43 = arith.addi %mul3A_42, %add3A : i32
        %dma_wait3A = arith.constant 0 : i32
        %dma_wait3A_44 = tpu.memref_slice %arg14[%add3A_43, %dma_wait3A] : memref<125x80xi32, #tpu.memory_space<vmem>> -> memref<1x80xi32, #tpu.memory_space<vmem>>
        %dma_wait3A_45 = tpu.memref_squeeze %dma_wait3A_44 : memref<1x80xi32, #tpu.memory_space<vmem>> -> memref<80xi32, #tpu.memory_space<vmem>>
        %dma_wait3A_46 = arith.constant 0 : i32
        %dma_wait3A_47 = arith.constant 0 : i32
        %dma_wait3A_48 = tpu.memref_slice %arg7[%dma_wait3A_46, %dma_wait3A_47] : memref<10000x128xf32, #tpu.memory_space<hbm>> -> memref<10000x128xf32, #tpu.memory_space<hbm>>
        tpu.wait_indirect_dma semaphore(%arg17 : memref<!tpu.dma_semaphore, #tpu.memory_space<semaphore_mem>>) src(%dma_wait3A_48 : memref<10000x128xf32, #tpu.memory_space<hbm>>) dst(%arg16 : memref<80x128xf32, #tpu.memory_space<vmem>>)
        %dma_start3A_49 = arith.constant 0 : i32
        %dma_start3A_50 = tpu.memref_slice %arg15[%add3A_43, %dma_start3A_49] : memref<125x80xi32, #tpu.memory_space<vmem>> -> memref<1x80xi32, #tpu.memory_space<vmem>>
        %dma_start3A_51 = tpu.memref_squeeze %dma_start3A_50 : memref<1x80xi32, #tpu.memory_space<vmem>> -> memref<80xi32, #tpu.memory_space<vmem>>
        %dma_start3A_52 = arith.constant 0 : i32
        %dma_start3A_53 = arith.constant 0 : i32
        %dma_start3A_54 = tpu.memref_slice %arg13[%dma_start3A_52, %dma_start3A_53] : memref<10112x128xf32, #tpu.memory_space<vmem_shared>> -> memref<10112x128xf32, #tpu.memory_space<vmem_shared>>
        tpu.enqueue_indirect_dma source(%arg16 : memref<80x128xf32, #tpu.memory_space<vmem>>) target(%dma_start3A_54 : memref<10112x128xf32, #tpu.memory_space<vmem_shared>>) offsets(%dma_start3A_51 : memref<80xi32, #tpu.memory_space<vmem>>) semaphore(%arg18 : memref<!tpu.dma_semaphore, #tpu.memory_space<semaphore_mem>>) {add = true}
        %mul3A_55 = arith.constant 1 : i32
        %mul3A_56 = arith.muli %scan3A_40, %mul3A_55 : i32
        %add3A_57 = arith.constant 0 : i32
        %add3A_58 = arith.addi %mul3A_56, %add3A_57 : i32
        %dma_wait3A_59 = arith.constant 0 : i32
        %dma_wait3A_60 = tpu.memref_slice %arg15[%add3A_58, %dma_wait3A_59] : memref<125x80xi32, #tpu.memory_space<vmem>> -> memref<1x80xi32, #tpu.memory_space<vmem>>
        %dma_wait3A_61 = tpu.memref_squeeze %dma_wait3A_60 : memref<1x80xi32, #tpu.memory_space<vmem>> -> memref<80xi32, #tpu.memory_space<vmem>>
        %dma_wait3A_62 = arith.constant 0 : i32
        %dma_wait3A_63 = arith.constant 0 : i32
        %dma_wait3A_64 = tpu.memref_slice %arg13[%dma_wait3A_62, %dma_wait3A_63] : memref<10112x128xf32, #tpu.memory_space<vmem_shared>> -> memref<10112x128xf32, #tpu.memory_space<vmem_shared>>
        tpu.wait_indirect_dma semaphore(%arg18 : memref<!tpu.dma_semaphore, #tpu.memory_space<semaphore_mem>>) src(%arg16 : memref<80x128xf32, #tpu.memory_space<vmem>>) dst(%dma_wait3A_64 : memref<10112x128xf32, #tpu.memory_space<vmem_shared>>)
        %lt3A = arith.constant 124 : i32
        %lt3A_65 = arith.cmpi slt, %scan3A_40, %lt3A : i32
        %convert_element_type3A_66 = arith.extui %lt3A_65 : i1 to i32
        %cond3A_67 = arith.constant 0 : i32
        %cond3A_68 = arith.cmpi ne, %convert_element_type3A_66, %cond3A_67 : i32
        scf.if %cond3A_68 {
          %add3A_69 = arith.constant 1 : i32
          %add3A_70 = arith.addi %add3A_58, %add3A_69 : i32
          %dma_start3A_71 = arith.constant 0 : i32
          %dma_start3A_72 = tpu.memref_slice %arg14[%add3A_70, %dma_start3A_71] : memref<125x80xi32, #tpu.memory_space<vmem>> -> memref<1x80xi32, #tpu.memory_space<vmem>>
          %dma_start3A_73 = tpu.memref_squeeze %dma_start3A_72 : memref<1x80xi32, #tpu.memory_space<vmem>> -> memref<80xi32, #tpu.memory_space<vmem>>
          %dma_start3A_74 = arith.constant 0 : i32
          %dma_start3A_75 = arith.constant 0 : i32
          %dma_start3A_76 = tpu.memref_slice %arg7[%dma_start3A_74, %dma_start3A_75] : memref<10000x128xf32, #tpu.memory_space<hbm>> -> memref<10000x128xf32, #tpu.memory_space<hbm>>
          tpu.enqueue_indirect_dma source(%dma_start3A_76 : memref<10000x128xf32, #tpu.memory_space<hbm>>) target(%arg16 : memref<80x128xf32, #tpu.memory_space<vmem>>) offsets(%dma_start3A_73 : memref<80xi32, #tpu.memory_space<vmem>>) semaphore(%arg17 : memref<!tpu.dma_semaphore, #tpu.memory_space<semaphore_mem>>)
        } else {
        }
      }
      %scan3A_19 = arith.constant 125 : i32
      %barrier3A_20 = arith.constant 0 : index
      tpu.barrier barrier_id(%barrier3A_20)
      "tpu.region"() ({
        %run_scoped3A_40 = tpu.sem_alloc : memref<!tpu.dma_semaphore, #tpu.memory_space<semaphore_mem>>
        %dma_start3A_41 = arith.constant 0 : i32
        %dma_start3A_42 = tpu.memref_slice %arg11[%mul3A_0, %dma_start3A_41] : memref<10112x128xf32, #tpu.memory_space<hbm>> -> memref<632x128xf32, #tpu.memory_space<hbm>>
        %dma_start3A_43 = arith.constant 0 : i32
        %dma_start3A_44 = tpu.memref_slice %arg13[%mul3A_0, %dma_start3A_43] : memref<10112x128xf32, #tpu.memory_space<vmem_shared>> -> memref<632x128xf32, #tpu.memory_space<vmem_shared>>
        tpu.enqueue_dma source(%dma_start3A_44 : memref<632x128xf32, #tpu.memory_space<vmem_shared>>) target(%dma_start3A_42 : memref<632x128xf32, #tpu.memory_space<hbm>>) target_semaphore(%run_scoped3A_40 : memref<!tpu.dma_semaphore, #tpu.memory_space<semaphore_mem>>)
        %dma_wait3A = arith.constant 0 : i32
        %dma_wait3A_45 = tpu.memref_slice %arg11[%mul3A_0, %dma_wait3A] : memref<10112x128xf32, #tpu.memory_space<hbm>> -> memref<632x128xf32, #tpu.memory_space<hbm>>
        %dma_wait3A_46 = arith.constant 0 : i32
        %dma_wait3A_47 = tpu.memref_slice %arg13[%mul3A_0, %dma_wait3A_46] : memref<10112x128xf32, #tpu.memory_space<vmem_shared>> -> memref<632x128xf32, #tpu.memory_space<vmem_shared>>
        tpu.wait_dma2 semaphore(%run_scoped3A_40 : memref<!tpu.dma_semaphore, #tpu.memory_space<semaphore_mem>>) src(%dma_wait3A_47 : memref<632x128xf32, #tpu.memory_space<vmem_shared>>) dst(%dma_wait3A_45 : memref<632x128xf32, #tpu.memory_space<hbm>>)
        tpu.yield
      }) : () -> ()
      %barrier3A_21 = arith.constant 0 : index
      tpu.barrier barrier_id(%barrier3A_21)
      "tpu.region"() ({
        %run_scoped3A_40 = tpu.sem_alloc : memref<!tpu.dma_semaphore, #tpu.memory_space<semaphore_mem>>
        %dma_start3A_41 = arith.constant 0 : i32
        %dma_start3A_42 = tpu.memref_slice %arg13[%mul3A_0, %dma_start3A_41] : memref<10112x128xf32, #tpu.memory_space<vmem_shared>> -> memref<632x128xf32, #tpu.memory_space<vmem_shared>>
        tpu.enqueue_dma source(%arg4 : memref<632x128xf32, #tpu.memory_space<hbm>>) target(%dma_start3A_42 : memref<632x128xf32, #tpu.memory_space<vmem_shared>>) target_semaphore(%run_scoped3A_40 : memref<!tpu.dma_semaphore, #tpu.memory_space<semaphore_mem>>)
        %dma_wait3A = arith.constant 0 : i32
        %dma_wait3A_43 = tpu.memref_slice %arg13[%mul3A_0, %dma_wait3A] : memref<10112x128xf32, #tpu.memory_space<vmem_shared>> -> memref<632x128xf32, #tpu.memory_space<vmem_shared>>
        tpu.wait_dma2 semaphore(%run_scoped3A_40 : memref<!tpu.dma_semaphore, #tpu.memory_space<semaphore_mem>>) src(%arg4 : memref<632x128xf32, #tpu.memory_space<hbm>>) dst(%dma_wait3A_43 : memref<632x128xf32, #tpu.memory_space<vmem_shared>>)
        tpu.yield
      }) : () -> ()
      %barrier3A_22 = arith.constant 0 : index
      tpu.barrier barrier_id(%barrier3A_22)
      %run_scoped3A_23 = arith.constant 0 : i32
      "tpu.region"() ({
        %run_scoped3A_40 = tpu.sem_alloc : memref<!tpu.dma_semaphore, #tpu.memory_space<semaphore_mem>>
        %dma_start3A_41 = arith.constant 0 : i32
        %dma_start3A_42 = arith.constant 0 : i32
        %dma_start3A_43 = tpu.memref_slice %arg2[%arg1, %run_scoped3A_23, %dma_start3A_41, %dma_start3A_42] : memref<16x1x125x80xi32, #tpu.memory_space<hbm>> -> memref<1x1x125x80xi32, #tpu.memory_space<hbm>>
        %dma_start3A_44 = tpu.memref_squeeze %dma_start3A_43 : memref<1x1x125x80xi32, #tpu.memory_space<hbm>> -> memref<125x80xi32, #tpu.memory_space<hbm>>
        %dma_start3A_45 = arith.constant 0 : i32
        %dma_start3A_46 = arith.constant 0 : i32
        %dma_start3A_47 = tpu.memref_slice %arg2[%arg1, %run_scoped3A_23, %dma_start3A_45, %dma_start3A_46] : memref<16x1x125x80xi32, #tpu.memory_space<hbm>> -> memref<1x1x125x80xi32, #tpu.memory_space<hbm>>
        %dma_start3A_48 = tpu.memref_squeeze %dma_start3A_47 : memref<1x1x125x80xi32, #tpu.memory_space<hbm>> -> memref<125x80xi32, #tpu.memory_space<hbm>>
        tpu.enqueue_dma source(%dma_start3A_48 : memref<125x80xi32, #tpu.memory_space<hbm>>) target(%arg14 : memref<125x80xi32, #tpu.memory_space<vmem>>) target_semaphore(%run_scoped3A_40 : memref<!tpu.dma_semaphore, #tpu.memory_space<semaphore_mem>>)
        %dma_wait3A = arith.constant 0 : i32
        %dma_wait3A_49 = arith.constant 0 : i32
        %dma_wait3A_50 = tpu.memref_slice %arg2[%arg1, %run_scoped3A_23, %dma_wait3A, %dma_wait3A_49] : memref<16x1x125x80xi32, #tpu.memory_space<hbm>> -> memref<1x1x125x80xi32, #tpu.memory_space<hbm>>
        %dma_wait3A_51 = tpu.memref_squeeze %dma_wait3A_50 : memref<1x1x125x80xi32, #tpu.memory_space<hbm>> -> memref<125x80xi32, #tpu.memory_space<hbm>>
        %dma_wait3A_52 = arith.constant 0 : i32
        %dma_wait3A_53 = arith.constant 0 : i32
        %dma_wait3A_54 = tpu.memref_slice %arg2[%arg1, %run_scoped3A_23, %dma_wait3A_52, %dma_wait3A_53] : memref<16x1x125x80xi32, #tpu.memory_space<hbm>> -> memref<1x1x125x80xi32, #tpu.memory_space<hbm>>
        %dma_wait3A_55 = tpu.memref_squeeze %dma_wait3A_54 : memref<1x1x125x80xi32, #tpu.memory_space<hbm>> -> memref<125x80xi32, #tpu.memory_space<hbm>>
        tpu.wait_dma2 semaphore(%run_scoped3A_40 : memref<!tpu.dma_semaphore, #tpu.memory_space<semaphore_mem>>) src(%dma_wait3A_55 : memref<125x80xi32, #tpu.memory_space<hbm>>) dst(%arg14 : memref<125x80xi32, #tpu.memory_space<vmem>>)
        tpu.yield
      }) : () -> ()
      %run_scoped3A_24 = arith.constant 0 : i32
      "tpu.region"() ({
        %run_scoped3A_40 = tpu.sem_alloc : memref<!tpu.dma_semaphore, #tpu.memory_space<semaphore_mem>>
        %dma_start3A_41 = arith.constant 0 : i32
        %dma_start3A_42 = arith.constant 0 : i32
        %dma_start3A_43 = tpu.memref_slice %arg3[%arg1, %run_scoped3A_24, %dma_start3A_41, %dma_start3A_42] : memref<16x1x125x80xi32, #tpu.memory_space<hbm>> -> memref<1x1x125x80xi32, #tpu.memory_space<hbm>>
        %dma_start3A_44 = tpu.memref_squeeze %dma_start3A_43 : memref<1x1x125x80xi32, #tpu.memory_space<hbm>> -> memref<125x80xi32, #tpu.memory_space<hbm>>
        %dma_start3A_45 = arith.constant 0 : i32
        %dma_start3A_46 = arith.constant 0 : i32
        %dma_start3A_47 = tpu.memref_slice %arg3[%arg1, %run_scoped3A_24, %dma_start3A_45, %dma_start3A_46] : memref<16x1x125x80xi32, #tpu.memory_space<hbm>> -> memref<1x1x125x80xi32, #tpu.memory_space<hbm>>
        %dma_start3A_48 = tpu.memref_squeeze %dma_start3A_47 : memref<1x1x125x80xi32, #tpu.memory_space<hbm>> -> memref<125x80xi32, #tpu.memory_space<hbm>>
        tpu.enqueue_dma source(%dma_start3A_48 : memref<125x80xi32, #tpu.memory_space<hbm>>) target(%arg15 : memref<125x80xi32, #tpu.memory_space<vmem>>) target_semaphore(%run_scoped3A_40 : memref<!tpu.dma_semaphore, #tpu.memory_space<semaphore_mem>>)
        %dma_wait3A = arith.constant 0 : i32
        %dma_wait3A_49 = arith.constant 0 : i32
        %dma_wait3A_50 = tpu.memref_slice %arg3[%arg1, %run_scoped3A_24, %dma_wait3A, %dma_wait3A_49] : memref<16x1x125x80xi32, #tpu.memory_space<hbm>> -> memref<1x1x125x80xi32, #tpu.memory_space<hbm>>
        %dma_wait3A_51 = tpu.memref_squeeze %dma_wait3A_50 : memref<1x1x125x80xi32, #tpu.memory_space<hbm>> -> memref<125x80xi32, #tpu.memory_space<hbm>>
        %dma_wait3A_52 = arith.constant 0 : i32
        %dma_wait3A_53 = arith.constant 0 : i32
        %dma_wait3A_54 = tpu.memref_slice %arg3[%arg1, %run_scoped3A_24, %dma_wait3A_52, %dma_wait3A_53] : memref<16x1x125x80xi32, #tpu.memory_space<hbm>> -> memref<1x1x125x80xi32, #tpu.memory_space<hbm>>
        %dma_wait3A_55 = tpu.memref_squeeze %dma_wait3A_54 : memref<1x1x125x80xi32, #tpu.memory_space<hbm>> -> memref<125x80xi32, #tpu.memory_space<hbm>>
        tpu.wait_dma2 semaphore(%run_scoped3A_40 : memref<!tpu.dma_semaphore, #tpu.memory_space<semaphore_mem>>) src(%dma_wait3A_55 : memref<125x80xi32, #tpu.memory_space<hbm>>) dst(%arg15 : memref<125x80xi32, #tpu.memory_space<vmem>>)
        tpu.yield
      }) : () -> ()
      %dma_start3A_25 = arith.constant 0 : i32
      %dma_start3A_26 = arith.constant 0 : i32
      %dma_start3A_27 = tpu.memref_slice %arg14[%dma_start3A_25, %dma_start3A_26] : memref<125x80xi32, #tpu.memory_space<vmem>> -> memref<1x80xi32, #tpu.memory_space<vmem>>
      %dma_start3A_28 = tpu.memref_squeeze %dma_start3A_27 : memref<1x80xi32, #tpu.memory_space<vmem>> -> memref<80xi32, #tpu.memory_space<vmem>>
      %dma_start3A_29 = arith.constant 0 : i32
      %dma_start3A_30 = arith.constant 0 : i32
      %dma_start3A_31 = tpu.memref_slice %arg8[%dma_start3A_29, %dma_start3A_30] : memref<10000x128xf32, #tpu.memory_space<hbm>> -> memref<10000x128xf32, #tpu.memory_space<hbm>>
      tpu.enqueue_indirect_dma source(%dma_start3A_31 : memref<10000x128xf32, #tpu.memory_space<hbm>>) target(%arg16 : memref<80x128xf32, #tpu.memory_space<vmem>>) offsets(%dma_start3A_28 : memref<80xi32, #tpu.memory_space<vmem>>) semaphore(%arg17 : memref<!tpu.dma_semaphore, #tpu.memory_space<semaphore_mem>>)
      %scan3A_32 = arith.constant 0 : i32
      %scan3A_33 = arith.constant 0 : i32
      %scan3A_34 = arith.constant 125 : i32
      %scan3A_35 = arith.addi %scan3A_33, %scan3A_34 : i32
      %scan3A_36 = arith.constant 1 : i32
      scf.for %scan3A_40 = %scan3A_33 to %scan3A_35 step %scan3A_36  : i32 {
        %mul3A_41 = arith.constant 1 : i32
        %mul3A_42 = arith.muli %scan3A_40, %mul3A_41 : i32
        %add3A = arith.constant 0 : i32
        %add3A_43 = arith.addi %mul3A_42, %add3A : i32
        %dma_wait3A = arith.constant 0 : i32
        %dma_wait3A_44 = tpu.memref_slice %arg14[%add3A_43, %dma_wait3A] : memref<125x80xi32, #tpu.memory_space<vmem>> -> memref<1x80xi32, #tpu.memory_space<vmem>>
        %dma_wait3A_45 = tpu.memref_squeeze %dma_wait3A_44 : memref<1x80xi32, #tpu.memory_space<vmem>> -> memref<80xi32, #tpu.memory_space<vmem>>
        %dma_wait3A_46 = arith.constant 0 : i32
        %dma_wait3A_47 = arith.constant 0 : i32
        %dma_wait3A_48 = tpu.memref_slice %arg8[%dma_wait3A_46, %dma_wait3A_47] : memref<10000x128xf32, #tpu.memory_space<hbm>> -> memref<10000x128xf32, #tpu.memory_space<hbm>>
        tpu.wait_indirect_dma semaphore(%arg17 : memref<!tpu.dma_semaphore, #tpu.memory_space<semaphore_mem>>) src(%dma_wait3A_48 : memref<10000x128xf32, #tpu.memory_space<hbm>>) dst(%arg16 : memref<80x128xf32, #tpu.memory_space<vmem>>)
        %dma_start3A_49 = arith.constant 0 : i32
        %dma_start3A_50 = tpu.memref_slice %arg15[%add3A_43, %dma_start3A_49] : memref<125x80xi32, #tpu.memory_space<vmem>> -> memref<1x80xi32, #tpu.memory_space<vmem>>
        %dma_start3A_51 = tpu.memref_squeeze %dma_start3A_50 : memref<1x80xi32, #tpu.memory_space<vmem>> -> memref<80xi32, #tpu.memory_space<vmem>>
        %dma_start3A_52 = arith.constant 0 : i32
        %dma_start3A_53 = arith.constant 0 : i32
        %dma_start3A_54 = tpu.memref_slice %arg13[%dma_start3A_52, %dma_start3A_53] : memref<10112x128xf32, #tpu.memory_space<vmem_shared>> -> memref<10112x128xf32, #tpu.memory_space<vmem_shared>>
        tpu.enqueue_indirect_dma source(%arg16 : memref<80x128xf32, #tpu.memory_space<vmem>>) target(%dma_start3A_54 : memref<10112x128xf32, #tpu.memory_space<vmem_shared>>) offsets(%dma_start3A_51 : memref<80xi32, #tpu.memory_space<vmem>>) semaphore(%arg18 : memref<!tpu.dma_semaphore, #tpu.memory_space<semaphore_mem>>) {add = true}
        %mul3A_55 = arith.constant 1 : i32
        %mul3A_56 = arith.muli %scan3A_40, %mul3A_55 : i32
        %add3A_57 = arith.constant 0 : i32
        %add3A_58 = arith.addi %mul3A_56, %add3A_57 : i32
        %dma_wait3A_59 = arith.constant 0 : i32
        %dma_wait3A_60 = tpu.memref_slice %arg15[%add3A_58, %dma_wait3A_59] : memref<125x80xi32, #tpu.memory_space<vmem>> -> memref<1x80xi32, #tpu.memory_space<vmem>>
        %dma_wait3A_61 = tpu.memref_squeeze %dma_wait3A_60 : memref<1x80xi32, #tpu.memory_space<vmem>> -> memref<80xi32, #tpu.memory_space<vmem>>
        %dma_wait3A_62 = arith.constant 0 : i32
        %dma_wait3A_63 = arith.constant 0 : i32
        %dma_wait3A_64 = tpu.memref_slice %arg13[%dma_wait3A_62, %dma_wait3A_63] : memref<10112x128xf32, #tpu.memory_space<vmem_shared>> -> memref<10112x128xf32, #tpu.memory_space<vmem_shared>>
        tpu.wait_indirect_dma semaphore(%arg18 : memref<!tpu.dma_semaphore, #tpu.memory_space<semaphore_mem>>) src(%arg16 : memref<80x128xf32, #tpu.memory_space<vmem>>) dst(%dma_wait3A_64 : memref<10112x128xf32, #tpu.memory_space<vmem_shared>>)
        %lt3A = arith.constant 124 : i32
        %lt3A_65 = arith.cmpi slt, %scan3A_40, %lt3A : i32
        %convert_element_type3A_66 = arith.extui %lt3A_65 : i1 to i32
        %cond3A_67 = arith.constant 0 : i32
        %cond3A_68 = arith.cmpi ne, %convert_element_type3A_66, %cond3A_67 : i32
        scf.if %cond3A_68 {
          %add3A_69 = arith.constant 1 : i32
          %add3A_70 = arith.addi %add3A_58, %add3A_69 : i32
          %dma_start3A_71 = arith.constant 0 : i32
          %dma_start3A_72 = tpu.memref_slice %arg14[%add3A_70, %dma_start3A_71] : memref<125x80xi32, #tpu.memory_space<vmem>> -> memref<1x80xi32, #tpu.memory_space<vmem>>
          %dma_start3A_73 = tpu.memref_squeeze %dma_start3A_72 : memref<1x80xi32, #tpu.memory_space<vmem>> -> memref<80xi32, #tpu.memory_space<vmem>>
          %dma_start3A_74 = arith.constant 0 : i32
          %dma_start3A_75 = arith.constant 0 : i32
          %dma_start3A_76 = tpu.memref_slice %arg8[%dma_start3A_74, %dma_start3A_75] : memref<10000x128xf32, #tpu.memory_space<hbm>> -> memref<10000x128xf32, #tpu.memory_space<hbm>>
          tpu.enqueue_indirect_dma source(%dma_start3A_76 : memref<10000x128xf32, #tpu.memory_space<hbm>>) target(%arg16 : memref<80x128xf32, #tpu.memory_space<vmem>>) offsets(%dma_start3A_73 : memref<80xi32, #tpu.memory_space<vmem>>) semaphore(%arg17 : memref<!tpu.dma_semaphore, #tpu.memory_space<semaphore_mem>>)
        } else {
        }
      }
      %scan3A_37 = arith.constant 125 : i32
      %barrier3A_38 = arith.constant 0 : index
      tpu.barrier barrier_id(%barrier3A_38)
      "tpu.region"() ({
        %run_scoped3A_40 = tpu.sem_alloc : memref<!tpu.dma_semaphore, #tpu.memory_space<semaphore_mem>>
        %dma_start3A_41 = arith.constant 0 : i32
        %dma_start3A_42 = tpu.memref_slice %arg12[%mul3A_0, %dma_start3A_41] : memref<10112x128xf32, #tpu.memory_space<hbm>> -> memref<632x128xf32, #tpu.memory_space<hbm>>
        %dma_start3A_43 = arith.constant 0 : i32
        %dma_start3A_44 = tpu.memref_slice %arg13[%mul3A_0, %dma_start3A_43] : memref<10112x128xf32, #tpu.memory_space<vmem_shared>> -> memref<632x128xf32, #tpu.memory_space<vmem_shared>>
        tpu.enqueue_dma source(%dma_start3A_44 : memref<632x128xf32, #tpu.memory_space<vmem_shared>>) target(%dma_start3A_42 : memref<632x128xf32, #tpu.memory_space<hbm>>) target_semaphore(%run_scoped3A_40 : memref<!tpu.dma_semaphore, #tpu.memory_space<semaphore_mem>>)
        %dma_wait3A = arith.constant 0 : i32
        %dma_wait3A_45 = tpu.memref_slice %arg12[%mul3A_0, %dma_wait3A] : memref<10112x128xf32, #tpu.memory_space<hbm>> -> memref<632x128xf32, #tpu.memory_space<hbm>>
        %dma_wait3A_46 = arith.constant 0 : i32
        %dma_wait3A_47 = tpu.memref_slice %arg13[%mul3A_0, %dma_wait3A_46] : memref<10112x128xf32, #tpu.memory_space<vmem_shared>> -> memref<632x128xf32, #tpu.memory_space<vmem_shared>>
        tpu.wait_dma2 semaphore(%run_scoped3A_40 : memref<!tpu.dma_semaphore, #tpu.memory_space<semaphore_mem>>) src(%dma_wait3A_47 : memref<632x128xf32, #tpu.memory_space<vmem_shared>>) dst(%dma_wait3A_45 : memref<632x128xf32, #tpu.memory_space<hbm>>)
        tpu.yield
      }) : () -> ()
      %barrier3A_39 = arith.constant 0 : index
      tpu.barrier barrier_id(%barrier3A_39)
    } else {
    }
    return
  }
}

#map = affine_map<(d0, d1) -> (0, 0, 0, 0)>
#map1 = affine_map<(d0, d1) -> (0, 0)>
module attributes {stable_mosaic.version = 14 : i64} {
  func.func @body(%arg0: i32, %arg1: i32, %arg2: memref<16x1x125x80xi32, #tpu.memory_space<hbm>>, %arg3: memref<16x1x125x80xi32, #tpu.memory_space<hbm>>, %arg4: memref<632x128xf32, #tpu.memory_space<hbm>>, %arg5: memref<10000x128xf32, #tpu.memory_space<hbm>>, %arg6: memref<10000x128xf32, #tpu.memory_space<hbm>>, %arg7: memref<10112x128xf32, #tpu.memory_space<hbm>>, %arg8: memref<10112x128xf32, #tpu.memory_space<hbm>>, %arg9: memref<10112x128xf32, #tpu.memory_space<vmem_shared>>, %arg10: memref<125x80xi32, #tpu.memory_space<vmem>>, %arg11: memref<125x80xi32, #tpu.memory_space<vmem>>, %arg12: memref<80x128xf32, #tpu.memory_space<vmem>>, %arg13: memref<!tpu.dma_semaphore, #tpu.memory_space<semaphore_mem>>, %arg14: memref<!tpu.dma_semaphore, #tpu.memory_space<semaphore_mem>>) attributes {dimension_semantics = [#tpu.dimension_semantics<core_parallel>, #tpu.dimension_semantics<subcore_parallel>], iteration_bounds = array<i64: 2, 16>, scalar_prefetch = 0 : i64, scratch_operands = 6 : i64, tpu.core_type = #tpu.core_type<sc_vector_subcore>, window_params = [{transform_indices = #map}, {transform_indices = #map}, {transform_indices = #map1}, {transform_indices = #map1}, {transform_indices = #map1}, {transform_indices = #map1}, {transform_indices = #map1}]} {
    %mul3A = arith.constant 632 : i32
    %mul3A_0 = arith.muli %arg1, %mul3A : i32
    %eq3A = arith.constant 0 : i32
    %eq3A_1 = arith.cmpi eq, %arg0, %eq3A : i32
    %convert_element_type3A = arith.extui %eq3A_1 : i1 to i32
    %cond3A = arith.constant 0 : i32
    %cond3A_2 = arith.cmpi ne, %convert_element_type3A, %cond3A : i32
    scf.if %cond3A_2 {
      "tpu.region"() ({
        %run_scoped3A_22 = tpu.sem_alloc : memref<!tpu.dma_semaphore, #tpu.memory_space<semaphore_mem>>
        %dma_start3A_23 = arith.constant 0 : i32
        %dma_start3A_24 = tpu.memref_slice %arg9[%mul3A_0, %dma_start3A_23] : memref<10112x128xf32, #tpu.memory_space<vmem_shared>> -> memref<632x128xf32, #tpu.memory_space<vmem_shared>>
        tpu.enqueue_dma source(%arg4 : memref<632x128xf32, #tpu.memory_space<hbm>>) target(%dma_start3A_24 : memref<632x128xf32, #tpu.memory_space<vmem_shared>>) target_semaphore(%run_scoped3A_22 : memref<!tpu.dma_semaphore, #tpu.memory_space<semaphore_mem>>)
        %dma_wait3A = arith.constant 0 : i32
        %dma_wait3A_25 = tpu.memref_slice %arg9[%mul3A_0, %dma_wait3A] : memref<10112x128xf32, #tpu.memory_space<vmem_shared>> -> memref<632x128xf32, #tpu.memory_space<vmem_shared>>
        tpu.wait_dma2 semaphore(%run_scoped3A_22 : memref<!tpu.dma_semaphore, #tpu.memory_space<semaphore_mem>>) src(%arg4 : memref<632x128xf32, #tpu.memory_space<hbm>>) dst(%dma_wait3A_25 : memref<632x128xf32, #tpu.memory_space<vmem_shared>>)
        tpu.yield
      }) : () -> ()
      %barrier3A = arith.constant 0 : index
      tpu.barrier barrier_id(%barrier3A)
      %run_scoped3A = arith.constant 0 : i32
      "tpu.region"() ({
        %run_scoped3A_22 = tpu.sem_alloc : memref<!tpu.dma_semaphore, #tpu.memory_space<semaphore_mem>>
        %dma_start3A_23 = arith.constant 0 : i32
        %dma_start3A_24 = arith.constant 0 : i32
        %dma_start3A_25 = tpu.memref_slice %arg2[%arg1, %run_scoped3A, %dma_start3A_23, %dma_start3A_24] : memref<16x1x125x80xi32, #tpu.memory_space<hbm>> -> memref<1x1x125x80xi32, #tpu.memory_space<hbm>>
        %dma_start3A_26 = tpu.memref_squeeze %dma_start3A_25 : memref<1x1x125x80xi32, #tpu.memory_space<hbm>> -> memref<125x80xi32, #tpu.memory_space<hbm>>
        %dma_start3A_27 = arith.constant 0 : i32
        %dma_start3A_28 = arith.constant 0 : i32
        %dma_start3A_29 = tpu.memref_slice %arg2[%arg1, %run_scoped3A, %dma_start3A_27, %dma_start3A_28] : memref<16x1x125x80xi32, #tpu.memory_space<hbm>> -> memref<1x1x125x80xi32, #tpu.memory_space<hbm>>
        %dma_start3A_30 = tpu.memref_squeeze %dma_start3A_29 : memref<1x1x125x80xi32, #tpu.memory_space<hbm>> -> memref<125x80xi32, #tpu.memory_space<hbm>>
        tpu.enqueue_dma source(%dma_start3A_30 : memref<125x80xi32, #tpu.memory_space<hbm>>) target(%arg10 : memref<125x80xi32, #tpu.memory_space<vmem>>) target_semaphore(%run_scoped3A_22 : memref<!tpu.dma_semaphore, #tpu.memory_space<semaphore_mem>>)
        %dma_wait3A = arith.constant 0 : i32
        %dma_wait3A_31 = arith.constant 0 : i32
        %dma_wait3A_32 = tpu.memref_slice %arg2[%arg1, %run_scoped3A, %dma_wait3A, %dma_wait3A_31] : memref<16x1x125x80xi32, #tpu.memory_space<hbm>> -> memref<1x1x125x80xi32, #tpu.memory_space<hbm>>
        %dma_wait3A_33 = tpu.memref_squeeze %dma_wait3A_32 : memref<1x1x125x80xi32, #tpu.memory_space<hbm>> -> memref<125x80xi32, #tpu.memory_space<hbm>>
        %dma_wait3A_34 = arith.constant 0 : i32
        %dma_wait3A_35 = arith.constant 0 : i32
        %dma_wait3A_36 = tpu.memref_slice %arg2[%arg1, %run_scoped3A, %dma_wait3A_34, %dma_wait3A_35] : memref<16x1x125x80xi32, #tpu.memory_space<hbm>> -> memref<1x1x125x80xi32, #tpu.memory_space<hbm>>
        %dma_wait3A_37 = tpu.memref_squeeze %dma_wait3A_36 : memref<1x1x125x80xi32, #tpu.memory_space<hbm>> -> memref<125x80xi32, #tpu.memory_space<hbm>>
        tpu.wait_dma2 semaphore(%run_scoped3A_22 : memref<!tpu.dma_semaphore, #tpu.memory_space<semaphore_mem>>) src(%dma_wait3A_37 : memref<125x80xi32, #tpu.memory_space<hbm>>) dst(%arg10 : memref<125x80xi32, #tpu.memory_space<vmem>>)
        tpu.yield
      }) : () -> ()
      %run_scoped3A_8 = arith.constant 0 : i32
      "tpu.region"() ({
        %run_scoped3A_22 = tpu.sem_alloc : memref<!tpu.dma_semaphore, #tpu.memory_space<semaphore_mem>>
        %dma_start3A_23 = arith.constant 0 : i32
        %dma_start3A_24 = arith.constant 0 : i32
        %dma_start3A_25 = tpu.memref_slice %arg3[%arg1, %run_scoped3A_8, %dma_start3A_23, %dma_start3A_24] : memref<16x1x125x80xi32, #tpu.memory_space<hbm>> -> memref<1x1x125x80xi32, #tpu.memory_space<hbm>>
        %dma_start3A_26 = tpu.memref_squeeze %dma_start3A_25 : memref<1x1x125x80xi32, #tpu.memory_space<hbm>> -> memref<125x80xi32, #tpu.memory_space<hbm>>
        %dma_start3A_27 = arith.constant 0 : i32
        %dma_start3A_28 = arith.constant 0 : i32
        %dma_start3A_29 = tpu.memref_slice %arg3[%arg1, %run_scoped3A_8, %dma_start3A_27, %dma_start3A_28] : memref<16x1x125x80xi32, #tpu.memory_space<hbm>> -> memref<1x1x125x80xi32, #tpu.memory_space<hbm>>
        %dma_start3A_30 = tpu.memref_squeeze %dma_start3A_29 : memref<1x1x125x80xi32, #tpu.memory_space<hbm>> -> memref<125x80xi32, #tpu.memory_space<hbm>>
        tpu.enqueue_dma source(%dma_start3A_30 : memref<125x80xi32, #tpu.memory_space<hbm>>) target(%arg11 : memref<125x80xi32, #tpu.memory_space<vmem>>) target_semaphore(%run_scoped3A_22 : memref<!tpu.dma_semaphore, #tpu.memory_space<semaphore_mem>>)
        %dma_wait3A = arith.constant 0 : i32
        %dma_wait3A_31 = arith.constant 0 : i32
        %dma_wait3A_32 = tpu.memref_slice %arg3[%arg1, %run_scoped3A_8, %dma_wait3A, %dma_wait3A_31] : memref<16x1x125x80xi32, #tpu.memory_space<hbm>> -> memref<1x1x125x80xi32, #tpu.memory_space<hbm>>
        %dma_wait3A_33 = tpu.memref_squeeze %dma_wait3A_32 : memref<1x1x125x80xi32, #tpu.memory_space<hbm>> -> memref<125x80xi32, #tpu.memory_space<hbm>>
        %dma_wait3A_34 = arith.constant 0 : i32
        %dma_wait3A_35 = arith.constant 0 : i32
        %dma_wait3A_36 = tpu.memref_slice %arg3[%arg1, %run_scoped3A_8, %dma_wait3A_34, %dma_wait3A_35] : memref<16x1x125x80xi32, #tpu.memory_space<hbm>> -> memref<1x1x125x80xi32, #tpu.memory_space<hbm>>
        %dma_wait3A_37 = tpu.memref_squeeze %dma_wait3A_36 : memref<1x1x125x80xi32, #tpu.memory_space<hbm>> -> memref<125x80xi32, #tpu.memory_space<hbm>>
        tpu.wait_dma2 semaphore(%run_scoped3A_22 : memref<!tpu.dma_semaphore, #tpu.memory_space<semaphore_mem>>) src(%dma_wait3A_37 : memref<125x80xi32, #tpu.memory_space<hbm>>) dst(%arg11 : memref<125x80xi32, #tpu.memory_space<vmem>>)
        tpu.yield
      }) : () -> ()
      %dma_start3A = arith.constant 0 : i32
      %dma_start3A_9 = arith.constant 0 : i32
      %dma_start3A_10 = tpu.memref_slice %arg10[%dma_start3A, %dma_start3A_9] : memref<125x80xi32, #tpu.memory_space<vmem>> -> memref<1x80xi32, #tpu.memory_space<vmem>>
      %dma_start3A_11 = tpu.memref_squeeze %dma_start3A_10 : memref<1x80xi32, #tpu.memory_space<vmem>> -> memref<80xi32, #tpu.memory_space<vmem>>
      %dma_start3A_12 = arith.constant 0 : i32
      %dma_start3A_13 = arith.constant 0 : i32
      %dma_start3A_14 = tpu.memref_slice %arg5[%dma_start3A_12, %dma_start3A_13] : memref<10000x128xf32, #tpu.memory_space<hbm>> -> memref<10000x128xf32, #tpu.memory_space<hbm>>
      tpu.enqueue_indirect_dma source(%dma_start3A_14 : memref<10000x128xf32, #tpu.memory_space<hbm>>) target(%arg12 : memref<80x128xf32, #tpu.memory_space<vmem>>) offsets(%dma_start3A_11 : memref<80xi32, #tpu.memory_space<vmem>>) semaphore(%arg13 : memref<!tpu.dma_semaphore, #tpu.memory_space<semaphore_mem>>)
      %scan3A = arith.constant 0 : i32
      %scan3A_15 = arith.constant 0 : i32
      %scan3A_16 = arith.constant 125 : i32
      %scan3A_17 = arith.addi %scan3A_15, %scan3A_16 : i32
      %scan3A_18 = arith.constant 1 : i32
      scf.for %scan3A_22 = %scan3A_15 to %scan3A_17 step %scan3A_18  : i32 {
        %mul3A_23 = arith.constant 1 : i32
        %mul3A_24 = arith.muli %scan3A_22, %mul3A_23 : i32
        %add3A = arith.constant 0 : i32
        %add3A_25 = arith.addi %mul3A_24, %add3A : i32
        %dma_wait3A = arith.constant 0 : i32
        %dma_wait3A_26 = tpu.memref_slice %arg10[%add3A_25, %dma_wait3A] : memref<125x80xi32, #tpu.memory_space<vmem>> -> memref<1x80xi32, #tpu.memory_space<vmem>>
        %dma_wait3A_27 = tpu.memref_squeeze %dma_wait3A_26 : memref<1x80xi32, #tpu.memory_space<vmem>> -> memref<80xi32, #tpu.memory_space<vmem>>
        %dma_wait3A_28 = arith.constant 0 : i32
        %dma_wait3A_29 = arith.constant 0 : i32
        %dma_wait3A_30 = tpu.memref_slice %arg5[%dma_wait3A_28, %dma_wait3A_29] : memref<10000x128xf32, #tpu.memory_space<hbm>> -> memref<10000x128xf32, #tpu.memory_space<hbm>>
        tpu.wait_indirect_dma semaphore(%arg13 : memref<!tpu.dma_semaphore, #tpu.memory_space<semaphore_mem>>) src(%dma_wait3A_30 : memref<10000x128xf32, #tpu.memory_space<hbm>>) dst(%arg12 : memref<80x128xf32, #tpu.memory_space<vmem>>)
        %dma_start3A_31 = arith.constant 0 : i32
        %dma_start3A_32 = tpu.memref_slice %arg11[%add3A_25, %dma_start3A_31] : memref<125x80xi32, #tpu.memory_space<vmem>> -> memref<1x80xi32, #tpu.memory_space<vmem>>
        %dma_start3A_33 = tpu.memref_squeeze %dma_start3A_32 : memref<1x80xi32, #tpu.memory_space<vmem>> -> memref<80xi32, #tpu.memory_space<vmem>>
        %dma_start3A_34 = arith.constant 0 : i32
        %dma_start3A_35 = arith.constant 0 : i32
        %dma_start3A_36 = tpu.memref_slice %arg9[%dma_start3A_34, %dma_start3A_35] : memref<10112x128xf32, #tpu.memory_space<vmem_shared>> -> memref<10112x128xf32, #tpu.memory_space<vmem_shared>>
        tpu.enqueue_indirect_dma source(%arg12 : memref<80x128xf32, #tpu.memory_space<vmem>>) target(%dma_start3A_36 : memref<10112x128xf32, #tpu.memory_space<vmem_shared>>) offsets(%dma_start3A_33 : memref<80xi32, #tpu.memory_space<vmem>>) semaphore(%arg14 : memref<!tpu.dma_semaphore, #tpu.memory_space<semaphore_mem>>) {add = true}
        %mul3A_37 = arith.constant 1 : i32
        %mul3A_38 = arith.muli %scan3A_22, %mul3A_37 : i32
        %add3A_39 = arith.constant 0 : i32
        %add3A_40 = arith.addi %mul3A_38, %add3A_39 : i32
        %dma_wait3A_41 = arith.constant 0 : i32
        %dma_wait3A_42 = tpu.memref_slice %arg11[%add3A_40, %dma_wait3A_41] : memref<125x80xi32, #tpu.memory_space<vmem>> -> memref<1x80xi32, #tpu.memory_space<vmem>>
        %dma_wait3A_43 = tpu.memref_squeeze %dma_wait3A_42 : memref<1x80xi32, #tpu.memory_space<vmem>> -> memref<80xi32, #tpu.memory_space<vmem>>
        %dma_wait3A_44 = arith.constant 0 : i32
        %dma_wait3A_45 = arith.constant 0 : i32
        %dma_wait3A_46 = tpu.memref_slice %arg9[%dma_wait3A_44, %dma_wait3A_45] : memref<10112x128xf32, #tpu.memory_space<vmem_shared>> -> memref<10112x128xf32, #tpu.memory_space<vmem_shared>>
        tpu.wait_indirect_dma semaphore(%arg14 : memref<!tpu.dma_semaphore, #tpu.memory_space<semaphore_mem>>) src(%arg12 : memref<80x128xf32, #tpu.memory_space<vmem>>) dst(%dma_wait3A_46 : memref<10112x128xf32, #tpu.memory_space<vmem_shared>>)
        %lt3A = arith.constant 124 : i32
        %lt3A_47 = arith.cmpi slt, %scan3A_22, %lt3A : i32
        %convert_element_type3A_48 = arith.extui %lt3A_47 : i1 to i32
        %cond3A_49 = arith.constant 0 : i32
        %cond3A_50 = arith.cmpi ne, %convert_element_type3A_48, %cond3A_49 : i32
        scf.if %cond3A_50 {
          %add3A_51 = arith.constant 1 : i32
          %add3A_52 = arith.addi %add3A_40, %add3A_51 : i32
          %dma_start3A_53 = arith.constant 0 : i32
          %dma_start3A_54 = tpu.memref_slice %arg10[%add3A_52, %dma_start3A_53] : memref<125x80xi32, #tpu.memory_space<vmem>> -> memref<1x80xi32, #tpu.memory_space<vmem>>
          %dma_start3A_55 = tpu.memref_squeeze %dma_start3A_54 : memref<1x80xi32, #tpu.memory_space<vmem>> -> memref<80xi32, #tpu.memory_space<vmem>>
          %dma_start3A_56 = arith.constant 0 : i32
          %dma_start3A_57 = arith.constant 0 : i32
          %dma_start3A_58 = tpu.memref_slice %arg5[%dma_start3A_56, %dma_start3A_57] : memref<10000x128xf32, #tpu.memory_space<hbm>> -> memref<10000x128xf32, #tpu.memory_space<hbm>>
          tpu.enqueue_indirect_dma source(%dma_start3A_58 : memref<10000x128xf32, #tpu.memory_space<hbm>>) target(%arg12 : memref<80x128xf32, #tpu.memory_space<vmem>>) offsets(%dma_start3A_55 : memref<80xi32, #tpu.memory_space<vmem>>) semaphore(%arg13 : memref<!tpu.dma_semaphore, #tpu.memory_space<semaphore_mem>>)
        } else {
        }
      }
      %scan3A_19 = arith.constant 125 : i32
      %barrier3A_20 = arith.constant 0 : index
      tpu.barrier barrier_id(%barrier3A_20)
      "tpu.region"() ({
        %run_scoped3A_22 = tpu.sem_alloc : memref<!tpu.dma_semaphore, #tpu.memory_space<semaphore_mem>>
        %dma_start3A_23 = arith.constant 0 : i32
        %dma_start3A_24 = tpu.memref_slice %arg7[%mul3A_0, %dma_start3A_23] : memref<10112x128xf32, #tpu.memory_space<hbm>> -> memref<632x128xf32, #tpu.memory_space<hbm>>
        %dma_start3A_25 = arith.constant 0 : i32
        %dma_start3A_26 = tpu.memref_slice %arg9[%mul3A_0, %dma_start3A_25] : memref<10112x128xf32, #tpu.memory_space<vmem_shared>> -> memref<632x128xf32, #tpu.memory_space<vmem_shared>>
        tpu.enqueue_dma source(%dma_start3A_26 : memref<632x128xf32, #tpu.memory_space<vmem_shared>>) target(%dma_start3A_24 : memref<632x128xf32, #tpu.memory_space<hbm>>) target_semaphore(%run_scoped3A_22 : memref<!tpu.dma_semaphore, #tpu.memory_space<semaphore_mem>>)
        %dma_wait3A = arith.constant 0 : i32
        %dma_wait3A_27 = tpu.memref_slice %arg7[%mul3A_0, %dma_wait3A] : memref<10112x128xf32, #tpu.memory_space<hbm>> -> memref<632x128xf32, #tpu.memory_space<hbm>>
        %dma_wait3A_28 = arith.constant 0 : i32
        %dma_wait3A_29 = tpu.memref_slice %arg9[%mul3A_0, %dma_wait3A_28] : memref<10112x128xf32, #tpu.memory_space<vmem_shared>> -> memref<632x128xf32, #tpu.memory_space<vmem_shared>>
        tpu.wait_dma2 semaphore(%run_scoped3A_22 : memref<!tpu.dma_semaphore, #tpu.memory_space<semaphore_mem>>) src(%dma_wait3A_29 : memref<632x128xf32, #tpu.memory_space<vmem_shared>>) dst(%dma_wait3A_27 : memref<632x128xf32, #tpu.memory_space<hbm>>)
        tpu.yield
      }) : () -> ()
      %barrier3A_21 = arith.constant 0 : index
      tpu.barrier barrier_id(%barrier3A_21)
    } else {
    }
    %eq3A_3 = arith.constant 1 : i32
    %eq3A_4 = arith.cmpi eq, %arg0, %eq3A_3 : i32
    %convert_element_type3A_5 = arith.extui %eq3A_4 : i1 to i32
    %cond3A_6 = arith.constant 0 : i32
    %cond3A_7 = arith.cmpi ne, %convert_element_type3A_5, %cond3A_6 : i32
    scf.if %cond3A_7 {
      "tpu.region"() ({
        %run_scoped3A_22 = tpu.sem_alloc : memref<!tpu.dma_semaphore, #tpu.memory_space<semaphore_mem>>
        %dma_start3A_23 = arith.constant 0 : i32
        %dma_start3A_24 = tpu.memref_slice %arg9[%mul3A_0, %dma_start3A_23] : memref<10112x128xf32, #tpu.memory_space<vmem_shared>> -> memref<632x128xf32, #tpu.memory_space<vmem_shared>>
        tpu.enqueue_dma source(%arg4 : memref<632x128xf32, #tpu.memory_space<hbm>>) target(%dma_start3A_24 : memref<632x128xf32, #tpu.memory_space<vmem_shared>>) target_semaphore(%run_scoped3A_22 : memref<!tpu.dma_semaphore, #tpu.memory_space<semaphore_mem>>)
        %dma_wait3A = arith.constant 0 : i32
        %dma_wait3A_25 = tpu.memref_slice %arg9[%mul3A_0, %dma_wait3A] : memref<10112x128xf32, #tpu.memory_space<vmem_shared>> -> memref<632x128xf32, #tpu.memory_space<vmem_shared>>
        tpu.wait_dma2 semaphore(%run_scoped3A_22 : memref<!tpu.dma_semaphore, #tpu.memory_space<semaphore_mem>>) src(%arg4 : memref<632x128xf32, #tpu.memory_space<hbm>>) dst(%dma_wait3A_25 : memref<632x128xf32, #tpu.memory_space<vmem_shared>>)
        tpu.yield
      }) : () -> ()
      %barrier3A = arith.constant 0 : index
      tpu.barrier barrier_id(%barrier3A)
      %run_scoped3A = arith.constant 0 : i32
      "tpu.region"() ({
        %run_scoped3A_22 = tpu.sem_alloc : memref<!tpu.dma_semaphore, #tpu.memory_space<semaphore_mem>>
        %dma_start3A_23 = arith.constant 0 : i32
        %dma_start3A_24 = arith.constant 0 : i32
        %dma_start3A_25 = tpu.memref_slice %arg2[%arg1, %run_scoped3A, %dma_start3A_23, %dma_start3A_24] : memref<16x1x125x80xi32, #tpu.memory_space<hbm>> -> memref<1x1x125x80xi32, #tpu.memory_space<hbm>>
        %dma_start3A_26 = tpu.memref_squeeze %dma_start3A_25 : memref<1x1x125x80xi32, #tpu.memory_space<hbm>> -> memref<125x80xi32, #tpu.memory_space<hbm>>
        %dma_start3A_27 = arith.constant 0 : i32
        %dma_start3A_28 = arith.constant 0 : i32
        %dma_start3A_29 = tpu.memref_slice %arg2[%arg1, %run_scoped3A, %dma_start3A_27, %dma_start3A_28] : memref<16x1x125x80xi32, #tpu.memory_space<hbm>> -> memref<1x1x125x80xi32, #tpu.memory_space<hbm>>
        %dma_start3A_30 = tpu.memref_squeeze %dma_start3A_29 : memref<1x1x125x80xi32, #tpu.memory_space<hbm>> -> memref<125x80xi32, #tpu.memory_space<hbm>>
        tpu.enqueue_dma source(%dma_start3A_30 : memref<125x80xi32, #tpu.memory_space<hbm>>) target(%arg10 : memref<125x80xi32, #tpu.memory_space<vmem>>) target_semaphore(%run_scoped3A_22 : memref<!tpu.dma_semaphore, #tpu.memory_space<semaphore_mem>>)
        %dma_wait3A = arith.constant 0 : i32
        %dma_wait3A_31 = arith.constant 0 : i32
        %dma_wait3A_32 = tpu.memref_slice %arg2[%arg1, %run_scoped3A, %dma_wait3A, %dma_wait3A_31] : memref<16x1x125x80xi32, #tpu.memory_space<hbm>> -> memref<1x1x125x80xi32, #tpu.memory_space<hbm>>
        %dma_wait3A_33 = tpu.memref_squeeze %dma_wait3A_32 : memref<1x1x125x80xi32, #tpu.memory_space<hbm>> -> memref<125x80xi32, #tpu.memory_space<hbm>>
        %dma_wait3A_34 = arith.constant 0 : i32
        %dma_wait3A_35 = arith.constant 0 : i32
        %dma_wait3A_36 = tpu.memref_slice %arg2[%arg1, %run_scoped3A, %dma_wait3A_34, %dma_wait3A_35] : memref<16x1x125x80xi32, #tpu.memory_space<hbm>> -> memref<1x1x125x80xi32, #tpu.memory_space<hbm>>
        %dma_wait3A_37 = tpu.memref_squeeze %dma_wait3A_36 : memref<1x1x125x80xi32, #tpu.memory_space<hbm>> -> memref<125x80xi32, #tpu.memory_space<hbm>>
        tpu.wait_dma2 semaphore(%run_scoped3A_22 : memref<!tpu.dma_semaphore, #tpu.memory_space<semaphore_mem>>) src(%dma_wait3A_37 : memref<125x80xi32, #tpu.memory_space<hbm>>) dst(%arg10 : memref<125x80xi32, #tpu.memory_space<vmem>>)
        tpu.yield
      }) : () -> ()
      %run_scoped3A_8 = arith.constant 0 : i32
      "tpu.region"() ({
        %run_scoped3A_22 = tpu.sem_alloc : memref<!tpu.dma_semaphore, #tpu.memory_space<semaphore_mem>>
        %dma_start3A_23 = arith.constant 0 : i32
        %dma_start3A_24 = arith.constant 0 : i32
        %dma_start3A_25 = tpu.memref_slice %arg3[%arg1, %run_scoped3A_8, %dma_start3A_23, %dma_start3A_24] : memref<16x1x125x80xi32, #tpu.memory_space<hbm>> -> memref<1x1x125x80xi32, #tpu.memory_space<hbm>>
        %dma_start3A_26 = tpu.memref_squeeze %dma_start3A_25 : memref<1x1x125x80xi32, #tpu.memory_space<hbm>> -> memref<125x80xi32, #tpu.memory_space<hbm>>
        %dma_start3A_27 = arith.constant 0 : i32
        %dma_start3A_28 = arith.constant 0 : i32
        %dma_start3A_29 = tpu.memref_slice %arg3[%arg1, %run_scoped3A_8, %dma_start3A_27, %dma_start3A_28] : memref<16x1x125x80xi32, #tpu.memory_space<hbm>> -> memref<1x1x125x80xi32, #tpu.memory_space<hbm>>
        %dma_start3A_30 = tpu.memref_squeeze %dma_start3A_29 : memref<1x1x125x80xi32, #tpu.memory_space<hbm>> -> memref<125x80xi32, #tpu.memory_space<hbm>>
        tpu.enqueue_dma source(%dma_start3A_30 : memref<125x80xi32, #tpu.memory_space<hbm>>) target(%arg11 : memref<125x80xi32, #tpu.memory_space<vmem>>) target_semaphore(%run_scoped3A_22 : memref<!tpu.dma_semaphore, #tpu.memory_space<semaphore_mem>>)
        %dma_wait3A = arith.constant 0 : i32
        %dma_wait3A_31 = arith.constant 0 : i32
        %dma_wait3A_32 = tpu.memref_slice %arg3[%arg1, %run_scoped3A_8, %dma_wait3A, %dma_wait3A_31] : memref<16x1x125x80xi32, #tpu.memory_space<hbm>> -> memref<1x1x125x80xi32, #tpu.memory_space<hbm>>
        %dma_wait3A_33 = tpu.memref_squeeze %dma_wait3A_32 : memref<1x1x125x80xi32, #tpu.memory_space<hbm>> -> memref<125x80xi32, #tpu.memory_space<hbm>>
        %dma_wait3A_34 = arith.constant 0 : i32
        %dma_wait3A_35 = arith.constant 0 : i32
        %dma_wait3A_36 = tpu.memref_slice %arg3[%arg1, %run_scoped3A_8, %dma_wait3A_34, %dma_wait3A_35] : memref<16x1x125x80xi32, #tpu.memory_space<hbm>> -> memref<1x1x125x80xi32, #tpu.memory_space<hbm>>
        %dma_wait3A_37 = tpu.memref_squeeze %dma_wait3A_36 : memref<1x1x125x80xi32, #tpu.memory_space<hbm>> -> memref<125x80xi32, #tpu.memory_space<hbm>>
        tpu.wait_dma2 semaphore(%run_scoped3A_22 : memref<!tpu.dma_semaphore, #tpu.memory_space<semaphore_mem>>) src(%dma_wait3A_37 : memref<125x80xi32, #tpu.memory_space<hbm>>) dst(%arg11 : memref<125x80xi32, #tpu.memory_space<vmem>>)
        tpu.yield
      }) : () -> ()
      %dma_start3A = arith.constant 0 : i32
      %dma_start3A_9 = arith.constant 0 : i32
      %dma_start3A_10 = tpu.memref_slice %arg10[%dma_start3A, %dma_start3A_9] : memref<125x80xi32, #tpu.memory_space<vmem>> -> memref<1x80xi32, #tpu.memory_space<vmem>>
      %dma_start3A_11 = tpu.memref_squeeze %dma_start3A_10 : memref<1x80xi32, #tpu.memory_space<vmem>> -> memref<80xi32, #tpu.memory_space<vmem>>
      %dma_start3A_12 = arith.constant 0 : i32
      %dma_start3A_13 = arith.constant 0 : i32
      %dma_start3A_14 = tpu.memref_slice %arg6[%dma_start3A_12, %dma_start3A_13] : memref<10000x128xf32, #tpu.memory_space<hbm>> -> memref<10000x128xf32, #tpu.memory_space<hbm>>
      tpu.enqueue_indirect_dma source(%dma_start3A_14 : memref<10000x128xf32, #tpu.memory_space<hbm>>) target(%arg12 : memref<80x128xf32, #tpu.memory_space<vmem>>) offsets(%dma_start3A_11 : memref<80xi32, #tpu.memory_space<vmem>>) semaphore(%arg13 : memref<!tpu.dma_semaphore, #tpu.memory_space<semaphore_mem>>)
      %scan3A = arith.constant 0 : i32
      %scan3A_15 = arith.constant 0 : i32
      %scan3A_16 = arith.constant 125 : i32
      %scan3A_17 = arith.addi %scan3A_15, %scan3A_16 : i32
      %scan3A_18 = arith.constant 1 : i32
      scf.for %scan3A_22 = %scan3A_15 to %scan3A_17 step %scan3A_18  : i32 {
        %mul3A_23 = arith.constant 1 : i32
        %mul3A_24 = arith.muli %scan3A_22, %mul3A_23 : i32
        %add3A = arith.constant 0 : i32
        %add3A_25 = arith.addi %mul3A_24, %add3A : i32
        %dma_wait3A = arith.constant 0 : i32
        %dma_wait3A_26 = tpu.memref_slice %arg10[%add3A_25, %dma_wait3A] : memref<125x80xi32, #tpu.memory_space<vmem>> -> memref<1x80xi32, #tpu.memory_space<vmem>>
        %dma_wait3A_27 = tpu.memref_squeeze %dma_wait3A_26 : memref<1x80xi32, #tpu.memory_space<vmem>> -> memref<80xi32, #tpu.memory_space<vmem>>
        %dma_wait3A_28 = arith.constant 0 : i32
        %dma_wait3A_29 = arith.constant 0 : i32
        %dma_wait3A_30 = tpu.memref_slice %arg6[%dma_wait3A_28, %dma_wait3A_29] : memref<10000x128xf32, #tpu.memory_space<hbm>> -> memref<10000x128xf32, #tpu.memory_space<hbm>>
        tpu.wait_indirect_dma semaphore(%arg13 : memref<!tpu.dma_semaphore, #tpu.memory_space<semaphore_mem>>) src(%dma_wait3A_30 : memref<10000x128xf32, #tpu.memory_space<hbm>>) dst(%arg12 : memref<80x128xf32, #tpu.memory_space<vmem>>)
        %dma_start3A_31 = arith.constant 0 : i32
        %dma_start3A_32 = tpu.memref_slice %arg11[%add3A_25, %dma_start3A_31] : memref<125x80xi32, #tpu.memory_space<vmem>> -> memref<1x80xi32, #tpu.memory_space<vmem>>
        %dma_start3A_33 = tpu.memref_squeeze %dma_start3A_32 : memref<1x80xi32, #tpu.memory_space<vmem>> -> memref<80xi32, #tpu.memory_space<vmem>>
        %dma_start3A_34 = arith.constant 0 : i32
        %dma_start3A_35 = arith.constant 0 : i32
        %dma_start3A_36 = tpu.memref_slice %arg9[%dma_start3A_34, %dma_start3A_35] : memref<10112x128xf32, #tpu.memory_space<vmem_shared>> -> memref<10112x128xf32, #tpu.memory_space<vmem_shared>>
        tpu.enqueue_indirect_dma source(%arg12 : memref<80x128xf32, #tpu.memory_space<vmem>>) target(%dma_start3A_36 : memref<10112x128xf32, #tpu.memory_space<vmem_shared>>) offsets(%dma_start3A_33 : memref<80xi32, #tpu.memory_space<vmem>>) semaphore(%arg14 : memref<!tpu.dma_semaphore, #tpu.memory_space<semaphore_mem>>) {add = true}
        %mul3A_37 = arith.constant 1 : i32
        %mul3A_38 = arith.muli %scan3A_22, %mul3A_37 : i32
        %add3A_39 = arith.constant 0 : i32
        %add3A_40 = arith.addi %mul3A_38, %add3A_39 : i32
        %dma_wait3A_41 = arith.constant 0 : i32
        %dma_wait3A_42 = tpu.memref_slice %arg11[%add3A_40, %dma_wait3A_41] : memref<125x80xi32, #tpu.memory_space<vmem>> -> memref<1x80xi32, #tpu.memory_space<vmem>>
        %dma_wait3A_43 = tpu.memref_squeeze %dma_wait3A_42 : memref<1x80xi32, #tpu.memory_space<vmem>> -> memref<80xi32, #tpu.memory_space<vmem>>
        %dma_wait3A_44 = arith.constant 0 : i32
        %dma_wait3A_45 = arith.constant 0 : i32
        %dma_wait3A_46 = tpu.memref_slice %arg9[%dma_wait3A_44, %dma_wait3A_45] : memref<10112x128xf32, #tpu.memory_space<vmem_shared>> -> memref<10112x128xf32, #tpu.memory_space<vmem_shared>>
        tpu.wait_indirect_dma semaphore(%arg14 : memref<!tpu.dma_semaphore, #tpu.memory_space<semaphore_mem>>) src(%arg12 : memref<80x128xf32, #tpu.memory_space<vmem>>) dst(%dma_wait3A_46 : memref<10112x128xf32, #tpu.memory_space<vmem_shared>>)
        %lt3A = arith.constant 124 : i32
        %lt3A_47 = arith.cmpi slt, %scan3A_22, %lt3A : i32
        %convert_element_type3A_48 = arith.extui %lt3A_47 : i1 to i32
        %cond3A_49 = arith.constant 0 : i32
        %cond3A_50 = arith.cmpi ne, %convert_element_type3A_48, %cond3A_49 : i32
        scf.if %cond3A_50 {
          %add3A_51 = arith.constant 1 : i32
          %add3A_52 = arith.addi %add3A_40, %add3A_51 : i32
          %dma_start3A_53 = arith.constant 0 : i32
          %dma_start3A_54 = tpu.memref_slice %arg10[%add3A_52, %dma_start3A_53] : memref<125x80xi32, #tpu.memory_space<vmem>> -> memref<1x80xi32, #tpu.memory_space<vmem>>
          %dma_start3A_55 = tpu.memref_squeeze %dma_start3A_54 : memref<1x80xi32, #tpu.memory_space<vmem>> -> memref<80xi32, #tpu.memory_space<vmem>>
          %dma_start3A_56 = arith.constant 0 : i32
          %dma_start3A_57 = arith.constant 0 : i32
          %dma_start3A_58 = tpu.memref_slice %arg6[%dma_start3A_56, %dma_start3A_57] : memref<10000x128xf32, #tpu.memory_space<hbm>> -> memref<10000x128xf32, #tpu.memory_space<hbm>>
          tpu.enqueue_indirect_dma source(%dma_start3A_58 : memref<10000x128xf32, #tpu.memory_space<hbm>>) target(%arg12 : memref<80x128xf32, #tpu.memory_space<vmem>>) offsets(%dma_start3A_55 : memref<80xi32, #tpu.memory_space<vmem>>) semaphore(%arg13 : memref<!tpu.dma_semaphore, #tpu.memory_space<semaphore_mem>>)
        } else {
        }
      }
      %scan3A_19 = arith.constant 125 : i32
      %barrier3A_20 = arith.constant 0 : index
      tpu.barrier barrier_id(%barrier3A_20)
      "tpu.region"() ({
        %run_scoped3A_22 = tpu.sem_alloc : memref<!tpu.dma_semaphore, #tpu.memory_space<semaphore_mem>>
        %dma_start3A_23 = arith.constant 0 : i32
        %dma_start3A_24 = tpu.memref_slice %arg8[%mul3A_0, %dma_start3A_23] : memref<10112x128xf32, #tpu.memory_space<hbm>> -> memref<632x128xf32, #tpu.memory_space<hbm>>
        %dma_start3A_25 = arith.constant 0 : i32
        %dma_start3A_26 = tpu.memref_slice %arg9[%mul3A_0, %dma_start3A_25] : memref<10112x128xf32, #tpu.memory_space<vmem_shared>> -> memref<632x128xf32, #tpu.memory_space<vmem_shared>>
        tpu.enqueue_dma source(%dma_start3A_26 : memref<632x128xf32, #tpu.memory_space<vmem_shared>>) target(%dma_start3A_24 : memref<632x128xf32, #tpu.memory_space<hbm>>) target_semaphore(%run_scoped3A_22 : memref<!tpu.dma_semaphore, #tpu.memory_space<semaphore_mem>>)
        %dma_wait3A = arith.constant 0 : i32
        %dma_wait3A_27 = tpu.memref_slice %arg8[%mul3A_0, %dma_wait3A] : memref<10112x128xf32, #tpu.memory_space<hbm>> -> memref<632x128xf32, #tpu.memory_space<hbm>>
        %dma_wait3A_28 = arith.constant 0 : i32
        %dma_wait3A_29 = tpu.memref_slice %arg9[%mul3A_0, %dma_wait3A_28] : memref<10112x128xf32, #tpu.memory_space<vmem_shared>> -> memref<632x128xf32, #tpu.memory_space<vmem_shared>>
        tpu.wait_dma2 semaphore(%run_scoped3A_22 : memref<!tpu.dma_semaphore, #tpu.memory_space<semaphore_mem>>) src(%dma_wait3A_29 : memref<632x128xf32, #tpu.memory_space<vmem_shared>>) dst(%dma_wait3A_27 : memref<632x128xf32, #tpu.memory_space<hbm>>)
        tpu.yield
      }) : () -> ()
      %barrier3A_21 = arith.constant 0 : index
      tpu.barrier barrier_id(%barrier3A_21)
    } else {
    }
    return
  }
}

#map = affine_map<(d0, d1) -> (0, 0, 0, 0)>
#map1 = affine_map<(d0, d1) -> (0, 0)>
module attributes {stable_mosaic.version = 14 : i64} {
  func.func @body(%arg0: i32, %arg1: i32, %arg2: memref<16x1x125x80xi32, #tpu.memory_space<hbm>>, %arg3: memref<16x1x125x80xi32, #tpu.memory_space<hbm>>, %arg4: memref<632x128xf32, #tpu.memory_space<hbm>>, %arg5: memref<10000x128xf32, #tpu.memory_space<hbm>>, %arg6: memref<10000x128xf32, #tpu.memory_space<hbm>>, %arg7: memref<10000x128xf32, #tpu.memory_space<hbm>>, %arg8: memref<10000x128xf32, #tpu.memory_space<hbm>>, %arg9: memref<10112x128xf32, #tpu.memory_space<hbm>>, %arg10: memref<10112x128xf32, #tpu.memory_space<hbm>>, %arg11: memref<10112x128xf32, #tpu.memory_space<hbm>>, %arg12: memref<10112x128xf32, #tpu.memory_space<hbm>>, %arg13: memref<10112x128xf32, #tpu.memory_space<vmem_shared>>, %arg14: memref<125x80xi32, #tpu.memory_space<vmem>>, %arg15: memref<125x80xi32, #tpu.memory_space<vmem>>, %arg16: memref<80x128xf32, #tpu.memory_space<vmem>>, %arg17: memref<!tpu.dma_semaphore, #tpu.memory_space<semaphore_mem>>, %arg18: memref<!tpu.dma_semaphore, #tpu.memory_space<semaphore_mem>>) attributes {dimension_semantics = [#tpu.dimension_semantics<core_parallel>, #tpu.dimension_semantics<subcore_parallel>], iteration_bounds = array<i64: 2, 16>, scalar_prefetch = 0 : i64, scratch_operands = 6 : i64, tpu.core_type = #tpu.core_type<sc_vector_subcore>, window_params = [{transform_indices = #map}, {transform_indices = #map}, {transform_indices = #map1}, {transform_indices = #map1}, {transform_indices = #map1}, {transform_indices = #map1}, {transform_indices = #map1}, {transform_indices = #map1}, {transform_indices = #map1}, {transform_indices = #map1}, {transform_indices = #map1}]} {
    %mul3A = arith.constant 632 : i32
    %mul3A_0 = arith.muli %arg1, %mul3A : i32
    %eq3A = arith.constant 0 : i32
    %eq3A_1 = arith.cmpi eq, %arg0, %eq3A : i32
    %convert_element_type3A = arith.extui %eq3A_1 : i1 to i32
    %cond3A = arith.constant 0 : i32
    %cond3A_2 = arith.cmpi ne, %convert_element_type3A, %cond3A : i32
    scf.if %cond3A_2 {
      "tpu.region"() ({
        %run_scoped3A_40 = tpu.sem_alloc : memref<!tpu.dma_semaphore, #tpu.memory_space<semaphore_mem>>
        %dma_start3A_41 = arith.constant 0 : i32
        %dma_start3A_42 = tpu.memref_slice %arg13[%mul3A_0, %dma_start3A_41] : memref<10112x128xf32, #tpu.memory_space<vmem_shared>> -> memref<632x128xf32, #tpu.memory_space<vmem_shared>>
        tpu.enqueue_dma source(%arg4 : memref<632x128xf32, #tpu.memory_space<hbm>>) target(%dma_start3A_42 : memref<632x128xf32, #tpu.memory_space<vmem_shared>>) target_semaphore(%run_scoped3A_40 : memref<!tpu.dma_semaphore, #tpu.memory_space<semaphore_mem>>)
        %dma_wait3A = arith.constant 0 : i32
        %dma_wait3A_43 = tpu.memref_slice %arg13[%mul3A_0, %dma_wait3A] : memref<10112x128xf32, #tpu.memory_space<vmem_shared>> -> memref<632x128xf32, #tpu.memory_space<vmem_shared>>
        tpu.wait_dma2 semaphore(%run_scoped3A_40 : memref<!tpu.dma_semaphore, #tpu.memory_space<semaphore_mem>>) src(%arg4 : memref<632x128xf32, #tpu.memory_space<hbm>>) dst(%dma_wait3A_43 : memref<632x128xf32, #tpu.memory_space<vmem_shared>>)
        tpu.yield
      }) : () -> ()
      %barrier3A = arith.constant 0 : index
      tpu.barrier barrier_id(%barrier3A)
      %run_scoped3A = arith.constant 0 : i32
      "tpu.region"() ({
        %run_scoped3A_40 = tpu.sem_alloc : memref<!tpu.dma_semaphore, #tpu.memory_space<semaphore_mem>>
        %dma_start3A_41 = arith.constant 0 : i32
        %dma_start3A_42 = arith.constant 0 : i32
        %dma_start3A_43 = tpu.memref_slice %arg2[%arg1, %run_scoped3A, %dma_start3A_41, %dma_start3A_42] : memref<16x1x125x80xi32, #tpu.memory_space<hbm>> -> memref<1x1x125x80xi32, #tpu.memory_space<hbm>>
        %dma_start3A_44 = tpu.memref_squeeze %dma_start3A_43 : memref<1x1x125x80xi32, #tpu.memory_space<hbm>> -> memref<125x80xi32, #tpu.memory_space<hbm>>
        %dma_start3A_45 = arith.constant 0 : i32
        %dma_start3A_46 = arith.constant 0 : i32
        %dma_start3A_47 = tpu.memref_slice %arg2[%arg1, %run_scoped3A, %dma_start3A_45, %dma_start3A_46] : memref<16x1x125x80xi32, #tpu.memory_space<hbm>> -> memref<1x1x125x80xi32, #tpu.memory_space<hbm>>
        %dma_start3A_48 = tpu.memref_squeeze %dma_start3A_47 : memref<1x1x125x80xi32, #tpu.memory_space<hbm>> -> memref<125x80xi32, #tpu.memory_space<hbm>>
        tpu.enqueue_dma source(%dma_start3A_48 : memref<125x80xi32, #tpu.memory_space<hbm>>) target(%arg14 : memref<125x80xi32, #tpu.memory_space<vmem>>) target_semaphore(%run_scoped3A_40 : memref<!tpu.dma_semaphore, #tpu.memory_space<semaphore_mem>>)
        %dma_wait3A = arith.constant 0 : i32
        %dma_wait3A_49 = arith.constant 0 : i32
        %dma_wait3A_50 = tpu.memref_slice %arg2[%arg1, %run_scoped3A, %dma_wait3A, %dma_wait3A_49] : memref<16x1x125x80xi32, #tpu.memory_space<hbm>> -> memref<1x1x125x80xi32, #tpu.memory_space<hbm>>
        %dma_wait3A_51 = tpu.memref_squeeze %dma_wait3A_50 : memref<1x1x125x80xi32, #tpu.memory_space<hbm>> -> memref<125x80xi32, #tpu.memory_space<hbm>>
        %dma_wait3A_52 = arith.constant 0 : i32
        %dma_wait3A_53 = arith.constant 0 : i32
        %dma_wait3A_54 = tpu.memref_slice %arg2[%arg1, %run_scoped3A, %dma_wait3A_52, %dma_wait3A_53] : memref<16x1x125x80xi32, #tpu.memory_space<hbm>> -> memref<1x1x125x80xi32, #tpu.memory_space<hbm>>
        %dma_wait3A_55 = tpu.memref_squeeze %dma_wait3A_54 : memref<1x1x125x80xi32, #tpu.memory_space<hbm>> -> memref<125x80xi32, #tpu.memory_space<hbm>>
        tpu.wait_dma2 semaphore(%run_scoped3A_40 : memref<!tpu.dma_semaphore, #tpu.memory_space<semaphore_mem>>) src(%dma_wait3A_55 : memref<125x80xi32, #tpu.memory_space<hbm>>) dst(%arg14 : memref<125x80xi32, #tpu.memory_space<vmem>>)
        tpu.yield
      }) : () -> ()
      %run_scoped3A_8 = arith.constant 0 : i32
      "tpu.region"() ({
        %run_scoped3A_40 = tpu.sem_alloc : memref<!tpu.dma_semaphore, #tpu.memory_space<semaphore_mem>>
        %dma_start3A_41 = arith.constant 0 : i32
        %dma_start3A_42 = arith.constant 0 : i32
        %dma_start3A_43 = tpu.memref_slice %arg3[%arg1, %run_scoped3A_8, %dma_start3A_41, %dma_start3A_42] : memref<16x1x125x80xi32, #tpu.memory_space<hbm>> -> memref<1x1x125x80xi32, #tpu.memory_space<hbm>>
        %dma_start3A_44 = tpu.memref_squeeze %dma_start3A_43 : memref<1x1x125x80xi32, #tpu.memory_space<hbm>> -> memref<125x80xi32, #tpu.memory_space<hbm>>
        %dma_start3A_45 = arith.constant 0 : i32
        %dma_start3A_46 = arith.constant 0 : i32
        %dma_start3A_47 = tpu.memref_slice %arg3[%arg1, %run_scoped3A_8, %dma_start3A_45, %dma_start3A_46] : memref<16x1x125x80xi32, #tpu.memory_space<hbm>> -> memref<1x1x125x80xi32, #tpu.memory_space<hbm>>
        %dma_start3A_48 = tpu.memref_squeeze %dma_start3A_47 : memref<1x1x125x80xi32, #tpu.memory_space<hbm>> -> memref<125x80xi32, #tpu.memory_space<hbm>>
        tpu.enqueue_dma source(%dma_start3A_48 : memref<125x80xi32, #tpu.memory_space<hbm>>) target(%arg15 : memref<125x80xi32, #tpu.memory_space<vmem>>) target_semaphore(%run_scoped3A_40 : memref<!tpu.dma_semaphore, #tpu.memory_space<semaphore_mem>>)
        %dma_wait3A = arith.constant 0 : i32
        %dma_wait3A_49 = arith.constant 0 : i32
        %dma_wait3A_50 = tpu.memref_slice %arg3[%arg1, %run_scoped3A_8, %dma_wait3A, %dma_wait3A_49] : memref<16x1x125x80xi32, #tpu.memory_space<hbm>> -> memref<1x1x125x80xi32, #tpu.memory_space<hbm>>
        %dma_wait3A_51 = tpu.memref_squeeze %dma_wait3A_50 : memref<1x1x125x80xi32, #tpu.memory_space<hbm>> -> memref<125x80xi32, #tpu.memory_space<hbm>>
        %dma_wait3A_52 = arith.constant 0 : i32
        %dma_wait3A_53 = arith.constant 0 : i32
        %dma_wait3A_54 = tpu.memref_slice %arg3[%arg1, %run_scoped3A_8, %dma_wait3A_52, %dma_wait3A_53] : memref<16x1x125x80xi32, #tpu.memory_space<hbm>> -> memref<1x1x125x80xi32, #tpu.memory_space<hbm>>
        %dma_wait3A_55 = tpu.memref_squeeze %dma_wait3A_54 : memref<1x1x125x80xi32, #tpu.memory_space<hbm>> -> memref<125x80xi32, #tpu.memory_space<hbm>>
        tpu.wait_dma2 semaphore(%run_scoped3A_40 : memref<!tpu.dma_semaphore, #tpu.memory_space<semaphore_mem>>) src(%dma_wait3A_55 : memref<125x80xi32, #tpu.memory_space<hbm>>) dst(%arg15 : memref<125x80xi32, #tpu.memory_space<vmem>>)
        tpu.yield
      }) : () -> ()
      %dma_start3A = arith.constant 0 : i32
      %dma_start3A_9 = arith.constant 0 : i32
      %dma_start3A_10 = tpu.memref_slice %arg14[%dma_start3A, %dma_start3A_9] : memref<125x80xi32, #tpu.memory_space<vmem>> -> memref<1x80xi32, #tpu.memory_space<vmem>>
      %dma_start3A_11 = tpu.memref_squeeze %dma_start3A_10 : memref<1x80xi32, #tpu.memory_space<vmem>> -> memref<80xi32, #tpu.memory_space<vmem>>
      %dma_start3A_12 = arith.constant 0 : i32
      %dma_start3A_13 = arith.constant 0 : i32
      %dma_start3A_14 = tpu.memref_slice %arg5[%dma_start3A_12, %dma_start3A_13] : memref<10000x128xf32, #tpu.memory_space<hbm>> -> memref<10000x128xf32, #tpu.memory_space<hbm>>
      tpu.enqueue_indirect_dma source(%dma_start3A_14 : memref<10000x128xf32, #tpu.memory_space<hbm>>) target(%arg16 : memref<80x128xf32, #tpu.memory_space<vmem>>) offsets(%dma_start3A_11 : memref<80xi32, #tpu.memory_space<vmem>>) semaphore(%arg17 : memref<!tpu.dma_semaphore, #tpu.memory_space<semaphore_mem>>)
      %scan3A = arith.constant 0 : i32
      %scan3A_15 = arith.constant 0 : i32
      %scan3A_16 = arith.constant 125 : i32
      %scan3A_17 = arith.addi %scan3A_15, %scan3A_16 : i32
      %scan3A_18 = arith.constant 1 : i32
      scf.for %scan3A_40 = %scan3A_15 to %scan3A_17 step %scan3A_18  : i32 {
        %mul3A_41 = arith.constant 1 : i32
        %mul3A_42 = arith.muli %scan3A_40, %mul3A_41 : i32
        %add3A = arith.constant 0 : i32
        %add3A_43 = arith.addi %mul3A_42, %add3A : i32
        %dma_wait3A = arith.constant 0 : i32
        %dma_wait3A_44 = tpu.memref_slice %arg14[%add3A_43, %dma_wait3A] : memref<125x80xi32, #tpu.memory_space<vmem>> -> memref<1x80xi32, #tpu.memory_space<vmem>>
        %dma_wait3A_45 = tpu.memref_squeeze %dma_wait3A_44 : memref<1x80xi32, #tpu.memory_space<vmem>> -> memref<80xi32, #tpu.memory_space<vmem>>
        %dma_wait3A_46 = arith.constant 0 : i32
        %dma_wait3A_47 = arith.constant 0 : i32
        %dma_wait3A_48 = tpu.memref_slice %arg5[%dma_wait3A_46, %dma_wait3A_47] : memref<10000x128xf32, #tpu.memory_space<hbm>> -> memref<10000x128xf32, #tpu.memory_space<hbm>>
        tpu.wait_indirect_dma semaphore(%arg17 : memref<!tpu.dma_semaphore, #tpu.memory_space<semaphore_mem>>) src(%dma_wait3A_48 : memref<10000x128xf32, #tpu.memory_space<hbm>>) dst(%arg16 : memref<80x128xf32, #tpu.memory_space<vmem>>)
        %dma_start3A_49 = arith.constant 0 : i32
        %dma_start3A_50 = tpu.memref_slice %arg15[%add3A_43, %dma_start3A_49] : memref<125x80xi32, #tpu.memory_space<vmem>> -> memref<1x80xi32, #tpu.memory_space<vmem>>
        %dma_start3A_51 = tpu.memref_squeeze %dma_start3A_50 : memref<1x80xi32, #tpu.memory_space<vmem>> -> memref<80xi32, #tpu.memory_space<vmem>>
        %dma_start3A_52 = arith.constant 0 : i32
        %dma_start3A_53 = arith.constant 0 : i32
        %dma_start3A_54 = tpu.memref_slice %arg13[%dma_start3A_52, %dma_start3A_53] : memref<10112x128xf32, #tpu.memory_space<vmem_shared>> -> memref<10112x128xf32, #tpu.memory_space<vmem_shared>>
        tpu.enqueue_indirect_dma source(%arg16 : memref<80x128xf32, #tpu.memory_space<vmem>>) target(%dma_start3A_54 : memref<10112x128xf32, #tpu.memory_space<vmem_shared>>) offsets(%dma_start3A_51 : memref<80xi32, #tpu.memory_space<vmem>>) semaphore(%arg18 : memref<!tpu.dma_semaphore, #tpu.memory_space<semaphore_mem>>) {add = true}
        %mul3A_55 = arith.constant 1 : i32
        %mul3A_56 = arith.muli %scan3A_40, %mul3A_55 : i32
        %add3A_57 = arith.constant 0 : i32
        %add3A_58 = arith.addi %mul3A_56, %add3A_57 : i32
        %dma_wait3A_59 = arith.constant 0 : i32
        %dma_wait3A_60 = tpu.memref_slice %arg15[%add3A_58, %dma_wait3A_59] : memref<125x80xi32, #tpu.memory_space<vmem>> -> memref<1x80xi32, #tpu.memory_space<vmem>>
        %dma_wait3A_61 = tpu.memref_squeeze %dma_wait3A_60 : memref<1x80xi32, #tpu.memory_space<vmem>> -> memref<80xi32, #tpu.memory_space<vmem>>
        %dma_wait3A_62 = arith.constant 0 : i32
        %dma_wait3A_63 = arith.constant 0 : i32
        %dma_wait3A_64 = tpu.memref_slice %arg13[%dma_wait3A_62, %dma_wait3A_63] : memref<10112x128xf32, #tpu.memory_space<vmem_shared>> -> memref<10112x128xf32, #tpu.memory_space<vmem_shared>>
        tpu.wait_indirect_dma semaphore(%arg18 : memref<!tpu.dma_semaphore, #tpu.memory_space<semaphore_mem>>) src(%arg16 : memref<80x128xf32, #tpu.memory_space<vmem>>) dst(%dma_wait3A_64 : memref<10112x128xf32, #tpu.memory_space<vmem_shared>>)
        %lt3A = arith.constant 124 : i32
        %lt3A_65 = arith.cmpi slt, %scan3A_40, %lt3A : i32
        %convert_element_type3A_66 = arith.extui %lt3A_65 : i1 to i32
        %cond3A_67 = arith.constant 0 : i32
        %cond3A_68 = arith.cmpi ne, %convert_element_type3A_66, %cond3A_67 : i32
        scf.if %cond3A_68 {
          %add3A_69 = arith.constant 1 : i32
          %add3A_70 = arith.addi %add3A_58, %add3A_69 : i32
          %dma_start3A_71 = arith.constant 0 : i32
          %dma_start3A_72 = tpu.memref_slice %arg14[%add3A_70, %dma_start3A_71] : memref<125x80xi32, #tpu.memory_space<vmem>> -> memref<1x80xi32, #tpu.memory_space<vmem>>
          %dma_start3A_73 = tpu.memref_squeeze %dma_start3A_72 : memref<1x80xi32, #tpu.memory_space<vmem>> -> memref<80xi32, #tpu.memory_space<vmem>>
          %dma_start3A_74 = arith.constant 0 : i32
          %dma_start3A_75 = arith.constant 0 : i32
          %dma_start3A_76 = tpu.memref_slice %arg5[%dma_start3A_74, %dma_start3A_75] : memref<10000x128xf32, #tpu.memory_space<hbm>> -> memref<10000x128xf32, #tpu.memory_space<hbm>>
          tpu.enqueue_indirect_dma source(%dma_start3A_76 : memref<10000x128xf32, #tpu.memory_space<hbm>>) target(%arg16 : memref<80x128xf32, #tpu.memory_space<vmem>>) offsets(%dma_start3A_73 : memref<80xi32, #tpu.memory_space<vmem>>) semaphore(%arg17 : memref<!tpu.dma_semaphore, #tpu.memory_space<semaphore_mem>>)
        } else {
        }
      }
      %scan3A_19 = arith.constant 125 : i32
      %barrier3A_20 = arith.constant 0 : index
      tpu.barrier barrier_id(%barrier3A_20)
      "tpu.region"() ({
        %run_scoped3A_40 = tpu.sem_alloc : memref<!tpu.dma_semaphore, #tpu.memory_space<semaphore_mem>>
        %dma_start3A_41 = arith.constant 0 : i32
        %dma_start3A_42 = tpu.memref_slice %arg9[%mul3A_0, %dma_start3A_41] : memref<10112x128xf32, #tpu.memory_space<hbm>> -> memref<632x128xf32, #tpu.memory_space<hbm>>
        %dma_start3A_43 = arith.constant 0 : i32
        %dma_start3A_44 = tpu.memref_slice %arg13[%mul3A_0, %dma_start3A_43] : memref<10112x128xf32, #tpu.memory_space<vmem_shared>> -> memref<632x128xf32, #tpu.memory_space<vmem_shared>>
        tpu.enqueue_dma source(%dma_start3A_44 : memref<632x128xf32, #tpu.memory_space<vmem_shared>>) target(%dma_start3A_42 : memref<632x128xf32, #tpu.memory_space<hbm>>) target_semaphore(%run_scoped3A_40 : memref<!tpu.dma_semaphore, #tpu.memory_space<semaphore_mem>>)
        %dma_wait3A = arith.constant 0 : i32
        %dma_wait3A_45 = tpu.memref_slice %arg9[%mul3A_0, %dma_wait3A] : memref<10112x128xf32, #tpu.memory_space<hbm>> -> memref<632x128xf32, #tpu.memory_space<hbm>>
        %dma_wait3A_46 = arith.constant 0 : i32
        %dma_wait3A_47 = tpu.memref_slice %arg13[%mul3A_0, %dma_wait3A_46] : memref<10112x128xf32, #tpu.memory_space<vmem_shared>> -> memref<632x128xf32, #tpu.memory_space<vmem_shared>>
        tpu.wait_dma2 semaphore(%run_scoped3A_40 : memref<!tpu.dma_semaphore, #tpu.memory_space<semaphore_mem>>) src(%dma_wait3A_47 : memref<632x128xf32, #tpu.memory_space<vmem_shared>>) dst(%dma_wait3A_45 : memref<632x128xf32, #tpu.memory_space<hbm>>)
        tpu.yield
      }) : () -> ()
      %barrier3A_21 = arith.constant 0 : index
      tpu.barrier barrier_id(%barrier3A_21)
      "tpu.region"() ({
        %run_scoped3A_40 = tpu.sem_alloc : memref<!tpu.dma_semaphore, #tpu.memory_space<semaphore_mem>>
        %dma_start3A_41 = arith.constant 0 : i32
        %dma_start3A_42 = tpu.memref_slice %arg13[%mul3A_0, %dma_start3A_41] : memref<10112x128xf32, #tpu.memory_space<vmem_shared>> -> memref<632x128xf32, #tpu.memory_space<vmem_shared>>
        tpu.enqueue_dma source(%arg4 : memref<632x128xf32, #tpu.memory_space<hbm>>) target(%dma_start3A_42 : memref<632x128xf32, #tpu.memory_space<vmem_shared>>) target_semaphore(%run_scoped3A_40 : memref<!tpu.dma_semaphore, #tpu.memory_space<semaphore_mem>>)
        %dma_wait3A = arith.constant 0 : i32
        %dma_wait3A_43 = tpu.memref_slice %arg13[%mul3A_0, %dma_wait3A] : memref<10112x128xf32, #tpu.memory_space<vmem_shared>> -> memref<632x128xf32, #tpu.memory_space<vmem_shared>>
        tpu.wait_dma2 semaphore(%run_scoped3A_40 : memref<!tpu.dma_semaphore, #tpu.memory_space<semaphore_mem>>) src(%arg4 : memref<632x128xf32, #tpu.memory_space<hbm>>) dst(%dma_wait3A_43 : memref<632x128xf32, #tpu.memory_space<vmem_shared>>)
        tpu.yield
      }) : () -> ()
      %barrier3A_22 = arith.constant 0 : index
      tpu.barrier barrier_id(%barrier3A_22)
      %run_scoped3A_23 = arith.constant 0 : i32
      "tpu.region"() ({
        %run_scoped3A_40 = tpu.sem_alloc : memref<!tpu.dma_semaphore, #tpu.memory_space<semaphore_mem>>
        %dma_start3A_41 = arith.constant 0 : i32
        %dma_start3A_42 = arith.constant 0 : i32
        %dma_start3A_43 = tpu.memref_slice %arg2[%arg1, %run_scoped3A_23, %dma_start3A_41, %dma_start3A_42] : memref<16x1x125x80xi32, #tpu.memory_space<hbm>> -> memref<1x1x125x80xi32, #tpu.memory_space<hbm>>
        %dma_start3A_44 = tpu.memref_squeeze %dma_start3A_43 : memref<1x1x125x80xi32, #tpu.memory_space<hbm>> -> memref<125x80xi32, #tpu.memory_space<hbm>>
        %dma_start3A_45 = arith.constant 0 : i32
        %dma_start3A_46 = arith.constant 0 : i32
        %dma_start3A_47 = tpu.memref_slice %arg2[%arg1, %run_scoped3A_23, %dma_start3A_45, %dma_start3A_46] : memref<16x1x125x80xi32, #tpu.memory_space<hbm>> -> memref<1x1x125x80xi32, #tpu.memory_space<hbm>>
        %dma_start3A_48 = tpu.memref_squeeze %dma_start3A_47 : memref<1x1x125x80xi32, #tpu.memory_space<hbm>> -> memref<125x80xi32, #tpu.memory_space<hbm>>
        tpu.enqueue_dma source(%dma_start3A_48 : memref<125x80xi32, #tpu.memory_space<hbm>>) target(%arg14 : memref<125x80xi32, #tpu.memory_space<vmem>>) target_semaphore(%run_scoped3A_40 : memref<!tpu.dma_semaphore, #tpu.memory_space<semaphore_mem>>)
        %dma_wait3A = arith.constant 0 : i32
        %dma_wait3A_49 = arith.constant 0 : i32
        %dma_wait3A_50 = tpu.memref_slice %arg2[%arg1, %run_scoped3A_23, %dma_wait3A, %dma_wait3A_49] : memref<16x1x125x80xi32, #tpu.memory_space<hbm>> -> memref<1x1x125x80xi32, #tpu.memory_space<hbm>>
        %dma_wait3A_51 = tpu.memref_squeeze %dma_wait3A_50 : memref<1x1x125x80xi32, #tpu.memory_space<hbm>> -> memref<125x80xi32, #tpu.memory_space<hbm>>
        %dma_wait3A_52 = arith.constant 0 : i32
        %dma_wait3A_53 = arith.constant 0 : i32
        %dma_wait3A_54 = tpu.memref_slice %arg2[%arg1, %run_scoped3A_23, %dma_wait3A_52, %dma_wait3A_53] : memref<16x1x125x80xi32, #tpu.memory_space<hbm>> -> memref<1x1x125x80xi32, #tpu.memory_space<hbm>>
        %dma_wait3A_55 = tpu.memref_squeeze %dma_wait3A_54 : memref<1x1x125x80xi32, #tpu.memory_space<hbm>> -> memref<125x80xi32, #tpu.memory_space<hbm>>
        tpu.wait_dma2 semaphore(%run_scoped3A_40 : memref<!tpu.dma_semaphore, #tpu.memory_space<semaphore_mem>>) src(%dma_wait3A_55 : memref<125x80xi32, #tpu.memory_space<hbm>>) dst(%arg14 : memref<125x80xi32, #tpu.memory_space<vmem>>)
        tpu.yield
      }) : () -> ()
      %run_scoped3A_24 = arith.constant 0 : i32
      "tpu.region"() ({
        %run_scoped3A_40 = tpu.sem_alloc : memref<!tpu.dma_semaphore, #tpu.memory_space<semaphore_mem>>
        %dma_start3A_41 = arith.constant 0 : i32
        %dma_start3A_42 = arith.constant 0 : i32
        %dma_start3A_43 = tpu.memref_slice %arg3[%arg1, %run_scoped3A_24, %dma_start3A_41, %dma_start3A_42] : memref<16x1x125x80xi32, #tpu.memory_space<hbm>> -> memref<1x1x125x80xi32, #tpu.memory_space<hbm>>
        %dma_start3A_44 = tpu.memref_squeeze %dma_start3A_43 : memref<1x1x125x80xi32, #tpu.memory_space<hbm>> -> memref<125x80xi32, #tpu.memory_space<hbm>>
        %dma_start3A_45 = arith.constant 0 : i32
        %dma_start3A_46 = arith.constant 0 : i32
        %dma_start3A_47 = tpu.memref_slice %arg3[%arg1, %run_scoped3A_24, %dma_start3A_45, %dma_start3A_46] : memref<16x1x125x80xi32, #tpu.memory_space<hbm>> -> memref<1x1x125x80xi32, #tpu.memory_space<hbm>>
        %dma_start3A_48 = tpu.memref_squeeze %dma_start3A_47 : memref<1x1x125x80xi32, #tpu.memory_space<hbm>> -> memref<125x80xi32, #tpu.memory_space<hbm>>
        tpu.enqueue_dma source(%dma_start3A_48 : memref<125x80xi32, #tpu.memory_space<hbm>>) target(%arg15 : memref<125x80xi32, #tpu.memory_space<vmem>>) target_semaphore(%run_scoped3A_40 : memref<!tpu.dma_semaphore, #tpu.memory_space<semaphore_mem>>)
        %dma_wait3A = arith.constant 0 : i32
        %dma_wait3A_49 = arith.constant 0 : i32
        %dma_wait3A_50 = tpu.memref_slice %arg3[%arg1, %run_scoped3A_24, %dma_wait3A, %dma_wait3A_49] : memref<16x1x125x80xi32, #tpu.memory_space<hbm>> -> memref<1x1x125x80xi32, #tpu.memory_space<hbm>>
        %dma_wait3A_51 = tpu.memref_squeeze %dma_wait3A_50 : memref<1x1x125x80xi32, #tpu.memory_space<hbm>> -> memref<125x80xi32, #tpu.memory_space<hbm>>
        %dma_wait3A_52 = arith.constant 0 : i32
        %dma_wait3A_53 = arith.constant 0 : i32
        %dma_wait3A_54 = tpu.memref_slice %arg3[%arg1, %run_scoped3A_24, %dma_wait3A_52, %dma_wait3A_53] : memref<16x1x125x80xi32, #tpu.memory_space<hbm>> -> memref<1x1x125x80xi32, #tpu.memory_space<hbm>>
        %dma_wait3A_55 = tpu.memref_squeeze %dma_wait3A_54 : memref<1x1x125x80xi32, #tpu.memory_space<hbm>> -> memref<125x80xi32, #tpu.memory_space<hbm>>
        tpu.wait_dma2 semaphore(%run_scoped3A_40 : memref<!tpu.dma_semaphore, #tpu.memory_space<semaphore_mem>>) src(%dma_wait3A_55 : memref<125x80xi32, #tpu.memory_space<hbm>>) dst(%arg15 : memref<125x80xi32, #tpu.memory_space<vmem>>)
        tpu.yield
      }) : () -> ()
      %dma_start3A_25 = arith.constant 0 : i32
      %dma_start3A_26 = arith.constant 0 : i32
      %dma_start3A_27 = tpu.memref_slice %arg14[%dma_start3A_25, %dma_start3A_26] : memref<125x80xi32, #tpu.memory_space<vmem>> -> memref<1x80xi32, #tpu.memory_space<vmem>>
      %dma_start3A_28 = tpu.memref_squeeze %dma_start3A_27 : memref<1x80xi32, #tpu.memory_space<vmem>> -> memref<80xi32, #tpu.memory_space<vmem>>
      %dma_start3A_29 = arith.constant 0 : i32
      %dma_start3A_30 = arith.constant 0 : i32
      %dma_start3A_31 = tpu.memref_slice %arg6[%dma_start3A_29, %dma_start3A_30] : memref<10000x128xf32, #tpu.memory_space<hbm>> -> memref<10000x128xf32, #tpu.memory_space<hbm>>
      tpu.enqueue_indirect_dma source(%dma_start3A_31 : memref<10000x128xf32, #tpu.memory_space<hbm>>) target(%arg16 : memref<80x128xf32, #tpu.memory_space<vmem>>) offsets(%dma_start3A_28 : memref<80xi32, #tpu.memory_space<vmem>>) semaphore(%arg17 : memref<!tpu.dma_semaphore, #tpu.memory_space<semaphore_mem>>)
      %scan3A_32 = arith.constant 0 : i32
      %scan3A_33 = arith.constant 0 : i32
      %scan3A_34 = arith.constant 125 : i32
      %scan3A_35 = arith.addi %scan3A_33, %scan3A_34 : i32
      %scan3A_36 = arith.constant 1 : i32
      scf.for %scan3A_40 = %scan3A_33 to %scan3A_35 step %scan3A_36  : i32 {
        %mul3A_41 = arith.constant 1 : i32
        %mul3A_42 = arith.muli %scan3A_40, %mul3A_41 : i32
        %add3A = arith.constant 0 : i32
        %add3A_43 = arith.addi %mul3A_42, %add3A : i32
        %dma_wait3A = arith.constant 0 : i32
        %dma_wait3A_44 = tpu.memref_slice %arg14[%add3A_43, %dma_wait3A] : memref<125x80xi32, #tpu.memory_space<vmem>> -> memref<1x80xi32, #tpu.memory_space<vmem>>
        %dma_wait3A_45 = tpu.memref_squeeze %dma_wait3A_44 : memref<1x80xi32, #tpu.memory_space<vmem>> -> memref<80xi32, #tpu.memory_space<vmem>>
        %dma_wait3A_46 = arith.constant 0 : i32
        %dma_wait3A_47 = arith.constant 0 : i32
        %dma_wait3A_48 = tpu.memref_slice %arg6[%dma_wait3A_46, %dma_wait3A_47] : memref<10000x128xf32, #tpu.memory_space<hbm>> -> memref<10000x128xf32, #tpu.memory_space<hbm>>
        tpu.wait_indirect_dma semaphore(%arg17 : memref<!tpu.dma_semaphore, #tpu.memory_space<semaphore_mem>>) src(%dma_wait3A_48 : memref<10000x128xf32, #tpu.memory_space<hbm>>) dst(%arg16 : memref<80x128xf32, #tpu.memory_space<vmem>>)
        %dma_start3A_49 = arith.constant 0 : i32
        %dma_start3A_50 = tpu.memref_slice %arg15[%add3A_43, %dma_start3A_49] : memref<125x80xi32, #tpu.memory_space<vmem>> -> memref<1x80xi32, #tpu.memory_space<vmem>>
        %dma_start3A_51 = tpu.memref_squeeze %dma_start3A_50 : memref<1x80xi32, #tpu.memory_space<vmem>> -> memref<80xi32, #tpu.memory_space<vmem>>
        %dma_start3A_52 = arith.constant 0 : i32
        %dma_start3A_53 = arith.constant 0 : i32
        %dma_start3A_54 = tpu.memref_slice %arg13[%dma_start3A_52, %dma_start3A_53] : memref<10112x128xf32, #tpu.memory_space<vmem_shared>> -> memref<10112x128xf32, #tpu.memory_space<vmem_shared>>
        tpu.enqueue_indirect_dma source(%arg16 : memref<80x128xf32, #tpu.memory_space<vmem>>) target(%dma_start3A_54 : memref<10112x128xf32, #tpu.memory_space<vmem_shared>>) offsets(%dma_start3A_51 : memref<80xi32, #tpu.memory_space<vmem>>) semaphore(%arg18 : memref<!tpu.dma_semaphore, #tpu.memory_space<semaphore_mem>>) {add = true}
        %mul3A_55 = arith.constant 1 : i32
        %mul3A_56 = arith.muli %scan3A_40, %mul3A_55 : i32
        %add3A_57 = arith.constant 0 : i32
        %add3A_58 = arith.addi %mul3A_56, %add3A_57 : i32
        %dma_wait3A_59 = arith.constant 0 : i32
        %dma_wait3A_60 = tpu.memref_slice %arg15[%add3A_58, %dma_wait3A_59] : memref<125x80xi32, #tpu.memory_space<vmem>> -> memref<1x80xi32, #tpu.memory_space<vmem>>
        %dma_wait3A_61 = tpu.memref_squeeze %dma_wait3A_60 : memref<1x80xi32, #tpu.memory_space<vmem>> -> memref<80xi32, #tpu.memory_space<vmem>>
        %dma_wait3A_62 = arith.constant 0 : i32
        %dma_wait3A_63 = arith.constant 0 : i32
        %dma_wait3A_64 = tpu.memref_slice %arg13[%dma_wait3A_62, %dma_wait3A_63] : memref<10112x128xf32, #tpu.memory_space<vmem_shared>> -> memref<10112x128xf32, #tpu.memory_space<vmem_shared>>
        tpu.wait_indirect_dma semaphore(%arg18 : memref<!tpu.dma_semaphore, #tpu.memory_space<semaphore_mem>>) src(%arg16 : memref<80x128xf32, #tpu.memory_space<vmem>>) dst(%dma_wait3A_64 : memref<10112x128xf32, #tpu.memory_space<vmem_shared>>)
        %lt3A = arith.constant 124 : i32
        %lt3A_65 = arith.cmpi slt, %scan3A_40, %lt3A : i32
        %convert_element_type3A_66 = arith.extui %lt3A_65 : i1 to i32
        %cond3A_67 = arith.constant 0 : i32
        %cond3A_68 = arith.cmpi ne, %convert_element_type3A_66, %cond3A_67 : i32
        scf.if %cond3A_68 {
          %add3A_69 = arith.constant 1 : i32
          %add3A_70 = arith.addi %add3A_58, %add3A_69 : i32
          %dma_start3A_71 = arith.constant 0 : i32
          %dma_start3A_72 = tpu.memref_slice %arg14[%add3A_70, %dma_start3A_71] : memref<125x80xi32, #tpu.memory_space<vmem>> -> memref<1x80xi32, #tpu.memory_space<vmem>>
          %dma_start3A_73 = tpu.memref_squeeze %dma_start3A_72 : memref<1x80xi32, #tpu.memory_space<vmem>> -> memref<80xi32, #tpu.memory_space<vmem>>
          %dma_start3A_74 = arith.constant 0 : i32
          %dma_start3A_75 = arith.constant 0 : i32
          %dma_start3A_76 = tpu.memref_slice %arg6[%dma_start3A_74, %dma_start3A_75] : memref<10000x128xf32, #tpu.memory_space<hbm>> -> memref<10000x128xf32, #tpu.memory_space<hbm>>
          tpu.enqueue_indirect_dma source(%dma_start3A_76 : memref<10000x128xf32, #tpu.memory_space<hbm>>) target(%arg16 : memref<80x128xf32, #tpu.memory_space<vmem>>) offsets(%dma_start3A_73 : memref<80xi32, #tpu.memory_space<vmem>>) semaphore(%arg17 : memref<!tpu.dma_semaphore, #tpu.memory_space<semaphore_mem>>)
        } else {
        }
      }
      %scan3A_37 = arith.constant 125 : i32
      %barrier3A_38 = arith.constant 0 : index
      tpu.barrier barrier_id(%barrier3A_38)
      "tpu.region"() ({
        %run_scoped3A_40 = tpu.sem_alloc : memref<!tpu.dma_semaphore, #tpu.memory_space<semaphore_mem>>
        %dma_start3A_41 = arith.constant 0 : i32
        %dma_start3A_42 = tpu.memref_slice %arg10[%mul3A_0, %dma_start3A_41] : memref<10112x128xf32, #tpu.memory_space<hbm>> -> memref<632x128xf32, #tpu.memory_space<hbm>>
        %dma_start3A_43 = arith.constant 0 : i32
        %dma_start3A_44 = tpu.memref_slice %arg13[%mul3A_0, %dma_start3A_43] : memref<10112x128xf32, #tpu.memory_space<vmem_shared>> -> memref<632x128xf32, #tpu.memory_space<vmem_shared>>
        tpu.enqueue_dma source(%dma_start3A_44 : memref<632x128xf32, #tpu.memory_space<vmem_shared>>) target(%dma_start3A_42 : memref<632x128xf32, #tpu.memory_space<hbm>>) target_semaphore(%run_scoped3A_40 : memref<!tpu.dma_semaphore, #tpu.memory_space<semaphore_mem>>)
        %dma_wait3A = arith.constant 0 : i32
        %dma_wait3A_45 = tpu.memref_slice %arg10[%mul3A_0, %dma_wait3A] : memref<10112x128xf32, #tpu.memory_space<hbm>> -> memref<632x128xf32, #tpu.memory_space<hbm>>
        %dma_wait3A_46 = arith.constant 0 : i32
        %dma_wait3A_47 = tpu.memref_slice %arg13[%mul3A_0, %dma_wait3A_46] : memref<10112x128xf32, #tpu.memory_space<vmem_shared>> -> memref<632x128xf32, #tpu.memory_space<vmem_shared>>
        tpu.wait_dma2 semaphore(%run_scoped3A_40 : memref<!tpu.dma_semaphore, #tpu.memory_space<semaphore_mem>>) src(%dma_wait3A_47 : memref<632x128xf32, #tpu.memory_space<vmem_shared>>) dst(%dma_wait3A_45 : memref<632x128xf32, #tpu.memory_space<hbm>>)
        tpu.yield
      }) : () -> ()
      %barrier3A_39 = arith.constant 0 : index
      tpu.barrier barrier_id(%barrier3A_39)
    } else {
    }
    %eq3A_3 = arith.constant 1 : i32
    %eq3A_4 = arith.cmpi eq, %arg0, %eq3A_3 : i32
    %convert_element_type3A_5 = arith.extui %eq3A_4 : i1 to i32
    %cond3A_6 = arith.constant 0 : i32
    %cond3A_7 = arith.cmpi ne, %convert_element_type3A_5, %cond3A_6 : i32
    scf.if %cond3A_7 {
      "tpu.region"() ({
        %run_scoped3A_40 = tpu.sem_alloc : memref<!tpu.dma_semaphore, #tpu.memory_space<semaphore_mem>>
        %dma_start3A_41 = arith.constant 0 : i32
        %dma_start3A_42 = tpu.memref_slice %arg13[%mul3A_0, %dma_start3A_41] : memref<10112x128xf32, #tpu.memory_space<vmem_shared>> -> memref<632x128xf32, #tpu.memory_space<vmem_shared>>
        tpu.enqueue_dma source(%arg4 : memref<632x128xf32, #tpu.memory_space<hbm>>) target(%dma_start3A_42 : memref<632x128xf32, #tpu.memory_space<vmem_shared>>) target_semaphore(%run_scoped3A_40 : memref<!tpu.dma_semaphore, #tpu.memory_space<semaphore_mem>>)
        %dma_wait3A = arith.constant 0 : i32
        %dma_wait3A_43 = tpu.memref_slice %arg13[%mul3A_0, %dma_wait3A] : memref<10112x128xf32, #tpu.memory_space<vmem_shared>> -> memref<632x128xf32, #tpu.memory_space<vmem_shared>>
        tpu.wait_dma2 semaphore(%run_scoped3A_40 : memref<!tpu.dma_semaphore, #tpu.memory_space<semaphore_mem>>) src(%arg4 : memref<632x128xf32, #tpu.memory_space<hbm>>) dst(%dma_wait3A_43 : memref<632x128xf32, #tpu.memory_space<vmem_shared>>)
        tpu.yield
      }) : () -> ()
      %barrier3A = arith.constant 0 : index
      tpu.barrier barrier_id(%barrier3A)
      %run_scoped3A = arith.constant 0 : i32
      "tpu.region"() ({
        %run_scoped3A_40 = tpu.sem_alloc : memref<!tpu.dma_semaphore, #tpu.memory_space<semaphore_mem>>
        %dma_start3A_41 = arith.constant 0 : i32
        %dma_start3A_42 = arith.constant 0 : i32
        %dma_start3A_43 = tpu.memref_slice %arg2[%arg1, %run_scoped3A, %dma_start3A_41, %dma_start3A_42] : memref<16x1x125x80xi32, #tpu.memory_space<hbm>> -> memref<1x1x125x80xi32, #tpu.memory_space<hbm>>
        %dma_start3A_44 = tpu.memref_squeeze %dma_start3A_43 : memref<1x1x125x80xi32, #tpu.memory_space<hbm>> -> memref<125x80xi32, #tpu.memory_space<hbm>>
        %dma_start3A_45 = arith.constant 0 : i32
        %dma_start3A_46 = arith.constant 0 : i32
        %dma_start3A_47 = tpu.memref_slice %arg2[%arg1, %run_scoped3A, %dma_start3A_45, %dma_start3A_46] : memref<16x1x125x80xi32, #tpu.memory_space<hbm>> -> memref<1x1x125x80xi32, #tpu.memory_space<hbm>>
        %dma_start3A_48 = tpu.memref_squeeze %dma_start3A_47 : memref<1x1x125x80xi32, #tpu.memory_space<hbm>> -> memref<125x80xi32, #tpu.memory_space<hbm>>
        tpu.enqueue_dma source(%dma_start3A_48 : memref<125x80xi32, #tpu.memory_space<hbm>>) target(%arg14 : memref<125x80xi32, #tpu.memory_space<vmem>>) target_semaphore(%run_scoped3A_40 : memref<!tpu.dma_semaphore, #tpu.memory_space<semaphore_mem>>)
        %dma_wait3A = arith.constant 0 : i32
        %dma_wait3A_49 = arith.constant 0 : i32
        %dma_wait3A_50 = tpu.memref_slice %arg2[%arg1, %run_scoped3A, %dma_wait3A, %dma_wait3A_49] : memref<16x1x125x80xi32, #tpu.memory_space<hbm>> -> memref<1x1x125x80xi32, #tpu.memory_space<hbm>>
        %dma_wait3A_51 = tpu.memref_squeeze %dma_wait3A_50 : memref<1x1x125x80xi32, #tpu.memory_space<hbm>> -> memref<125x80xi32, #tpu.memory_space<hbm>>
        %dma_wait3A_52 = arith.constant 0 : i32
        %dma_wait3A_53 = arith.constant 0 : i32
        %dma_wait3A_54 = tpu.memref_slice %arg2[%arg1, %run_scoped3A, %dma_wait3A_52, %dma_wait3A_53] : memref<16x1x125x80xi32, #tpu.memory_space<hbm>> -> memref<1x1x125x80xi32, #tpu.memory_space<hbm>>
        %dma_wait3A_55 = tpu.memref_squeeze %dma_wait3A_54 : memref<1x1x125x80xi32, #tpu.memory_space<hbm>> -> memref<125x80xi32, #tpu.memory_space<hbm>>
        tpu.wait_dma2 semaphore(%run_scoped3A_40 : memref<!tpu.dma_semaphore, #tpu.memory_space<semaphore_mem>>) src(%dma_wait3A_55 : memref<125x80xi32, #tpu.memory_space<hbm>>) dst(%arg14 : memref<125x80xi32, #tpu.memory_space<vmem>>)
        tpu.yield
      }) : () -> ()
      %run_scoped3A_8 = arith.constant 0 : i32
      "tpu.region"() ({
        %run_scoped3A_40 = tpu.sem_alloc : memref<!tpu.dma_semaphore, #tpu.memory_space<semaphore_mem>>
        %dma_start3A_41 = arith.constant 0 : i32
        %dma_start3A_42 = arith.constant 0 : i32
        %dma_start3A_43 = tpu.memref_slice %arg3[%arg1, %run_scoped3A_8, %dma_start3A_41, %dma_start3A_42] : memref<16x1x125x80xi32, #tpu.memory_space<hbm>> -> memref<1x1x125x80xi32, #tpu.memory_space<hbm>>
        %dma_start3A_44 = tpu.memref_squeeze %dma_start3A_43 : memref<1x1x125x80xi32, #tpu.memory_space<hbm>> -> memref<125x80xi32, #tpu.memory_space<hbm>>
        %dma_start3A_45 = arith.constant 0 : i32
        %dma_start3A_46 = arith.constant 0 : i32
        %dma_start3A_47 = tpu.memref_slice %arg3[%arg1, %run_scoped3A_8, %dma_start3A_45, %dma_start3A_46] : memref<16x1x125x80xi32, #tpu.memory_space<hbm>> -> memref<1x1x125x80xi32, #tpu.memory_space<hbm>>
        %dma_start3A_48 = tpu.memref_squeeze %dma_start3A_47 : memref<1x1x125x80xi32, #tpu.memory_space<hbm>> -> memref<125x80xi32, #tpu.memory_space<hbm>>
        tpu.enqueue_dma source(%dma_start3A_48 : memref<125x80xi32, #tpu.memory_space<hbm>>) target(%arg15 : memref<125x80xi32, #tpu.memory_space<vmem>>) target_semaphore(%run_scoped3A_40 : memref<!tpu.dma_semaphore, #tpu.memory_space<semaphore_mem>>)
        %dma_wait3A = arith.constant 0 : i32
        %dma_wait3A_49 = arith.constant 0 : i32
        %dma_wait3A_50 = tpu.memref_slice %arg3[%arg1, %run_scoped3A_8, %dma_wait3A, %dma_wait3A_49] : memref<16x1x125x80xi32, #tpu.memory_space<hbm>> -> memref<1x1x125x80xi32, #tpu.memory_space<hbm>>
        %dma_wait3A_51 = tpu.memref_squeeze %dma_wait3A_50 : memref<1x1x125x80xi32, #tpu.memory_space<hbm>> -> memref<125x80xi32, #tpu.memory_space<hbm>>
        %dma_wait3A_52 = arith.constant 0 : i32
        %dma_wait3A_53 = arith.constant 0 : i32
        %dma_wait3A_54 = tpu.memref_slice %arg3[%arg1, %run_scoped3A_8, %dma_wait3A_52, %dma_wait3A_53] : memref<16x1x125x80xi32, #tpu.memory_space<hbm>> -> memref<1x1x125x80xi32, #tpu.memory_space<hbm>>
        %dma_wait3A_55 = tpu.memref_squeeze %dma_wait3A_54 : memref<1x1x125x80xi32, #tpu.memory_space<hbm>> -> memref<125x80xi32, #tpu.memory_space<hbm>>
        tpu.wait_dma2 semaphore(%run_scoped3A_40 : memref<!tpu.dma_semaphore, #tpu.memory_space<semaphore_mem>>) src(%dma_wait3A_55 : memref<125x80xi32, #tpu.memory_space<hbm>>) dst(%arg15 : memref<125x80xi32, #tpu.memory_space<vmem>>)
        tpu.yield
      }) : () -> ()
      %dma_start3A = arith.constant 0 : i32
      %dma_start3A_9 = arith.constant 0 : i32
      %dma_start3A_10 = tpu.memref_slice %arg14[%dma_start3A, %dma_start3A_9] : memref<125x80xi32, #tpu.memory_space<vmem>> -> memref<1x80xi32, #tpu.memory_space<vmem>>
      %dma_start3A_11 = tpu.memref_squeeze %dma_start3A_10 : memref<1x80xi32, #tpu.memory_space<vmem>> -> memref<80xi32, #tpu.memory_space<vmem>>
      %dma_start3A_12 = arith.constant 0 : i32
      %dma_start3A_13 = arith.constant 0 : i32
      %dma_start3A_14 = tpu.memref_slice %arg7[%dma_start3A_12, %dma_start3A_13] : memref<10000x128xf32, #tpu.memory_space<hbm>> -> memref<10000x128xf32, #tpu.memory_space<hbm>>
      tpu.enqueue_indirect_dma source(%dma_start3A_14 : memref<10000x128xf32, #tpu.memory_space<hbm>>) target(%arg16 : memref<80x128xf32, #tpu.memory_space<vmem>>) offsets(%dma_start3A_11 : memref<80xi32, #tpu.memory_space<vmem>>) semaphore(%arg17 : memref<!tpu.dma_semaphore, #tpu.memory_space<semaphore_mem>>)
      %scan3A = arith.constant 0 : i32
      %scan3A_15 = arith.constant 0 : i32
      %scan3A_16 = arith.constant 125 : i32
      %scan3A_17 = arith.addi %scan3A_15, %scan3A_16 : i32
      %scan3A_18 = arith.constant 1 : i32
      scf.for %scan3A_40 = %scan3A_15 to %scan3A_17 step %scan3A_18  : i32 {
        %mul3A_41 = arith.constant 1 : i32
        %mul3A_42 = arith.muli %scan3A_40, %mul3A_41 : i32
        %add3A = arith.constant 0 : i32
        %add3A_43 = arith.addi %mul3A_42, %add3A : i32
        %dma_wait3A = arith.constant 0 : i32
        %dma_wait3A_44 = tpu.memref_slice %arg14[%add3A_43, %dma_wait3A] : memref<125x80xi32, #tpu.memory_space<vmem>> -> memref<1x80xi32, #tpu.memory_space<vmem>>
        %dma_wait3A_45 = tpu.memref_squeeze %dma_wait3A_44 : memref<1x80xi32, #tpu.memory_space<vmem>> -> memref<80xi32, #tpu.memory_space<vmem>>
        %dma_wait3A_46 = arith.constant 0 : i32
        %dma_wait3A_47 = arith.constant 0 : i32
        %dma_wait3A_48 = tpu.memref_slice %arg7[%dma_wait3A_46, %dma_wait3A_47] : memref<10000x128xf32, #tpu.memory_space<hbm>> -> memref<10000x128xf32, #tpu.memory_space<hbm>>
        tpu.wait_indirect_dma semaphore(%arg17 : memref<!tpu.dma_semaphore, #tpu.memory_space<semaphore_mem>>) src(%dma_wait3A_48 : memref<10000x128xf32, #tpu.memory_space<hbm>>) dst(%arg16 : memref<80x128xf32, #tpu.memory_space<vmem>>)
        %dma_start3A_49 = arith.constant 0 : i32
        %dma_start3A_50 = tpu.memref_slice %arg15[%add3A_43, %dma_start3A_49] : memref<125x80xi32, #tpu.memory_space<vmem>> -> memref<1x80xi32, #tpu.memory_space<vmem>>
        %dma_start3A_51 = tpu.memref_squeeze %dma_start3A_50 : memref<1x80xi32, #tpu.memory_space<vmem>> -> memref<80xi32, #tpu.memory_space<vmem>>
        %dma_start3A_52 = arith.constant 0 : i32
        %dma_start3A_53 = arith.constant 0 : i32
        %dma_start3A_54 = tpu.memref_slice %arg13[%dma_start3A_52, %dma_start3A_53] : memref<10112x128xf32, #tpu.memory_space<vmem_shared>> -> memref<10112x128xf32, #tpu.memory_space<vmem_shared>>
        tpu.enqueue_indirect_dma source(%arg16 : memref<80x128xf32, #tpu.memory_space<vmem>>) target(%dma_start3A_54 : memref<10112x128xf32, #tpu.memory_space<vmem_shared>>) offsets(%dma_start3A_51 : memref<80xi32, #tpu.memory_space<vmem>>) semaphore(%arg18 : memref<!tpu.dma_semaphore, #tpu.memory_space<semaphore_mem>>) {add = true}
        %mul3A_55 = arith.constant 1 : i32
        %mul3A_56 = arith.muli %scan3A_40, %mul3A_55 : i32
        %add3A_57 = arith.constant 0 : i32
        %add3A_58 = arith.addi %mul3A_56, %add3A_57 : i32
        %dma_wait3A_59 = arith.constant 0 : i32
        %dma_wait3A_60 = tpu.memref_slice %arg15[%add3A_58, %dma_wait3A_59] : memref<125x80xi32, #tpu.memory_space<vmem>> -> memref<1x80xi32, #tpu.memory_space<vmem>>
        %dma_wait3A_61 = tpu.memref_squeeze %dma_wait3A_60 : memref<1x80xi32, #tpu.memory_space<vmem>> -> memref<80xi32, #tpu.memory_space<vmem>>
        %dma_wait3A_62 = arith.constant 0 : i32
        %dma_wait3A_63 = arith.constant 0 : i32
        %dma_wait3A_64 = tpu.memref_slice %arg13[%dma_wait3A_62, %dma_wait3A_63] : memref<10112x128xf32, #tpu.memory_space<vmem_shared>> -> memref<10112x128xf32, #tpu.memory_space<vmem_shared>>
        tpu.wait_indirect_dma semaphore(%arg18 : memref<!tpu.dma_semaphore, #tpu.memory_space<semaphore_mem>>) src(%arg16 : memref<80x128xf32, #tpu.memory_space<vmem>>) dst(%dma_wait3A_64 : memref<10112x128xf32, #tpu.memory_space<vmem_shared>>)
        %lt3A = arith.constant 124 : i32
        %lt3A_65 = arith.cmpi slt, %scan3A_40, %lt3A : i32
        %convert_element_type3A_66 = arith.extui %lt3A_65 : i1 to i32
        %cond3A_67 = arith.constant 0 : i32
        %cond3A_68 = arith.cmpi ne, %convert_element_type3A_66, %cond3A_67 : i32
        scf.if %cond3A_68 {
          %add3A_69 = arith.constant 1 : i32
          %add3A_70 = arith.addi %add3A_58, %add3A_69 : i32
          %dma_start3A_71 = arith.constant 0 : i32
          %dma_start3A_72 = tpu.memref_slice %arg14[%add3A_70, %dma_start3A_71] : memref<125x80xi32, #tpu.memory_space<vmem>> -> memref<1x80xi32, #tpu.memory_space<vmem>>
          %dma_start3A_73 = tpu.memref_squeeze %dma_start3A_72 : memref<1x80xi32, #tpu.memory_space<vmem>> -> memref<80xi32, #tpu.memory_space<vmem>>
          %dma_start3A_74 = arith.constant 0 : i32
          %dma_start3A_75 = arith.constant 0 : i32
          %dma_start3A_76 = tpu.memref_slice %arg7[%dma_start3A_74, %dma_start3A_75] : memref<10000x128xf32, #tpu.memory_space<hbm>> -> memref<10000x128xf32, #tpu.memory_space<hbm>>
          tpu.enqueue_indirect_dma source(%dma_start3A_76 : memref<10000x128xf32, #tpu.memory_space<hbm>>) target(%arg16 : memref<80x128xf32, #tpu.memory_space<vmem>>) offsets(%dma_start3A_73 : memref<80xi32, #tpu.memory_space<vmem>>) semaphore(%arg17 : memref<!tpu.dma_semaphore, #tpu.memory_space<semaphore_mem>>)
        } else {
        }
      }
      %scan3A_19 = arith.constant 125 : i32
      %barrier3A_20 = arith.constant 0 : index
      tpu.barrier barrier_id(%barrier3A_20)
      "tpu.region"() ({
        %run_scoped3A_40 = tpu.sem_alloc : memref<!tpu.dma_semaphore, #tpu.memory_space<semaphore_mem>>
        %dma_start3A_41 = arith.constant 0 : i32
        %dma_start3A_42 = tpu.memref_slice %arg11[%mul3A_0, %dma_start3A_41] : memref<10112x128xf32, #tpu.memory_space<hbm>> -> memref<632x128xf32, #tpu.memory_space<hbm>>
        %dma_start3A_43 = arith.constant 0 : i32
        %dma_start3A_44 = tpu.memref_slice %arg13[%mul3A_0, %dma_start3A_43] : memref<10112x128xf32, #tpu.memory_space<vmem_shared>> -> memref<632x128xf32, #tpu.memory_space<vmem_shared>>
        tpu.enqueue_dma source(%dma_start3A_44 : memref<632x128xf32, #tpu.memory_space<vmem_shared>>) target(%dma_start3A_42 : memref<632x128xf32, #tpu.memory_space<hbm>>) target_semaphore(%run_scoped3A_40 : memref<!tpu.dma_semaphore, #tpu.memory_space<semaphore_mem>>)
        %dma_wait3A = arith.constant 0 : i32
        %dma_wait3A_45 = tpu.memref_slice %arg11[%mul3A_0, %dma_wait3A] : memref<10112x128xf32, #tpu.memory_space<hbm>> -> memref<632x128xf32, #tpu.memory_space<hbm>>
        %dma_wait3A_46 = arith.constant 0 : i32
        %dma_wait3A_47 = tpu.memref_slice %arg13[%mul3A_0, %dma_wait3A_46] : memref<10112x128xf32, #tpu.memory_space<vmem_shared>> -> memref<632x128xf32, #tpu.memory_space<vmem_shared>>
        tpu.wait_dma2 semaphore(%run_scoped3A_40 : memref<!tpu.dma_semaphore, #tpu.memory_space<semaphore_mem>>) src(%dma_wait3A_47 : memref<632x128xf32, #tpu.memory_space<vmem_shared>>) dst(%dma_wait3A_45 : memref<632x128xf32, #tpu.memory_space<hbm>>)
        tpu.yield
      }) : () -> ()
      %barrier3A_21 = arith.constant 0 : index
      tpu.barrier barrier_id(%barrier3A_21)
      "tpu.region"() ({
        %run_scoped3A_40 = tpu.sem_alloc : memref<!tpu.dma_semaphore, #tpu.memory_space<semaphore_mem>>
        %dma_start3A_41 = arith.constant 0 : i32
        %dma_start3A_42 = tpu.memref_slice %arg13[%mul3A_0, %dma_start3A_41] : memref<10112x128xf32, #tpu.memory_space<vmem_shared>> -> memref<632x128xf32, #tpu.memory_space<vmem_shared>>
        tpu.enqueue_dma source(%arg4 : memref<632x128xf32, #tpu.memory_space<hbm>>) target(%dma_start3A_42 : memref<632x128xf32, #tpu.memory_space<vmem_shared>>) target_semaphore(%run_scoped3A_40 : memref<!tpu.dma_semaphore, #tpu.memory_space<semaphore_mem>>)
        %dma_wait3A = arith.constant 0 : i32
        %dma_wait3A_43 = tpu.memref_slice %arg13[%mul3A_0, %dma_wait3A] : memref<10112x128xf32, #tpu.memory_space<vmem_shared>> -> memref<632x128xf32, #tpu.memory_space<vmem_shared>>
        tpu.wait_dma2 semaphore(%run_scoped3A_40 : memref<!tpu.dma_semaphore, #tpu.memory_space<semaphore_mem>>) src(%arg4 : memref<632x128xf32, #tpu.memory_space<hbm>>) dst(%dma_wait3A_43 : memref<632x128xf32, #tpu.memory_space<vmem_shared>>)
        tpu.yield
      }) : () -> ()
      %barrier3A_22 = arith.constant 0 : index
      tpu.barrier barrier_id(%barrier3A_22)
      %run_scoped3A_23 = arith.constant 0 : i32
      "tpu.region"() ({
        %run_scoped3A_40 = tpu.sem_alloc : memref<!tpu.dma_semaphore, #tpu.memory_space<semaphore_mem>>
        %dma_start3A_41 = arith.constant 0 : i32
        %dma_start3A_42 = arith.constant 0 : i32
        %dma_start3A_43 = tpu.memref_slice %arg2[%arg1, %run_scoped3A_23, %dma_start3A_41, %dma_start3A_42] : memref<16x1x125x80xi32, #tpu.memory_space<hbm>> -> memref<1x1x125x80xi32, #tpu.memory_space<hbm>>
        %dma_start3A_44 = tpu.memref_squeeze %dma_start3A_43 : memref<1x1x125x80xi32, #tpu.memory_space<hbm>> -> memref<125x80xi32, #tpu.memory_space<hbm>>
        %dma_start3A_45 = arith.constant 0 : i32
        %dma_start3A_46 = arith.constant 0 : i32
        %dma_start3A_47 = tpu.memref_slice %arg2[%arg1, %run_scoped3A_23, %dma_start3A_45, %dma_start3A_46] : memref<16x1x125x80xi32, #tpu.memory_space<hbm>> -> memref<1x1x125x80xi32, #tpu.memory_space<hbm>>
        %dma_start3A_48 = tpu.memref_squeeze %dma_start3A_47 : memref<1x1x125x80xi32, #tpu.memory_space<hbm>> -> memref<125x80xi32, #tpu.memory_space<hbm>>
        tpu.enqueue_dma source(%dma_start3A_48 : memref<125x80xi32, #tpu.memory_space<hbm>>) target(%arg14 : memref<125x80xi32, #tpu.memory_space<vmem>>) target_semaphore(%run_scoped3A_40 : memref<!tpu.dma_semaphore, #tpu.memory_space<semaphore_mem>>)
        %dma_wait3A = arith.constant 0 : i32
        %dma_wait3A_49 = arith.constant 0 : i32
        %dma_wait3A_50 = tpu.memref_slice %arg2[%arg1, %run_scoped3A_23, %dma_wait3A, %dma_wait3A_49] : memref<16x1x125x80xi32, #tpu.memory_space<hbm>> -> memref<1x1x125x80xi32, #tpu.memory_space<hbm>>
        %dma_wait3A_51 = tpu.memref_squeeze %dma_wait3A_50 : memref<1x1x125x80xi32, #tpu.memory_space<hbm>> -> memref<125x80xi32, #tpu.memory_space<hbm>>
        %dma_wait3A_52 = arith.constant 0 : i32
        %dma_wait3A_53 = arith.constant 0 : i32
        %dma_wait3A_54 = tpu.memref_slice %arg2[%arg1, %run_scoped3A_23, %dma_wait3A_52, %dma_wait3A_53] : memref<16x1x125x80xi32, #tpu.memory_space<hbm>> -> memref<1x1x125x80xi32, #tpu.memory_space<hbm>>
        %dma_wait3A_55 = tpu.memref_squeeze %dma_wait3A_54 : memref<1x1x125x80xi32, #tpu.memory_space<hbm>> -> memref<125x80xi32, #tpu.memory_space<hbm>>
        tpu.wait_dma2 semaphore(%run_scoped3A_40 : memref<!tpu.dma_semaphore, #tpu.memory_space<semaphore_mem>>) src(%dma_wait3A_55 : memref<125x80xi32, #tpu.memory_space<hbm>>) dst(%arg14 : memref<125x80xi32, #tpu.memory_space<vmem>>)
        tpu.yield
      }) : () -> ()
      %run_scoped3A_24 = arith.constant 0 : i32
      "tpu.region"() ({
        %run_scoped3A_40 = tpu.sem_alloc : memref<!tpu.dma_semaphore, #tpu.memory_space<semaphore_mem>>
        %dma_start3A_41 = arith.constant 0 : i32
        %dma_start3A_42 = arith.constant 0 : i32
        %dma_start3A_43 = tpu.memref_slice %arg3[%arg1, %run_scoped3A_24, %dma_start3A_41, %dma_start3A_42] : memref<16x1x125x80xi32, #tpu.memory_space<hbm>> -> memref<1x1x125x80xi32, #tpu.memory_space<hbm>>
        %dma_start3A_44 = tpu.memref_squeeze %dma_start3A_43 : memref<1x1x125x80xi32, #tpu.memory_space<hbm>> -> memref<125x80xi32, #tpu.memory_space<hbm>>
        %dma_start3A_45 = arith.constant 0 : i32
        %dma_start3A_46 = arith.constant 0 : i32
        %dma_start3A_47 = tpu.memref_slice %arg3[%arg1, %run_scoped3A_24, %dma_start3A_45, %dma_start3A_46] : memref<16x1x125x80xi32, #tpu.memory_space<hbm>> -> memref<1x1x125x80xi32, #tpu.memory_space<hbm>>
        %dma_start3A_48 = tpu.memref_squeeze %dma_start3A_47 : memref<1x1x125x80xi32, #tpu.memory_space<hbm>> -> memref<125x80xi32, #tpu.memory_space<hbm>>
        tpu.enqueue_dma source(%dma_start3A_48 : memref<125x80xi32, #tpu.memory_space<hbm>>) target(%arg15 : memref<125x80xi32, #tpu.memory_space<vmem>>) target_semaphore(%run_scoped3A_40 : memref<!tpu.dma_semaphore, #tpu.memory_space<semaphore_mem>>)
        %dma_wait3A = arith.constant 0 : i32
        %dma_wait3A_49 = arith.constant 0 : i32
        %dma_wait3A_50 = tpu.memref_slice %arg3[%arg1, %run_scoped3A_24, %dma_wait3A, %dma_wait3A_49] : memref<16x1x125x80xi32, #tpu.memory_space<hbm>> -> memref<1x1x125x80xi32, #tpu.memory_space<hbm>>
        %dma_wait3A_51 = tpu.memref_squeeze %dma_wait3A_50 : memref<1x1x125x80xi32, #tpu.memory_space<hbm>> -> memref<125x80xi32, #tpu.memory_space<hbm>>
        %dma_wait3A_52 = arith.constant 0 : i32
        %dma_wait3A_53 = arith.constant 0 : i32
        %dma_wait3A_54 = tpu.memref_slice %arg3[%arg1, %run_scoped3A_24, %dma_wait3A_52, %dma_wait3A_53] : memref<16x1x125x80xi32, #tpu.memory_space<hbm>> -> memref<1x1x125x80xi32, #tpu.memory_space<hbm>>
        %dma_wait3A_55 = tpu.memref_squeeze %dma_wait3A_54 : memref<1x1x125x80xi32, #tpu.memory_space<hbm>> -> memref<125x80xi32, #tpu.memory_space<hbm>>
        tpu.wait_dma2 semaphore(%run_scoped3A_40 : memref<!tpu.dma_semaphore, #tpu.memory_space<semaphore_mem>>) src(%dma_wait3A_55 : memref<125x80xi32, #tpu.memory_space<hbm>>) dst(%arg15 : memref<125x80xi32, #tpu.memory_space<vmem>>)
        tpu.yield
      }) : () -> ()
      %dma_start3A_25 = arith.constant 0 : i32
      %dma_start3A_26 = arith.constant 0 : i32
      %dma_start3A_27 = tpu.memref_slice %arg14[%dma_start3A_25, %dma_start3A_26] : memref<125x80xi32, #tpu.memory_space<vmem>> -> memref<1x80xi32, #tpu.memory_space<vmem>>
      %dma_start3A_28 = tpu.memref_squeeze %dma_start3A_27 : memref<1x80xi32, #tpu.memory_space<vmem>> -> memref<80xi32, #tpu.memory_space<vmem>>
      %dma_start3A_29 = arith.constant 0 : i32
      %dma_start3A_30 = arith.constant 0 : i32
      %dma_start3A_31 = tpu.memref_slice %arg8[%dma_start3A_29, %dma_start3A_30] : memref<10000x128xf32, #tpu.memory_space<hbm>> -> memref<10000x128xf32, #tpu.memory_space<hbm>>
      tpu.enqueue_indirect_dma source(%dma_start3A_31 : memref<10000x128xf32, #tpu.memory_space<hbm>>) target(%arg16 : memref<80x128xf32, #tpu.memory_space<vmem>>) offsets(%dma_start3A_28 : memref<80xi32, #tpu.memory_space<vmem>>) semaphore(%arg17 : memref<!tpu.dma_semaphore, #tpu.memory_space<semaphore_mem>>)
      %scan3A_32 = arith.constant 0 : i32
      %scan3A_33 = arith.constant 0 : i32
      %scan3A_34 = arith.constant 125 : i32
      %scan3A_35 = arith.addi %scan3A_33, %scan3A_34 : i32
      %scan3A_36 = arith.constant 1 : i32
      scf.for %scan3A_40 = %scan3A_33 to %scan3A_35 step %scan3A_36  : i32 {
        %mul3A_41 = arith.constant 1 : i32
        %mul3A_42 = arith.muli %scan3A_40, %mul3A_41 : i32
        %add3A = arith.constant 0 : i32
        %add3A_43 = arith.addi %mul3A_42, %add3A : i32
        %dma_wait3A = arith.constant 0 : i32
        %dma_wait3A_44 = tpu.memref_slice %arg14[%add3A_43, %dma_wait3A] : memref<125x80xi32, #tpu.memory_space<vmem>> -> memref<1x80xi32, #tpu.memory_space<vmem>>
        %dma_wait3A_45 = tpu.memref_squeeze %dma_wait3A_44 : memref<1x80xi32, #tpu.memory_space<vmem>> -> memref<80xi32, #tpu.memory_space<vmem>>
        %dma_wait3A_46 = arith.constant 0 : i32
        %dma_wait3A_47 = arith.constant 0 : i32
        %dma_wait3A_48 = tpu.memref_slice %arg8[%dma_wait3A_46, %dma_wait3A_47] : memref<10000x128xf32, #tpu.memory_space<hbm>> -> memref<10000x128xf32, #tpu.memory_space<hbm>>
        tpu.wait_indirect_dma semaphore(%arg17 : memref<!tpu.dma_semaphore, #tpu.memory_space<semaphore_mem>>) src(%dma_wait3A_48 : memref<10000x128xf32, #tpu.memory_space<hbm>>) dst(%arg16 : memref<80x128xf32, #tpu.memory_space<vmem>>)
        %dma_start3A_49 = arith.constant 0 : i32
        %dma_start3A_50 = tpu.memref_slice %arg15[%add3A_43, %dma_start3A_49] : memref<125x80xi32, #tpu.memory_space<vmem>> -> memref<1x80xi32, #tpu.memory_space<vmem>>
        %dma_start3A_51 = tpu.memref_squeeze %dma_start3A_50 : memref<1x80xi32, #tpu.memory_space<vmem>> -> memref<80xi32, #tpu.memory_space<vmem>>
        %dma_start3A_52 = arith.constant 0 : i32
        %dma_start3A_53 = arith.constant 0 : i32
        %dma_start3A_54 = tpu.memref_slice %arg13[%dma_start3A_52, %dma_start3A_53] : memref<10112x128xf32, #tpu.memory_space<vmem_shared>> -> memref<10112x128xf32, #tpu.memory_space<vmem_shared>>
        tpu.enqueue_indirect_dma source(%arg16 : memref<80x128xf32, #tpu.memory_space<vmem>>) target(%dma_start3A_54 : memref<10112x128xf32, #tpu.memory_space<vmem_shared>>) offsets(%dma_start3A_51 : memref<80xi32, #tpu.memory_space<vmem>>) semaphore(%arg18 : memref<!tpu.dma_semaphore, #tpu.memory_space<semaphore_mem>>) {add = true}
        %mul3A_55 = arith.constant 1 : i32
        %mul3A_56 = arith.muli %scan3A_40, %mul3A_55 : i32
        %add3A_57 = arith.constant 0 : i32
        %add3A_58 = arith.addi %mul3A_56, %add3A_57 : i32
        %dma_wait3A_59 = arith.constant 0 : i32
        %dma_wait3A_60 = tpu.memref_slice %arg15[%add3A_58, %dma_wait3A_59] : memref<125x80xi32, #tpu.memory_space<vmem>> -> memref<1x80xi32, #tpu.memory_space<vmem>>
        %dma_wait3A_61 = tpu.memref_squeeze %dma_wait3A_60 : memref<1x80xi32, #tpu.memory_space<vmem>> -> memref<80xi32, #tpu.memory_space<vmem>>
        %dma_wait3A_62 = arith.constant 0 : i32
        %dma_wait3A_63 = arith.constant 0 : i32
        %dma_wait3A_64 = tpu.memref_slice %arg13[%dma_wait3A_62, %dma_wait3A_63] : memref<10112x128xf32, #tpu.memory_space<vmem_shared>> -> memref<10112x128xf32, #tpu.memory_space<vmem_shared>>
        tpu.wait_indirect_dma semaphore(%arg18 : memref<!tpu.dma_semaphore, #tpu.memory_space<semaphore_mem>>) src(%arg16 : memref<80x128xf32, #tpu.memory_space<vmem>>) dst(%dma_wait3A_64 : memref<10112x128xf32, #tpu.memory_space<vmem_shared>>)
        %lt3A = arith.constant 124 : i32
        %lt3A_65 = arith.cmpi slt, %scan3A_40, %lt3A : i32
        %convert_element_type3A_66 = arith.extui %lt3A_65 : i1 to i32
        %cond3A_67 = arith.constant 0 : i32
        %cond3A_68 = arith.cmpi ne, %convert_element_type3A_66, %cond3A_67 : i32
        scf.if %cond3A_68 {
          %add3A_69 = arith.constant 1 : i32
          %add3A_70 = arith.addi %add3A_58, %add3A_69 : i32
          %dma_start3A_71 = arith.constant 0 : i32
          %dma_start3A_72 = tpu.memref_slice %arg14[%add3A_70, %dma_start3A_71] : memref<125x80xi32, #tpu.memory_space<vmem>> -> memref<1x80xi32, #tpu.memory_space<vmem>>
          %dma_start3A_73 = tpu.memref_squeeze %dma_start3A_72 : memref<1x80xi32, #tpu.memory_space<vmem>> -> memref<80xi32, #tpu.memory_space<vmem>>
          %dma_start3A_74 = arith.constant 0 : i32
          %dma_start3A_75 = arith.constant 0 : i32
          %dma_start3A_76 = tpu.memref_slice %arg8[%dma_start3A_74, %dma_start3A_75] : memref<10000x128xf32, #tpu.memory_space<hbm>> -> memref<10000x128xf32, #tpu.memory_space<hbm>>
          tpu.enqueue_indirect_dma source(%dma_start3A_76 : memref<10000x128xf32, #tpu.memory_space<hbm>>) target(%arg16 : memref<80x128xf32, #tpu.memory_space<vmem>>) offsets(%dma_start3A_73 : memref<80xi32, #tpu.memory_space<vmem>>) semaphore(%arg17 : memref<!tpu.dma_semaphore, #tpu.memory_space<semaphore_mem>>)
        } else {
        }
      }
      %scan3A_37 = arith.constant 125 : i32
      %barrier3A_38 = arith.constant 0 : index
      tpu.barrier barrier_id(%barrier3A_38)
      "tpu.region"() ({
        %run_scoped3A_40 = tpu.sem_alloc : memref<!tpu.dma_semaphore, #tpu.memory_space<semaphore_mem>>
        %dma_start3A_41 = arith.constant 0 : i32
        %dma_start3A_42 = tpu.memref_slice %arg12[%mul3A_0, %dma_start3A_41] : memref<10112x128xf32, #tpu.memory_space<hbm>> -> memref<632x128xf32, #tpu.memory_space<hbm>>
        %dma_start3A_43 = arith.constant 0 : i32
        %dma_start3A_44 = tpu.memref_slice %arg13[%mul3A_0, %dma_start3A_43] : memref<10112x128xf32, #tpu.memory_space<vmem_shared>> -> memref<632x128xf32, #tpu.memory_space<vmem_shared>>
        tpu.enqueue_dma source(%dma_start3A_44 : memref<632x128xf32, #tpu.memory_space<vmem_shared>>) target(%dma_start3A_42 : memref<632x128xf32, #tpu.memory_space<hbm>>) target_semaphore(%run_scoped3A_40 : memref<!tpu.dma_semaphore, #tpu.memory_space<semaphore_mem>>)
        %dma_wait3A = arith.constant 0 : i32
        %dma_wait3A_45 = tpu.memref_slice %arg12[%mul3A_0, %dma_wait3A] : memref<10112x128xf32, #tpu.memory_space<hbm>> -> memref<632x128xf32, #tpu.memory_space<hbm>>
        %dma_wait3A_46 = arith.constant 0 : i32
        %dma_wait3A_47 = tpu.memref_slice %arg13[%mul3A_0, %dma_wait3A_46] : memref<10112x128xf32, #tpu.memory_space<vmem_shared>> -> memref<632x128xf32, #tpu.memory_space<vmem_shared>>
        tpu.wait_dma2 semaphore(%run_scoped3A_40 : memref<!tpu.dma_semaphore, #tpu.memory_space<semaphore_mem>>) src(%dma_wait3A_47 : memref<632x128xf32, #tpu.memory_space<vmem_shared>>) dst(%dma_wait3A_45 : memref<632x128xf32, #tpu.memory_space<hbm>>)
        tpu.yield
      }) : () -> ()
      %barrier3A_39 = arith.constant 0 : index
      tpu.barrier barrier_id(%barrier3A_39)
    } else {
    }
    return
  }
}

#map = affine_map<(d0, d1) -> (0, 0, 0, 0)>
#map1 = affine_map<(d0, d1) -> (0, 0)>
module attributes {stable_mosaic.version = 14 : i64} {
  func.func @body(%arg0: i32, %arg1: i32, %arg2: memref<16x1x125x80xi32, #tpu.memory_space<hbm>>, %arg3: memref<16x1x125x80xi32, #tpu.memory_space<hbm>>, %arg4: memref<632x128xf32, #tpu.memory_space<hbm>>, %arg5: memref<10000x128xf32, #tpu.memory_space<hbm>>, %arg6: memref<10000x128xf32, #tpu.memory_space<hbm>>, %arg7: memref<10000x128xf32, #tpu.memory_space<hbm>>, %arg8: memref<10000x128xf32, #tpu.memory_space<hbm>>, %arg9: memref<10112x128xf32, #tpu.memory_space<hbm>>, %arg10: memref<10112x128xf32, #tpu.memory_space<hbm>>, %arg11: memref<10112x128xf32, #tpu.memory_space<hbm>>, %arg12: memref<10112x128xf32, #tpu.memory_space<hbm>>, %arg13: memref<10112x128xf32, #tpu.memory_space<vmem_shared>>, %arg14: memref<125x80xi32, #tpu.memory_space<vmem>>, %arg15: memref<125x80xi32, #tpu.memory_space<vmem>>, %arg16: memref<80x128xf32, #tpu.memory_space<vmem>>, %arg17: memref<!tpu.dma_semaphore, #tpu.memory_space<semaphore_mem>>, %arg18: memref<!tpu.dma_semaphore, #tpu.memory_space<semaphore_mem>>) attributes {dimension_semantics = [#tpu.dimension_semantics<core_parallel>, #tpu.dimension_semantics<subcore_parallel>], iteration_bounds = array<i64: 2, 16>, scalar_prefetch = 0 : i64, scratch_operands = 6 : i64, tpu.core_type = #tpu.core_type<sc_vector_subcore>, window_params = [{transform_indices = #map}, {transform_indices = #map}, {transform_indices = #map1}, {transform_indices = #map1}, {transform_indices = #map1}, {transform_indices = #map1}, {transform_indices = #map1}, {transform_indices = #map1}, {transform_indices = #map1}, {transform_indices = #map1}, {transform_indices = #map1}]} {
    %mul3A = arith.constant 632 : i32
    %mul3A_0 = arith.muli %arg1, %mul3A : i32
    %eq3A = arith.constant 0 : i32
    %eq3A_1 = arith.cmpi eq, %arg0, %eq3A : i32
    %convert_element_type3A = arith.extui %eq3A_1 : i1 to i32
    %cond3A = arith.constant 0 : i32
    %cond3A_2 = arith.cmpi ne, %convert_element_type3A, %cond3A : i32
    scf.if %cond3A_2 {
      "tpu.region"() ({
        %run_scoped3A_40 = tpu.sem_alloc : memref<!tpu.dma_semaphore, #tpu.memory_space<semaphore_mem>>
        %dma_start3A_41 = arith.constant 0 : i32
        %dma_start3A_42 = tpu.memref_slice %arg13[%mul3A_0, %dma_start3A_41] : memref<10112x128xf32, #tpu.memory_space<vmem_shared>> -> memref<632x128xf32, #tpu.memory_space<vmem_shared>>
        tpu.enqueue_dma source(%arg4 : memref<632x128xf32, #tpu.memory_space<hbm>>) target(%dma_start3A_42 : memref<632x128xf32, #tpu.memory_space<vmem_shared>>) target_semaphore(%run_scoped3A_40 : memref<!tpu.dma_semaphore, #tpu.memory_space<semaphore_mem>>)
        %dma_wait3A = arith.constant 0 : i32
        %dma_wait3A_43 = tpu.memref_slice %arg13[%mul3A_0, %dma_wait3A] : memref<10112x128xf32, #tpu.memory_space<vmem_shared>> -> memref<632x128xf32, #tpu.memory_space<vmem_shared>>
        tpu.wait_dma2 semaphore(%run_scoped3A_40 : memref<!tpu.dma_semaphore, #tpu.memory_space<semaphore_mem>>) src(%arg4 : memref<632x128xf32, #tpu.memory_space<hbm>>) dst(%dma_wait3A_43 : memref<632x128xf32, #tpu.memory_space<vmem_shared>>)
        tpu.yield
      }) : () -> ()
      %barrier3A = arith.constant 0 : index
      tpu.barrier barrier_id(%barrier3A)
      %run_scoped3A = arith.constant 0 : i32
      "tpu.region"() ({
        %run_scoped3A_40 = tpu.sem_alloc : memref<!tpu.dma_semaphore, #tpu.memory_space<semaphore_mem>>
        %dma_start3A_41 = arith.constant 0 : i32
        %dma_start3A_42 = arith.constant 0 : i32
        %dma_start3A_43 = tpu.memref_slice %arg2[%arg1, %run_scoped3A, %dma_start3A_41, %dma_start3A_42] : memref<16x1x125x80xi32, #tpu.memory_space<hbm>> -> memref<1x1x125x80xi32, #tpu.memory_space<hbm>>
        %dma_start3A_44 = tpu.memref_squeeze %dma_start3A_43 : memref<1x1x125x80xi32, #tpu.memory_space<hbm>> -> memref<125x80xi32, #tpu.memory_space<hbm>>
        %dma_start3A_45 = arith.constant 0 : i32
        %dma_start3A_46 = arith.constant 0 : i32
        %dma_start3A_47 = tpu.memref_slice %arg2[%arg1, %run_scoped3A, %dma_start3A_45, %dma_start3A_46] : memref<16x1x125x80xi32, #tpu.memory_space<hbm>> -> memref<1x1x125x80xi32, #tpu.memory_space<hbm>>
        %dma_start3A_48 = tpu.memref_squeeze %dma_start3A_47 : memref<1x1x125x80xi32, #tpu.memory_space<hbm>> -> memref<125x80xi32, #tpu.memory_space<hbm>>
        tpu.enqueue_dma source(%dma_start3A_48 : memref<125x80xi32, #tpu.memory_space<hbm>>) target(%arg14 : memref<125x80xi32, #tpu.memory_space<vmem>>) target_semaphore(%run_scoped3A_40 : memref<!tpu.dma_semaphore, #tpu.memory_space<semaphore_mem>>)
        %dma_wait3A = arith.constant 0 : i32
        %dma_wait3A_49 = arith.constant 0 : i32
        %dma_wait3A_50 = tpu.memref_slice %arg2[%arg1, %run_scoped3A, %dma_wait3A, %dma_wait3A_49] : memref<16x1x125x80xi32, #tpu.memory_space<hbm>> -> memref<1x1x125x80xi32, #tpu.memory_space<hbm>>
        %dma_wait3A_51 = tpu.memref_squeeze %dma_wait3A_50 : memref<1x1x125x80xi32, #tpu.memory_space<hbm>> -> memref<125x80xi32, #tpu.memory_space<hbm>>
        %dma_wait3A_52 = arith.constant 0 : i32
        %dma_wait3A_53 = arith.constant 0 : i32
        %dma_wait3A_54 = tpu.memref_slice %arg2[%arg1, %run_scoped3A, %dma_wait3A_52, %dma_wait3A_53] : memref<16x1x125x80xi32, #tpu.memory_space<hbm>> -> memref<1x1x125x80xi32, #tpu.memory_space<hbm>>
        %dma_wait3A_55 = tpu.memref_squeeze %dma_wait3A_54 : memref<1x1x125x80xi32, #tpu.memory_space<hbm>> -> memref<125x80xi32, #tpu.memory_space<hbm>>
        tpu.wait_dma2 semaphore(%run_scoped3A_40 : memref<!tpu.dma_semaphore, #tpu.memory_space<semaphore_mem>>) src(%dma_wait3A_55 : memref<125x80xi32, #tpu.memory_space<hbm>>) dst(%arg14 : memref<125x80xi32, #tpu.memory_space<vmem>>)
        tpu.yield
      }) : () -> ()
      %run_scoped3A_8 = arith.constant 0 : i32
      "tpu.region"() ({
        %run_scoped3A_40 = tpu.sem_alloc : memref<!tpu.dma_semaphore, #tpu.memory_space<semaphore_mem>>
        %dma_start3A_41 = arith.constant 0 : i32
        %dma_start3A_42 = arith.constant 0 : i32
        %dma_start3A_43 = tpu.memref_slice %arg3[%arg1, %run_scoped3A_8, %dma_start3A_41, %dma_start3A_42] : memref<16x1x125x80xi32, #tpu.memory_space<hbm>> -> memref<1x1x125x80xi32, #tpu.memory_space<hbm>>
        %dma_start3A_44 = tpu.memref_squeeze %dma_start3A_43 : memref<1x1x125x80xi32, #tpu.memory_space<hbm>> -> memref<125x80xi32, #tpu.memory_space<hbm>>
        %dma_start3A_45 = arith.constant 0 : i32
        %dma_start3A_46 = arith.constant 0 : i32
        %dma_start3A_47 = tpu.memref_slice %arg3[%arg1, %run_scoped3A_8, %dma_start3A_45, %dma_start3A_46] : memref<16x1x125x80xi32, #tpu.memory_space<hbm>> -> memref<1x1x125x80xi32, #tpu.memory_space<hbm>>
        %dma_start3A_48 = tpu.memref_squeeze %dma_start3A_47 : memref<1x1x125x80xi32, #tpu.memory_space<hbm>> -> memref<125x80xi32, #tpu.memory_space<hbm>>
        tpu.enqueue_dma source(%dma_start3A_48 : memref<125x80xi32, #tpu.memory_space<hbm>>) target(%arg15 : memref<125x80xi32, #tpu.memory_space<vmem>>) target_semaphore(%run_scoped3A_40 : memref<!tpu.dma_semaphore, #tpu.memory_space<semaphore_mem>>)
        %dma_wait3A = arith.constant 0 : i32
        %dma_wait3A_49 = arith.constant 0 : i32
        %dma_wait3A_50 = tpu.memref_slice %arg3[%arg1, %run_scoped3A_8, %dma_wait3A, %dma_wait3A_49] : memref<16x1x125x80xi32, #tpu.memory_space<hbm>> -> memref<1x1x125x80xi32, #tpu.memory_space<hbm>>
        %dma_wait3A_51 = tpu.memref_squeeze %dma_wait3A_50 : memref<1x1x125x80xi32, #tpu.memory_space<hbm>> -> memref<125x80xi32, #tpu.memory_space<hbm>>
        %dma_wait3A_52 = arith.constant 0 : i32
        %dma_wait3A_53 = arith.constant 0 : i32
        %dma_wait3A_54 = tpu.memref_slice %arg3[%arg1, %run_scoped3A_8, %dma_wait3A_52, %dma_wait3A_53] : memref<16x1x125x80xi32, #tpu.memory_space<hbm>> -> memref<1x1x125x80xi32, #tpu.memory_space<hbm>>
        %dma_wait3A_55 = tpu.memref_squeeze %dma_wait3A_54 : memref<1x1x125x80xi32, #tpu.memory_space<hbm>> -> memref<125x80xi32, #tpu.memory_space<hbm>>
        tpu.wait_dma2 semaphore(%run_scoped3A_40 : memref<!tpu.dma_semaphore, #tpu.memory_space<semaphore_mem>>) src(%dma_wait3A_55 : memref<125x80xi32, #tpu.memory_space<hbm>>) dst(%arg15 : memref<125x80xi32, #tpu.memory_space<vmem>>)
        tpu.yield
      }) : () -> ()
      %dma_start3A = arith.constant 0 : i32
      %dma_start3A_9 = arith.constant 0 : i32
      %dma_start3A_10 = tpu.memref_slice %arg14[%dma_start3A, %dma_start3A_9] : memref<125x80xi32, #tpu.memory_space<vmem>> -> memref<1x80xi32, #tpu.memory_space<vmem>>
      %dma_start3A_11 = tpu.memref_squeeze %dma_start3A_10 : memref<1x80xi32, #tpu.memory_space<vmem>> -> memref<80xi32, #tpu.memory_space<vmem>>
      %dma_start3A_12 = arith.constant 0 : i32
      %dma_start3A_13 = arith.constant 0 : i32
      %dma_start3A_14 = tpu.memref_slice %arg5[%dma_start3A_12, %dma_start3A_13] : memref<10000x128xf32, #tpu.memory_space<hbm>> -> memref<10000x128xf32, #tpu.memory_space<hbm>>
      tpu.enqueue_indirect_dma source(%dma_start3A_14 : memref<10000x128xf32, #tpu.memory_space<hbm>>) target(%arg16 : memref<80x128xf32, #tpu.memory_space<vmem>>) offsets(%dma_start3A_11 : memref<80xi32, #tpu.memory_space<vmem>>) semaphore(%arg17 : memref<!tpu.dma_semaphore, #tpu.memory_space<semaphore_mem>>)
      %scan3A = arith.constant 0 : i32
      %scan3A_15 = arith.constant 0 : i32
      %scan3A_16 = arith.constant 125 : i32
      %scan3A_17 = arith.addi %scan3A_15, %scan3A_16 : i32
      %scan3A_18 = arith.constant 1 : i32
      scf.for %scan3A_40 = %scan3A_15 to %scan3A_17 step %scan3A_18  : i32 {
        %mul3A_41 = arith.constant 1 : i32
        %mul3A_42 = arith.muli %scan3A_40, %mul3A_41 : i32
        %add3A = arith.constant 0 : i32
        %add3A_43 = arith.addi %mul3A_42, %add3A : i32
        %dma_wait3A = arith.constant 0 : i32
        %dma_wait3A_44 = tpu.memref_slice %arg14[%add3A_43, %dma_wait3A] : memref<125x80xi32, #tpu.memory_space<vmem>> -> memref<1x80xi32, #tpu.memory_space<vmem>>
        %dma_wait3A_45 = tpu.memref_squeeze %dma_wait3A_44 : memref<1x80xi32, #tpu.memory_space<vmem>> -> memref<80xi32, #tpu.memory_space<vmem>>
        %dma_wait3A_46 = arith.constant 0 : i32
        %dma_wait3A_47 = arith.constant 0 : i32
        %dma_wait3A_48 = tpu.memref_slice %arg5[%dma_wait3A_46, %dma_wait3A_47] : memref<10000x128xf32, #tpu.memory_space<hbm>> -> memref<10000x128xf32, #tpu.memory_space<hbm>>
        tpu.wait_indirect_dma semaphore(%arg17 : memref<!tpu.dma_semaphore, #tpu.memory_space<semaphore_mem>>) src(%dma_wait3A_48 : memref<10000x128xf32, #tpu.memory_space<hbm>>) dst(%arg16 : memref<80x128xf32, #tpu.memory_space<vmem>>)
        %dma_start3A_49 = arith.constant 0 : i32
        %dma_start3A_50 = tpu.memref_slice %arg15[%add3A_43, %dma_start3A_49] : memref<125x80xi32, #tpu.memory_space<vmem>> -> memref<1x80xi32, #tpu.memory_space<vmem>>
        %dma_start3A_51 = tpu.memref_squeeze %dma_start3A_50 : memref<1x80xi32, #tpu.memory_space<vmem>> -> memref<80xi32, #tpu.memory_space<vmem>>
        %dma_start3A_52 = arith.constant 0 : i32
        %dma_start3A_53 = arith.constant 0 : i32
        %dma_start3A_54 = tpu.memref_slice %arg13[%dma_start3A_52, %dma_start3A_53] : memref<10112x128xf32, #tpu.memory_space<vmem_shared>> -> memref<10112x128xf32, #tpu.memory_space<vmem_shared>>
        tpu.enqueue_indirect_dma source(%arg16 : memref<80x128xf32, #tpu.memory_space<vmem>>) target(%dma_start3A_54 : memref<10112x128xf32, #tpu.memory_space<vmem_shared>>) offsets(%dma_start3A_51 : memref<80xi32, #tpu.memory_space<vmem>>) semaphore(%arg18 : memref<!tpu.dma_semaphore, #tpu.memory_space<semaphore_mem>>) {add = true}
        %mul3A_55 = arith.constant 1 : i32
        %mul3A_56 = arith.muli %scan3A_40, %mul3A_55 : i32
        %add3A_57 = arith.constant 0 : i32
        %add3A_58 = arith.addi %mul3A_56, %add3A_57 : i32
        %dma_wait3A_59 = arith.constant 0 : i32
        %dma_wait3A_60 = tpu.memref_slice %arg15[%add3A_58, %dma_wait3A_59] : memref<125x80xi32, #tpu.memory_space<vmem>> -> memref<1x80xi32, #tpu.memory_space<vmem>>
        %dma_wait3A_61 = tpu.memref_squeeze %dma_wait3A_60 : memref<1x80xi32, #tpu.memory_space<vmem>> -> memref<80xi32, #tpu.memory_space<vmem>>
        %dma_wait3A_62 = arith.constant 0 : i32
        %dma_wait3A_63 = arith.constant 0 : i32
        %dma_wait3A_64 = tpu.memref_slice %arg13[%dma_wait3A_62, %dma_wait3A_63] : memref<10112x128xf32, #tpu.memory_space<vmem_shared>> -> memref<10112x128xf32, #tpu.memory_space<vmem_shared>>
        tpu.wait_indirect_dma semaphore(%arg18 : memref<!tpu.dma_semaphore, #tpu.memory_space<semaphore_mem>>) src(%arg16 : memref<80x128xf32, #tpu.memory_space<vmem>>) dst(%dma_wait3A_64 : memref<10112x128xf32, #tpu.memory_space<vmem_shared>>)
        %lt3A = arith.constant 124 : i32
        %lt3A_65 = arith.cmpi slt, %scan3A_40, %lt3A : i32
        %convert_element_type3A_66 = arith.extui %lt3A_65 : i1 to i32
        %cond3A_67 = arith.constant 0 : i32
        %cond3A_68 = arith.cmpi ne, %convert_element_type3A_66, %cond3A_67 : i32
        scf.if %cond3A_68 {
          %add3A_69 = arith.constant 1 : i32
          %add3A_70 = arith.addi %add3A_58, %add3A_69 : i32
          %dma_start3A_71 = arith.constant 0 : i32
          %dma_start3A_72 = tpu.memref_slice %arg14[%add3A_70, %dma_start3A_71] : memref<125x80xi32, #tpu.memory_space<vmem>> -> memref<1x80xi32, #tpu.memory_space<vmem>>
          %dma_start3A_73 = tpu.memref_squeeze %dma_start3A_72 : memref<1x80xi32, #tpu.memory_space<vmem>> -> memref<80xi32, #tpu.memory_space<vmem>>
          %dma_start3A_74 = arith.constant 0 : i32
          %dma_start3A_75 = arith.constant 0 : i32
          %dma_start3A_76 = tpu.memref_slice %arg5[%dma_start3A_74, %dma_start3A_75] : memref<10000x128xf32, #tpu.memory_space<hbm>> -> memref<10000x128xf32, #tpu.memory_space<hbm>>
          tpu.enqueue_indirect_dma source(%dma_start3A_76 : memref<10000x128xf32, #tpu.memory_space<hbm>>) target(%arg16 : memref<80x128xf32, #tpu.memory_space<vmem>>) offsets(%dma_start3A_73 : memref<80xi32, #tpu.memory_space<vmem>>) semaphore(%arg17 : memref<!tpu.dma_semaphore, #tpu.memory_space<semaphore_mem>>)
        } else {
        }
      }
      %scan3A_19 = arith.constant 125 : i32
      %barrier3A_20 = arith.constant 0 : index
      tpu.barrier barrier_id(%barrier3A_20)
      "tpu.region"() ({
        %run_scoped3A_40 = tpu.sem_alloc : memref<!tpu.dma_semaphore, #tpu.memory_space<semaphore_mem>>
        %dma_start3A_41 = arith.constant 0 : i32
        %dma_start3A_42 = tpu.memref_slice %arg9[%mul3A_0, %dma_start3A_41] : memref<10112x128xf32, #tpu.memory_space<hbm>> -> memref<632x128xf32, #tpu.memory_space<hbm>>
        %dma_start3A_43 = arith.constant 0 : i32
        %dma_start3A_44 = tpu.memref_slice %arg13[%mul3A_0, %dma_start3A_43] : memref<10112x128xf32, #tpu.memory_space<vmem_shared>> -> memref<632x128xf32, #tpu.memory_space<vmem_shared>>
        tpu.enqueue_dma source(%dma_start3A_44 : memref<632x128xf32, #tpu.memory_space<vmem_shared>>) target(%dma_start3A_42 : memref<632x128xf32, #tpu.memory_space<hbm>>) target_semaphore(%run_scoped3A_40 : memref<!tpu.dma_semaphore, #tpu.memory_space<semaphore_mem>>)
        %dma_wait3A = arith.constant 0 : i32
        %dma_wait3A_45 = tpu.memref_slice %arg9[%mul3A_0, %dma_wait3A] : memref<10112x128xf32, #tpu.memory_space<hbm>> -> memref<632x128xf32, #tpu.memory_space<hbm>>
        %dma_wait3A_46 = arith.constant 0 : i32
        %dma_wait3A_47 = tpu.memref_slice %arg13[%mul3A_0, %dma_wait3A_46] : memref<10112x128xf32, #tpu.memory_space<vmem_shared>> -> memref<632x128xf32, #tpu.memory_space<vmem_shared>>
        tpu.wait_dma2 semaphore(%run_scoped3A_40 : memref<!tpu.dma_semaphore, #tpu.memory_space<semaphore_mem>>) src(%dma_wait3A_47 : memref<632x128xf32, #tpu.memory_space<vmem_shared>>) dst(%dma_wait3A_45 : memref<632x128xf32, #tpu.memory_space<hbm>>)
        tpu.yield
      }) : () -> ()
      %barrier3A_21 = arith.constant 0 : index
      tpu.barrier barrier_id(%barrier3A_21)
      "tpu.region"() ({
        %run_scoped3A_40 = tpu.sem_alloc : memref<!tpu.dma_semaphore, #tpu.memory_space<semaphore_mem>>
        %dma_start3A_41 = arith.constant 0 : i32
        %dma_start3A_42 = tpu.memref_slice %arg13[%mul3A_0, %dma_start3A_41] : memref<10112x128xf32, #tpu.memory_space<vmem_shared>> -> memref<632x128xf32, #tpu.memory_space<vmem_shared>>
        tpu.enqueue_dma source(%arg4 : memref<632x128xf32, #tpu.memory_space<hbm>>) target(%dma_start3A_42 : memref<632x128xf32, #tpu.memory_space<vmem_shared>>) target_semaphore(%run_scoped3A_40 : memref<!tpu.dma_semaphore, #tpu.memory_space<semaphore_mem>>)
        %dma_wait3A = arith.constant 0 : i32
        %dma_wait3A_43 = tpu.memref_slice %arg13[%mul3A_0, %dma_wait3A] : memref<10112x128xf32, #tpu.memory_space<vmem_shared>> -> memref<632x128xf32, #tpu.memory_space<vmem_shared>>
        tpu.wait_dma2 semaphore(%run_scoped3A_40 : memref<!tpu.dma_semaphore, #tpu.memory_space<semaphore_mem>>) src(%arg4 : memref<632x128xf32, #tpu.memory_space<hbm>>) dst(%dma_wait3A_43 : memref<632x128xf32, #tpu.memory_space<vmem_shared>>)
        tpu.yield
      }) : () -> ()
      %barrier3A_22 = arith.constant 0 : index
      tpu.barrier barrier_id(%barrier3A_22)
      %run_scoped3A_23 = arith.constant 0 : i32
      "tpu.region"() ({
        %run_scoped3A_40 = tpu.sem_alloc : memref<!tpu.dma_semaphore, #tpu.memory_space<semaphore_mem>>
        %dma_start3A_41 = arith.constant 0 : i32
        %dma_start3A_42 = arith.constant 0 : i32
        %dma_start3A_43 = tpu.memref_slice %arg2[%arg1, %run_scoped3A_23, %dma_start3A_41, %dma_start3A_42] : memref<16x1x125x80xi32, #tpu.memory_space<hbm>> -> memref<1x1x125x80xi32, #tpu.memory_space<hbm>>
        %dma_start3A_44 = tpu.memref_squeeze %dma_start3A_43 : memref<1x1x125x80xi32, #tpu.memory_space<hbm>> -> memref<125x80xi32, #tpu.memory_space<hbm>>
        %dma_start3A_45 = arith.constant 0 : i32
        %dma_start3A_46 = arith.constant 0 : i32
        %dma_start3A_47 = tpu.memref_slice %arg2[%arg1, %run_scoped3A_23, %dma_start3A_45, %dma_start3A_46] : memref<16x1x125x80xi32, #tpu.memory_space<hbm>> -> memref<1x1x125x80xi32, #tpu.memory_space<hbm>>
        %dma_start3A_48 = tpu.memref_squeeze %dma_start3A_47 : memref<1x1x125x80xi32, #tpu.memory_space<hbm>> -> memref<125x80xi32, #tpu.memory_space<hbm>>
        tpu.enqueue_dma source(%dma_start3A_48 : memref<125x80xi32, #tpu.memory_space<hbm>>) target(%arg14 : memref<125x80xi32, #tpu.memory_space<vmem>>) target_semaphore(%run_scoped3A_40 : memref<!tpu.dma_semaphore, #tpu.memory_space<semaphore_mem>>)
        %dma_wait3A = arith.constant 0 : i32
        %dma_wait3A_49 = arith.constant 0 : i32
        %dma_wait3A_50 = tpu.memref_slice %arg2[%arg1, %run_scoped3A_23, %dma_wait3A, %dma_wait3A_49] : memref<16x1x125x80xi32, #tpu.memory_space<hbm>> -> memref<1x1x125x80xi32, #tpu.memory_space<hbm>>
        %dma_wait3A_51 = tpu.memref_squeeze %dma_wait3A_50 : memref<1x1x125x80xi32, #tpu.memory_space<hbm>> -> memref<125x80xi32, #tpu.memory_space<hbm>>
        %dma_wait3A_52 = arith.constant 0 : i32
        %dma_wait3A_53 = arith.constant 0 : i32
        %dma_wait3A_54 = tpu.memref_slice %arg2[%arg1, %run_scoped3A_23, %dma_wait3A_52, %dma_wait3A_53] : memref<16x1x125x80xi32, #tpu.memory_space<hbm>> -> memref<1x1x125x80xi32, #tpu.memory_space<hbm>>
        %dma_wait3A_55 = tpu.memref_squeeze %dma_wait3A_54 : memref<1x1x125x80xi32, #tpu.memory_space<hbm>> -> memref<125x80xi32, #tpu.memory_space<hbm>>
        tpu.wait_dma2 semaphore(%run_scoped3A_40 : memref<!tpu.dma_semaphore, #tpu.memory_space<semaphore_mem>>) src(%dma_wait3A_55 : memref<125x80xi32, #tpu.memory_space<hbm>>) dst(%arg14 : memref<125x80xi32, #tpu.memory_space<vmem>>)
        tpu.yield
      }) : () -> ()
      %run_scoped3A_24 = arith.constant 0 : i32
      "tpu.region"() ({
        %run_scoped3A_40 = tpu.sem_alloc : memref<!tpu.dma_semaphore, #tpu.memory_space<semaphore_mem>>
        %dma_start3A_41 = arith.constant 0 : i32
        %dma_start3A_42 = arith.constant 0 : i32
        %dma_start3A_43 = tpu.memref_slice %arg3[%arg1, %run_scoped3A_24, %dma_start3A_41, %dma_start3A_42] : memref<16x1x125x80xi32, #tpu.memory_space<hbm>> -> memref<1x1x125x80xi32, #tpu.memory_space<hbm>>
        %dma_start3A_44 = tpu.memref_squeeze %dma_start3A_43 : memref<1x1x125x80xi32, #tpu.memory_space<hbm>> -> memref<125x80xi32, #tpu.memory_space<hbm>>
        %dma_start3A_45 = arith.constant 0 : i32
        %dma_start3A_46 = arith.constant 0 : i32
        %dma_start3A_47 = tpu.memref_slice %arg3[%arg1, %run_scoped3A_24, %dma_start3A_45, %dma_start3A_46] : memref<16x1x125x80xi32, #tpu.memory_space<hbm>> -> memref<1x1x125x80xi32, #tpu.memory_space<hbm>>
        %dma_start3A_48 = tpu.memref_squeeze %dma_start3A_47 : memref<1x1x125x80xi32, #tpu.memory_space<hbm>> -> memref<125x80xi32, #tpu.memory_space<hbm>>
        tpu.enqueue_dma source(%dma_start3A_48 : memref<125x80xi32, #tpu.memory_space<hbm>>) target(%arg15 : memref<125x80xi32, #tpu.memory_space<vmem>>) target_semaphore(%run_scoped3A_40 : memref<!tpu.dma_semaphore, #tpu.memory_space<semaphore_mem>>)
        %dma_wait3A = arith.constant 0 : i32
        %dma_wait3A_49 = arith.constant 0 : i32
        %dma_wait3A_50 = tpu.memref_slice %arg3[%arg1, %run_scoped3A_24, %dma_wait3A, %dma_wait3A_49] : memref<16x1x125x80xi32, #tpu.memory_space<hbm>> -> memref<1x1x125x80xi32, #tpu.memory_space<hbm>>
        %dma_wait3A_51 = tpu.memref_squeeze %dma_wait3A_50 : memref<1x1x125x80xi32, #tpu.memory_space<hbm>> -> memref<125x80xi32, #tpu.memory_space<hbm>>
        %dma_wait3A_52 = arith.constant 0 : i32
        %dma_wait3A_53 = arith.constant 0 : i32
        %dma_wait3A_54 = tpu.memref_slice %arg3[%arg1, %run_scoped3A_24, %dma_wait3A_52, %dma_wait3A_53] : memref<16x1x125x80xi32, #tpu.memory_space<hbm>> -> memref<1x1x125x80xi32, #tpu.memory_space<hbm>>
        %dma_wait3A_55 = tpu.memref_squeeze %dma_wait3A_54 : memref<1x1x125x80xi32, #tpu.memory_space<hbm>> -> memref<125x80xi32, #tpu.memory_space<hbm>>
        tpu.wait_dma2 semaphore(%run_scoped3A_40 : memref<!tpu.dma_semaphore, #tpu.memory_space<semaphore_mem>>) src(%dma_wait3A_55 : memref<125x80xi32, #tpu.memory_space<hbm>>) dst(%arg15 : memref<125x80xi32, #tpu.memory_space<vmem>>)
        tpu.yield
      }) : () -> ()
      %dma_start3A_25 = arith.constant 0 : i32
      %dma_start3A_26 = arith.constant 0 : i32
      %dma_start3A_27 = tpu.memref_slice %arg14[%dma_start3A_25, %dma_start3A_26] : memref<125x80xi32, #tpu.memory_space<vmem>> -> memref<1x80xi32, #tpu.memory_space<vmem>>
      %dma_start3A_28 = tpu.memref_squeeze %dma_start3A_27 : memref<1x80xi32, #tpu.memory_space<vmem>> -> memref<80xi32, #tpu.memory_space<vmem>>
      %dma_start3A_29 = arith.constant 0 : i32
      %dma_start3A_30 = arith.constant 0 : i32
      %dma_start3A_31 = tpu.memref_slice %arg6[%dma_start3A_29, %dma_start3A_30] : memref<10000x128xf32, #tpu.memory_space<hbm>> -> memref<10000x128xf32, #tpu.memory_space<hbm>>
      tpu.enqueue_indirect_dma source(%dma_start3A_31 : memref<10000x128xf32, #tpu.memory_space<hbm>>) target(%arg16 : memref<80x128xf32, #tpu.memory_space<vmem>>) offsets(%dma_start3A_28 : memref<80xi32, #tpu.memory_space<vmem>>) semaphore(%arg17 : memref<!tpu.dma_semaphore, #tpu.memory_space<semaphore_mem>>)
      %scan3A_32 = arith.constant 0 : i32
      %scan3A_33 = arith.constant 0 : i32
      %scan3A_34 = arith.constant 125 : i32
      %scan3A_35 = arith.addi %scan3A_33, %scan3A_34 : i32
      %scan3A_36 = arith.constant 1 : i32
      scf.for %scan3A_40 = %scan3A_33 to %scan3A_35 step %scan3A_36  : i32 {
        %mul3A_41 = arith.constant 1 : i32
        %mul3A_42 = arith.muli %scan3A_40, %mul3A_41 : i32
        %add3A = arith.constant 0 : i32
        %add3A_43 = arith.addi %mul3A_42, %add3A : i32
        %dma_wait3A = arith.constant 0 : i32
        %dma_wait3A_44 = tpu.memref_slice %arg14[%add3A_43, %dma_wait3A] : memref<125x80xi32, #tpu.memory_space<vmem>> -> memref<1x80xi32, #tpu.memory_space<vmem>>
        %dma_wait3A_45 = tpu.memref_squeeze %dma_wait3A_44 : memref<1x80xi32, #tpu.memory_space<vmem>> -> memref<80xi32, #tpu.memory_space<vmem>>
        %dma_wait3A_46 = arith.constant 0 : i32
        %dma_wait3A_47 = arith.constant 0 : i32
        %dma_wait3A_48 = tpu.memref_slice %arg6[%dma_wait3A_46, %dma_wait3A_47] : memref<10000x128xf32, #tpu.memory_space<hbm>> -> memref<10000x128xf32, #tpu.memory_space<hbm>>
        tpu.wait_indirect_dma semaphore(%arg17 : memref<!tpu.dma_semaphore, #tpu.memory_space<semaphore_mem>>) src(%dma_wait3A_48 : memref<10000x128xf32, #tpu.memory_space<hbm>>) dst(%arg16 : memref<80x128xf32, #tpu.memory_space<vmem>>)
        %dma_start3A_49 = arith.constant 0 : i32
        %dma_start3A_50 = tpu.memref_slice %arg15[%add3A_43, %dma_start3A_49] : memref<125x80xi32, #tpu.memory_space<vmem>> -> memref<1x80xi32, #tpu.memory_space<vmem>>
        %dma_start3A_51 = tpu.memref_squeeze %dma_start3A_50 : memref<1x80xi32, #tpu.memory_space<vmem>> -> memref<80xi32, #tpu.memory_space<vmem>>
        %dma_start3A_52 = arith.constant 0 : i32
        %dma_start3A_53 = arith.constant 0 : i32
        %dma_start3A_54 = tpu.memref_slice %arg13[%dma_start3A_52, %dma_start3A_53] : memref<10112x128xf32, #tpu.memory_space<vmem_shared>> -> memref<10112x128xf32, #tpu.memory_space<vmem_shared>>
        tpu.enqueue_indirect_dma source(%arg16 : memref<80x128xf32, #tpu.memory_space<vmem>>) target(%dma_start3A_54 : memref<10112x128xf32, #tpu.memory_space<vmem_shared>>) offsets(%dma_start3A_51 : memref<80xi32, #tpu.memory_space<vmem>>) semaphore(%arg18 : memref<!tpu.dma_semaphore, #tpu.memory_space<semaphore_mem>>) {add = true}
        %mul3A_55 = arith.constant 1 : i32
        %mul3A_56 = arith.muli %scan3A_40, %mul3A_55 : i32
        %add3A_57 = arith.constant 0 : i32
        %add3A_58 = arith.addi %mul3A_56, %add3A_57 : i32
        %dma_wait3A_59 = arith.constant 0 : i32
        %dma_wait3A_60 = tpu.memref_slice %arg15[%add3A_58, %dma_wait3A_59] : memref<125x80xi32, #tpu.memory_space<vmem>> -> memref<1x80xi32, #tpu.memory_space<vmem>>
        %dma_wait3A_61 = tpu.memref_squeeze %dma_wait3A_60 : memref<1x80xi32, #tpu.memory_space<vmem>> -> memref<80xi32, #tpu.memory_space<vmem>>
        %dma_wait3A_62 = arith.constant 0 : i32
        %dma_wait3A_63 = arith.constant 0 : i32
        %dma_wait3A_64 = tpu.memref_slice %arg13[%dma_wait3A_62, %dma_wait3A_63] : memref<10112x128xf32, #tpu.memory_space<vmem_shared>> -> memref<10112x128xf32, #tpu.memory_space<vmem_shared>>
        tpu.wait_indirect_dma semaphore(%arg18 : memref<!tpu.dma_semaphore, #tpu.memory_space<semaphore_mem>>) src(%arg16 : memref<80x128xf32, #tpu.memory_space<vmem>>) dst(%dma_wait3A_64 : memref<10112x128xf32, #tpu.memory_space<vmem_shared>>)
        %lt3A = arith.constant 124 : i32
        %lt3A_65 = arith.cmpi slt, %scan3A_40, %lt3A : i32
        %convert_element_type3A_66 = arith.extui %lt3A_65 : i1 to i32
        %cond3A_67 = arith.constant 0 : i32
        %cond3A_68 = arith.cmpi ne, %convert_element_type3A_66, %cond3A_67 : i32
        scf.if %cond3A_68 {
          %add3A_69 = arith.constant 1 : i32
          %add3A_70 = arith.addi %add3A_58, %add3A_69 : i32
          %dma_start3A_71 = arith.constant 0 : i32
          %dma_start3A_72 = tpu.memref_slice %arg14[%add3A_70, %dma_start3A_71] : memref<125x80xi32, #tpu.memory_space<vmem>> -> memref<1x80xi32, #tpu.memory_space<vmem>>
          %dma_start3A_73 = tpu.memref_squeeze %dma_start3A_72 : memref<1x80xi32, #tpu.memory_space<vmem>> -> memref<80xi32, #tpu.memory_space<vmem>>
          %dma_start3A_74 = arith.constant 0 : i32
          %dma_start3A_75 = arith.constant 0 : i32
          %dma_start3A_76 = tpu.memref_slice %arg6[%dma_start3A_74, %dma_start3A_75] : memref<10000x128xf32, #tpu.memory_space<hbm>> -> memref<10000x128xf32, #tpu.memory_space<hbm>>
          tpu.enqueue_indirect_dma source(%dma_start3A_76 : memref<10000x128xf32, #tpu.memory_space<hbm>>) target(%arg16 : memref<80x128xf32, #tpu.memory_space<vmem>>) offsets(%dma_start3A_73 : memref<80xi32, #tpu.memory_space<vmem>>) semaphore(%arg17 : memref<!tpu.dma_semaphore, #tpu.memory_space<semaphore_mem>>)
        } else {
        }
      }
      %scan3A_37 = arith.constant 125 : i32
      %barrier3A_38 = arith.constant 0 : index
      tpu.barrier barrier_id(%barrier3A_38)
      "tpu.region"() ({
        %run_scoped3A_40 = tpu.sem_alloc : memref<!tpu.dma_semaphore, #tpu.memory_space<semaphore_mem>>
        %dma_start3A_41 = arith.constant 0 : i32
        %dma_start3A_42 = tpu.memref_slice %arg10[%mul3A_0, %dma_start3A_41] : memref<10112x128xf32, #tpu.memory_space<hbm>> -> memref<632x128xf32, #tpu.memory_space<hbm>>
        %dma_start3A_43 = arith.constant 0 : i32
        %dma_start3A_44 = tpu.memref_slice %arg13[%mul3A_0, %dma_start3A_43] : memref<10112x128xf32, #tpu.memory_space<vmem_shared>> -> memref<632x128xf32, #tpu.memory_space<vmem_shared>>
        tpu.enqueue_dma source(%dma_start3A_44 : memref<632x128xf32, #tpu.memory_space<vmem_shared>>) target(%dma_start3A_42 : memref<632x128xf32, #tpu.memory_space<hbm>>) target_semaphore(%run_scoped3A_40 : memref<!tpu.dma_semaphore, #tpu.memory_space<semaphore_mem>>)
        %dma_wait3A = arith.constant 0 : i32
        %dma_wait3A_45 = tpu.memref_slice %arg10[%mul3A_0, %dma_wait3A] : memref<10112x128xf32, #tpu.memory_space<hbm>> -> memref<632x128xf32, #tpu.memory_space<hbm>>
        %dma_wait3A_46 = arith.constant 0 : i32
        %dma_wait3A_47 = tpu.memref_slice %arg13[%mul3A_0, %dma_wait3A_46] : memref<10112x128xf32, #tpu.memory_space<vmem_shared>> -> memref<632x128xf32, #tpu.memory_space<vmem_shared>>
        tpu.wait_dma2 semaphore(%run_scoped3A_40 : memref<!tpu.dma_semaphore, #tpu.memory_space<semaphore_mem>>) src(%dma_wait3A_47 : memref<632x128xf32, #tpu.memory_space<vmem_shared>>) dst(%dma_wait3A_45 : memref<632x128xf32, #tpu.memory_space<hbm>>)
        tpu.yield
      }) : () -> ()
      %barrier3A_39 = arith.constant 0 : index
      tpu.barrier barrier_id(%barrier3A_39)
    } else {
    }
    %eq3A_3 = arith.constant 1 : i32
    %eq3A_4 = arith.cmpi eq, %arg0, %eq3A_3 : i32
    %convert_element_type3A_5 = arith.extui %eq3A_4 : i1 to i32
    %cond3A_6 = arith.constant 0 : i32
    %cond3A_7 = arith.cmpi ne, %convert_element_type3A_5, %cond3A_6 : i32
    scf.if %cond3A_7 {
      "tpu.region"() ({
        %run_scoped3A_40 = tpu.sem_alloc : memref<!tpu.dma_semaphore, #tpu.memory_space<semaphore_mem>>
        %dma_start3A_41 = arith.constant 0 : i32
        %dma_start3A_42 = tpu.memref_slice %arg13[%mul3A_0, %dma_start3A_41] : memref<10112x128xf32, #tpu.memory_space<vmem_shared>> -> memref<632x128xf32, #tpu.memory_space<vmem_shared>>
        tpu.enqueue_dma source(%arg4 : memref<632x128xf32, #tpu.memory_space<hbm>>) target(%dma_start3A_42 : memref<632x128xf32, #tpu.memory_space<vmem_shared>>) target_semaphore(%run_scoped3A_40 : memref<!tpu.dma_semaphore, #tpu.memory_space<semaphore_mem>>)
        %dma_wait3A = arith.constant 0 : i32
        %dma_wait3A_43 = tpu.memref_slice %arg13[%mul3A_0, %dma_wait3A] : memref<10112x128xf32, #tpu.memory_space<vmem_shared>> -> memref<632x128xf32, #tpu.memory_space<vmem_shared>>
        tpu.wait_dma2 semaphore(%run_scoped3A_40 : memref<!tpu.dma_semaphore, #tpu.memory_space<semaphore_mem>>) src(%arg4 : memref<632x128xf32, #tpu.memory_space<hbm>>) dst(%dma_wait3A_43 : memref<632x128xf32, #tpu.memory_space<vmem_shared>>)
        tpu.yield
      }) : () -> ()
      %barrier3A = arith.constant 0 : index
      tpu.barrier barrier_id(%barrier3A)
      %run_scoped3A = arith.constant 0 : i32
      "tpu.region"() ({
        %run_scoped3A_40 = tpu.sem_alloc : memref<!tpu.dma_semaphore, #tpu.memory_space<semaphore_mem>>
        %dma_start3A_41 = arith.constant 0 : i32
        %dma_start3A_42 = arith.constant 0 : i32
        %dma_start3A_43 = tpu.memref_slice %arg2[%arg1, %run_scoped3A, %dma_start3A_41, %dma_start3A_42] : memref<16x1x125x80xi32, #tpu.memory_space<hbm>> -> memref<1x1x125x80xi32, #tpu.memory_space<hbm>>
        %dma_start3A_44 = tpu.memref_squeeze %dma_start3A_43 : memref<1x1x125x80xi32, #tpu.memory_space<hbm>> -> memref<125x80xi32, #tpu.memory_space<hbm>>
        %dma_start3A_45 = arith.constant 0 : i32
        %dma_start3A_46 = arith.constant 0 : i32
        %dma_start3A_47 = tpu.memref_slice %arg2[%arg1, %run_scoped3A, %dma_start3A_45, %dma_start3A_46] : memref<16x1x125x80xi32, #tpu.memory_space<hbm>> -> memref<1x1x125x80xi32, #tpu.memory_space<hbm>>
        %dma_start3A_48 = tpu.memref_squeeze %dma_start3A_47 : memref<1x1x125x80xi32, #tpu.memory_space<hbm>> -> memref<125x80xi32, #tpu.memory_space<hbm>>
        tpu.enqueue_dma source(%dma_start3A_48 : memref<125x80xi32, #tpu.memory_space<hbm>>) target(%arg14 : memref<125x80xi32, #tpu.memory_space<vmem>>) target_semaphore(%run_scoped3A_40 : memref<!tpu.dma_semaphore, #tpu.memory_space<semaphore_mem>>)
        %dma_wait3A = arith.constant 0 : i32
        %dma_wait3A_49 = arith.constant 0 : i32
        %dma_wait3A_50 = tpu.memref_slice %arg2[%arg1, %run_scoped3A, %dma_wait3A, %dma_wait3A_49] : memref<16x1x125x80xi32, #tpu.memory_space<hbm>> -> memref<1x1x125x80xi32, #tpu.memory_space<hbm>>
        %dma_wait3A_51 = tpu.memref_squeeze %dma_wait3A_50 : memref<1x1x125x80xi32, #tpu.memory_space<hbm>> -> memref<125x80xi32, #tpu.memory_space<hbm>>
        %dma_wait3A_52 = arith.constant 0 : i32
        %dma_wait3A_53 = arith.constant 0 : i32
        %dma_wait3A_54 = tpu.memref_slice %arg2[%arg1, %run_scoped3A, %dma_wait3A_52, %dma_wait3A_53] : memref<16x1x125x80xi32, #tpu.memory_space<hbm>> -> memref<1x1x125x80xi32, #tpu.memory_space<hbm>>
        %dma_wait3A_55 = tpu.memref_squeeze %dma_wait3A_54 : memref<1x1x125x80xi32, #tpu.memory_space<hbm>> -> memref<125x80xi32, #tpu.memory_space<hbm>>
        tpu.wait_dma2 semaphore(%run_scoped3A_40 : memref<!tpu.dma_semaphore, #tpu.memory_space<semaphore_mem>>) src(%dma_wait3A_55 : memref<125x80xi32, #tpu.memory_space<hbm>>) dst(%arg14 : memref<125x80xi32, #tpu.memory_space<vmem>>)
        tpu.yield
      }) : () -> ()
      %run_scoped3A_8 = arith.constant 0 : i32
      "tpu.region"() ({
        %run_scoped3A_40 = tpu.sem_alloc : memref<!tpu.dma_semaphore, #tpu.memory_space<semaphore_mem>>
        %dma_start3A_41 = arith.constant 0 : i32
        %dma_start3A_42 = arith.constant 0 : i32
        %dma_start3A_43 = tpu.memref_slice %arg3[%arg1, %run_scoped3A_8, %dma_start3A_41, %dma_start3A_42] : memref<16x1x125x80xi32, #tpu.memory_space<hbm>> -> memref<1x1x125x80xi32, #tpu.memory_space<hbm>>
        %dma_start3A_44 = tpu.memref_squeeze %dma_start3A_43 : memref<1x1x125x80xi32, #tpu.memory_space<hbm>> -> memref<125x80xi32, #tpu.memory_space<hbm>>
        %dma_start3A_45 = arith.constant 0 : i32
        %dma_start3A_46 = arith.constant 0 : i32
        %dma_start3A_47 = tpu.memref_slice %arg3[%arg1, %run_scoped3A_8, %dma_start3A_45, %dma_start3A_46] : memref<16x1x125x80xi32, #tpu.memory_space<hbm>> -> memref<1x1x125x80xi32, #tpu.memory_space<hbm>>
        %dma_start3A_48 = tpu.memref_squeeze %dma_start3A_47 : memref<1x1x125x80xi32, #tpu.memory_space<hbm>> -> memref<125x80xi32, #tpu.memory_space<hbm>>
        tpu.enqueue_dma source(%dma_start3A_48 : memref<125x80xi32, #tpu.memory_space<hbm>>) target(%arg15 : memref<125x80xi32, #tpu.memory_space<vmem>>) target_semaphore(%run_scoped3A_40 : memref<!tpu.dma_semaphore, #tpu.memory_space<semaphore_mem>>)
        %dma_wait3A = arith.constant 0 : i32
        %dma_wait3A_49 = arith.constant 0 : i32
        %dma_wait3A_50 = tpu.memref_slice %arg3[%arg1, %run_scoped3A_8, %dma_wait3A, %dma_wait3A_49] : memref<16x1x125x80xi32, #tpu.memory_space<hbm>> -> memref<1x1x125x80xi32, #tpu.memory_space<hbm>>
        %dma_wait3A_51 = tpu.memref_squeeze %dma_wait3A_50 : memref<1x1x125x80xi32, #tpu.memory_space<hbm>> -> memref<125x80xi32, #tpu.memory_space<hbm>>
        %dma_wait3A_52 = arith.constant 0 : i32
        %dma_wait3A_53 = arith.constant 0 : i32
        %dma_wait3A_54 = tpu.memref_slice %arg3[%arg1, %run_scoped3A_8, %dma_wait3A_52, %dma_wait3A_53] : memref<16x1x125x80xi32, #tpu.memory_space<hbm>> -> memref<1x1x125x80xi32, #tpu.memory_space<hbm>>
        %dma_wait3A_55 = tpu.memref_squeeze %dma_wait3A_54 : memref<1x1x125x80xi32, #tpu.memory_space<hbm>> -> memref<125x80xi32, #tpu.memory_space<hbm>>
        tpu.wait_dma2 semaphore(%run_scoped3A_40 : memref<!tpu.dma_semaphore, #tpu.memory_space<semaphore_mem>>) src(%dma_wait3A_55 : memref<125x80xi32, #tpu.memory_space<hbm>>) dst(%arg15 : memref<125x80xi32, #tpu.memory_space<vmem>>)
        tpu.yield
      }) : () -> ()
      %dma_start3A = arith.constant 0 : i32
      %dma_start3A_9 = arith.constant 0 : i32
      %dma_start3A_10 = tpu.memref_slice %arg14[%dma_start3A, %dma_start3A_9] : memref<125x80xi32, #tpu.memory_space<vmem>> -> memref<1x80xi32, #tpu.memory_space<vmem>>
      %dma_start3A_11 = tpu.memref_squeeze %dma_start3A_10 : memref<1x80xi32, #tpu.memory_space<vmem>> -> memref<80xi32, #tpu.memory_space<vmem>>
      %dma_start3A_12 = arith.constant 0 : i32
      %dma_start3A_13 = arith.constant 0 : i32
      %dma_start3A_14 = tpu.memref_slice %arg7[%dma_start3A_12, %dma_start3A_13] : memref<10000x128xf32, #tpu.memory_space<hbm>> -> memref<10000x128xf32, #tpu.memory_space<hbm>>
      tpu.enqueue_indirect_dma source(%dma_start3A_14 : memref<10000x128xf32, #tpu.memory_space<hbm>>) target(%arg16 : memref<80x128xf32, #tpu.memory_space<vmem>>) offsets(%dma_start3A_11 : memref<80xi32, #tpu.memory_space<vmem>>) semaphore(%arg17 : memref<!tpu.dma_semaphore, #tpu.memory_space<semaphore_mem>>)
      %scan3A = arith.constant 0 : i32
      %scan3A_15 = arith.constant 0 : i32
      %scan3A_16 = arith.constant 125 : i32
      %scan3A_17 = arith.addi %scan3A_15, %scan3A_16 : i32
      %scan3A_18 = arith.constant 1 : i32
      scf.for %scan3A_40 = %scan3A_15 to %scan3A_17 step %scan3A_18  : i32 {
        %mul3A_41 = arith.constant 1 : i32
        %mul3A_42 = arith.muli %scan3A_40, %mul3A_41 : i32
        %add3A = arith.constant 0 : i32
        %add3A_43 = arith.addi %mul3A_42, %add3A : i32
        %dma_wait3A = arith.constant 0 : i32
        %dma_wait3A_44 = tpu.memref_slice %arg14[%add3A_43, %dma_wait3A] : memref<125x80xi32, #tpu.memory_space<vmem>> -> memref<1x80xi32, #tpu.memory_space<vmem>>
        %dma_wait3A_45 = tpu.memref_squeeze %dma_wait3A_44 : memref<1x80xi32, #tpu.memory_space<vmem>> -> memref<80xi32, #tpu.memory_space<vmem>>
        %dma_wait3A_46 = arith.constant 0 : i32
        %dma_wait3A_47 = arith.constant 0 : i32
        %dma_wait3A_48 = tpu.memref_slice %arg7[%dma_wait3A_46, %dma_wait3A_47] : memref<10000x128xf32, #tpu.memory_space<hbm>> -> memref<10000x128xf32, #tpu.memory_space<hbm>>
        tpu.wait_indirect_dma semaphore(%arg17 : memref<!tpu.dma_semaphore, #tpu.memory_space<semaphore_mem>>) src(%dma_wait3A_48 : memref<10000x128xf32, #tpu.memory_space<hbm>>) dst(%arg16 : memref<80x128xf32, #tpu.memory_space<vmem>>)
        %dma_start3A_49 = arith.constant 0 : i32
        %dma_start3A_50 = tpu.memref_slice %arg15[%add3A_43, %dma_start3A_49] : memref<125x80xi32, #tpu.memory_space<vmem>> -> memref<1x80xi32, #tpu.memory_space<vmem>>
        %dma_start3A_51 = tpu.memref_squeeze %dma_start3A_50 : memref<1x80xi32, #tpu.memory_space<vmem>> -> memref<80xi32, #tpu.memory_space<vmem>>
        %dma_start3A_52 = arith.constant 0 : i32
        %dma_start3A_53 = arith.constant 0 : i32
        %dma_start3A_54 = tpu.memref_slice %arg13[%dma_start3A_52, %dma_start3A_53] : memref<10112x128xf32, #tpu.memory_space<vmem_shared>> -> memref<10112x128xf32, #tpu.memory_space<vmem_shared>>
        tpu.enqueue_indirect_dma source(%arg16 : memref<80x128xf32, #tpu.memory_space<vmem>>) target(%dma_start3A_54 : memref<10112x128xf32, #tpu.memory_space<vmem_shared>>) offsets(%dma_start3A_51 : memref<80xi32, #tpu.memory_space<vmem>>) semaphore(%arg18 : memref<!tpu.dma_semaphore, #tpu.memory_space<semaphore_mem>>) {add = true}
        %mul3A_55 = arith.constant 1 : i32
        %mul3A_56 = arith.muli %scan3A_40, %mul3A_55 : i32
        %add3A_57 = arith.constant 0 : i32
        %add3A_58 = arith.addi %mul3A_56, %add3A_57 : i32
        %dma_wait3A_59 = arith.constant 0 : i32
        %dma_wait3A_60 = tpu.memref_slice %arg15[%add3A_58, %dma_wait3A_59] : memref<125x80xi32, #tpu.memory_space<vmem>> -> memref<1x80xi32, #tpu.memory_space<vmem>>
        %dma_wait3A_61 = tpu.memref_squeeze %dma_wait3A_60 : memref<1x80xi32, #tpu.memory_space<vmem>> -> memref<80xi32, #tpu.memory_space<vmem>>
        %dma_wait3A_62 = arith.constant 0 : i32
        %dma_wait3A_63 = arith.constant 0 : i32
        %dma_wait3A_64 = tpu.memref_slice %arg13[%dma_wait3A_62, %dma_wait3A_63] : memref<10112x128xf32, #tpu.memory_space<vmem_shared>> -> memref<10112x128xf32, #tpu.memory_space<vmem_shared>>
        tpu.wait_indirect_dma semaphore(%arg18 : memref<!tpu.dma_semaphore, #tpu.memory_space<semaphore_mem>>) src(%arg16 : memref<80x128xf32, #tpu.memory_space<vmem>>) dst(%dma_wait3A_64 : memref<10112x128xf32, #tpu.memory_space<vmem_shared>>)
        %lt3A = arith.constant 124 : i32
        %lt3A_65 = arith.cmpi slt, %scan3A_40, %lt3A : i32
        %convert_element_type3A_66 = arith.extui %lt3A_65 : i1 to i32
        %cond3A_67 = arith.constant 0 : i32
        %cond3A_68 = arith.cmpi ne, %convert_element_type3A_66, %cond3A_67 : i32
        scf.if %cond3A_68 {
          %add3A_69 = arith.constant 1 : i32
          %add3A_70 = arith.addi %add3A_58, %add3A_69 : i32
          %dma_start3A_71 = arith.constant 0 : i32
          %dma_start3A_72 = tpu.memref_slice %arg14[%add3A_70, %dma_start3A_71] : memref<125x80xi32, #tpu.memory_space<vmem>> -> memref<1x80xi32, #tpu.memory_space<vmem>>
          %dma_start3A_73 = tpu.memref_squeeze %dma_start3A_72 : memref<1x80xi32, #tpu.memory_space<vmem>> -> memref<80xi32, #tpu.memory_space<vmem>>
          %dma_start3A_74 = arith.constant 0 : i32
          %dma_start3A_75 = arith.constant 0 : i32
          %dma_start3A_76 = tpu.memref_slice %arg7[%dma_start3A_74, %dma_start3A_75] : memref<10000x128xf32, #tpu.memory_space<hbm>> -> memref<10000x128xf32, #tpu.memory_space<hbm>>
          tpu.enqueue_indirect_dma source(%dma_start3A_76 : memref<10000x128xf32, #tpu.memory_space<hbm>>) target(%arg16 : memref<80x128xf32, #tpu.memory_space<vmem>>) offsets(%dma_start3A_73 : memref<80xi32, #tpu.memory_space<vmem>>) semaphore(%arg17 : memref<!tpu.dma_semaphore, #tpu.memory_space<semaphore_mem>>)
        } else {
        }
      }
      %scan3A_19 = arith.constant 125 : i32
      %barrier3A_20 = arith.constant 0 : index
      tpu.barrier barrier_id(%barrier3A_20)
      "tpu.region"() ({
        %run_scoped3A_40 = tpu.sem_alloc : memref<!tpu.dma_semaphore, #tpu.memory_space<semaphore_mem>>
        %dma_start3A_41 = arith.constant 0 : i32
        %dma_start3A_42 = tpu.memref_slice %arg11[%mul3A_0, %dma_start3A_41] : memref<10112x128xf32, #tpu.memory_space<hbm>> -> memref<632x128xf32, #tpu.memory_space<hbm>>
        %dma_start3A_43 = arith.constant 0 : i32
        %dma_start3A_44 = tpu.memref_slice %arg13[%mul3A_0, %dma_start3A_43] : memref<10112x128xf32, #tpu.memory_space<vmem_shared>> -> memref<632x128xf32, #tpu.memory_space<vmem_shared>>
        tpu.enqueue_dma source(%dma_start3A_44 : memref<632x128xf32, #tpu.memory_space<vmem_shared>>) target(%dma_start3A_42 : memref<632x128xf32, #tpu.memory_space<hbm>>) target_semaphore(%run_scoped3A_40 : memref<!tpu.dma_semaphore, #tpu.memory_space<semaphore_mem>>)
        %dma_wait3A = arith.constant 0 : i32
        %dma_wait3A_45 = tpu.memref_slice %arg11[%mul3A_0, %dma_wait3A] : memref<10112x128xf32, #tpu.memory_space<hbm>> -> memref<632x128xf32, #tpu.memory_space<hbm>>
        %dma_wait3A_46 = arith.constant 0 : i32
        %dma_wait3A_47 = tpu.memref_slice %arg13[%mul3A_0, %dma_wait3A_46] : memref<10112x128xf32, #tpu.memory_space<vmem_shared>> -> memref<632x128xf32, #tpu.memory_space<vmem_shared>>
        tpu.wait_dma2 semaphore(%run_scoped3A_40 : memref<!tpu.dma_semaphore, #tpu.memory_space<semaphore_mem>>) src(%dma_wait3A_47 : memref<632x128xf32, #tpu.memory_space<vmem_shared>>) dst(%dma_wait3A_45 : memref<632x128xf32, #tpu.memory_space<hbm>>)
        tpu.yield
      }) : () -> ()
      %barrier3A_21 = arith.constant 0 : index
      tpu.barrier barrier_id(%barrier3A_21)
      "tpu.region"() ({
        %run_scoped3A_40 = tpu.sem_alloc : memref<!tpu.dma_semaphore, #tpu.memory_space<semaphore_mem>>
        %dma_start3A_41 = arith.constant 0 : i32
        %dma_start3A_42 = tpu.memref_slice %arg13[%mul3A_0, %dma_start3A_41] : memref<10112x128xf32, #tpu.memory_space<vmem_shared>> -> memref<632x128xf32, #tpu.memory_space<vmem_shared>>
        tpu.enqueue_dma source(%arg4 : memref<632x128xf32, #tpu.memory_space<hbm>>) target(%dma_start3A_42 : memref<632x128xf32, #tpu.memory_space<vmem_shared>>) target_semaphore(%run_scoped3A_40 : memref<!tpu.dma_semaphore, #tpu.memory_space<semaphore_mem>>)
        %dma_wait3A = arith.constant 0 : i32
        %dma_wait3A_43 = tpu.memref_slice %arg13[%mul3A_0, %dma_wait3A] : memref<10112x128xf32, #tpu.memory_space<vmem_shared>> -> memref<632x128xf32, #tpu.memory_space<vmem_shared>>
        tpu.wait_dma2 semaphore(%run_scoped3A_40 : memref<!tpu.dma_semaphore, #tpu.memory_space<semaphore_mem>>) src(%arg4 : memref<632x128xf32, #tpu.memory_space<hbm>>) dst(%dma_wait3A_43 : memref<632x128xf32, #tpu.memory_space<vmem_shared>>)
        tpu.yield
      }) : () -> ()
      %barrier3A_22 = arith.constant 0 : index
      tpu.barrier barrier_id(%barrier3A_22)
      %run_scoped3A_23 = arith.constant 0 : i32
      "tpu.region"() ({
        %run_scoped3A_40 = tpu.sem_alloc : memref<!tpu.dma_semaphore, #tpu.memory_space<semaphore_mem>>
        %dma_start3A_41 = arith.constant 0 : i32
        %dma_start3A_42 = arith.constant 0 : i32
        %dma_start3A_43 = tpu.memref_slice %arg2[%arg1, %run_scoped3A_23, %dma_start3A_41, %dma_start3A_42] : memref<16x1x125x80xi32, #tpu.memory_space<hbm>> -> memref<1x1x125x80xi32, #tpu.memory_space<hbm>>
        %dma_start3A_44 = tpu.memref_squeeze %dma_start3A_43 : memref<1x1x125x80xi32, #tpu.memory_space<hbm>> -> memref<125x80xi32, #tpu.memory_space<hbm>>
        %dma_start3A_45 = arith.constant 0 : i32
        %dma_start3A_46 = arith.constant 0 : i32
        %dma_start3A_47 = tpu.memref_slice %arg2[%arg1, %run_scoped3A_23, %dma_start3A_45, %dma_start3A_46] : memref<16x1x125x80xi32, #tpu.memory_space<hbm>> -> memref<1x1x125x80xi32, #tpu.memory_space<hbm>>
        %dma_start3A_48 = tpu.memref_squeeze %dma_start3A_47 : memref<1x1x125x80xi32, #tpu.memory_space<hbm>> -> memref<125x80xi32, #tpu.memory_space<hbm>>
        tpu.enqueue_dma source(%dma_start3A_48 : memref<125x80xi32, #tpu.memory_space<hbm>>) target(%arg14 : memref<125x80xi32, #tpu.memory_space<vmem>>) target_semaphore(%run_scoped3A_40 : memref<!tpu.dma_semaphore, #tpu.memory_space<semaphore_mem>>)
        %dma_wait3A = arith.constant 0 : i32
        %dma_wait3A_49 = arith.constant 0 : i32
        %dma_wait3A_50 = tpu.memref_slice %arg2[%arg1, %run_scoped3A_23, %dma_wait3A, %dma_wait3A_49] : memref<16x1x125x80xi32, #tpu.memory_space<hbm>> -> memref<1x1x125x80xi32, #tpu.memory_space<hbm>>
        %dma_wait3A_51 = tpu.memref_squeeze %dma_wait3A_50 : memref<1x1x125x80xi32, #tpu.memory_space<hbm>> -> memref<125x80xi32, #tpu.memory_space<hbm>>
        %dma_wait3A_52 = arith.constant 0 : i32
        %dma_wait3A_53 = arith.constant 0 : i32
        %dma_wait3A_54 = tpu.memref_slice %arg2[%arg1, %run_scoped3A_23, %dma_wait3A_52, %dma_wait3A_53] : memref<16x1x125x80xi32, #tpu.memory_space<hbm>> -> memref<1x1x125x80xi32, #tpu.memory_space<hbm>>
        %dma_wait3A_55 = tpu.memref_squeeze %dma_wait3A_54 : memref<1x1x125x80xi32, #tpu.memory_space<hbm>> -> memref<125x80xi32, #tpu.memory_space<hbm>>
        tpu.wait_dma2 semaphore(%run_scoped3A_40 : memref<!tpu.dma_semaphore, #tpu.memory_space<semaphore_mem>>) src(%dma_wait3A_55 : memref<125x80xi32, #tpu.memory_space<hbm>>) dst(%arg14 : memref<125x80xi32, #tpu.memory_space<vmem>>)
        tpu.yield
      }) : () -> ()
      %run_scoped3A_24 = arith.constant 0 : i32
      "tpu.region"() ({
        %run_scoped3A_40 = tpu.sem_alloc : memref<!tpu.dma_semaphore, #tpu.memory_space<semaphore_mem>>
        %dma_start3A_41 = arith.constant 0 : i32
        %dma_start3A_42 = arith.constant 0 : i32
        %dma_start3A_43 = tpu.memref_slice %arg3[%arg1, %run_scoped3A_24, %dma_start3A_41, %dma_start3A_42] : memref<16x1x125x80xi32, #tpu.memory_space<hbm>> -> memref<1x1x125x80xi32, #tpu.memory_space<hbm>>
        %dma_start3A_44 = tpu.memref_squeeze %dma_start3A_43 : memref<1x1x125x80xi32, #tpu.memory_space<hbm>> -> memref<125x80xi32, #tpu.memory_space<hbm>>
        %dma_start3A_45 = arith.constant 0 : i32
        %dma_start3A_46 = arith.constant 0 : i32
        %dma_start3A_47 = tpu.memref_slice %arg3[%arg1, %run_scoped3A_24, %dma_start3A_45, %dma_start3A_46] : memref<16x1x125x80xi32, #tpu.memory_space<hbm>> -> memref<1x1x125x80xi32, #tpu.memory_space<hbm>>
        %dma_start3A_48 = tpu.memref_squeeze %dma_start3A_47 : memref<1x1x125x80xi32, #tpu.memory_space<hbm>> -> memref<125x80xi32, #tpu.memory_space<hbm>>
        tpu.enqueue_dma source(%dma_start3A_48 : memref<125x80xi32, #tpu.memory_space<hbm>>) target(%arg15 : memref<125x80xi32, #tpu.memory_space<vmem>>) target_semaphore(%run_scoped3A_40 : memref<!tpu.dma_semaphore, #tpu.memory_space<semaphore_mem>>)
        %dma_wait3A = arith.constant 0 : i32
        %dma_wait3A_49 = arith.constant 0 : i32
        %dma_wait3A_50 = tpu.memref_slice %arg3[%arg1, %run_scoped3A_24, %dma_wait3A, %dma_wait3A_49] : memref<16x1x125x80xi32, #tpu.memory_space<hbm>> -> memref<1x1x125x80xi32, #tpu.memory_space<hbm>>
        %dma_wait3A_51 = tpu.memref_squeeze %dma_wait3A_50 : memref<1x1x125x80xi32, #tpu.memory_space<hbm>> -> memref<125x80xi32, #tpu.memory_space<hbm>>
        %dma_wait3A_52 = arith.constant 0 : i32
        %dma_wait3A_53 = arith.constant 0 : i32
        %dma_wait3A_54 = tpu.memref_slice %arg3[%arg1, %run_scoped3A_24, %dma_wait3A_52, %dma_wait3A_53] : memref<16x1x125x80xi32, #tpu.memory_space<hbm>> -> memref<1x1x125x80xi32, #tpu.memory_space<hbm>>
        %dma_wait3A_55 = tpu.memref_squeeze %dma_wait3A_54 : memref<1x1x125x80xi32, #tpu.memory_space<hbm>> -> memref<125x80xi32, #tpu.memory_space<hbm>>
        tpu.wait_dma2 semaphore(%run_scoped3A_40 : memref<!tpu.dma_semaphore, #tpu.memory_space<semaphore_mem>>) src(%dma_wait3A_55 : memref<125x80xi32, #tpu.memory_space<hbm>>) dst(%arg15 : memref<125x80xi32, #tpu.memory_space<vmem>>)
        tpu.yield
      }) : () -> ()
      %dma_start3A_25 = arith.constant 0 : i32
      %dma_start3A_26 = arith.constant 0 : i32
      %dma_start3A_27 = tpu.memref_slice %arg14[%dma_start3A_25, %dma_start3A_26] : memref<125x80xi32, #tpu.memory_space<vmem>> -> memref<1x80xi32, #tpu.memory_space<vmem>>
      %dma_start3A_28 = tpu.memref_squeeze %dma_start3A_27 : memref<1x80xi32, #tpu.memory_space<vmem>> -> memref<80xi32, #tpu.memory_space<vmem>>
      %dma_start3A_29 = arith.constant 0 : i32
      %dma_start3A_30 = arith.constant 0 : i32
      %dma_start3A_31 = tpu.memref_slice %arg8[%dma_start3A_29, %dma_start3A_30] : memref<10000x128xf32, #tpu.memory_space<hbm>> -> memref<10000x128xf32, #tpu.memory_space<hbm>>
      tpu.enqueue_indirect_dma source(%dma_start3A_31 : memref<10000x128xf32, #tpu.memory_space<hbm>>) target(%arg16 : memref<80x128xf32, #tpu.memory_space<vmem>>) offsets(%dma_start3A_28 : memref<80xi32, #tpu.memory_space<vmem>>) semaphore(%arg17 : memref<!tpu.dma_semaphore, #tpu.memory_space<semaphore_mem>>)
      %scan3A_32 = arith.constant 0 : i32
      %scan3A_33 = arith.constant 0 : i32
      %scan3A_34 = arith.constant 125 : i32
      %scan3A_35 = arith.addi %scan3A_33, %scan3A_34 : i32
      %scan3A_36 = arith.constant 1 : i32
      scf.for %scan3A_40 = %scan3A_33 to %scan3A_35 step %scan3A_36  : i32 {
        %mul3A_41 = arith.constant 1 : i32
        %mul3A_42 = arith.muli %scan3A_40, %mul3A_41 : i32
        %add3A = arith.constant 0 : i32
        %add3A_43 = arith.addi %mul3A_42, %add3A : i32
        %dma_wait3A = arith.constant 0 : i32
        %dma_wait3A_44 = tpu.memref_slice %arg14[%add3A_43, %dma_wait3A] : memref<125x80xi32, #tpu.memory_space<vmem>> -> memref<1x80xi32, #tpu.memory_space<vmem>>
        %dma_wait3A_45 = tpu.memref_squeeze %dma_wait3A_44 : memref<1x80xi32, #tpu.memory_space<vmem>> -> memref<80xi32, #tpu.memory_space<vmem>>
        %dma_wait3A_46 = arith.constant 0 : i32
        %dma_wait3A_47 = arith.constant 0 : i32
        %dma_wait3A_48 = tpu.memref_slice %arg8[%dma_wait3A_46, %dma_wait3A_47] : memref<10000x128xf32, #tpu.memory_space<hbm>> -> memref<10000x128xf32, #tpu.memory_space<hbm>>
        tpu.wait_indirect_dma semaphore(%arg17 : memref<!tpu.dma_semaphore, #tpu.memory_space<semaphore_mem>>) src(%dma_wait3A_48 : memref<10000x128xf32, #tpu.memory_space<hbm>>) dst(%arg16 : memref<80x128xf32, #tpu.memory_space<vmem>>)
        %dma_start3A_49 = arith.constant 0 : i32
        %dma_start3A_50 = tpu.memref_slice %arg15[%add3A_43, %dma_start3A_49] : memref<125x80xi32, #tpu.memory_space<vmem>> -> memref<1x80xi32, #tpu.memory_space<vmem>>
        %dma_start3A_51 = tpu.memref_squeeze %dma_start3A_50 : memref<1x80xi32, #tpu.memory_space<vmem>> -> memref<80xi32, #tpu.memory_space<vmem>>
        %dma_start3A_52 = arith.constant 0 : i32
        %dma_start3A_53 = arith.constant 0 : i32
        %dma_start3A_54 = tpu.memref_slice %arg13[%dma_start3A_52, %dma_start3A_53] : memref<10112x128xf32, #tpu.memory_space<vmem_shared>> -> memref<10112x128xf32, #tpu.memory_space<vmem_shared>>
        tpu.enqueue_indirect_dma source(%arg16 : memref<80x128xf32, #tpu.memory_space<vmem>>) target(%dma_start3A_54 : memref<10112x128xf32, #tpu.memory_space<vmem_shared>>) offsets(%dma_start3A_51 : memref<80xi32, #tpu.memory_space<vmem>>) semaphore(%arg18 : memref<!tpu.dma_semaphore, #tpu.memory_space<semaphore_mem>>) {add = true}
        %mul3A_55 = arith.constant 1 : i32
        %mul3A_56 = arith.muli %scan3A_40, %mul3A_55 : i32
        %add3A_57 = arith.constant 0 : i32
        %add3A_58 = arith.addi %mul3A_56, %add3A_57 : i32
        %dma_wait3A_59 = arith.constant 0 : i32
        %dma_wait3A_60 = tpu.memref_slice %arg15[%add3A_58, %dma_wait3A_59] : memref<125x80xi32, #tpu.memory_space<vmem>> -> memref<1x80xi32, #tpu.memory_space<vmem>>
        %dma_wait3A_61 = tpu.memref_squeeze %dma_wait3A_60 : memref<1x80xi32, #tpu.memory_space<vmem>> -> memref<80xi32, #tpu.memory_space<vmem>>
        %dma_wait3A_62 = arith.constant 0 : i32
        %dma_wait3A_63 = arith.constant 0 : i32
        %dma_wait3A_64 = tpu.memref_slice %arg13[%dma_wait3A_62, %dma_wait3A_63] : memref<10112x128xf32, #tpu.memory_space<vmem_shared>> -> memref<10112x128xf32, #tpu.memory_space<vmem_shared>>
        tpu.wait_indirect_dma semaphore(%arg18 : memref<!tpu.dma_semaphore, #tpu.memory_space<semaphore_mem>>) src(%arg16 : memref<80x128xf32, #tpu.memory_space<vmem>>) dst(%dma_wait3A_64 : memref<10112x128xf32, #tpu.memory_space<vmem_shared>>)
        %lt3A = arith.constant 124 : i32
        %lt3A_65 = arith.cmpi slt, %scan3A_40, %lt3A : i32
        %convert_element_type3A_66 = arith.extui %lt3A_65 : i1 to i32
        %cond3A_67 = arith.constant 0 : i32
        %cond3A_68 = arith.cmpi ne, %convert_element_type3A_66, %cond3A_67 : i32
        scf.if %cond3A_68 {
          %add3A_69 = arith.constant 1 : i32
          %add3A_70 = arith.addi %add3A_58, %add3A_69 : i32
          %dma_start3A_71 = arith.constant 0 : i32
          %dma_start3A_72 = tpu.memref_slice %arg14[%add3A_70, %dma_start3A_71] : memref<125x80xi32, #tpu.memory_space<vmem>> -> memref<1x80xi32, #tpu.memory_space<vmem>>
          %dma_start3A_73 = tpu.memref_squeeze %dma_start3A_72 : memref<1x80xi32, #tpu.memory_space<vmem>> -> memref<80xi32, #tpu.memory_space<vmem>>
          %dma_start3A_74 = arith.constant 0 : i32
          %dma_start3A_75 = arith.constant 0 : i32
          %dma_start3A_76 = tpu.memref_slice %arg8[%dma_start3A_74, %dma_start3A_75] : memref<10000x128xf32, #tpu.memory_space<hbm>> -> memref<10000x128xf32, #tpu.memory_space<hbm>>
          tpu.enqueue_indirect_dma source(%dma_start3A_76 : memref<10000x128xf32, #tpu.memory_space<hbm>>) target(%arg16 : memref<80x128xf32, #tpu.memory_space<vmem>>) offsets(%dma_start3A_73 : memref<80xi32, #tpu.memory_space<vmem>>) semaphore(%arg17 : memref<!tpu.dma_semaphore, #tpu.memory_space<semaphore_mem>>)
        } else {
        }
      }
      %scan3A_37 = arith.constant 125 : i32
      %barrier3A_38 = arith.constant 0 : index
      tpu.barrier barrier_id(%barrier3A_38)
      "tpu.region"() ({
        %run_scoped3A_40 = tpu.sem_alloc : memref<!tpu.dma_semaphore, #tpu.memory_space<semaphore_mem>>
        %dma_start3A_41 = arith.constant 0 : i32
        %dma_start3A_42 = tpu.memref_slice %arg12[%mul3A_0, %dma_start3A_41] : memref<10112x128xf32, #tpu.memory_space<hbm>> -> memref<632x128xf32, #tpu.memory_space<hbm>>
        %dma_start3A_43 = arith.constant 0 : i32
        %dma_start3A_44 = tpu.memref_slice %arg13[%mul3A_0, %dma_start3A_43] : memref<10112x128xf32, #tpu.memory_space<vmem_shared>> -> memref<632x128xf32, #tpu.memory_space<vmem_shared>>
        tpu.enqueue_dma source(%dma_start3A_44 : memref<632x128xf32, #tpu.memory_space<vmem_shared>>) target(%dma_start3A_42 : memref<632x128xf32, #tpu.memory_space<hbm>>) target_semaphore(%run_scoped3A_40 : memref<!tpu.dma_semaphore, #tpu.memory_space<semaphore_mem>>)
        %dma_wait3A = arith.constant 0 : i32
        %dma_wait3A_45 = tpu.memref_slice %arg12[%mul3A_0, %dma_wait3A] : memref<10112x128xf32, #tpu.memory_space<hbm>> -> memref<632x128xf32, #tpu.memory_space<hbm>>
        %dma_wait3A_46 = arith.constant 0 : i32
        %dma_wait3A_47 = tpu.memref_slice %arg13[%mul3A_0, %dma_wait3A_46] : memref<10112x128xf32, #tpu.memory_space<vmem_shared>> -> memref<632x128xf32, #tpu.memory_space<vmem_shared>>
        tpu.wait_dma2 semaphore(%run_scoped3A_40 : memref<!tpu.dma_semaphore, #tpu.memory_space<semaphore_mem>>) src(%dma_wait3A_47 : memref<632x128xf32, #tpu.memory_space<vmem_shared>>) dst(%dma_wait3A_45 : memref<632x128xf32, #tpu.memory_space<hbm>>)
        tpu.yield
      }) : () -> ()
      %barrier3A_39 = arith.constant 0 : index
      tpu.barrier barrier_id(%barrier3A_39)
    } else {
    }
    return
  }
}

module attributes {stable_mosaic.version = 14 : i64} {
  func.func @body(%arg0: i32, %arg1: memref<1000x128xf32, #tpu.memory_space<vmem>>, %arg2: memref<1000x128xf32, #tpu.memory_space<vmem>>, %arg3: memref<1000x128xf32, #tpu.memory_space<vmem>>, %arg4: memref<1000x128xf32, #tpu.memory_space<vmem>>, %arg5: memref<256x512xf32, #tpu.memory_space<vmem>>, %arg6: memref<1x512xf32, #tpu.memory_space<vmem>>, %arg7: memref<512x512xf32, #tpu.memory_space<vmem>>, %arg8: memref<1x512xf32, #tpu.memory_space<vmem>>, %arg9: memref<1000x512xf32, #tpu.memory_space<vmem>>, %arg10: memref<1x512xf32, #tpu.memory_space<vmem>>, %arg11: memref<1x512xf32, #tpu.memory_space<vmem>>) attributes {dimension_semantics = [#tpu.dimension_semantics<arbitrary>], iteration_bounds = array<i64: 10>, scalar_prefetch = 0 : i64, scratch_operands = 0 : i64, tpu.core_type = #tpu.core_type<tc>, window_params = [{transform_indices = @transform_0, window_bounds = array<i64: 1000, 128>}, {transform_indices = @transform_1, window_bounds = array<i64: 1000, 128>}, {transform_indices = @transform_2, window_bounds = array<i64: 1000, 128>}, {transform_indices = @transform_3, window_bounds = array<i64: 1000, 128>}, {pipeline_mode = #tpu.pipeline_mode<synchronous>, transform_indices = @transform_4, window_bounds = array<i64: 256, 512>}, {pipeline_mode = #tpu.pipeline_mode<synchronous>, transform_indices = @transform_5, window_bounds = array<i64: 1, 512>}, {pipeline_mode = #tpu.pipeline_mode<synchronous>, transform_indices = @transform_6, window_bounds = array<i64: 512, 512>}, {pipeline_mode = #tpu.pipeline_mode<synchronous>, transform_indices = @transform_7, window_bounds = array<i64: 1, 512>}, {transform_indices = @transform_8, window_bounds = array<i64: 1000, 512>}, {pipeline_mode = #tpu.pipeline_mode<synchronous>, transform_indices = @transform_9, window_bounds = array<i64: 1, 512>}, {pipeline_mode = #tpu.pipeline_mode<synchronous>, transform_indices = @transform_10, window_bounds = array<i64: 1, 512>}]} {
    %get3A = arith.constant 0 : index
    %get3A_0 = arith.constant 0 : index
    %get3A_1 = vector.load %arg1[%get3A, %get3A_0] : memref<1000x128xf32, #tpu.memory_space<vmem>>, vector<1000x128xf32>
    %get3A_2 = arith.constant 0 : index
    %get3A_3 = arith.constant 0 : index
    %get3A_4 = vector.load %arg2[%get3A_2, %get3A_3] : memref<1000x128xf32, #tpu.memory_space<vmem>>, vector<1000x128xf32>
    %concatenate3A = tpu.concatenate %get3A_1, %get3A_4 in 1 : vector<1000x128xf32>, vector<1000x128xf32> -> vector<1000x256xf32>
    %get3A_5 = arith.constant 0 : index
    %get3A_6 = arith.constant 0 : index
    %get3A_7 = vector.load %arg3[%get3A_5, %get3A_6] : memref<1000x128xf32, #tpu.memory_space<vmem>>, vector<1000x128xf32>
    %get3A_8 = arith.constant 0 : index
    %get3A_9 = arith.constant 0 : index
    %get3A_10 = vector.load %arg4[%get3A_8, %get3A_9] : memref<1000x128xf32, #tpu.memory_space<vmem>>, vector<1000x128xf32>
    %concatenate3A_11 = tpu.concatenate %get3A_7, %get3A_10 in 1 : vector<1000x128xf32>, vector<1000x128xf32> -> vector<1000x256xf32>
    %add3A = arith.addf %concatenate3A, %concatenate3A_11 : vector<1000x256xf32>
    %get3A_12 = arith.constant 0 : index
    %get3A_13 = arith.constant 0 : index
    %get3A_14 = vector.load %arg5[%get3A_12, %get3A_13] : memref<256x512xf32, #tpu.memory_space<vmem>>, vector<256x512xf32>
    %dot_general3A = arith.constant dense<0.000000e+00> : vector<1000x512xf32>
    %dot_general3A_15 = tpu.matmul %add3A, %get3A_14, %dot_general3A {dimension_numbers = #tpu.dot_dimension_numbers<[1], [0], [0], [1], [0, 0, 1, 1], [], []>, transpose_lhs_hint = false} : vector<1000x256xf32>, vector<256x512xf32>, vector<1000x512xf32> -> vector<1000x512xf32>
    %get3A_16 = arith.constant 0 : index
    %get3A_17 = arith.constant 0 : index
    %get3A_18 = vector.load %arg6[%get3A_16, %get3A_17] : memref<1x512xf32, #tpu.memory_space<vmem>>, vector<1x512xf32>
    %add3A_19 = vector.broadcast %get3A_18 : vector<1x512xf32> to vector<1000x512xf32>
    %add3A_20 = arith.addf %dot_general3A_15, %add3A_19 : vector<1000x512xf32>
    %max3A = arith.constant 0.000000e+00 : f32
    %max3A_21 = vector.broadcast %max3A : f32 to vector<1000x512xf32>
    %max3A_22 = arith.maximumf %add3A_20, %max3A_21 : vector<1000x512xf32>
    %get3A_23 = arith.constant 0 : index
    %get3A_24 = arith.constant 0 : index
    %get3A_25 = vector.load %arg7[%get3A_23, %get3A_24] : memref<512x512xf32, #tpu.memory_space<vmem>>, vector<512x512xf32>
    %dot_general3A_26 = arith.constant dense<0.000000e+00> : vector<1000x512xf32>
    %dot_general3A_27 = tpu.matmul %max3A_22, %get3A_25, %dot_general3A_26 {dimension_numbers = #tpu.dot_dimension_numbers<[1], [0], [0], [1], [0, 0, 1, 1], [], []>, transpose_lhs_hint = false} : vector<1000x512xf32>, vector<512x512xf32>, vector<1000x512xf32> -> vector<1000x512xf32>
    %get3A_28 = arith.constant 0 : index
    %get3A_29 = arith.constant 0 : index
    %get3A_30 = vector.load %arg8[%get3A_28, %get3A_29] : memref<1x512xf32, #tpu.memory_space<vmem>>, vector<1x512xf32>
    %add3A_31 = vector.broadcast %get3A_30 : vector<1x512xf32> to vector<1000x512xf32>
    %add3A_32 = arith.addf %dot_general3A_27, %add3A_31 : vector<1000x512xf32>
    %max3A_33 = arith.constant 0.000000e+00 : f32
    %max3A_34 = vector.broadcast %max3A_33 : f32 to vector<1000x512xf32>
    %max3A_35 = arith.maximumf %add3A_32, %max3A_34 : vector<1000x512xf32>
    %swap3A = arith.constant 0 : index
    %swap3A_36 = arith.constant 0 : index
    %swap3A_37 = vector.load %arg9[%swap3A, %swap3A_36] : memref<1000x512xf32, #tpu.memory_space<vmem>>, vector<1000x512xf32>
    tpu.vector_store %arg9[%swap3A, %swap3A_36], %max3A_35 {strides = array<i32>} : memref<1000x512xf32, #tpu.memory_space<vmem>>, vector<1000x512xf32>,
    %reduce_sum3A = arith.constant dense<0.000000e+00> : vector<512xf32>
    %reduce_sum3A_38 = vector.multi_reduction <add>, %max3A_35, %reduce_sum3A [0] : vector<1000x512xf32> to vector<512xf32>
    %broadcast_in_dim3A = vector.shape_cast %reduce_sum3A_38 : vector<512xf32> to vector<1x512xf32>
    %mul3A = arith.mulf %max3A_35, %max3A_35 : vector<1000x512xf32>
    %reduce_sum3A_39 = arith.constant dense<0.000000e+00> : vector<512xf32>
    %reduce_sum3A_40 = vector.multi_reduction <add>, %mul3A, %reduce_sum3A_39 [0] : vector<1000x512xf32> to vector<512xf32>
    %broadcast_in_dim3A_41 = vector.shape_cast %reduce_sum3A_40 : vector<512xf32> to vector<1x512xf32>
    %eq3A = arith.constant 0 : i32
    %eq3A_42 = arith.cmpi eq, %arg0, %eq3A : i32
    %convert_element_type3A = arith.extui %eq3A_42 : i1 to i32
    %cond3A = arith.constant 0 : i32
    %cond3A_43 = arith.cmpi ne, %convert_element_type3A, %cond3A : i32
    scf.if %cond3A_43 {
      %swap3A_48 = arith.constant 0 : index
      %swap3A_49 = arith.constant 0 : index
      %swap3A_50 = vector.load %arg10[%swap3A_48, %swap3A_49] : memref<1x512xf32, #tpu.memory_space<vmem>>, vector<1x512xf32>
      tpu.vector_store %arg10[%swap3A_48, %swap3A_49], %broadcast_in_dim3A {strides = array<i32>} : memref<1x512xf32, #tpu.memory_space<vmem>>, vector<1x512xf32>,
      %swap3A_51 = arith.constant 0 : index
      %swap3A_52 = arith.constant 0 : index
      %swap3A_53 = vector.load %arg11[%swap3A_51, %swap3A_52] : memref<1x512xf32, #tpu.memory_space<vmem>>, vector<1x512xf32>
      tpu.vector_store %arg11[%swap3A_51, %swap3A_52], %broadcast_in_dim3A_41 {strides = array<i32>} : memref<1x512xf32, #tpu.memory_space<vmem>>, vector<1x512xf32>,
    } else {
    }
    %gt3A = arith.constant 0 : i32
    %gt3A_44 = arith.cmpi sgt, %arg0, %gt3A : i32
    %convert_element_type3A_45 = arith.extui %gt3A_44 : i1 to i32
    %cond3A_46 = arith.constant 0 : i32
    %cond3A_47 = arith.cmpi ne, %convert_element_type3A_45, %cond3A_46 : i32
    scf.if %cond3A_47 {
      %get3A_48 = arith.constant 0 : index
      %get3A_49 = arith.constant 0 : index
      %get3A_50 = vector.load %arg10[%get3A_48, %get3A_49] : memref<1x512xf32, #tpu.memory_space<vmem>>, vector<1x512xf32>
      %add3A_51 = arith.addf %get3A_50, %broadcast_in_dim3A : vector<1x512xf32>
      %swap3A_52 = arith.constant 0 : index
      %swap3A_53 = arith.constant 0 : index
      %swap3A_54 = vector.load %arg10[%swap3A_52, %swap3A_53] : memref<1x512xf32, #tpu.memory_space<vmem>>, vector<1x512xf32>
      tpu.vector_store %arg10[%swap3A_52, %swap3A_53], %add3A_51 {strides = array<i32>} : memref<1x512xf32, #tpu.memory_space<vmem>>, vector<1x512xf32>,
      %get3A_55 = arith.constant 0 : index
      %get3A_56 = arith.constant 0 : index
      %get3A_57 = vector.load %arg11[%get3A_55, %get3A_56] : memref<1x512xf32, #tpu.memory_space<vmem>>, vector<1x512xf32>
      %add3A_58 = arith.addf %get3A_57, %broadcast_in_dim3A_41 : vector<1x512xf32>
      %swap3A_59 = arith.constant 0 : index
      %swap3A_60 = arith.constant 0 : index
      %swap3A_61 = vector.load %arg11[%swap3A_59, %swap3A_60] : memref<1x512xf32, #tpu.memory_space<vmem>>, vector<1x512xf32>
      tpu.vector_store %arg11[%swap3A_59, %swap3A_60], %add3A_58 {strides = array<i32>} : memref<1x512xf32, #tpu.memory_space<vmem>>, vector<1x512xf32>,
    } else {
    }
    return
  }
  func.func @transform_0(%arg0: i32) -> (i32, i32) {
    %c0_i32 = arith.constant 0 : i32
    %c0_i32_0 = arith.constant 0 : i32
    return %arg0, %c0_i32 : i32, i32
  }
  func.func @transform_1(%arg0: i32) -> (i32, i32) {
    %c0_i32 = arith.constant 0 : i32
    %c0_i32_0 = arith.constant 0 : i32
    return %arg0, %c0_i32 : i32, i32
  }
  func.func @transform_2(%arg0: i32) -> (i32, i32) {
    %c0_i32 = arith.constant 0 : i32
    %c0_i32_0 = arith.constant 0 : i32
    return %arg0, %c0_i32 : i32, i32
  }
  func.func @transform_3(%arg0: i32) -> (i32, i32) {
    %c0_i32 = arith.constant 0 : i32
    %c0_i32_0 = arith.constant 0 : i32
    return %arg0, %c0_i32 : i32, i32
  }
  func.func @transform_4(%arg0: i32) -> (i32, i32) {
    %c0_i32 = arith.constant 0 : i32
    %c0_i32_0 = arith.constant 0 : i32
    %c0_i32_1 = arith.constant 0 : i32
    return %c0_i32, %c0_i32_0 : i32, i32
  }
  func.func @transform_5(%arg0: i32) -> (i32, i32) {
    %c0_i32 = arith.constant 0 : i32
    %c0_i32_0 = arith.constant 0 : i32
    %c0_i32_1 = arith.constant 0 : i32
    return %c0_i32, %c0_i32_0 : i32, i32
  }
  func.func @transform_6(%arg0: i32) -> (i32, i32) {
    %c0_i32 = arith.constant 0 : i32
    %c0_i32_0 = arith.constant 0 : i32
    %c0_i32_1 = arith.constant 0 : i32
    return %c0_i32, %c0_i32_0 : i32, i32
  }
  func.func @transform_7(%arg0: i32) -> (i32, i32) {
    %c0_i32 = arith.constant 0 : i32
    %c0_i32_0 = arith.constant 0 : i32
    %c0_i32_1 = arith.constant 0 : i32
    return %c0_i32, %c0_i32_0 : i32, i32
  }
  func.func @transform_8(%arg0: i32) -> (i32, i32) {
    %c0_i32 = arith.constant 0 : i32
    %c0_i32_0 = arith.constant 0 : i32
    return %arg0, %c0_i32 : i32, i32
  }
  func.func @transform_9(%arg0: i32) -> (i32, i32) {
    %c0_i32 = arith.constant 0 : i32
    %c0_i32_0 = arith.constant 0 : i32
    %c0_i32_1 = arith.constant 0 : i32
    return %c0_i32, %c0_i32_0 : i32, i32
  }
  func.func @transform_10(%arg0: i32) -> (i32, i32) {
    %c0_i32 = arith.constant 0 : i32
    %c0_i32_0 = arith.constant 0 : i32
    %c0_i32_1 = arith.constant 0 : i32
    return %c0_i32, %c0_i32_0 : i32, i32
  }
}

module attributes {stable_mosaic.version = 14 : i64} {
  func.func @body(%arg0: i32, %arg1: memref<1000x512xf32, #tpu.memory_space<vmem>>, %arg2: memref<1x512xf32, #tpu.memory_space<vmem>>, %arg3: memref<1x512xf32, #tpu.memory_space<vmem>>, %arg4: memref<1x512xf32, #tpu.memory_space<vmem>>, %arg5: memref<1x512xf32, #tpu.memory_space<vmem>>, %arg6: memref<1000x128xf32, #tpu.memory_space<vmem>>, %arg7: memref<1000x128xf32, #tpu.memory_space<vmem>>, %arg8: memref<1000x128xf32, #tpu.memory_space<vmem>>, %arg9: memref<1000x128xf32, #tpu.memory_space<vmem>>) attributes {dimension_semantics = [#tpu.dimension_semantics<arbitrary>], iteration_bounds = array<i64: 10>, scalar_prefetch = 0 : i64, scratch_operands = 0 : i64, tpu.core_type = #tpu.core_type<tc>, window_params = [{transform_indices = @transform_0, window_bounds = array<i64: 1000, 512>}, {pipeline_mode = #tpu.pipeline_mode<synchronous>, transform_indices = @transform_1, window_bounds = array<i64: 1, 512>}, {pipeline_mode = #tpu.pipeline_mode<synchronous>, transform_indices = @transform_2, window_bounds = array<i64: 1, 512>}, {pipeline_mode = #tpu.pipeline_mode<synchronous>, transform_indices = @transform_3, window_bounds = array<i64: 1, 512>}, {pipeline_mode = #tpu.pipeline_mode<synchronous>, transform_indices = @transform_4, window_bounds = array<i64: 1, 512>}, {transform_indices = @transform_5, window_bounds = array<i64: 1000, 128>}, {transform_indices = @transform_6, window_bounds = array<i64: 1000, 128>}, {transform_indices = @transform_7, window_bounds = array<i64: 1000, 128>}, {transform_indices = @transform_8, window_bounds = array<i64: 1000, 128>}]} {
    %get3A = arith.constant 0 : index
    %get3A_0 = arith.constant 0 : index
    %get3A_1 = vector.load %arg2[%get3A, %get3A_0] : memref<1x512xf32, #tpu.memory_space<vmem>>, vector<1x512xf32>
    %mul3A = arith.constant 9.99999974E-5 : f32
    %mul3A_2 = vector.broadcast %mul3A : f32 to vector<1x512xf32>
    %mul3A_3 = arith.mulf %get3A_1, %mul3A_2 : vector<1x512xf32>
    %get3A_4 = arith.constant 0 : index
    %get3A_5 = arith.constant 0 : index
    %get3A_6 = vector.load %arg3[%get3A_4, %get3A_5] : memref<1x512xf32, #tpu.memory_space<vmem>>, vector<1x512xf32>
    %mul3A_7 = arith.constant 9.99999974E-5 : f32
    %mul3A_8 = vector.broadcast %mul3A_7 : f32 to vector<1x512xf32>
    %mul3A_9 = arith.mulf %get3A_6, %mul3A_8 : vector<1x512xf32>
    %mul3A_10 = arith.mulf %mul3A_3, %mul3A_3 : vector<1x512xf32>
    %sub3A = arith.subf %mul3A_9, %mul3A_10 : vector<1x512xf32>
    %add3A = arith.constant 9.99999974E-6 : f32
    %add3A_11 = vector.broadcast %add3A : f32 to vector<1x512xf32>
    %add3A_12 = arith.addf %sub3A, %add3A_11 : vector<1x512xf32>
    %rsqrt3A = math.rsqrt %add3A_12 : vector<1x512xf32>
    %get3A_13 = arith.constant 0 : index
    %get3A_14 = arith.constant 0 : index
    %get3A_15 = vector.load %arg4[%get3A_13, %get3A_14] : memref<1x512xf32, #tpu.memory_space<vmem>>, vector<1x512xf32>
    %mul3A_16 = arith.mulf %rsqrt3A, %get3A_15 : vector<1x512xf32>
    %get3A_17 = arith.constant 0 : index
    %get3A_18 = arith.constant 0 : index
    %get3A_19 = vector.load %arg1[%get3A_17, %get3A_18] : memref<1000x512xf32, #tpu.memory_space<vmem>>, vector<1000x512xf32>
    %sub3A_20 = vector.broadcast %mul3A_3 : vector<1x512xf32> to vector<1000x512xf32>
    %sub3A_21 = arith.subf %get3A_19, %sub3A_20 : vector<1000x512xf32>
    %mul3A_22 = vector.broadcast %mul3A_16 : vector<1x512xf32> to vector<1000x512xf32>
    %mul3A_23 = arith.mulf %sub3A_21, %mul3A_22 : vector<1000x512xf32>
    %get3A_24 = arith.constant 0 : index
    %get3A_25 = arith.constant 0 : index
    %get3A_26 = vector.load %arg5[%get3A_24, %get3A_25] : memref<1x512xf32, #tpu.memory_space<vmem>>, vector<1x512xf32>
    %add3A_27 = vector.broadcast %get3A_26 : vector<1x512xf32> to vector<1000x512xf32>
    %add3A_28 = arith.addf %mul3A_23, %add3A_27 : vector<1000x512xf32>
    %slice3A = vector.extract_strided_slice %add3A_28 {offsets = [0, 0], sizes = [1000, 128], strides = [1, 1]} : vector<1000x512xf32> to vector<1000x128xf32>
    %swap3A = arith.constant 0 : index
    %swap3A_29 = arith.constant 0 : index
    %swap3A_30 = vector.load %arg6[%swap3A, %swap3A_29] : memref<1000x128xf32, #tpu.memory_space<vmem>>, vector<1000x128xf32>
    tpu.vector_store %arg6[%swap3A, %swap3A_29], %slice3A {strides = array<i32>} : memref<1000x128xf32, #tpu.memory_space<vmem>>, vector<1000x128xf32>,
    %slice3A_31 = vector.extract_strided_slice %add3A_28 {offsets = [0, 128], sizes = [1000, 128], strides = [1, 1]} : vector<1000x512xf32> to vector<1000x128xf32>
    %swap3A_32 = arith.constant 0 : index
    %swap3A_33 = arith.constant 0 : index
    %swap3A_34 = vector.load %arg7[%swap3A_32, %swap3A_33] : memref<1000x128xf32, #tpu.memory_space<vmem>>, vector<1000x128xf32>
    tpu.vector_store %arg7[%swap3A_32, %swap3A_33], %slice3A_31 {strides = array<i32>} : memref<1000x128xf32, #tpu.memory_space<vmem>>, vector<1000x128xf32>,
    %slice3A_35 = vector.extract_strided_slice %add3A_28 {offsets = [0, 256], sizes = [1000, 128], strides = [1, 1]} : vector<1000x512xf32> to vector<1000x128xf32>
    %swap3A_36 = arith.constant 0 : index
    %swap3A_37 = arith.constant 0 : index
    %swap3A_38 = vector.load %arg8[%swap3A_36, %swap3A_37] : memref<1000x128xf32, #tpu.memory_space<vmem>>, vector<1000x128xf32>
    tpu.vector_store %arg8[%swap3A_36, %swap3A_37], %slice3A_35 {strides = array<i32>} : memref<1000x128xf32, #tpu.memory_space<vmem>>, vector<1000x128xf32>,
    %slice3A_39 = vector.extract_strided_slice %add3A_28 {offsets = [0, 384], sizes = [1000, 128], strides = [1, 1]} : vector<1000x512xf32> to vector<1000x128xf32>
    %swap3A_40 = arith.constant 0 : index
    %swap3A_41 = arith.constant 0 : index
    %swap3A_42 = vector.load %arg9[%swap3A_40, %swap3A_41] : memref<1000x128xf32, #tpu.memory_space<vmem>>, vector<1000x128xf32>
    tpu.vector_store %arg9[%swap3A_40, %swap3A_41], %slice3A_39 {strides = array<i32>} : memref<1000x128xf32, #tpu.memory_space<vmem>>, vector<1000x128xf32>,
    return
  }
  func.func @transform_0(%arg0: i32) -> (i32, i32) {
    %c0_i32 = arith.constant 0 : i32
    %c0_i32_0 = arith.constant 0 : i32
    return %arg0, %c0_i32 : i32, i32
  }
  func.func @transform_1(%arg0: i32) -> (i32, i32) {
    %c0_i32 = arith.constant 0 : i32
    %c0_i32_0 = arith.constant 0 : i32
    %c0_i32_1 = arith.constant 0 : i32
    return %c0_i32, %c0_i32_0 : i32, i32
  }
  func.func @transform_2(%arg0: i32) -> (i32, i32) {
    %c0_i32 = arith.constant 0 : i32
    %c0_i32_0 = arith.constant 0 : i32
    %c0_i32_1 = arith.constant 0 : i32
    return %c0_i32, %c0_i32_0 : i32, i32
  }
  func.func @transform_3(%arg0: i32) -> (i32, i32) {
    %c0_i32 = arith.constant 0 : i32
    %c0_i32_0 = arith.constant 0 : i32
    %c0_i32_1 = arith.constant 0 : i32
    return %c0_i32, %c0_i32_0 : i32, i32
  }
  func.func @transform_4(%arg0: i32) -> (i32, i32) {
    %c0_i32 = arith.constant 0 : i32
    %c0_i32_0 = arith.constant 0 : i32
    %c0_i32_1 = arith.constant 0 : i32
    return %c0_i32, %c0_i32_0 : i32, i32
  }
  func.func @transform_5(%arg0: i32) -> (i32, i32) {
    %c0_i32 = arith.constant 0 : i32
    %c0_i32_0 = arith.constant 0 : i32
    return %arg0, %c0_i32 : i32, i32
  }
  func.func @transform_6(%arg0: i32) -> (i32, i32) {
    %c0_i32 = arith.constant 0 : i32
    %c0_i32_0 = arith.constant 0 : i32
    return %arg0, %c0_i32 : i32, i32
  }
  func.func @transform_7(%arg0: i32) -> (i32, i32) {
    %c0_i32 = arith.constant 0 : i32
    %c0_i32_0 = arith.constant 0 : i32
    return %arg0, %c0_i32 : i32, i32
  }
  func.func @transform_8(%arg0: i32) -> (i32, i32) {
    %c0_i32 = arith.constant 0 : i32
    %c0_i32_0 = arith.constant 0 : i32
    return %arg0, %c0_i32 : i32, i32
  }
}

module attributes {stable_mosaic.version = 14 : i64} {
  func.func @body(%arg0: i32, %arg1: memref<1000x128xf32, #tpu.memory_space<vmem>>, %arg2: memref<1000x128xf32, #tpu.memory_space<vmem>>, %arg3: memref<1000x128xf32, #tpu.memory_space<vmem>>, %arg4: memref<1000x128xf32, #tpu.memory_space<vmem>>, %arg5: memref<1000x128xf32, #tpu.memory_space<vmem>>, %arg6: memref<1000x128xf32, #tpu.memory_space<vmem>>, %arg7: memref<1000x128xf32, #tpu.memory_space<vmem>>, %arg8: memref<1000x128xf32, #tpu.memory_space<vmem>>, %arg9: memref<512x512xf32, #tpu.memory_space<vmem>>, %arg10: memref<1x512xf32, #tpu.memory_space<vmem>>, %arg11: memref<512x512xf32, #tpu.memory_space<vmem>>, %arg12: memref<1x512xf32, #tpu.memory_space<vmem>>, %arg13: memref<1000x512xf32, #tpu.memory_space<vmem>>, %arg14: memref<1x512xf32, #tpu.memory_space<vmem>>, %arg15: memref<1x512xf32, #tpu.memory_space<vmem>>) attributes {dimension_semantics = [#tpu.dimension_semantics<arbitrary>], iteration_bounds = array<i64: 10>, scalar_prefetch = 0 : i64, scratch_operands = 0 : i64, tpu.core_type = #tpu.core_type<tc>, window_params = [{transform_indices = @transform_0, window_bounds = array<i64: 1000, 128>}, {transform_indices = @transform_1, window_bounds = array<i64: 1000, 128>}, {transform_indices = @transform_2, window_bounds = array<i64: 1000, 128>}, {transform_indices = @transform_3, window_bounds = array<i64: 1000, 128>}, {transform_indices = @transform_4, window_bounds = array<i64: 1000, 128>}, {transform_indices = @transform_5, window_bounds = array<i64: 1000, 128>}, {transform_indices = @transform_6, window_bounds = array<i64: 1000, 128>}, {transform_indices = @transform_7, window_bounds = array<i64: 1000, 128>}, {pipeline_mode = #tpu.pipeline_mode<synchronous>, transform_indices = @transform_8, window_bounds = array<i64: 512, 512>}, {pipeline_mode = #tpu.pipeline_mode<synchronous>, transform_indices = @transform_9, window_bounds = array<i64: 1, 512>}, {pipeline_mode = #tpu.pipeline_mode<synchronous>, transform_indices = @transform_10, window_bounds = array<i64: 512, 512>}, {pipeline_mode = #tpu.pipeline_mode<synchronous>, transform_indices = @transform_11, window_bounds = array<i64: 1, 512>}, {transform_indices = @transform_12, window_bounds = array<i64: 1000, 512>}, {pipeline_mode = #tpu.pipeline_mode<synchronous>, transform_indices = @transform_13, window_bounds = array<i64: 1, 512>}, {pipeline_mode = #tpu.pipeline_mode<synchronous>, transform_indices = @transform_14, window_bounds = array<i64: 1, 512>}]} {
    %get3A = arith.constant 0 : index
    %get3A_0 = arith.constant 0 : index
    %get3A_1 = vector.load %arg1[%get3A, %get3A_0] : memref<1000x128xf32, #tpu.memory_space<vmem>>, vector<1000x128xf32>
    %get3A_2 = arith.constant 0 : index
    %get3A_3 = arith.constant 0 : index
    %get3A_4 = vector.load %arg2[%get3A_2, %get3A_3] : memref<1000x128xf32, #tpu.memory_space<vmem>>, vector<1000x128xf32>
    %get3A_5 = arith.constant 0 : index
    %get3A_6 = arith.constant 0 : index
    %get3A_7 = vector.load %arg3[%get3A_5, %get3A_6] : memref<1000x128xf32, #tpu.memory_space<vmem>>, vector<1000x128xf32>
    %get3A_8 = arith.constant 0 : index
    %get3A_9 = arith.constant 0 : index
    %get3A_10 = vector.load %arg4[%get3A_8, %get3A_9] : memref<1000x128xf32, #tpu.memory_space<vmem>>, vector<1000x128xf32>
    %concatenate3A = tpu.concatenate %get3A_1, %get3A_4, %get3A_7, %get3A_10 in 1 : vector<1000x128xf32>, vector<1000x128xf32>, vector<1000x128xf32>, vector<1000x128xf32> -> vector<1000x512xf32>
    %get3A_11 = arith.constant 0 : index
    %get3A_12 = arith.constant 0 : index
    %get3A_13 = vector.load %arg5[%get3A_11, %get3A_12] : memref<1000x128xf32, #tpu.memory_space<vmem>>, vector<1000x128xf32>
    %get3A_14 = arith.constant 0 : index
    %get3A_15 = arith.constant 0 : index
    %get3A_16 = vector.load %arg6[%get3A_14, %get3A_15] : memref<1000x128xf32, #tpu.memory_space<vmem>>, vector<1000x128xf32>
    %get3A_17 = arith.constant 0 : index
    %get3A_18 = arith.constant 0 : index
    %get3A_19 = vector.load %arg7[%get3A_17, %get3A_18] : memref<1000x128xf32, #tpu.memory_space<vmem>>, vector<1000x128xf32>
    %get3A_20 = arith.constant 0 : index
    %get3A_21 = arith.constant 0 : index
    %get3A_22 = vector.load %arg8[%get3A_20, %get3A_21] : memref<1000x128xf32, #tpu.memory_space<vmem>>, vector<1000x128xf32>
    %concatenate3A_23 = tpu.concatenate %get3A_13, %get3A_16, %get3A_19, %get3A_22 in 1 : vector<1000x128xf32>, vector<1000x128xf32>, vector<1000x128xf32>, vector<1000x128xf32> -> vector<1000x512xf32>
    %add3A = arith.addf %concatenate3A, %concatenate3A_23 : vector<1000x512xf32>
    %get3A_24 = arith.constant 0 : index
    %get3A_25 = arith.constant 0 : index
    %get3A_26 = vector.load %arg9[%get3A_24, %get3A_25] : memref<512x512xf32, #tpu.memory_space<vmem>>, vector<512x512xf32>
    %dot_general3A = arith.constant dense<0.000000e+00> : vector<1000x512xf32>
    %dot_general3A_27 = tpu.matmul %add3A, %get3A_26, %dot_general3A {dimension_numbers = #tpu.dot_dimension_numbers<[1], [0], [0], [1], [0, 0, 1, 1], [], []>, transpose_lhs_hint = false} : vector<1000x512xf32>, vector<512x512xf32>, vector<1000x512xf32> -> vector<1000x512xf32>
    %get3A_28 = arith.constant 0 : index
    %get3A_29 = arith.constant 0 : index
    %get3A_30 = vector.load %arg10[%get3A_28, %get3A_29] : memref<1x512xf32, #tpu.memory_space<vmem>>, vector<1x512xf32>
    %add3A_31 = vector.broadcast %get3A_30 : vector<1x512xf32> to vector<1000x512xf32>
    %add3A_32 = arith.addf %dot_general3A_27, %add3A_31 : vector<1000x512xf32>
    %max3A = arith.constant 0.000000e+00 : f32
    %max3A_33 = vector.broadcast %max3A : f32 to vector<1000x512xf32>
    %max3A_34 = arith.maximumf %add3A_32, %max3A_33 : vector<1000x512xf32>
    %get3A_35 = arith.constant 0 : index
    %get3A_36 = arith.constant 0 : index
    %get3A_37 = vector.load %arg11[%get3A_35, %get3A_36] : memref<512x512xf32, #tpu.memory_space<vmem>>, vector<512x512xf32>
    %dot_general3A_38 = arith.constant dense<0.000000e+00> : vector<1000x512xf32>
    %dot_general3A_39 = tpu.matmul %max3A_34, %get3A_37, %dot_general3A_38 {dimension_numbers = #tpu.dot_dimension_numbers<[1], [0], [0], [1], [0, 0, 1, 1], [], []>, transpose_lhs_hint = false} : vector<1000x512xf32>, vector<512x512xf32>, vector<1000x512xf32> -> vector<1000x512xf32>
    %get3A_40 = arith.constant 0 : index
    %get3A_41 = arith.constant 0 : index
    %get3A_42 = vector.load %arg12[%get3A_40, %get3A_41] : memref<1x512xf32, #tpu.memory_space<vmem>>, vector<1x512xf32>
    %add3A_43 = vector.broadcast %get3A_42 : vector<1x512xf32> to vector<1000x512xf32>
    %add3A_44 = arith.addf %dot_general3A_39, %add3A_43 : vector<1000x512xf32>
    %max3A_45 = arith.constant 0.000000e+00 : f32
    %max3A_46 = vector.broadcast %max3A_45 : f32 to vector<1000x512xf32>
    %max3A_47 = arith.maximumf %add3A_44, %max3A_46 : vector<1000x512xf32>
    %swap3A = arith.constant 0 : index
    %swap3A_48 = arith.constant 0 : index
    %swap3A_49 = vector.load %arg13[%swap3A, %swap3A_48] : memref<1000x512xf32, #tpu.memory_space<vmem>>, vector<1000x512xf32>
    tpu.vector_store %arg13[%swap3A, %swap3A_48], %max3A_47 {strides = array<i32>} : memref<1000x512xf32, #tpu.memory_space<vmem>>, vector<1000x512xf32>,
    %reduce_sum3A = arith.constant dense<0.000000e+00> : vector<512xf32>
    %reduce_sum3A_50 = vector.multi_reduction <add>, %max3A_47, %reduce_sum3A [0] : vector<1000x512xf32> to vector<512xf32>
    %broadcast_in_dim3A = vector.shape_cast %reduce_sum3A_50 : vector<512xf32> to vector<1x512xf32>
    %mul3A = arith.mulf %max3A_47, %max3A_47 : vector<1000x512xf32>
    %reduce_sum3A_51 = arith.constant dense<0.000000e+00> : vector<512xf32>
    %reduce_sum3A_52 = vector.multi_reduction <add>, %mul3A, %reduce_sum3A_51 [0] : vector<1000x512xf32> to vector<512xf32>
    %broadcast_in_dim3A_53 = vector.shape_cast %reduce_sum3A_52 : vector<512xf32> to vector<1x512xf32>
    %eq3A = arith.constant 0 : i32
    %eq3A_54 = arith.cmpi eq, %arg0, %eq3A : i32
    %convert_element_type3A = arith.extui %eq3A_54 : i1 to i32
    %cond3A = arith.constant 0 : i32
    %cond3A_55 = arith.cmpi ne, %convert_element_type3A, %cond3A : i32
    scf.if %cond3A_55 {
      %swap3A_60 = arith.constant 0 : index
      %swap3A_61 = arith.constant 0 : index
      %swap3A_62 = vector.load %arg14[%swap3A_60, %swap3A_61] : memref<1x512xf32, #tpu.memory_space<vmem>>, vector<1x512xf32>
      tpu.vector_store %arg14[%swap3A_60, %swap3A_61], %broadcast_in_dim3A {strides = array<i32>} : memref<1x512xf32, #tpu.memory_space<vmem>>, vector<1x512xf32>,
      %swap3A_63 = arith.constant 0 : index
      %swap3A_64 = arith.constant 0 : index
      %swap3A_65 = vector.load %arg15[%swap3A_63, %swap3A_64] : memref<1x512xf32, #tpu.memory_space<vmem>>, vector<1x512xf32>
      tpu.vector_store %arg15[%swap3A_63, %swap3A_64], %broadcast_in_dim3A_53 {strides = array<i32>} : memref<1x512xf32, #tpu.memory_space<vmem>>, vector<1x512xf32>,
    } else {
    }
    %gt3A = arith.constant 0 : i32
    %gt3A_56 = arith.cmpi sgt, %arg0, %gt3A : i32
    %convert_element_type3A_57 = arith.extui %gt3A_56 : i1 to i32
    %cond3A_58 = arith.constant 0 : i32
    %cond3A_59 = arith.cmpi ne, %convert_element_type3A_57, %cond3A_58 : i32
    scf.if %cond3A_59 {
      %get3A_60 = arith.constant 0 : index
      %get3A_61 = arith.constant 0 : index
      %get3A_62 = vector.load %arg14[%get3A_60, %get3A_61] : memref<1x512xf32, #tpu.memory_space<vmem>>, vector<1x512xf32>
      %add3A_63 = arith.addf %get3A_62, %broadcast_in_dim3A : vector<1x512xf32>
      %swap3A_64 = arith.constant 0 : index
      %swap3A_65 = arith.constant 0 : index
      %swap3A_66 = vector.load %arg14[%swap3A_64, %swap3A_65] : memref<1x512xf32, #tpu.memory_space<vmem>>, vector<1x512xf32>
      tpu.vector_store %arg14[%swap3A_64, %swap3A_65], %add3A_63 {strides = array<i32>} : memref<1x512xf32, #tpu.memory_space<vmem>>, vector<1x512xf32>,
      %get3A_67 = arith.constant 0 : index
      %get3A_68 = arith.constant 0 : index
      %get3A_69 = vector.load %arg15[%get3A_67, %get3A_68] : memref<1x512xf32, #tpu.memory_space<vmem>>, vector<1x512xf32>
      %add3A_70 = arith.addf %get3A_69, %broadcast_in_dim3A_53 : vector<1x512xf32>
      %swap3A_71 = arith.constant 0 : index
      %swap3A_72 = arith.constant 0 : index
      %swap3A_73 = vector.load %arg15[%swap3A_71, %swap3A_72] : memref<1x512xf32, #tpu.memory_space<vmem>>, vector<1x512xf32>
      tpu.vector_store %arg15[%swap3A_71, %swap3A_72], %add3A_70 {strides = array<i32>} : memref<1x512xf32, #tpu.memory_space<vmem>>, vector<1x512xf32>,
    } else {
    }
    return
  }
  func.func @transform_0(%arg0: i32) -> (i32, i32) {
    %c0_i32 = arith.constant 0 : i32
    %c0_i32_0 = arith.constant 0 : i32
    return %arg0, %c0_i32 : i32, i32
  }
  func.func @transform_1(%arg0: i32) -> (i32, i32) {
    %c0_i32 = arith.constant 0 : i32
    %c0_i32_0 = arith.constant 0 : i32
    return %arg0, %c0_i32 : i32, i32
  }
  func.func @transform_2(%arg0: i32) -> (i32, i32) {
    %c0_i32 = arith.constant 0 : i32
    %c0_i32_0 = arith.constant 0 : i32
    return %arg0, %c0_i32 : i32, i32
  }
  func.func @transform_3(%arg0: i32) -> (i32, i32) {
    %c0_i32 = arith.constant 0 : i32
    %c0_i32_0 = arith.constant 0 : i32
    return %arg0, %c0_i32 : i32, i32
  }
  func.func @transform_4(%arg0: i32) -> (i32, i32) {
    %c0_i32 = arith.constant 0 : i32
    %c0_i32_0 = arith.constant 0 : i32
    return %arg0, %c0_i32 : i32, i32
  }
  func.func @transform_5(%arg0: i32) -> (i32, i32) {
    %c0_i32 = arith.constant 0 : i32
    %c0_i32_0 = arith.constant 0 : i32
    return %arg0, %c0_i32 : i32, i32
  }
  func.func @transform_6(%arg0: i32) -> (i32, i32) {
    %c0_i32 = arith.constant 0 : i32
    %c0_i32_0 = arith.constant 0 : i32
    return %arg0, %c0_i32 : i32, i32
  }
  func.func @transform_7(%arg0: i32) -> (i32, i32) {
    %c0_i32 = arith.constant 0 : i32
    %c0_i32_0 = arith.constant 0 : i32
    return %arg0, %c0_i32 : i32, i32
  }
  func.func @transform_8(%arg0: i32) -> (i32, i32) {
    %c0_i32 = arith.constant 0 : i32
    %c0_i32_0 = arith.constant 0 : i32
    %c0_i32_1 = arith.constant 0 : i32
    return %c0_i32, %c0_i32_0 : i32, i32
  }
  func.func @transform_9(%arg0: i32) -> (i32, i32) {
    %c0_i32 = arith.constant 0 : i32
    %c0_i32_0 = arith.constant 0 : i32
    %c0_i32_1 = arith.constant 0 : i32
    return %c0_i32, %c0_i32_0 : i32, i32
  }
  func.func @transform_10(%arg0: i32) -> (i32, i32) {
    %c0_i32 = arith.constant 0 : i32
    %c0_i32_0 = arith.constant 0 : i32
    %c0_i32_1 = arith.constant 0 : i32
    return %c0_i32, %c0_i32_0 : i32, i32
  }
  func.func @transform_11(%arg0: i32) -> (i32, i32) {
    %c0_i32 = arith.constant 0 : i32
    %c0_i32_0 = arith.constant 0 : i32
    %c0_i32_1 = arith.constant 0 : i32
    return %c0_i32, %c0_i32_0 : i32, i32
  }
  func.func @transform_12(%arg0: i32) -> (i32, i32) {
    %c0_i32 = arith.constant 0 : i32
    %c0_i32_0 = arith.constant 0 : i32
    return %arg0, %c0_i32 : i32, i32
  }
  func.func @transform_13(%arg0: i32) -> (i32, i32) {
    %c0_i32 = arith.constant 0 : i32
    %c0_i32_0 = arith.constant 0 : i32
    %c0_i32_1 = arith.constant 0 : i32
    return %c0_i32, %c0_i32_0 : i32, i32
  }
  func.func @transform_14(%arg0: i32) -> (i32, i32) {
    %c0_i32 = arith.constant 0 : i32
    %c0_i32_0 = arith.constant 0 : i32
    %c0_i32_1 = arith.constant 0 : i32
    return %c0_i32, %c0_i32_0 : i32, i32
  }
}

module attributes {stable_mosaic.version = 14 : i64} {
  func.func @body(%arg0: i32, %arg1: memref<1x1x1000xi32, #tpu.memory_space<vmem>>, %arg2: memref<1000x512xf32, #tpu.memory_space<vmem>>, %arg3: memref<1x512xf32, #tpu.memory_space<vmem>>, %arg4: memref<1x512xf32, #tpu.memory_space<vmem>>, %arg5: memref<1x512xf32, #tpu.memory_space<vmem>>, %arg6: memref<1x512xf32, #tpu.memory_space<vmem>>, %arg7: memref<512x512xf32, #tpu.memory_space<vmem>>, %arg8: memref<1x512xf32, #tpu.memory_space<vmem>>, %arg9: memref<512x128xf32, #tpu.memory_space<vmem>>, %arg10: memref<1x128xf32, #tpu.memory_space<vmem>>, %arg11: memref<16x128xf32, #tpu.memory_space<vmem>>, %arg12: memref<16x512xf32, #tpu.memory_space<vmem>>, %arg13: memref<16x1xf32, #tpu.memory_space<vmem>>) attributes {dimension_semantics = [#tpu.dimension_semantics<arbitrary>], iteration_bounds = array<i64: 10>, scalar_prefetch = 0 : i64, scratch_operands = 2 : i64, tpu.core_type = #tpu.core_type<tc>, window_params = [{transform_indices = @transform_0, window_bounds = array<i64: 1, 1, 1000>}, {transform_indices = @transform_1, window_bounds = array<i64: 1000, 512>}, {pipeline_mode = #tpu.pipeline_mode<synchronous>, transform_indices = @transform_2, window_bounds = array<i64: 1, 512>}, {pipeline_mode = #tpu.pipeline_mode<synchronous>, transform_indices = @transform_3, window_bounds = array<i64: 1, 512>}, {pipeline_mode = #tpu.pipeline_mode<synchronous>, transform_indices = @transform_4, window_bounds = array<i64: 1, 512>}, {pipeline_mode = #tpu.pipeline_mode<synchronous>, transform_indices = @transform_5, window_bounds = array<i64: 1, 512>}, {pipeline_mode = #tpu.pipeline_mode<synchronous>, transform_indices = @transform_6, window_bounds = array<i64: 512, 512>}, {pipeline_mode = #tpu.pipeline_mode<synchronous>, transform_indices = @transform_7, window_bounds = array<i64: 1, 512>}, {pipeline_mode = #tpu.pipeline_mode<synchronous>, transform_indices = @transform_8, window_bounds = array<i64: 512, 128>}, {pipeline_mode = #tpu.pipeline_mode<synchronous>, transform_indices = @transform_9, window_bounds = array<i64: 1, 128>}, {pipeline_mode = #tpu.pipeline_mode<synchronous>, transform_indices = @transform_10, window_bounds = array<i64: 16, 128>}]} {
    %get3A = arith.constant 0 : index
    %get3A_0 = arith.constant 0 : index
    %get3A_1 = vector.load %arg3[%get3A, %get3A_0] : memref<1x512xf32, #tpu.memory_space<vmem>>, vector<1x512xf32>
    %mul3A = arith.constant 9.99999974E-5 : f32
    %mul3A_2 = vector.broadcast %mul3A : f32 to vector<1x512xf32>
    %mul3A_3 = arith.mulf %get3A_1, %mul3A_2 : vector<1x512xf32>
    %get3A_4 = arith.constant 0 : index
    %get3A_5 = arith.constant 0 : index
    %get3A_6 = vector.load %arg4[%get3A_4, %get3A_5] : memref<1x512xf32, #tpu.memory_space<vmem>>, vector<1x512xf32>
    %mul3A_7 = arith.constant 9.99999974E-5 : f32
    %mul3A_8 = vector.broadcast %mul3A_7 : f32 to vector<1x512xf32>
    %mul3A_9 = arith.mulf %get3A_6, %mul3A_8 : vector<1x512xf32>
    %mul3A_10 = arith.mulf %mul3A_3, %mul3A_3 : vector<1x512xf32>
    %sub3A = arith.subf %mul3A_9, %mul3A_10 : vector<1x512xf32>
    %add3A = arith.constant 9.99999974E-6 : f32
    %add3A_11 = vector.broadcast %add3A : f32 to vector<1x512xf32>
    %add3A_12 = arith.addf %sub3A, %add3A_11 : vector<1x512xf32>
    %rsqrt3A = math.rsqrt %add3A_12 : vector<1x512xf32>
    %get3A_13 = arith.constant 0 : index
    %get3A_14 = arith.constant 0 : index
    %get3A_15 = vector.load %arg5[%get3A_13, %get3A_14] : memref<1x512xf32, #tpu.memory_space<vmem>>, vector<1x512xf32>
    %mul3A_16 = arith.mulf %rsqrt3A, %get3A_15 : vector<1x512xf32>
    %get3A_17 = arith.constant 0 : index
    %get3A_18 = arith.constant 0 : index
    %get3A_19 = vector.load %arg2[%get3A_17, %get3A_18] : memref<1000x512xf32, #tpu.memory_space<vmem>>, vector<1000x512xf32>
    %sub3A_20 = vector.broadcast %mul3A_3 : vector<1x512xf32> to vector<1000x512xf32>
    %sub3A_21 = arith.subf %get3A_19, %sub3A_20 : vector<1000x512xf32>
    %mul3A_22 = vector.broadcast %mul3A_16 : vector<1x512xf32> to vector<1000x512xf32>
    %mul3A_23 = arith.mulf %sub3A_21, %mul3A_22 : vector<1000x512xf32>
    %get3A_24 = arith.constant 0 : index
    %get3A_25 = arith.constant 0 : index
    %get3A_26 = vector.load %arg6[%get3A_24, %get3A_25] : memref<1x512xf32, #tpu.memory_space<vmem>>, vector<1x512xf32>
    %add3A_27 = vector.broadcast %get3A_26 : vector<1x512xf32> to vector<1000x512xf32>
    %add3A_28 = arith.addf %mul3A_23, %add3A_27 : vector<1000x512xf32>
    %get3A_29 = arith.constant 0 : index
    %get3A_30 = arith.constant 0 : index
    %get3A_31 = arith.constant 0 : index
    %get3A_32 = vector.load %arg1[%get3A_29, %get3A_30, %get3A_31] : memref<1x1x1000xi32, #tpu.memory_space<vmem>>, vector<1x1x1000xi32>
    %get3A_33 = vector.shape_cast %get3A_32 : vector<1x1x1000xi32> to vector<1000xi32>
    %iota3A = tpu.iota {dimensions = array<i32: 0>} : vector<16x1000xi32>
    %broadcast_in_dim3A = vector.shape_cast %get3A_33 : vector<1000xi32> to vector<1x1000xi32>
    %eq3A = vector.broadcast %broadcast_in_dim3A : vector<1x1000xi32> to vector<16x1000xi32>
    %eq3A_34 = arith.cmpi eq, %eq3A, %iota3A : vector<16x1000xi32>
    %convert_element_type3A = arith.extui %eq3A_34 : vector<16x1000xi1> to vector<16x1000xi32>
    %convert_element_type3A_35 = arith.sitofp %convert_element_type3A : vector<16x1000xi32> to vector<16x1000xf32>
    %dot_general3A = arith.constant dense<0.000000e+00> : vector<16x512xf32>
    %dot_general3A_36 = tpu.matmul %convert_element_type3A_35, %add3A_28, %dot_general3A {dimension_numbers = #tpu.dot_dimension_numbers<[1], [0], [0], [1], [0, 0, 1, 1], [], []>, transpose_lhs_hint = false} : vector<16x1000xf32>, vector<1000x512xf32>, vector<16x512xf32> -> vector<16x512xf32>
    %reduce_sum3A = arith.constant dense<0.000000e+00> : vector<16xf32>
    %reduce_sum3A_37 = vector.multi_reduction <add>, %convert_element_type3A_35, %reduce_sum3A [1] : vector<16x1000xf32> to vector<16xf32>
    %broadcast_in_dim3A_38 = vector.shape_cast %reduce_sum3A_37 : vector<16xf32> to vector<16x1xf32>
    %eq3A_39 = arith.constant 0 : i32
    %eq3A_40 = arith.cmpi eq, %arg0, %eq3A_39 : i32
    %convert_element_type3A_41 = arith.extui %eq3A_40 : i1 to i32
    %cond3A = arith.constant 0 : i32
    %cond3A_42 = arith.cmpi ne, %convert_element_type3A_41, %cond3A : i32
    scf.if %cond3A_42 {
      %swap3A = arith.constant 0 : index
      %swap3A_52 = arith.constant 0 : index
      %swap3A_53 = vector.load %arg12[%swap3A, %swap3A_52] : memref<16x512xf32, #tpu.memory_space<vmem>>, vector<16x512xf32>
      tpu.vector_store %arg12[%swap3A, %swap3A_52], %dot_general3A_36 {strides = array<i32>} : memref<16x512xf32, #tpu.memory_space<vmem>>, vector<16x512xf32>,
      %swap3A_54 = arith.constant 0 : index
      %swap3A_55 = arith.constant 0 : index
      %swap3A_56 = vector.load %arg13[%swap3A_54, %swap3A_55] : memref<16x1xf32, #tpu.memory_space<vmem>>, vector<16x1xf32>
      tpu.vector_store %arg13[%swap3A_54, %swap3A_55], %broadcast_in_dim3A_38 {strides = array<i32>} : memref<16x1xf32, #tpu.memory_space<vmem>>, vector<16x1xf32>,
    } else {
    }
    %gt3A = arith.constant 0 : i32
    %gt3A_43 = arith.cmpi sgt, %arg0, %gt3A : i32
    %convert_element_type3A_44 = arith.extui %gt3A_43 : i1 to i32
    %cond3A_45 = arith.constant 0 : i32
    %cond3A_46 = arith.cmpi ne, %convert_element_type3A_44, %cond3A_45 : i32
    scf.if %cond3A_46 {
      %get3A_52 = arith.constant 0 : index
      %get3A_53 = arith.constant 0 : index
      %get3A_54 = vector.load %arg12[%get3A_52, %get3A_53] : memref<16x512xf32, #tpu.memory_space<vmem>>, vector<16x512xf32>
      %add3A_55 = arith.addf %get3A_54, %dot_general3A_36 : vector<16x512xf32>
      %swap3A = arith.constant 0 : index
      %swap3A_56 = arith.constant 0 : index
      %swap3A_57 = vector.load %arg12[%swap3A, %swap3A_56] : memref<16x512xf32, #tpu.memory_space<vmem>>, vector<16x512xf32>
      tpu.vector_store %arg12[%swap3A, %swap3A_56], %add3A_55 {strides = array<i32>} : memref<16x512xf32, #tpu.memory_space<vmem>>, vector<16x512xf32>,
      %get3A_58 = arith.constant 0 : index
      %get3A_59 = arith.constant 0 : index
      %get3A_60 = vector.load %arg13[%get3A_58, %get3A_59] : memref<16x1xf32, #tpu.memory_space<vmem>>, vector<16x1xf32>
      %add3A_61 = arith.addf %get3A_60, %broadcast_in_dim3A_38 : vector<16x1xf32>
      %swap3A_62 = arith.constant 0 : index
      %swap3A_63 = arith.constant 0 : index
      %swap3A_64 = vector.load %arg13[%swap3A_62, %swap3A_63] : memref<16x1xf32, #tpu.memory_space<vmem>>, vector<16x1xf32>
      tpu.vector_store %arg13[%swap3A_62, %swap3A_63], %add3A_61 {strides = array<i32>} : memref<16x1xf32, #tpu.memory_space<vmem>>, vector<16x1xf32>,
    } else {
    }
    %eq3A_47 = arith.constant 9 : i32
    %eq3A_48 = arith.cmpi eq, %arg0, %eq3A_47 : i32
    %convert_element_type3A_49 = arith.extui %eq3A_48 : i1 to i32
    %cond3A_50 = arith.constant 0 : i32
    %cond3A_51 = arith.cmpi ne, %convert_element_type3A_49, %cond3A_50 : i32
    scf.if %cond3A_51 {
      %get3A_52 = arith.constant 0 : index
      %get3A_53 = arith.constant 0 : index
      %get3A_54 = vector.load %arg12[%get3A_52, %get3A_53] : memref<16x512xf32, #tpu.memory_space<vmem>>, vector<16x512xf32>
      %get3A_55 = arith.constant 0 : index
      %get3A_56 = arith.constant 0 : index
      %get3A_57 = vector.load %arg13[%get3A_55, %get3A_56] : memref<16x1xf32, #tpu.memory_space<vmem>>, vector<16x1xf32>
      %max3A = arith.constant 1.000000e+00 : f32
      %max3A_58 = vector.broadcast %max3A : f32 to vector<16x1xf32>
      %max3A_59 = arith.maximumf %get3A_57, %max3A_58 : vector<16x1xf32>
      %div3A = vector.broadcast %max3A_59 : vector<16x1xf32> to vector<16x512xf32>
      %div3A_60 = arith.divf %get3A_54, %div3A : vector<16x512xf32>
      %get3A_61 = arith.constant 0 : index
      %get3A_62 = arith.constant 0 : index
      %get3A_63 = vector.load %arg7[%get3A_61, %get3A_62] : memref<512x512xf32, #tpu.memory_space<vmem>>, vector<512x512xf32>
      %dot_general3A_64 = arith.constant dense<0.000000e+00> : vector<16x512xf32>
      %dot_general3A_65 = tpu.matmul %div3A_60, %get3A_63, %dot_general3A_64 {dimension_numbers = #tpu.dot_dimension_numbers<[1], [0], [0], [1], [0, 0, 1, 1], [], []>, transpose_lhs_hint = false} : vector<16x512xf32>, vector<512x512xf32>, vector<16x512xf32> -> vector<16x512xf32>
      %get3A_66 = arith.constant 0 : index
      %get3A_67 = arith.constant 0 : index
      %get3A_68 = vector.load %arg8[%get3A_66, %get3A_67] : memref<1x512xf32, #tpu.memory_space<vmem>>, vector<1x512xf32>
      %add3A_69 = vector.broadcast %get3A_68 : vector<1x512xf32> to vector<16x512xf32>
      %add3A_70 = arith.addf %dot_general3A_65, %add3A_69 : vector<16x512xf32>
      %max3A_71 = arith.constant 0.000000e+00 : f32
      %max3A_72 = vector.broadcast %max3A_71 : f32 to vector<16x512xf32>
      %max3A_73 = arith.maximumf %add3A_70, %max3A_72 : vector<16x512xf32>
      %get3A_74 = arith.constant 0 : index
      %get3A_75 = arith.constant 0 : index
      %get3A_76 = vector.load %arg9[%get3A_74, %get3A_75] : memref<512x128xf32, #tpu.memory_space<vmem>>, vector<512x128xf32>
      %dot_general3A_77 = arith.constant dense<0.000000e+00> : vector<16x128xf32>
      %dot_general3A_78 = tpu.matmul %max3A_73, %get3A_76, %dot_general3A_77 {dimension_numbers = #tpu.dot_dimension_numbers<[1], [0], [0], [1], [0, 0, 1, 1], [], []>, transpose_lhs_hint = false} : vector<16x512xf32>, vector<512x128xf32>, vector<16x128xf32> -> vector<16x128xf32>
      %get3A_79 = arith.constant 0 : index
      %get3A_80 = arith.constant 0 : index
      %get3A_81 = vector.load %arg10[%get3A_79, %get3A_80] : memref<1x128xf32, #tpu.memory_space<vmem>>, vector<1x128xf32>
      %add3A_82 = vector.broadcast %get3A_81 : vector<1x128xf32> to vector<16x128xf32>
      %add3A_83 = arith.addf %dot_general3A_78, %add3A_82 : vector<16x128xf32>
      %reduce_max3A = arith.constant dense<0xFF800000> : vector<16xf32>
      %reduce_max3A_84 = vector.multi_reduction <maximumf>, %add3A_83, %reduce_max3A [1] : vector<16x128xf32> to vector<16xf32>
      %broadcast_in_dim3A_85 = vector.shape_cast %reduce_max3A_84 : vector<16xf32> to vector<16x1xf32>
      %sub3A_86 = vector.broadcast %broadcast_in_dim3A_85 : vector<16x1xf32> to vector<16x128xf32>
      %sub3A_87 = arith.subf %add3A_83, %sub3A_86 : vector<16x128xf32>
      %exp3A = math.exp %sub3A_87 : vector<16x128xf32>
      %reduce_sum3A_88 = arith.constant dense<0.000000e+00> : vector<16xf32>
      %reduce_sum3A_89 = vector.multi_reduction <add>, %exp3A, %reduce_sum3A_88 [1] : vector<16x128xf32> to vector<16xf32>
      %broadcast_in_dim3A_90 = vector.shape_cast %reduce_sum3A_89 : vector<16xf32> to vector<16x1xf32>
      %log3A = math.log %broadcast_in_dim3A_90 : vector<16x1xf32>
      %add3A_91 = arith.addf %log3A, %broadcast_in_dim3A_85 : vector<16x1xf32>
      %sub3A_92 = vector.broadcast %add3A_91 : vector<16x1xf32> to vector<16x128xf32>
      %sub3A_93 = arith.subf %add3A_83, %sub3A_92 : vector<16x128xf32>
      %swap3A = arith.constant 0 : index
      %swap3A_94 = arith.constant 0 : index
      %swap3A_95 = vector.load %arg11[%swap3A, %swap3A_94] : memref<16x128xf32, #tpu.memory_space<vmem>>, vector<16x128xf32>
      tpu.vector_store %arg11[%swap3A, %swap3A_94], %sub3A_93 {strides = array<i32>} : memref<16x128xf32, #tpu.memory_space<vmem>>, vector<16x128xf32>,
    } else {
    }
    return
  }
  func.func @transform_0(%arg0: i32) -> (i32, i32, i32) {
    %c0_i32 = arith.constant 0 : i32
    %c0_i32_0 = arith.constant 0 : i32
    %c0_i32_1 = arith.constant 0 : i32
    return %arg0, %c0_i32, %c0_i32_0 : i32, i32, i32
  }
  func.func @transform_1(%arg0: i32) -> (i32, i32) {
    %c0_i32 = arith.constant 0 : i32
    %c0_i32_0 = arith.constant 0 : i32
    return %arg0, %c0_i32 : i32, i32
  }
  func.func @transform_2(%arg0: i32) -> (i32, i32) {
    %c0_i32 = arith.constant 0 : i32
    %c0_i32_0 = arith.constant 0 : i32
    %c0_i32_1 = arith.constant 0 : i32
    return %c0_i32, %c0_i32_0 : i32, i32
  }
  func.func @transform_3(%arg0: i32) -> (i32, i32) {
    %c0_i32 = arith.constant 0 : i32
    %c0_i32_0 = arith.constant 0 : i32
    %c0_i32_1 = arith.constant 0 : i32
    return %c0_i32, %c0_i32_0 : i32, i32
  }
  func.func @transform_4(%arg0: i32) -> (i32, i32) {
    %c0_i32 = arith.constant 0 : i32
    %c0_i32_0 = arith.constant 0 : i32
    %c0_i32_1 = arith.constant 0 : i32
    return %c0_i32, %c0_i32_0 : i32, i32
  }
  func.func @transform_5(%arg0: i32) -> (i32, i32) {
    %c0_i32 = arith.constant 0 : i32
    %c0_i32_0 = arith.constant 0 : i32
    %c0_i32_1 = arith.constant 0 : i32
    return %c0_i32, %c0_i32_0 : i32, i32
  }
  func.func @transform_6(%arg0: i32) -> (i32, i32) {
    %c0_i32 = arith.constant 0 : i32
    %c0_i32_0 = arith.constant 0 : i32
    %c0_i32_1 = arith.constant 0 : i32
    return %c0_i32, %c0_i32_0 : i32, i32
  }
  func.func @transform_7(%arg0: i32) -> (i32, i32) {
    %c0_i32 = arith.constant 0 : i32
    %c0_i32_0 = arith.constant 0 : i32
    %c0_i32_1 = arith.constant 0 : i32
    return %c0_i32, %c0_i32_0 : i32, i32
  }
  func.func @transform_8(%arg0: i32) -> (i32, i32) {
    %c0_i32 = arith.constant 0 : i32
    %c0_i32_0 = arith.constant 0 : i32
    %c0_i32_1 = arith.constant 0 : i32
    return %c0_i32, %c0_i32_0 : i32, i32
  }
  func.func @transform_9(%arg0: i32) -> (i32, i32) {
    %c0_i32 = arith.constant 0 : i32
    %c0_i32_0 = arith.constant 0 : i32
    %c0_i32_1 = arith.constant 0 : i32
    return %c0_i32, %c0_i32_0 : i32, i32
  }
  func.func @transform_10(%arg0: i32) -> (i32, i32) {
    %c0_i32 = arith.constant 0 : i32
    %c0_i32_0 = arith.constant 0 : i32
    %c0_i32_1 = arith.constant 0 : i32
    return %c0_i32, %c0_i32_0 : i32, i32
  }
}

</mosaic_0001>

<sc_bundles>
// kernel: kernel.14.cloned.1.call-start
scs
__scs_entry_jumppad:
0x0: {  	(pc) =	sbr.rel $0x88, $3  }
0x1: {  	(tag) =	ssettag $0x0;
	lr =	simm.s32 $0x1  }
0x2: {  	[smem:$0x3F82] =	sst lr;
	_ =	strace $0xD0000000  }
0x3: {  	_ = 	snop  }
0x4: {  	_ = 	snop  }
0x5: {  	_ = 	snop  }
0x6: {  	_ = 	snop  }
0x7: {  	_ = 	snop  }
__scs_overlays_trampoline_lowered:
0x8: {  	[smem:$0x3F91] =	sst s0  }
0x9: {  	[smem:$0x3F92] =	sst s1  }
0xa: {  	[smem:$0x3F93] =	sst s2  }
0xb: {  	[smem:$0x3F94] =	sst s3  }
0xc: {  	[smem:$0x3F95] =	sst s4  }
0xd: {  	[smem:$0x3F96] =	sst s5  }
0xe: {  	[smem:$0x3F97] =	sst s6  }
0xf: {  	[smem:$0x3F98] =	sst s7  }
0x10: {  	[smem:$0x3F99] =	sst s8  }
0x11: {  	[smem:$0x3F9A] =	sst s9;
	s0 =	simm.s32 @!p0 $0x0  }
0x12: {  	s1 =	sld [smem:$0x3F80];
	s0 =	simm.s32 @p0 $0x1  }
0x13: {  	[smem:$0x3F9B] =	sst s0;
	s0 =	simm.s32 @!p1 $0x0  }
0x14: {  	s2 =	sld [smem:$0x3F7F];
	s0 =	simm.s32 @p1 $0x1  }
0x15: {  	[smem:$0x3F9C] =	sst s0;
	s0 =	simm.s32 @!p2 $0x0  }
0x16: {  	s3 =	sld [smem:$0x3FDB];
	s0 =	simm.s32 @p2 $0x1  }
0x17: {  	s4 =	simm.s32 $0x1BF5;
	[smem:$0x3F9E] =	sst s0  }
0x18: {  	s0 =	sld [smem:$0x3F81];
	_ =	swait.ge [sflag:s4], $0x0  }
0x19: {  	s7 =	sld [smem:$0x3F82]  }
0x1a: {  	s8 =	sadd.s32 $0xFFFFE003, lr  }
0x1b: {  	s9 =	sadd.s32 $0xFFFFFEF7, lr;
	s5 =	simm.s32 $0xFFFFFFFF;
	p2 =	slt.u32 s8, $0xFFFFF086  }
0x1c: {  	p1 =	slt.u32 s9, $0xF7A;
	s5 =	simm.s32 @!p2 $0x0  }
0x1d: {  	s5 =	simm.s32 @p1 $0x1;
	p0 =	seq.s32 s7, s2  }
0x1e: {  	s7 =	smul.u32 @!p0 $0xF7A, s2;
	p2 =	seq.s32 @!p0 s5, $0x0  }
0x1f: {  	s9 =	smul.u32 $0xF7A, s1;
	s8 =	simm.s32 @!p0 $0x1BF5;
	p2 =	por !p2, p0  }
0x20: {  	[sflag:s8] =	ssyncset.s32 @!p0 $0xFFFFF086;
	s6 =	sadd.s32 @!p0 s3, s7;
	s7 =	simm.s32 @!p0 $0x108  }
0x21: {  	s3 =	sadd.s32 s3, s9;
	s6 =	sadd.s32 @!p0 $0x88, s6;
	s7 =	simm.s32 @p2 $0x1082  }
0x22: {  	[simem:s7], [sflag:s8] =	dma.local @!p0 [hbm:s6], $0xF7A  }
0x23: {  	s9 =	sor.u32 $0xD0000000, s2;
	s6 =	simm.s32 $0x108;
	_ =	swait.ge @!p0 [sflag:s8], $0x0  }
0x24: {  	s3 =	sadd.s32 $0x88, s3;
	s6 =	simm.s32 @!p1 $0x1082;
	[sflag:s4] =	ssyncset.s32 $0xFFFFF086  }
0x25: {  	[simem:s6], [sflag:s4] =	dma.local [hbm:s3], $0xF7A  }
0x26: {  	[smem:$0x3F82] =	sst s1;
	(tag) =	ssettag s2;
	_ =	strace s9  }
0x27: {  	s1 =	sld [smem:$0x3F92]  }
0x28: {  	s2 =	sld [smem:$0x3F93]  }
0x29: {  	s4 =	sld [smem:$0x3F95]  }
0x2a: {  	p0 =	seq.s32 s5, $0x0;
	s5 =	sld [smem:$0x3F96]  }
0x2b: {  	s6 =	sld [smem:$0x3F97]  }
0x2c: {  	s7 =	sld [smem:$0x3F98]  }
0x2d: {  	s3 =	simm.s32 $0x108;
	s8 =	sld [smem:$0x3F99]  }
0x2e: {  	s3 =	simm.s32 @!p0 $0x1082;
	s9 =	sld [smem:$0x3F9A]  }
0x2f: {  	lr =	sadd.s32 s0, s3;
	s0 =	sld [smem:$0x3F91]  }
0x30: {  	s3 =	sld [smem:$0x3F94]  }
0x31: {  	[smem:$0x3F9D] =	sst s10  }
0x32: {  	s10 =	sld [smem:$0x3F9B];
	_ =	sdelay $0x3  }
0x33: {  	p0 =	seq.s32 s10, $0x1;
	s10 =	sld [smem:$0x3F9D];
	_ =	sdelay $0x3  }
0x34: {  	[smem:$0x3F9D] =	sst s10  }
0x35: {  	s10 =	sld [smem:$0x3F9C];
	_ =	sdelay $0x3  }
0x36: {  	p1 =	seq.s32 s10, $0x1;
	s10 =	sld [smem:$0x3F9D];
	_ =	sdelay $0x3  }
0x37: {  	[smem:$0x3F9D] =	sst s10  }
0x38: {  	s10 =	sld [smem:$0x3F9E]  }
0x39: {  	_ = 	snop;
	(pc) =	sbr.ind lr, $3  }
0x3a: {  	_ = 	snop  }
0x3b: {  	_ = 	snop  }
0x3c: {  	p2 =	seq.s32 s10, $0x1;
	s10 =	sld [smem:$0x3F9D]  }
0x3d: {  	_ =	shalt  }
0x3e: {  	_ =	shalt  }
0x3f: {  	_ =	shalt  }
0x40: {  	_ =	shalt  }
0x41: {  	_ =	shalt  }
0x42: {  	_ =	shalt  }
0x43: {  	_ =	shalt  }
0x44: {  	_ =	shalt  }
0x45: {  	_ =	shalt  }
0x46: {  	_ =	shalt  }
0x47: {  	_ =	shalt  }
0x48: {  	_ =	shalt  }
0x49: {  	_ =	shalt  }
0x4a: {  	_ =	shalt  }
0x4b: {  	_ =	shalt  }
0x4c: {  	_ =	shalt  }
0x4d: {  	_ =	shalt  }
0x4e: {  	_ =	shalt  }
0x4f: {  	_ =	shalt  }
0x50: {  	_ =	shalt  }
0x51: {  	_ =	shalt  }
0x52: {  	_ =	shalt  }
0x53: {  	_ =	shalt  }
0x54: {  	_ =	shalt  }
0x55: {  	_ =	shalt  }
0x56: {  	_ =	shalt  }
0x57: {  	_ =	shalt  }
0x58: {  	_ =	shalt  }
0x59: {  	_ =	shalt  }
0x5a: {  	_ =	shalt  }
0x5b: {  	_ =	shalt  }
0x5c: {  	_ =	shalt  }
0x5d: {  	_ =	shalt  }
0x5e: {  	_ =	shalt  }
0x5f: {  	_ =	shalt  }
0x60: {  	_ =	shalt  }
0x61: {  	_ =	shalt  }
0x62: {  	_ =	shalt  }
0x63: {  	_ =	shalt  }
0x64: {  	_ =	shalt  }
0x65: {  	_ =	shalt  }
0x66: {  	_ =	shalt  }
0x67: {  	_ =	shalt  }
0x68: {  	_ =	shalt  }
0x69: {  	_ =	shalt  }
0x6a: {  	_ =	shalt  }
0x6b: {  	_ =	shalt  }
0x6c: {  	_ =	shalt  }
0x6d: {  	_ =	shalt  }
0x6e: {  	_ =	shalt  }
0x6f: {  	_ =	shalt  }
0x70: {  	_ =	shalt  }
0x71: {  	_ =	shalt  }
0x72: {  	_ =	shalt  }
0x73: {  	_ =	shalt  }
0x74: {  	_ =	shalt  }
0x75: {  	_ =	shalt  }
0x76: {  	_ =	shalt  }
0x77: {  	_ =	shalt  }
0x78: {  	_ =	shalt  }
0x79: {  	_ =	shalt  }
0x7a: {  	_ =	shalt  }
0x7b: {  	_ =	shalt  }
0x7c: {  	_ =	shalt  }
0x7d: {  	_ =	shalt  }
0x7e: {  	_ =	shalt  }
0x7f: {  	_ =	shalt  }
0x80: {  	_ =	shalt  }
0x81: {  	_ =	shalt  }
0x82: {  	_ =	shalt  }
0x83: {  	_ =	shalt  }
0x84: {  	_ =	shalt  }
0x85: {  	_ =	shalt  }
0x86: {  	_ =	shalt  }
0x87: {  	_ =	shalt  }
.Lfunc_end0:
.L_simem_size_0:
called_computation_lowered:
.L_overlay_start_0:
0x88: {  	s2 =	sld [smem:$0x3FD9]  }
0x89: {  	s3 =	sld [smem:$0x3FFE];
	_ =	sdelay $0x1  }
0x8a: {  	s1 =	srdreg.scid  }
0x8b: {  	s0 =	sand.u32 $0x1, s1  }
0x8c: {  	s16 =	sshll.u32 s0, $0xA;
	s2 =	sadd.s32 s3, s2  }
0x8d: {  	s2 =	sadd.s32 s2, s16  }
0x8e: {  	[smem:$0x3FA9] =	sst s2  }
0x8f: {  	_ = 	snop  }
0x90: {  	(tm) =	ssettm $0x1  }
0x91: {  	s17 =	sld [smem:$0x3FFB];
	_ =	sdelay $0x3  }
0x92: {  	_ =	strace s17  }
0x93: {  	s2 =	sld [smem:$0x3FFC];
	_ =	sdelay $0x3  }
0x94: {  	_ =	strace s2  }
0x95: {  	s2 =	sld [smem:$0x3FFD];
	_ =	sdelay $0x3  }
0x96: {  	_ =	strace s2  }
0x97: {  	_ =	strace $0x8FFFFFFF  }
0x98: {  	s18 =	sld [smem:$0x3FDB];
	_ =	sdelay $0x1  }
0x99: {  	s19 =	simm.s32 $_scs_section_size  }
0x9a: {  	s4 =	simm.s32 $_size__tile_overlayer_lowered;
	s5 =	simm.s32 $_tile_overlayer_lowered  }
0x9b: {  	s22 =	simm.s32 $0x1BFF;
	s21 =	sshll.u32 s5, $0x1;
	s2 =	sadd.s32 s19, s18  }
0x9c: {  	s6 =	simm.s32 $0x0;
	s20 =	sshll.u32 s4, $0x1;
	s4 =	sadd.s32 s21, s2  }
0x9d: {  	[timem:s6], [sflag:s22] =	dma.local [hbm:s4], s20  }
0x9e: {  	_ =	swait.ge [sflag:s22], s20  }
0x9f: {  	s3 =	ssub.s32 $0x0, s20;
	[sflag:s22] =	ssyncset.done $0x0  }
0xa0: {  	[sflag:s22] =	ssyncadd.s32 s3;
	_ =	sdelay $0x1  }
0xa1: {  	s23 =	simm.s32 $0x1B8B  }
0xa2: {  	_ =	swait.ge [sflag:s23], $0x1  }
0xa3: {  	[sflag:s23] =	ssyncset.done $0x0  }
0xa4: {  	s25 =	simm.s32 $0x1B8E;
	s24 =	sld [smem:$0x3FFE];
	[sflag:s23] =	ssyncadd.s32 $0xFFFFFFFF  }
0xa5: {  	s26 =	simm.s32 $execute0_lowered;
	[smem:$0x3FD2] =	sst s25  }
0xa6: {  	s4 =	sshll.u32 s26, $0x1;
	_ =	strace $0x80000046;
	[dreg:$0x1] =	wrdreg $0xFFFFFFFF  }
0xa7: {  	s28 =	simm.s32 $_size_execute0_lowered;
	s2 =	sadd.s32 s2, s4;
	[dreg:$0x0] =	wrdreg $0x0  }
0xa8: {  	s4 =	sshll.u32 s28, $0x1;
	[dreg:$0x2] =	wrdreg s2  }
0xa9: {  	[dreg:$0x3] =	wrdreg s4  }
0xaa: {  	[dreg:$0x4] =	wrdreg $0xC0  }
0xab: {  	_ =	task [dreg:s6], $0x5FFFF  }
0xac: {  	[dreg:$0x1] =	wrdreg $0xFFFFFFFF  }
0xad: {  	[dreg:$0x0] =	wrdreg $0x60  }
0xae: {  	[dreg:$0x2] =	wrdreg s24  }
0xaf: {  	[dreg:$0x3] =	wrdreg $0x0  }
0xb0: {  	[dreg:$0x4] =	wrdreg $0x9  }
0xb1: {  	_ =	task.clear_ibuf [dreg:s6], $0x5FFFF;
	_ =	strace $0x90000046  }
0xb2: {  	s29 =	simm.s32 $0x9;
	_ =	strace $0x80000048  }
0xb3: {  	_ =	swait.ge [sflag:s29], $0x1  }
0xb4: {  	[sflag:s29] =	ssyncadd.s32 $0xFFFFFFFF  }
0xb5: {  	_ =	strace $0x90000048  }
0xb6: {  	_ =	sfence  }
0xb7: {  	s30 =	sld [smem:$0x0];
	_ =	sdelay $0x2  }
0xb8: {  	s31 =	sshll.u32 s1, $0xD;
	s1 =	sshrl.u32 s1, $0x2  }
0xb9: {  	s3 =	sand.u32 $0x4000, s31;
	s1 =	sadd.s32 s1, s30  }
0xba: {  	s0 =	sor.u32 s3, s0;
	s1 =	sshll.u32 s1, $0x11  }
0xbb: {  	s0 =	sor.u32 s1, s0  }
0xbc: {  	s0 =	sadd.s32 $0x8F2B, s0  }
0xbd: {  	[sflag:s0] =	ssyncadd.remote.s32 $0x1  }
0xbe: {  	_ =	sfence.sel $0xFFFF  }
0xbf: {  	[dreg:$0x0] =	wrdreg $0xFFFFFFFF;
	(pc) =	sbr.abs _section_cstart, $3  }
0xc0: {  	[dreg:$0x1] =	wrdreg $0xFFFFFFFF  }
0xc1: {  	_ =	task.clear_ibuf [dreg:s6], $0x2FFFF;
	_ =	strace $0x9FFFFFFF  }
0xc2: {  	(tm) =	ssettm $0x7FFFFFFF  }
0xc3: {  	_ =	shalt  }
tec
execute0_lowered:
.L_overlay_start_1:
0x0: {  	(tag) =	ssettag $0x1  }
0x1: {  	s8 =	rddreg [dreg:$0x0]  }
0x2: {  	s2 =	rddreg [dreg:$0x1]  }
0x3: {  	s0 =	rddreg [dreg:$0x2];
	s3 =	simm.s32 $0x0  }
0x4: {  	s1 =	stileid.u32;
	s5 =	srdreg.scid;
	s16 =	simm.s32 $0x13C00  }
0x5: {  	s17 =	simm.s32 $0x17C00;
	s18 =	simm.s32 $0x50;
	s19 =	simm.s32 $0x1BC00  }
0x6: {  	s20 =	simm.s32 $0x1;
	s21 =	simm.s32 $0x2;
	s22 =	simm.s32 $0x1BA00  }
0x7: {  	s23 =	simm.s32 $0x0;
	[smem:$0x7FF] =	sst s3;
	s4 =	sshll.u32 s1, $0xB  }
0x8: {  	s9 =	sand.u32 $0x1, s5;
	s5 =	sadd.s32 $0x40E00, s8;
	s12 =	smul.u32 $0x4F000, s1  }
0x9: {  	s6 =	sadd.s32 $0x19C00, s8;
	s7 =	sadd.s32 $0x6A800, s8;
	s15 =	sshll.u32 s1, $0x6  }
0xa: {  	_ =	strace $0x80000047;
	s10 =	sadd.s32 s4, s8;
	s4 =	sadd.s32 $0x68000, s8  }
.Ltmp0:
0xb: {  	s11 =	ssub.s32 $0x2, s9;
	s8 =	sadd.s32 $0x92000, s8;
	(pc) =	sbr.rel .LBB2_1-.Ltmp0, $4  }
0xc: {  	p0 =	seq.s32 s9, $0x1;
	s13 =	sshrl.u32 s11, $0x1;
	s31 =	sshrl.u32 s12, $0x2  }
0xd: {  	s9 =	sadd.s32 $0x9C00, s10;
	s10 =	sadd.s32 $0x11C00, s10;
	s13 =	ssub.s32 s11, s13  }
0xe: {  	s14 =	sadd.s32 s31, s2;
	s11 =	smul.u32 $0x2780, s1;
	s12 =	smax.u32 s13, $0x1  }
0xf: {  	s13 =	sor.u32 $0x1C03, s15;
	s14 =	sshrl.u32 s14, $0x3;
	s15 =	simm.s32 $0x3  }
.LBB2_7:
0x10: {  	[tilespmem:s19], [sflag:$0x1] =	stream.indirect.gather [hbm4b:s6+s18], $0x80, s25, s18, $0xb8;
	[tilespmem:$0x1E400] =	vst v63  }
0x11: {  	s24 =	smov.u32 s8  }
.LBB2_8:
0x12: {  	_ =	swait.ge [sflag:s20], $0x2800  }
0x13: {  	[sflag:s20] =	ssyncset.done $0x0  }
0x14: {  	[sflag:s20] =	ssyncadd.s32 $0xFFFFD800  }
0x15: {  	[spmem:s2] =	stream.indirect.scatter.add.f32 [tilespmem:s19], [sflag:$0x2], $0x80, s22, s18, $0xb8;
	[tilespmem:$0x1E400] =	vst v63  }
0x16: {  	_ =	swait.ge [sflag:s21], $0x2800  }
0x17: {  	[sflag:s21] =	ssyncset.done $0x0  }
0x18: {  	s23 =	sadd.s32 $0x1, s23;
	[sflag:s21] =	ssyncadd.s32 $0xFFFFD800  }
0x19: {  	s24 =	sadd.s32 s24, s11;
	p1 =	sne.s32 s23, s12;
	[bflag:$0x0] =	sbarrier.arrive $0xFFFF  }
0x1a: {  	[hbm:s24], [sflag:s13] =	dma.local [spmem:s14], $0x2780  }
.Ltmp1:
0x1b: {  	_ =	swait.ge [sflag:s15], $0x2780;
	(pc) =	sbr.rel @!p1 .LBB2_9-.Ltmp1, $3  }
0x1c: {  	[sflag:s15] =	ssyncset.done $0x0  }
0x1d: {  	[sflag:s15] =	ssyncadd.s32 $0xFFFFD880  }
0x1e: {  	[bflag:$0x0] =	sbarrier.arrive $0xFFFF;
	_ =	sdelay $0x1  }
.LBB2_1:
0x1f: {  	[spmem:s14], [sflag:s13] =	dma.local [hbm:s4], $0x2780  }
0x20: {  	_ =	swait.ge [sflag:s15], $0x2780  }
0x21: {  	[sflag:s15] =	ssyncset.done $0x0  }
0x22: {  	[sflag:s15] =	ssyncadd.s32 $0xFFFFD880  }
0x23: {  	[bflag:$0x0] =	sbarrier.arrive $0xFFFF  }
0x24: {  	[tilespmem:s16], [sflag:$0x3] =	stream.linear.gather [hbm4b:s9+s3], $0x3E80, $0x38;
	[tilespmem:$0x1E400] =	vst v63  }
0x25: {  	_ =	swait.ge [sflag:s15], $0x3E80  }
0x26: {  	[sflag:s15] =	ssyncset.done $0x0  }
.Ltmp2:
0x27: {  	[sflag:s15] =	ssyncadd.s32 $0xFFFFC180;
	(pc) =	sbr.rel @!p0 .LBB2_2-.Ltmp2, $4  }
0x28: {  	[tilespmem:s17], [sflag:$0x3] =	stream.linear.gather [hbm4b:s10+s3], $0x3E80, $0x38;
	[tilespmem:$0x1E400] =	vst v63  }
0x29: {  	_ =	swait.ge [sflag:s15], $0x3E80  }
0x2a: {  	[sflag:s15] =	ssyncset.done $0x0  }
0x2b: {  	[sflag:s15] =	ssyncadd.s32 $0xFFFFC180  }
0x2c: {  	[tilespmem:s19], [sflag:$0x1] =	stream.indirect.gather [hbm4b:s6+s18], $0x80, s16, s18, $0xb8;
	[tilespmem:$0x1E400] =	vst v63  }
0x2d: {  	_ =	swait.ge [sflag:s20], $0x2800  }
0x2e: {  	[sflag:s20] =	ssyncset.done $0x0  }
0x2f: {  	s24 =	simm.s32 $0x17C00;
	[sflag:s20] =	ssyncadd.s32 $0xFFFFD800  }
0x30: {  	[spmem:s2] =	stream.indirect.scatter.add.f32 [tilespmem:s19], [sflag:$0x2], $0x80, s24, s18, $0xb8;
	[tilespmem:$0x1E400] =	vst v63  }
0x31: {  	_ =	swait.ge [sflag:s21], $0x2800  }
0x32: {  	[sflag:s21] =	ssyncset.done $0x0  }
0x33: {  	s25 =	simm.s32 $0x13C80;
	s24 =	simm.s32 $0x200;
	[sflag:s21] =	ssyncadd.s32 $0xFFFFD800  }
.LBB2_6:
0x34: {  	[tilespmem:s19], [sflag:$0x1] =	stream.indirect.gather [hbm4b:s6+s18], $0x80, s25, s18, $0xb8;
	[tilespmem:$0x1E400] =	vst v63  }
0x35: {  	s25 =	smov.u32 s24  }
0x36: {  	p1 =	sne.s32 s24, $0xF600;
	s24 =	sadd.s32 $0x200, s24;
	_ =	swait.ge [sflag:s20], $0x2800  }
0x37: {  	s25 =	sshra.s32 s25, $0x2;
	[sflag:s20] =	ssyncset.done $0x0  }
.Ltmp3:
0x38: {  	s26 =	sadd.s32 $0x17C00, s25;
	[sflag:s20] =	ssyncadd.s32 $0xFFFFD800;
	(pc) =	sbr.rel @p1 .LBB2_6-.Ltmp3, $4  }
0x39: {  	[spmem:s2] =	stream.indirect.scatter.add.f32 [tilespmem:s19], [sflag:$0x2], $0x80, s26, s18, $0xb8;
	[tilespmem:$0x1E400] =	vst v63  }
0x3a: {  	_ =	swait.ge [sflag:s21], $0x2800  }
0x3b: {  	[sflag:s21] =	ssyncset.done $0x0  }
0x3c: {  	s25 =	sadd.s32 $0x13C80, s25;
	[sflag:s21] =	ssyncadd.s32 $0xFFFFD800  }
.Ltmp4:
0x3d: {  	_ = 	snop;
	(pc) =	sbr.rel .LBB2_7-.Ltmp4, $1  }
0x3e: {  	_ =	sdelay $0x3  }
.LBB2_2:
0x3f: {  	[tilespmem:s19], [sflag:$0x1] =	stream.indirect.gather [hbm4b:s5+s18], $0x80, s16, s18, $0xb8;
	[tilespmem:$0x1E400] =	vst v63  }
0x40: {  	_ =	swait.ge [sflag:s20], $0x2800  }
0x41: {  	[sflag:s20] =	ssyncset.done $0x0  }
0x42: {  	s24 =	simm.s32 $0x17C00;
	[sflag:s20] =	ssyncadd.s32 $0xFFFFD800  }
0x43: {  	[spmem:s2] =	stream.indirect.scatter.add.f32 [tilespmem:s19], [sflag:$0x2], $0x80, s24, s18, $0xb8;
	[tilespmem:$0x1E400] =	vst v63  }
0x44: {  	_ =	swait.ge [sflag:s21], $0x2800  }
0x45: {  	[sflag:s21] =	ssyncset.done $0x0  }
0x46: {  	s25 =	simm.s32 $0x13C80;
	s24 =	simm.s32 $0x200;
	[sflag:s21] =	ssyncadd.s32 $0xFFFFD800  }
.LBB2_3:
0x47: {  	[tilespmem:s19], [sflag:$0x1] =	stream.indirect.gather [hbm4b:s5+s18], $0x80, s25, s18, $0xb8;
	[tilespmem:$0x1E400] =	vst v63  }
0x48: {  	s25 =	smov.u32 s24  }
0x49: {  	p1 =	seq.s32 s24, $0xF600;
	s24 =	sadd.s32 $0x200, s24;
	_ =	swait.ge [sflag:s20], $0x2800  }
0x4a: {  	s25 =	sshra.s32 s25, $0x2;
	[sflag:s20] =	ssyncset.done $0x0  }
.Ltmp5:
0x4b: {  	s26 =	sadd.s32 $0x17C00, s25;
	[sflag:s20] =	ssyncadd.s32 $0xFFFFD800;
	(pc) =	sbr.rel @!p1 .LBB2_3-.Ltmp5, $4  }
0x4c: {  	[spmem:s2] =	stream.indirect.scatter.add.f32 [tilespmem:s19], [sflag:$0x2], $0x80, s26, s18, $0xb8;
	[tilespmem:$0x1E400] =	vst v63  }
0x4d: {  	_ =	swait.ge [sflag:s21], $0x2800  }
0x4e: {  	[sflag:s21] =	ssyncset.done $0x0  }
0x4f: {  	s25 =	sadd.s32 $0x13C80, s25;
	[sflag:s21] =	ssyncadd.s32 $0xFFFFD800  }
.Ltmp6:
0x50: {  	(pc) =	sbr.rel .LBB2_8-.Ltmp6, $3  }
0x51: {  	_ =	sdelay $0x1  }
0x52: {  	[tilespmem:s19], [sflag:$0x1] =	stream.indirect.gather [hbm4b:s5+s18], $0x80, s25, s18, $0xb8;
	[tilespmem:$0x1E400] =	vst v63  }
0x53: {  	s24 =	smov.u32 s7  }
.LBB2_9:
0x54: {  	_ =	sfence.sel $0x180000  }
0x55: {  	[bflag:$0x0] =	sbarrier.arrive $0xFFFF  }
0x56: {  	p0 =	sne.s32 s1, $0x0;
	_ =	strace $0x90000047  }
0x57: {  	s0 =	sadd.s32 @!p0 $0x100000, s0;
	[bflag:$0x2] =	sbarrier.arrive $0xFFFF  }
0x58: {  	[sflag:s0] =	ssyncadd.tile.s32 @!p0 $0x1;
	_ =	shalt  }
.Lfunc_end2:
_tile_overlayer_lowered:
.L_overlay_start_2:
0x59: {  	(tag) =	ssettag $0x2  }
0x5a: {  	s0 =	rddreg [dreg:$0x0];
	s2 =	stileid.u32  }
0x5b: {  	s1 =	rddreg [dreg:$0x1];
	p0 =	sne.s32 s2, $0x0  }
0x5c: {  	s3 =	rddreg [dreg:$0x2];
	[bflag:$0x3] =	sbarrier.arrive $0xFFFF;
	s2 =	simm.s32 @!p0 $0x1C03  }
0x5d: {  	[timem:s3], [sflag:s2] =	dma.local @!p0 [hbm:s0], s1  }
0x5e: {  	s0 =	simm.s32 @!p0 $0x3  }
0x5f: {  	_ =	swait.ge @!p0 [sflag:s0], s1  }
0x60: {  	s1 =	ssub.s32 @!p0 $0x0, s1;
	[sflag:s0] =	ssyncset.done @!p0 $0x0  }
0x61: {  	[sflag:s0] =	ssyncadd.s32 @!p0 s1  }
0x62: {  	[bflag:$0x3] =	sbarrier.arrive $0xFFFF  }
0x63: {  	_ =	shalt  }

// kernel: kernel.17.cloned.1.call-start
scs
__scs_entry_jumppad:
0x0: {  	(pc) =	sbr.rel $0x88, $3  }
0x1: {  	(tag) =	ssettag $0x0;
	lr =	simm.s32 $0x1  }
0x2: {  	[smem:$0x3F82] =	sst lr;
	_ =	strace $0xD0000000  }
0x3: {  	_ = 	snop  }
0x4: {  	_ = 	snop  }
0x5: {  	_ = 	snop  }
0x6: {  	_ = 	snop  }
0x7: {  	_ = 	snop  }
__scs_overlays_trampoline_lowered:
0x8: {  	[smem:$0x3F91] =	sst s0  }
0x9: {  	[smem:$0x3F92] =	sst s1  }
0xa: {  	[smem:$0x3F93] =	sst s2  }
0xb: {  	[smem:$0x3F94] =	sst s3  }
0xc: {  	[smem:$0x3F95] =	sst s4  }
0xd: {  	[smem:$0x3F96] =	sst s5  }
0xe: {  	[smem:$0x3F97] =	sst s6  }
0xf: {  	[smem:$0x3F98] =	sst s7  }
0x10: {  	[smem:$0x3F99] =	sst s8  }
0x11: {  	[smem:$0x3F9A] =	sst s9;
	s0 =	simm.s32 @!p0 $0x0  }
0x12: {  	s1 =	sld [smem:$0x3F80];
	s0 =	simm.s32 @p0 $0x1  }
0x13: {  	[smem:$0x3F9B] =	sst s0;
	s0 =	simm.s32 @!p1 $0x0  }
0x14: {  	s2 =	sld [smem:$0x3F7F];
	s0 =	simm.s32 @p1 $0x1  }
0x15: {  	[smem:$0x3F9C] =	sst s0;
	s0 =	simm.s32 @!p2 $0x0  }
0x16: {  	s3 =	sld [smem:$0x3FDB];
	s0 =	simm.s32 @p2 $0x1  }
0x17: {  	s4 =	simm.s32 $0x1BF5;
	[smem:$0x3F9E] =	sst s0  }
0x18: {  	s0 =	sld [smem:$0x3F81];
	_ =	swait.ge [sflag:s4], $0x0  }
0x19: {  	s7 =	sld [smem:$0x3F82]  }
0x1a: {  	s8 =	sadd.s32 $0xFFFFE003, lr  }
0x1b: {  	s9 =	sadd.s32 $0xFFFFFEF7, lr;
	s5 =	simm.s32 $0xFFFFFFFF;
	p2 =	slt.u32 s8, $0xFFFFF086  }
0x1c: {  	p1 =	slt.u32 s9, $0xF7A;
	s5 =	simm.s32 @!p2 $0x0  }
0x1d: {  	s5 =	simm.s32 @p1 $0x1;
	p0 =	seq.s32 s7, s2  }
0x1e: {  	s7 =	smul.u32 @!p0 $0xF7A, s2;
	p2 =	seq.s32 @!p0 s5, $0x0  }
0x1f: {  	s9 =	smul.u32 $0xF7A, s1;
	s8 =	simm.s32 @!p0 $0x1BF5;
	p2 =	por !p2, p0  }
0x20: {  	[sflag:s8] =	ssyncset.s32 @!p0 $0xFFFFF086;
	s6 =	sadd.s32 @!p0 s3, s7;
	s7 =	simm.s32 @!p0 $0x108  }
0x21: {  	s3 =	sadd.s32 s3, s9;
	s6 =	sadd.s32 @!p0 $0x88, s6;
	s7 =	simm.s32 @p2 $0x1082  }
0x22: {  	[simem:s7], [sflag:s8] =	dma.local @!p0 [hbm:s6], $0xF7A  }
0x23: {  	s9 =	sor.u32 $0xD0000000, s2;
	s6 =	simm.s32 $0x108;
	_ =	swait.ge @!p0 [sflag:s8], $0x0  }
0x24: {  	s3 =	sadd.s32 $0x88, s3;
	s6 =	simm.s32 @!p1 $0x1082;
	[sflag:s4] =	ssyncset.s32 $0xFFFFF086  }
0x25: {  	[simem:s6], [sflag:s4] =	dma.local [hbm:s3], $0xF7A  }
0x26: {  	[smem:$0x3F82] =	sst s1;
	(tag) =	ssettag s2;
	_ =	strace s9  }
0x27: {  	s1 =	sld [smem:$0x3F92]  }
0x28: {  	s2 =	sld [smem:$0x3F93]  }
0x29: {  	s4 =	sld [smem:$0x3F95]  }
0x2a: {  	p0 =	seq.s32 s5, $0x0;
	s5 =	sld [smem:$0x3F96]  }
0x2b: {  	s6 =	sld [smem:$0x3F97]  }
0x2c: {  	s7 =	sld [smem:$0x3F98]  }
0x2d: {  	s3 =	simm.s32 $0x108;
	s8 =	sld [smem:$0x3F99]  }
0x2e: {  	s3 =	simm.s32 @!p0 $0x1082;
	s9 =	sld [smem:$0x3F9A]  }
0x2f: {  	lr =	sadd.s32 s0, s3;
	s0 =	sld [smem:$0x3F91]  }
0x30: {  	s3 =	sld [smem:$0x3F94]  }
0x31: {  	[smem:$0x3F9D] =	sst s10  }
0x32: {  	s10 =	sld [smem:$0x3F9B];
	_ =	sdelay $0x3  }
0x33: {  	p0 =	seq.s32 s10, $0x1;
	s10 =	sld [smem:$0x3F9D];
	_ =	sdelay $0x3  }
0x34: {  	[smem:$0x3F9D] =	sst s10  }
0x35: {  	s10 =	sld [smem:$0x3F9C];
	_ =	sdelay $0x3  }
0x36: {  	p1 =	seq.s32 s10, $0x1;
	s10 =	sld [smem:$0x3F9D];
	_ =	sdelay $0x3  }
0x37: {  	[smem:$0x3F9D] =	sst s10  }
0x38: {  	s10 =	sld [smem:$0x3F9E]  }
0x39: {  	_ = 	snop;
	(pc) =	sbr.ind lr, $3  }
0x3a: {  	_ = 	snop  }
0x3b: {  	_ = 	snop  }
0x3c: {  	p2 =	seq.s32 s10, $0x1;
	s10 =	sld [smem:$0x3F9D]  }
0x3d: {  	_ =	shalt  }
0x3e: {  	_ =	shalt  }
0x3f: {  	_ =	shalt  }
0x40: {  	_ =	shalt  }
0x41: {  	_ =	shalt  }
0x42: {  	_ =	shalt  }
0x43: {  	_ =	shalt  }
0x44: {  	_ =	shalt  }
0x45: {  	_ =	shalt  }
0x46: {  	_ =	shalt  }
0x47: {  	_ =	shalt  }
0x48: {  	_ =	shalt  }
0x49: {  	_ =	shalt  }
0x4a: {  	_ =	shalt  }
0x4b: {  	_ =	shalt  }
0x4c: {  	_ =	shalt  }
0x4d: {  	_ =	shalt  }
0x4e: {  	_ =	shalt  }
0x4f: {  	_ =	shalt  }
0x50: {  	_ =	shalt  }
0x51: {  	_ =	shalt  }
0x52: {  	_ =	shalt  }
0x53: {  	_ =	shalt  }
0x54: {  	_ =	shalt  }
0x55: {  	_ =	shalt  }
0x56: {  	_ =	shalt  }
0x57: {  	_ =	shalt  }
0x58: {  	_ =	shalt  }
0x59: {  	_ =	shalt  }
0x5a: {  	_ =	shalt  }
0x5b: {  	_ =	shalt  }
0x5c: {  	_ =	shalt  }
0x5d: {  	_ =	shalt  }
0x5e: {  	_ =	shalt  }
0x5f: {  	_ =	shalt  }
0x60: {  	_ =	shalt  }
0x61: {  	_ =	shalt  }
0x62: {  	_ =	shalt  }
0x63: {  	_ =	shalt  }
0x64: {  	_ =	shalt  }
0x65: {  	_ =	shalt  }
0x66: {  	_ =	shalt  }
0x67: {  	_ =	shalt  }
0x68: {  	_ =	shalt  }
0x69: {  	_ =	shalt  }
0x6a: {  	_ =	shalt  }
0x6b: {  	_ =	shalt  }
0x6c: {  	_ =	shalt  }
0x6d: {  	_ =	shalt  }
0x6e: {  	_ =	shalt  }
0x6f: {  	_ =	shalt  }
0x70: {  	_ =	shalt  }
0x71: {  	_ =	shalt  }
0x72: {  	_ =	shalt  }
0x73: {  	_ =	shalt  }
0x74: {  	_ =	shalt  }
0x75: {  	_ =	shalt  }
0x76: {  	_ =	shalt  }
0x77: {  	_ =	shalt  }
0x78: {  	_ =	shalt  }
0x79: {  	_ =	shalt  }
0x7a: {  	_ =	shalt  }
0x7b: {  	_ =	shalt  }
0x7c: {  	_ =	shalt  }
0x7d: {  	_ =	shalt  }
0x7e: {  	_ =	shalt  }
0x7f: {  	_ =	shalt  }
0x80: {  	_ =	shalt  }
0x81: {  	_ =	shalt  }
0x82: {  	_ =	shalt  }
0x83: {  	_ =	shalt  }
0x84: {  	_ =	shalt  }
0x85: {  	_ =	shalt  }
0x86: {  	_ =	shalt  }
0x87: {  	_ =	shalt  }
.Lfunc_end0:
.L_simem_size_0:
called_computation.1_lowered:
.L_overlay_start_0:
0x88: {  	s2 =	sld [smem:$0x3FD9]  }
0x89: {  	s3 =	sld [smem:$0x3FFE];
	_ =	sdelay $0x1  }
0x8a: {  	s1 =	srdreg.scid  }
0x8b: {  	s0 =	sand.u32 $0x1, s1  }
0x8c: {  	s16 =	sshll.u32 s0, $0xA;
	s2 =	sadd.s32 s3, s2  }
0x8d: {  	s2 =	sadd.s32 s2, s16  }
0x8e: {  	[smem:$0x3FA9] =	sst s2  }
0x8f: {  	_ = 	snop  }
0x90: {  	(tm) =	ssettm $0x1  }
0x91: {  	s17 =	sld [smem:$0x3FFB];
	_ =	sdelay $0x3  }
0x92: {  	_ =	strace s17  }
0x93: {  	s2 =	sld [smem:$0x3FFC];
	_ =	sdelay $0x3  }
0x94: {  	_ =	strace s2  }
0x95: {  	s2 =	sld [smem:$0x3FFD];
	_ =	sdelay $0x3  }
0x96: {  	_ =	strace s2  }
0x97: {  	_ =	strace $0x8FFFFFFF  }
0x98: {  	s18 =	sld [smem:$0x3FDB];
	_ =	sdelay $0x1  }
0x99: {  	s19 =	simm.s32 $_scs_section_size  }
0x9a: {  	s4 =	simm.s32 $_size__tile_overlayer_lowered;
	s5 =	simm.s32 $_tile_overlayer_lowered  }
0x9b: {  	s22 =	simm.s32 $0x1BFF;
	s21 =	sshll.u32 s5, $0x1;
	s2 =	sadd.s32 s19, s18  }
0x9c: {  	s6 =	simm.s32 $0x0;
	s20 =	sshll.u32 s4, $0x1;
	s4 =	sadd.s32 s21, s2  }
0x9d: {  	[timem:s6], [sflag:s22] =	dma.local [hbm:s4], s20  }
0x9e: {  	_ =	swait.ge [sflag:s22], s20  }
0x9f: {  	s3 =	ssub.s32 $0x0, s20;
	[sflag:s22] =	ssyncset.done $0x0  }
0xa0: {  	[sflag:s22] =	ssyncadd.s32 s3;
	_ =	sdelay $0x1  }
0xa1: {  	s23 =	simm.s32 $0x1B8B  }
0xa2: {  	_ =	swait.ge [sflag:s23], $0x1  }
0xa3: {  	[sflag:s23] =	ssyncset.done $0x0  }
0xa4: {  	s25 =	simm.s32 $0x1B8E;
	s24 =	sld [smem:$0x3FFE];
	[sflag:s23] =	ssyncadd.s32 $0xFFFFFFFF  }
0xa5: {  	s26 =	simm.s32 $execute0_lowered;
	[smem:$0x3FD2] =	sst s25  }
0xa6: {  	s4 =	sshll.u32 s26, $0x1;
	_ =	strace $0x80000049;
	[dreg:$0x1] =	wrdreg $0xFFFFFFFF  }
0xa7: {  	s28 =	simm.s32 $_size_execute0_lowered;
	s2 =	sadd.s32 s2, s4;
	[dreg:$0x0] =	wrdreg $0x0  }
0xa8: {  	s4 =	sshll.u32 s28, $0x1;
	[dreg:$0x2] =	wrdreg s2  }
0xa9: {  	[dreg:$0x3] =	wrdreg s4  }
0xaa: {  	[dreg:$0x4] =	wrdreg $0xC0  }
0xab: {  	_ =	task [dreg:s6], $0x5FFFF  }
0xac: {  	[dreg:$0x1] =	wrdreg $0xFFFFFFFF  }
0xad: {  	[dreg:$0x0] =	wrdreg $0x60  }
0xae: {  	[dreg:$0x2] =	wrdreg s24  }
0xaf: {  	[dreg:$0x3] =	wrdreg $0x0  }
0xb0: {  	[dreg:$0x4] =	wrdreg $0x9  }
0xb1: {  	_ =	task.clear_ibuf [dreg:s6], $0x5FFFF;
	_ =	strace $0x90000049  }
0xb2: {  	s29 =	simm.s32 $0x9;
	_ =	strace $0x8000004B  }
0xb3: {  	_ =	swait.ge [sflag:s29], $0x1  }
0xb4: {  	[sflag:s29] =	ssyncadd.s32 $0xFFFFFFFF  }
0xb5: {  	_ =	strace $0x9000004B  }
0xb6: {  	_ =	sfence  }
0xb7: {  	s30 =	sld [smem:$0x0];
	_ =	sdelay $0x2  }
0xb8: {  	s31 =	sshll.u32 s1, $0xD;
	s1 =	sshrl.u32 s1, $0x2  }
0xb9: {  	s3 =	sand.u32 $0x4000, s31;
	s1 =	sadd.s32 s1, s30  }
0xba: {  	s0 =	sor.u32 s3, s0;
	s1 =	sshll.u32 s1, $0x11  }
0xbb: {  	s0 =	sor.u32 s1, s0  }
0xbc: {  	s0 =	sadd.s32 $0x8F2B, s0  }
0xbd: {  	[sflag:s0] =	ssyncadd.remote.s32 $0x1  }
0xbe: {  	_ =	sfence.sel $0xFFFF  }
0xbf: {  	[dreg:$0x0] =	wrdreg $0xFFFFFFFF;
	(pc) =	sbr.abs _section_cstart, $3  }
0xc0: {  	[dreg:$0x1] =	wrdreg $0xFFFFFFFF  }
0xc1: {  	_ =	task.clear_ibuf [dreg:s6], $0x2FFFF;
	_ =	strace $0x9FFFFFFF  }
0xc2: {  	(tm) =	ssettm $0x7FFFFFFF  }
0xc3: {  	_ =	shalt  }
tec
execute0_lowered:
.L_overlay_start_1:
0x0: {  	(tag) =	ssettag $0x1  }
0x1: {  	s11 =	rddreg [dreg:$0x0]  }
0x2: {  	s2 =	rddreg [dreg:$0x1]  }
0x3: {  	s0 =	rddreg [dreg:$0x2]  }
0x4: {  	s3 =	simm.s32 $0x0;
	s1 =	stileid.u32;
	s10 =	srdreg.scid  }
0x5: {  	s20 =	simm.s32 $0x13C00;
	s21 =	simm.s32 $0x17C00;
	s22 =	simm.s32 $0x50  }
0x6: {  	s23 =	simm.s32 $0x1BC00;
	s24 =	simm.s32 $0x1;
	s25 =	simm.s32 $0x2  }
0x7: {  	s26 =	simm.s32 $0x1BA00;
	s28 =	simm.s32 $0x0;
	[smem:$0x7FF] =	sst s3  }
0x8: {  	s4 =	sshll.u32 s1, $0xB;
	s5 =	sadd.s32 $0x19C00, s11;
	s6 =	sadd.s32 $0x40E00, s11  }
0x9: {  	s7 =	sadd.s32 $0x6A800, s11;
	s8 =	sadd.s32 $0x91A00, s11;
	s9 =	smul.u32 $0x2780, s1  }
0xa: {  	s12 =	sand.u32 $0x1, s10;
	s10 =	sadd.s32 $0xE0400, s11;
	s15 =	smul.u32 $0x4F000, s1  }
0xb: {  	s19 =	sshll.u32 s1, $0x6;
	_ =	strace $0x8000004A;
	s13 =	sadd.s32 s4, s11  }
0xc: {  	s4 =	sadd.s32 $0x68000, s11;
	s14 =	ssub.s32 $0x2, s12;
	p0 =	seq.s32 s12, $0x1  }
.Ltmp0:
0xd: {  	s16 =	sadd.s32 s9, s11;
	s11 =	sadd.s32 $0x12F400, s11;
	(pc) =	sbr.rel .LBB2_1-.Ltmp0, $4  }
0xe: {  	s17 =	sshrl.u32 s14, $0x1;
	s31 =	sshrl.u32 s15, $0x2;
	s12 =	sadd.s32 $0x9C00, s13  }
0xf: {  	s13 =	sadd.s32 $0x11C00, s13;
	s17 =	ssub.s32 s14, s17;
	s18 =	sadd.s32 s31, s2  }
0x10: {  	s14 =	sadd.s32 $0xB8C00, s16;
	s15 =	sadd.s32 $0x107C00, s16;
	s16 =	smax.u32 s17, $0x1  }
0x11: {  	s17 =	sor.u32 $0x1C03, s19;
	s18 =	sshrl.u32 s18, $0x3;
	s19 =	simm.s32 $0x3  }
.LBB2_11:
0x12: {  	[tilespmem:s23], [sflag:$0x1] =	stream.indirect.gather [hbm4b:s8+s22], $0x80, s30, s22, $0xb8;
	[tilespmem:$0x1E400] =	vst v63  }
0x13: {  	s29 =	smov.u32 s11  }
.LBB2_12:
0x14: {  	_ =	swait.ge [sflag:s24], $0x2800  }
0x15: {  	[sflag:s24] =	ssyncset.done $0x0  }
0x16: {  	[sflag:s24] =	ssyncadd.s32 $0xFFFFD800  }
0x17: {  	[spmem:s2] =	stream.indirect.scatter.add.f32 [tilespmem:s23], [sflag:$0x2], $0x80, s26, s22, $0xb8;
	[tilespmem:$0x1E400] =	vst v63  }
0x18: {  	_ =	swait.ge [sflag:s25], $0x2800  }
0x19: {  	[sflag:s25] =	ssyncset.done $0x0  }
0x1a: {  	s28 =	sadd.s32 $0x1, s28;
	[sflag:s25] =	ssyncadd.s32 $0xFFFFD800  }
0x1b: {  	s29 =	sadd.s32 s29, s9;
	p1 =	sne.s32 s28, s16;
	[bflag:$0x0] =	sbarrier.arrive $0xFFFF  }
0x1c: {  	[hbm:s29], [sflag:s17] =	dma.local [spmem:s18], $0x2780  }
.Ltmp1:
0x1d: {  	_ =	swait.ge [sflag:s19], $0x2780;
	(pc) =	sbr.rel @!p1 .LBB2_13-.Ltmp1, $3  }
0x1e: {  	[sflag:s19] =	ssyncset.done $0x0  }
0x1f: {  	[sflag:s19] =	ssyncadd.s32 $0xFFFFD880  }
0x20: {  	[bflag:$0x0] =	sbarrier.arrive $0xFFFF;
	_ =	sdelay $0x1  }
.LBB2_1:
0x21: {  	[spmem:s18], [sflag:s17] =	dma.local [hbm:s4], $0x2780  }
0x22: {  	_ =	swait.ge [sflag:s19], $0x2780  }
0x23: {  	[sflag:s19] =	ssyncset.done $0x0  }
0x24: {  	[sflag:s19] =	ssyncadd.s32 $0xFFFFD880  }
0x25: {  	[bflag:$0x0] =	sbarrier.arrive $0xFFFF  }
0x26: {  	[tilespmem:s20], [sflag:$0x3] =	stream.linear.gather [hbm4b:s12+s3], $0x3E80, $0x38;
	[tilespmem:$0x1E400] =	vst v63  }
0x27: {  	_ =	swait.ge [sflag:s19], $0x3E80  }
0x28: {  	[sflag:s19] =	ssyncset.done $0x0  }
.Ltmp2:
0x29: {  	[sflag:s19] =	ssyncadd.s32 $0xFFFFC180;
	(pc) =	sbr.rel @!p0 .LBB2_2-.Ltmp2, $4  }
0x2a: {  	[tilespmem:s21], [sflag:$0x3] =	stream.linear.gather [hbm4b:s13+s3], $0x3E80, $0x38;
	[tilespmem:$0x1E400] =	vst v63  }
0x2b: {  	_ =	swait.ge [sflag:s19], $0x3E80  }
0x2c: {  	[sflag:s19] =	ssyncset.done $0x0  }
0x2d: {  	[sflag:s19] =	ssyncadd.s32 $0xFFFFC180  }
0x2e: {  	[tilespmem:s23], [sflag:$0x1] =	stream.indirect.gather [hbm4b:s7+s22], $0x80, s20, s22, $0xb8;
	[tilespmem:$0x1E400] =	vst v63  }
0x2f: {  	_ =	swait.ge [sflag:s24], $0x2800  }
0x30: {  	[sflag:s24] =	ssyncset.done $0x0  }
0x31: {  	s29 =	simm.s32 $0x17C00;
	[sflag:s24] =	ssyncadd.s32 $0xFFFFD800  }
0x32: {  	[spmem:s2] =	stream.indirect.scatter.add.f32 [tilespmem:s23], [sflag:$0x2], $0x80, s29, s22, $0xb8;
	[tilespmem:$0x1E400] =	vst v63  }
0x33: {  	_ =	swait.ge [sflag:s25], $0x2800  }
0x34: {  	[sflag:s25] =	ssyncset.done $0x0  }
0x35: {  	s30 =	simm.s32 $0x13C80;
	s29 =	simm.s32 $0x200;
	[sflag:s25] =	ssyncadd.s32 $0xFFFFD800  }
.LBB2_8:
0x36: {  	[tilespmem:s23], [sflag:$0x1] =	stream.indirect.gather [hbm4b:s7+s22], $0x80, s30, s22, $0xb8;
	[tilespmem:$0x1E400] =	vst v63  }
0x37: {  	s30 =	smov.u32 s29  }
0x38: {  	p1 =	sne.s32 s29, $0xF600;
	s29 =	sadd.s32 $0x200, s29;
	_ =	swait.ge [sflag:s24], $0x2800  }
0x39: {  	s30 =	sshra.s32 s30, $0x2;
	[sflag:s24] =	ssyncset.done $0x0  }
.Ltmp3:
0x3a: {  	s31 =	sadd.s32 $0x17C00, s30;
	[sflag:s24] =	ssyncadd.s32 $0xFFFFD800;
	(pc) =	sbr.rel @p1 .LBB2_8-.Ltmp3, $4  }
0x3b: {  	[spmem:s2] =	stream.indirect.scatter.add.f32 [tilespmem:s23], [sflag:$0x2], $0x80, s31, s22, $0xb8;
	[tilespmem:$0x1E400] =	vst v63  }
0x3c: {  	_ =	swait.ge [sflag:s25], $0x2800  }
0x3d: {  	[sflag:s25] =	ssyncset.done $0x0  }
0x3e: {  	s30 =	sadd.s32 $0x13C80, s30;
	[sflag:s25] =	ssyncadd.s32 $0xFFFFD800  }
0x3f: {  	[tilespmem:s23], [sflag:$0x1] =	stream.indirect.gather [hbm4b:s7+s22], $0x80, s30, s22, $0xb8;
	[tilespmem:$0x1E400] =	vst v63  }
0x40: {  	_ =	swait.ge [sflag:s24], $0x2800  }
0x41: {  	[sflag:s24] =	ssyncset.done $0x0  }
0x42: {  	[sflag:s24] =	ssyncadd.s32 $0xFFFFD800  }
0x43: {  	[spmem:s2] =	stream.indirect.scatter.add.f32 [tilespmem:s23], [sflag:$0x2], $0x80, s26, s22, $0xb8;
	[tilespmem:$0x1E400] =	vst v63  }
0x44: {  	_ =	swait.ge [sflag:s25], $0x2800  }
0x45: {  	[sflag:s25] =	ssyncset.done $0x0  }
0x46: {  	[sflag:s25] =	ssyncadd.s32 $0xFFFFD800  }
0x47: {  	[bflag:$0x0] =	sbarrier.arrive $0xFFFF  }
0x48: {  	[hbm:s15], [sflag:s17] =	dma.local [spmem:s18], $0x2780  }
0x49: {  	_ =	swait.ge [sflag:s19], $0x2780  }
0x4a: {  	[sflag:s19] =	ssyncset.done $0x0  }
0x4b: {  	[sflag:s19] =	ssyncadd.s32 $0xFFFFD880  }
0x4c: {  	[bflag:$0x0] =	sbarrier.arrive $0xFFFF  }
0x4d: {  	[spmem:s18], [sflag:s17] =	dma.local [hbm:s4], $0x2780  }
0x4e: {  	_ =	swait.ge [sflag:s19], $0x2780  }
0x4f: {  	[sflag:s19] =	ssyncset.done $0x0  }
0x50: {  	[sflag:s19] =	ssyncadd.s32 $0xFFFFD880  }
0x51: {  	s29 =	simm.s32 $0x0;
	[bflag:$0x0] =	sbarrier.arrive $0xFFFF  }
0x52: {  	[tilespmem:s20], [sflag:$0x3] =	stream.linear.gather [hbm4b:s12+s29], $0x3E80, $0x38;
	[tilespmem:$0x1E400] =	vst v63  }
0x53: {  	_ =	swait.ge [sflag:s19], $0x3E80  }
0x54: {  	[sflag:s19] =	ssyncset.done $0x0  }
0x55: {  	[sflag:s19] =	ssyncadd.s32 $0xFFFFC180  }
0x56: {  	[tilespmem:s21], [sflag:$0x3] =	stream.linear.gather [hbm4b:s13+s29], $0x3E80, $0x38;
	[tilespmem:$0x1E400] =	vst v63  }
0x57: {  	_ =	swait.ge [sflag:s19], $0x3E80  }
0x58: {  	[sflag:s19] =	ssyncset.done $0x0  }
0x59: {  	[sflag:s19] =	ssyncadd.s32 $0xFFFFC180  }
0x5a: {  	[tilespmem:s23], [sflag:$0x1] =	stream.indirect.gather [hbm4b:s8+s22], $0x80, s20, s22, $0xb8;
	[tilespmem:$0x1E400] =	vst v63  }
0x5b: {  	_ =	swait.ge [sflag:s24], $0x2800  }
0x5c: {  	[sflag:s24] =	ssyncset.done $0x0  }
0x5d: {  	s29 =	simm.s32 $0x17C00;
	[sflag:s24] =	ssyncadd.s32 $0xFFFFD800  }
0x5e: {  	[spmem:s2] =	stream.indirect.scatter.add.f32 [tilespmem:s23], [sflag:$0x2], $0x80, s29, s22, $0xb8;
	[tilespmem:$0x1E400] =	vst v63  }
0x5f: {  	_ =	swait.ge [sflag:s25], $0x2800  }
0x60: {  	[sflag:s25] =	ssyncset.done $0x0  }
0x61: {  	s30 =	simm.s32 $0x13C80;
	s29 =	simm.s32 $0x200;
	[sflag:s25] =	ssyncadd.s32 $0xFFFFD800  }
.LBB2_10:
0x62: {  	[tilespmem:s23], [sflag:$0x1] =	stream.indirect.gather [hbm4b:s8+s22], $0x80, s30, s22, $0xb8;
	[tilespmem:$0x1E400] =	vst v63  }
0x63: {  	s30 =	smov.u32 s29  }
0x64: {  	p1 =	sne.s32 s29, $0xF600;
	s29 =	sadd.s32 $0x200, s29;
	_ =	swait.ge [sflag:s24], $0x2800  }
0x65: {  	s30 =	sshra.s32 s30, $0x2;
	[sflag:s24] =	ssyncset.done $0x0  }
.Ltmp4:
0x66: {  	s31 =	sadd.s32 $0x17C00, s30;
	[sflag:s24] =	ssyncadd.s32 $0xFFFFD800;
	(pc) =	sbr.rel @p1 .LBB2_10-.Ltmp4, $4  }
0x67: {  	[spmem:s2] =	stream.indirect.scatter.add.f32 [tilespmem:s23], [sflag:$0x2], $0x80, s31, s22, $0xb8;
	[tilespmem:$0x1E400] =	vst v63  }
0x68: {  	_ =	swait.ge [sflag:s25], $0x2800  }
0x69: {  	[sflag:s25] =	ssyncset.done $0x0  }
0x6a: {  	s30 =	sadd.s32 $0x13C80, s30;
	[sflag:s25] =	ssyncadd.s32 $0xFFFFD800  }
.Ltmp5:
0x6b: {  	_ = 	snop;
	(pc) =	sbr.rel .LBB2_11-.Ltmp5, $1  }
0x6c: {  	_ =	sdelay $0x3  }
.LBB2_2:
0x6d: {  	[tilespmem:s23], [sflag:$0x1] =	stream.indirect.gather [hbm4b:s5+s22], $0x80, s20, s22, $0xb8;
	[tilespmem:$0x1E400] =	vst v63  }
0x6e: {  	_ =	swait.ge [sflag:s24], $0x2800  }
0x6f: {  	[sflag:s24] =	ssyncset.done $0x0  }
0x70: {  	s29 =	simm.s32 $0x17C00;
	[sflag:s24] =	ssyncadd.s32 $0xFFFFD800  }
0x71: {  	[spmem:s2] =	stream.indirect.scatter.add.f32 [tilespmem:s23], [sflag:$0x2], $0x80, s29, s22, $0xb8;
	[tilespmem:$0x1E400] =	vst v63  }
0x72: {  	_ =	swait.ge [sflag:s25], $0x2800  }
0x73: {  	[sflag:s25] =	ssyncset.done $0x0  }
0x74: {  	s30 =	simm.s32 $0x13C80;
	s29 =	simm.s32 $0x200;
	[sflag:s25] =	ssyncadd.s32 $0xFFFFD800  }
.LBB2_3:
0x75: {  	[tilespmem:s23], [sflag:$0x1] =	stream.indirect.gather [hbm4b:s5+s22], $0x80, s30, s22, $0xb8;
	[tilespmem:$0x1E400] =	vst v63  }
0x76: {  	s30 =	smov.u32 s29  }
0x77: {  	p1 =	sne.s32 s29, $0xF600;
	s29 =	sadd.s32 $0x200, s29;
	_ =	swait.ge [sflag:s24], $0x2800  }
0x78: {  	s30 =	sshra.s32 s30, $0x2;
	[sflag:s24] =	ssyncset.done $0x0  }
.Ltmp6:
0x79: {  	s31 =	sadd.s32 $0x17C00, s30;
	[sflag:s24] =	ssyncadd.s32 $0xFFFFD800;
	(pc) =	sbr.rel @p1 .LBB2_3-.Ltmp6, $4  }
0x7a: {  	[spmem:s2] =	stream.indirect.scatter.add.f32 [tilespmem:s23], [sflag:$0x2], $0x80, s31, s22, $0xb8;
	[tilespmem:$0x1E400] =	vst v63  }
0x7b: {  	_ =	swait.ge [sflag:s25], $0x2800  }
0x7c: {  	[sflag:s25] =	ssyncset.done $0x0  }
0x7d: {  	s30 =	sadd.s32 $0x13C80, s30;
	[sflag:s25] =	ssyncadd.s32 $0xFFFFD800  }
0x7e: {  	[tilespmem:s23], [sflag:$0x1] =	stream.indirect.gather [hbm4b:s5+s22], $0x80, s30, s22, $0xb8;
	[tilespmem:$0x1E400] =	vst v63  }
0x7f: {  	_ =	swait.ge [sflag:s24], $0x2800  }
0x80: {  	[sflag:s24] =	ssyncset.done $0x0  }
0x81: {  	[sflag:s24] =	ssyncadd.s32 $0xFFFFD800  }
0x82: {  	[spmem:s2] =	stream.indirect.scatter.add.f32 [tilespmem:s23], [sflag:$0x2], $0x80, s26, s22, $0xb8;
	[tilespmem:$0x1E400] =	vst v63  }
0x83: {  	_ =	swait.ge [sflag:s25], $0x2800  }
0x84: {  	[sflag:s25] =	ssyncset.done $0x0  }
0x85: {  	[sflag:s25] =	ssyncadd.s32 $0xFFFFD800  }
0x86: {  	[bflag:$0x0] =	sbarrier.arrive $0xFFFF  }
0x87: {  	[hbm:s14], [sflag:s17] =	dma.local [spmem:s18], $0x2780  }
0x88: {  	_ =	swait.ge [sflag:s19], $0x2780  }
0x89: {  	[sflag:s19] =	ssyncset.done $0x0  }
0x8a: {  	[sflag:s19] =	ssyncadd.s32 $0xFFFFD880  }
0x8b: {  	[bflag:$0x0] =	sbarrier.arrive $0xFFFF  }
0x8c: {  	[spmem:s18], [sflag:s17] =	dma.local [hbm:s4], $0x2780  }
0x8d: {  	_ =	swait.ge [sflag:s19], $0x2780  }
0x8e: {  	[sflag:s19] =	ssyncset.done $0x0  }
0x8f: {  	[sflag:s19] =	ssyncadd.s32 $0xFFFFD880  }
0x90: {  	s29 =	simm.s32 $0x0;
	[bflag:$0x0] =	sbarrier.arrive $0xFFFF  }
0x91: {  	[tilespmem:s20], [sflag:$0x3] =	stream.linear.gather [hbm4b:s12+s29], $0x3E80, $0x38;
	[tilespmem:$0x1E400] =	vst v63  }
0x92: {  	_ =	swait.ge [sflag:s19], $0x3E80  }
0x93: {  	[sflag:s19] =	ssyncset.done $0x0  }
0x94: {  	[sflag:s19] =	ssyncadd.s32 $0xFFFFC180  }
0x95: {  	[tilespmem:s21], [sflag:$0x3] =	stream.linear.gather [hbm4b:s13+s29], $0x3E80, $0x38;
	[tilespmem:$0x1E400] =	vst v63  }
0x96: {  	_ =	swait.ge [sflag:s19], $0x3E80  }
0x97: {  	[sflag:s19] =	ssyncset.done $0x0  }
0x98: {  	[sflag:s19] =	ssyncadd.s32 $0xFFFFC180  }
0x99: {  	[tilespmem:s23], [sflag:$0x1] =	stream.indirect.gather [hbm4b:s6+s22], $0x80, s20, s22, $0xb8;
	[tilespmem:$0x1E400] =	vst v63  }
0x9a: {  	_ =	swait.ge [sflag:s24], $0x2800  }
0x9b: {  	[sflag:s24] =	ssyncset.done $0x0  }
0x9c: {  	s29 =	simm.s32 $0x17C00;
	[sflag:s24] =	ssyncadd.s32 $0xFFFFD800  }
0x9d: {  	[spmem:s2] =	stream.indirect.scatter.add.f32 [tilespmem:s23], [sflag:$0x2], $0x80, s29, s22, $0xb8;
	[tilespmem:$0x1E400] =	vst v63  }
0x9e: {  	_ =	swait.ge [sflag:s25], $0x2800  }
0x9f: {  	[sflag:s25] =	ssyncset.done $0x0  }
0xa0: {  	s30 =	simm.s32 $0x13C80;
	s29 =	simm.s32 $0x200;
	[sflag:s25] =	ssyncadd.s32 $0xFFFFD800  }
.LBB2_5:
0xa1: {  	[tilespmem:s23], [sflag:$0x1] =	stream.indirect.gather [hbm4b:s6+s22], $0x80, s30, s22, $0xb8;
	[tilespmem:$0x1E400] =	vst v63  }
0xa2: {  	s30 =	smov.u32 s29  }
0xa3: {  	p1 =	seq.s32 s29, $0xF600;
	s29 =	sadd.s32 $0x200, s29;
	_ =	swait.ge [sflag:s24], $0x2800  }
0xa4: {  	s30 =	sshra.s32 s30, $0x2;
	[sflag:s24] =	ssyncset.done $0x0  }
.Ltmp7:
0xa5: {  	s31 =	sadd.s32 $0x17C00, s30;
	[sflag:s24] =	ssyncadd.s32 $0xFFFFD800;
	(pc) =	sbr.rel @!p1 .LBB2_5-.Ltmp7, $4  }
0xa6: {  	[spmem:s2] =	stream.indirect.scatter.add.f32 [tilespmem:s23], [sflag:$0x2], $0x80, s31, s22, $0xb8;
	[tilespmem:$0x1E400] =	vst v63  }
0xa7: {  	_ =	swait.ge [sflag:s25], $0x2800  }
0xa8: {  	[sflag:s25] =	ssyncset.done $0x0  }
0xa9: {  	s30 =	sadd.s32 $0x13C80, s30;
	[sflag:s25] =	ssyncadd.s32 $0xFFFFD800  }
.Ltmp8:
0xaa: {  	(pc) =	sbr.rel .LBB2_12-.Ltmp8, $3  }
0xab: {  	_ =	sdelay $0x1  }
0xac: {  	[tilespmem:s23], [sflag:$0x1] =	stream.indirect.gather [hbm4b:s6+s22], $0x80, s30, s22, $0xb8;
	[tilespmem:$0x1E400] =	vst v63  }
0xad: {  	s29 =	smov.u32 s10  }
.LBB2_13:
0xae: {  	_ =	sfence.sel $0x180000  }
0xaf: {  	[bflag:$0x0] =	sbarrier.arrive $0xFFFF  }
0xb0: {  	p0 =	sne.s32 s1, $0x0;
	_ =	strace $0x9000004A  }
0xb1: {  	s0 =	sadd.s32 @!p0 $0x100000, s0;
	[bflag:$0x2] =	sbarrier.arrive $0xFFFF  }
0xb2: {  	[sflag:s0] =	ssyncadd.tile.s32 @!p0 $0x1;
	_ =	shalt  }
.Lfunc_end2:
_tile_overlayer_lowered:
.L_overlay_start_2:
0xb3: {  	(tag) =	ssettag $0x2  }
0xb4: {  	s0 =	rddreg [dreg:$0x0];
	s2 =	stileid.u32  }
0xb5: {  	s1 =	rddreg [dreg:$0x1];
	p0 =	sne.s32 s2, $0x0  }
0xb6: {  	s3 =	rddreg [dreg:$0x2];
	[bflag:$0x3] =	sbarrier.arrive $0xFFFF;
	s2 =	simm.s32 @!p0 $0x1C03  }
0xb7: {  	[timem:s3], [sflag:s2] =	dma.local @!p0 [hbm:s0], s1  }
0xb8: {  	s0 =	simm.s32 @!p0 $0x3  }
0xb9: {  	_ =	swait.ge @!p0 [sflag:s0], s1  }
0xba: {  	s1 =	ssub.s32 @!p0 $0x0, s1;
	[sflag:s0] =	ssyncset.done @!p0 $0x0  }
0xbb: {  	[sflag:s0] =	ssyncadd.s32 @!p0 s1  }
0xbc: {  	[bflag:$0x3] =	sbarrier.arrive $0xFFFF  }
0xbd: {  	_ =	shalt  }

// kernel: kernel.20.cloned.1.call-start
scs
__scs_entry_jumppad:
0x0: {  	(pc) =	sbr.rel $0x88, $3  }
0x1: {  	(tag) =	ssettag $0x0;
	lr =	simm.s32 $0x1  }
0x2: {  	[smem:$0x3F82] =	sst lr;
	_ =	strace $0xD0000000  }
0x3: {  	_ = 	snop  }
0x4: {  	_ = 	snop  }
0x5: {  	_ = 	snop  }
0x6: {  	_ = 	snop  }
0x7: {  	_ = 	snop  }
__scs_overlays_trampoline_lowered:
0x8: {  	[smem:$0x3F91] =	sst s0  }
0x9: {  	[smem:$0x3F92] =	sst s1  }
0xa: {  	[smem:$0x3F93] =	sst s2  }
0xb: {  	[smem:$0x3F94] =	sst s3  }
0xc: {  	[smem:$0x3F95] =	sst s4  }
0xd: {  	[smem:$0x3F96] =	sst s5  }
0xe: {  	[smem:$0x3F97] =	sst s6  }
0xf: {  	[smem:$0x3F98] =	sst s7  }
0x10: {  	[smem:$0x3F99] =	sst s8  }
0x11: {  	[smem:$0x3F9A] =	sst s9;
	s0 =	simm.s32 @!p0 $0x0  }
0x12: {  	s1 =	sld [smem:$0x3F80];
	s0 =	simm.s32 @p0 $0x1  }
0x13: {  	[smem:$0x3F9B] =	sst s0;
	s0 =	simm.s32 @!p1 $0x0  }
0x14: {  	s2 =	sld [smem:$0x3F7F];
	s0 =	simm.s32 @p1 $0x1  }
0x15: {  	[smem:$0x3F9C] =	sst s0;
	s0 =	simm.s32 @!p2 $0x0  }
0x16: {  	s3 =	sld [smem:$0x3FDB];
	s0 =	simm.s32 @p2 $0x1  }
0x17: {  	s4 =	simm.s32 $0x1BF5;
	[smem:$0x3F9E] =	sst s0  }
0x18: {  	s0 =	sld [smem:$0x3F81];
	_ =	swait.ge [sflag:s4], $0x0  }
0x19: {  	s7 =	sld [smem:$0x3F82]  }
0x1a: {  	s8 =	sadd.s32 $0xFFFFE003, lr  }
0x1b: {  	s9 =	sadd.s32 $0xFFFFFEF7, lr;
	s5 =	simm.s32 $0xFFFFFFFF;
	p2 =	slt.u32 s8, $0xFFFFF086  }
0x1c: {  	p1 =	slt.u32 s9, $0xF7A;
	s5 =	simm.s32 @!p2 $0x0  }
0x1d: {  	s5 =	simm.s32 @p1 $0x1;
	p0 =	seq.s32 s7, s2  }
0x1e: {  	s7 =	smul.u32 @!p0 $0xF7A, s2;
	p2 =	seq.s32 @!p0 s5, $0x0  }
0x1f: {  	s9 =	smul.u32 $0xF7A, s1;
	s8 =	simm.s32 @!p0 $0x1BF5;
	p2 =	por !p2, p0  }
0x20: {  	[sflag:s8] =	ssyncset.s32 @!p0 $0xFFFFF086;
	s6 =	sadd.s32 @!p0 s3, s7;
	s7 =	simm.s32 @!p0 $0x108  }
0x21: {  	s3 =	sadd.s32 s3, s9;
	s6 =	sadd.s32 @!p0 $0x88, s6;
	s7 =	simm.s32 @p2 $0x1082  }
0x22: {  	[simem:s7], [sflag:s8] =	dma.local @!p0 [hbm:s6], $0xF7A  }
0x23: {  	s9 =	sor.u32 $0xD0000000, s2;
	s6 =	simm.s32 $0x108;
	_ =	swait.ge @!p0 [sflag:s8], $0x0  }
0x24: {  	s3 =	sadd.s32 $0x88, s3;
	s6 =	simm.s32 @!p1 $0x1082;
	[sflag:s4] =	ssyncset.s32 $0xFFFFF086  }
0x25: {  	[simem:s6], [sflag:s4] =	dma.local [hbm:s3], $0xF7A  }
0x26: {  	[smem:$0x3F82] =	sst s1;
	(tag) =	ssettag s2;
	_ =	strace s9  }
0x27: {  	s1 =	sld [smem:$0x3F92]  }
0x28: {  	s2 =	sld [smem:$0x3F93]  }
0x29: {  	s4 =	sld [smem:$0x3F95]  }
0x2a: {  	p0 =	seq.s32 s5, $0x0;
	s5 =	sld [smem:$0x3F96]  }
0x2b: {  	s6 =	sld [smem:$0x3F97]  }
0x2c: {  	s7 =	sld [smem:$0x3F98]  }
0x2d: {  	s3 =	simm.s32 $0x108;
	s8 =	sld [smem:$0x3F99]  }
0x2e: {  	s3 =	simm.s32 @!p0 $0x1082;
	s9 =	sld [smem:$0x3F9A]  }
0x2f: {  	lr =	sadd.s32 s0, s3;
	s0 =	sld [smem:$0x3F91]  }
0x30: {  	s3 =	sld [smem:$0x3F94]  }
0x31: {  	[smem:$0x3F9D] =	sst s10  }
0x32: {  	s10 =	sld [smem:$0x3F9B];
	_ =	sdelay $0x3  }
0x33: {  	p0 =	seq.s32 s10, $0x1;
	s10 =	sld [smem:$0x3F9D];
	_ =	sdelay $0x3  }
0x34: {  	[smem:$0x3F9D] =	sst s10  }
0x35: {  	s10 =	sld [smem:$0x3F9C];
	_ =	sdelay $0x3  }
0x36: {  	p1 =	seq.s32 s10, $0x1;
	s10 =	sld [smem:$0x3F9D];
	_ =	sdelay $0x3  }
0x37: {  	[smem:$0x3F9D] =	sst s10  }
0x38: {  	s10 =	sld [smem:$0x3F9E]  }
0x39: {  	_ = 	snop;
	(pc) =	sbr.ind lr, $3  }
0x3a: {  	_ = 	snop  }
0x3b: {  	_ = 	snop  }
0x3c: {  	p2 =	seq.s32 s10, $0x1;
	s10 =	sld [smem:$0x3F9D]  }
0x3d: {  	_ =	shalt  }
0x3e: {  	_ =	shalt  }
0x3f: {  	_ =	shalt  }
0x40: {  	_ =	shalt  }
0x41: {  	_ =	shalt  }
0x42: {  	_ =	shalt  }
0x43: {  	_ =	shalt  }
0x44: {  	_ =	shalt  }
0x45: {  	_ =	shalt  }
0x46: {  	_ =	shalt  }
0x47: {  	_ =	shalt  }
0x48: {  	_ =	shalt  }
0x49: {  	_ =	shalt  }
0x4a: {  	_ =	shalt  }
0x4b: {  	_ =	shalt  }
0x4c: {  	_ =	shalt  }
0x4d: {  	_ =	shalt  }
0x4e: {  	_ =	shalt  }
0x4f: {  	_ =	shalt  }
0x50: {  	_ =	shalt  }
0x51: {  	_ =	shalt  }
0x52: {  	_ =	shalt  }
0x53: {  	_ =	shalt  }
0x54: {  	_ =	shalt  }
0x55: {  	_ =	shalt  }
0x56: {  	_ =	shalt  }
0x57: {  	_ =	shalt  }
0x58: {  	_ =	shalt  }
0x59: {  	_ =	shalt  }
0x5a: {  	_ =	shalt  }
0x5b: {  	_ =	shalt  }
0x5c: {  	_ =	shalt  }
0x5d: {  	_ =	shalt  }
0x5e: {  	_ =	shalt  }
0x5f: {  	_ =	shalt  }
0x60: {  	_ =	shalt  }
0x61: {  	_ =	shalt  }
0x62: {  	_ =	shalt  }
0x63: {  	_ =	shalt  }
0x64: {  	_ =	shalt  }
0x65: {  	_ =	shalt  }
0x66: {  	_ =	shalt  }
0x67: {  	_ =	shalt  }
0x68: {  	_ =	shalt  }
0x69: {  	_ =	shalt  }
0x6a: {  	_ =	shalt  }
0x6b: {  	_ =	shalt  }
0x6c: {  	_ =	shalt  }
0x6d: {  	_ =	shalt  }
0x6e: {  	_ =	shalt  }
0x6f: {  	_ =	shalt  }
0x70: {  	_ =	shalt  }
0x71: {  	_ =	shalt  }
0x72: {  	_ =	shalt  }
0x73: {  	_ =	shalt  }
0x74: {  	_ =	shalt  }
0x75: {  	_ =	shalt  }
0x76: {  	_ =	shalt  }
0x77: {  	_ =	shalt  }
0x78: {  	_ =	shalt  }
0x79: {  	_ =	shalt  }
0x7a: {  	_ =	shalt  }
0x7b: {  	_ =	shalt  }
0x7c: {  	_ =	shalt  }
0x7d: {  	_ =	shalt  }
0x7e: {  	_ =	shalt  }
0x7f: {  	_ =	shalt  }
0x80: {  	_ =	shalt  }
0x81: {  	_ =	shalt  }
0x82: {  	_ =	shalt  }
0x83: {  	_ =	shalt  }
0x84: {  	_ =	shalt  }
0x85: {  	_ =	shalt  }
0x86: {  	_ =	shalt  }
0x87: {  	_ =	shalt  }
.Lfunc_end0:
.L_simem_size_0:
called_computation.2_lowered:
.L_overlay_start_0:
0x88: {  	s2 =	sld [smem:$0x3FD9]  }
0x89: {  	s3 =	sld [smem:$0x3FFE];
	_ =	sdelay $0x1  }
0x8a: {  	s1 =	srdreg.scid  }
0x8b: {  	s0 =	sand.u32 $0x1, s1  }
0x8c: {  	s16 =	sshll.u32 s0, $0xA;
	s2 =	sadd.s32 s3, s2  }
0x8d: {  	s2 =	sadd.s32 s2, s16  }
0x8e: {  	[smem:$0x3FA9] =	sst s2  }
0x8f: {  	_ = 	snop  }
0x90: {  	(tm) =	ssettm $0x1  }
0x91: {  	s17 =	sld [smem:$0x3FFB];
	_ =	sdelay $0x3  }
0x92: {  	_ =	strace s17  }
0x93: {  	s2 =	sld [smem:$0x3FFC];
	_ =	sdelay $0x3  }
0x94: {  	_ =	strace s2  }
0x95: {  	s2 =	sld [smem:$0x3FFD];
	_ =	sdelay $0x3  }
0x96: {  	_ =	strace s2  }
0x97: {  	_ =	strace $0x8FFFFFFF  }
0x98: {  	s18 =	sld [smem:$0x3FDB];
	_ =	sdelay $0x1  }
0x99: {  	s19 =	simm.s32 $_scs_section_size  }
0x9a: {  	s4 =	simm.s32 $_size__tile_overlayer_lowered;
	s5 =	simm.s32 $_tile_overlayer_lowered  }
0x9b: {  	s22 =	simm.s32 $0x1BFF;
	s21 =	sshll.u32 s5, $0x1;
	s2 =	sadd.s32 s19, s18  }
0x9c: {  	s6 =	simm.s32 $0x0;
	s20 =	sshll.u32 s4, $0x1;
	s4 =	sadd.s32 s21, s2  }
0x9d: {  	[timem:s6], [sflag:s22] =	dma.local [hbm:s4], s20  }
0x9e: {  	_ =	swait.ge [sflag:s22], s20  }
0x9f: {  	s3 =	ssub.s32 $0x0, s20;
	[sflag:s22] =	ssyncset.done $0x0  }
0xa0: {  	[sflag:s22] =	ssyncadd.s32 s3;
	_ =	sdelay $0x1  }
0xa1: {  	s23 =	simm.s32 $0x1B8B  }
0xa2: {  	_ =	swait.ge [sflag:s23], $0x1  }
0xa3: {  	[sflag:s23] =	ssyncset.done $0x0  }
0xa4: {  	s25 =	simm.s32 $0x1B8E;
	s24 =	sld [smem:$0x3FFE];
	[sflag:s23] =	ssyncadd.s32 $0xFFFFFFFF  }
0xa5: {  	s26 =	simm.s32 $execute0_lowered;
	[smem:$0x3FD2] =	sst s25  }
0xa6: {  	s4 =	sshll.u32 s26, $0x1;
	_ =	strace $0x8000004C;
	[dreg:$0x1] =	wrdreg $0xFFFFFFFF  }
0xa7: {  	s28 =	simm.s32 $_size_execute0_lowered;
	s2 =	sadd.s32 s2, s4;
	[dreg:$0x0] =	wrdreg $0x0  }
0xa8: {  	s4 =	sshll.u32 s28, $0x1;
	[dreg:$0x2] =	wrdreg s2  }
0xa9: {  	[dreg:$0x3] =	wrdreg s4  }
0xaa: {  	[dreg:$0x4] =	wrdreg $0xC0  }
0xab: {  	_ =	task [dreg:s6], $0x5FFFF  }
0xac: {  	[dreg:$0x1] =	wrdreg $0xFFFFFFFF  }
0xad: {  	[dreg:$0x0] =	wrdreg $0x60  }
0xae: {  	[dreg:$0x2] =	wrdreg s24  }
0xaf: {  	[dreg:$0x3] =	wrdreg $0x0  }
0xb0: {  	[dreg:$0x4] =	wrdreg $0x9  }
0xb1: {  	_ =	task.clear_ibuf [dreg:s6], $0x5FFFF;
	_ =	strace $0x9000004C  }
0xb2: {  	s29 =	simm.s32 $0x9;
	_ =	strace $0x8000004E  }
0xb3: {  	_ =	swait.ge [sflag:s29], $0x1  }
0xb4: {  	[sflag:s29] =	ssyncadd.s32 $0xFFFFFFFF  }
0xb5: {  	_ =	strace $0x9000004E  }
0xb6: {  	_ =	sfence  }
0xb7: {  	s30 =	sld [smem:$0x0];
	_ =	sdelay $0x2  }
0xb8: {  	s31 =	sshll.u32 s1, $0xD;
	s1 =	sshrl.u32 s1, $0x2  }
0xb9: {  	s3 =	sand.u32 $0x4000, s31;
	s1 =	sadd.s32 s1, s30  }
0xba: {  	s0 =	sor.u32 s3, s0;
	s1 =	sshll.u32 s1, $0x11  }
0xbb: {  	s0 =	sor.u32 s1, s0  }
0xbc: {  	s0 =	sadd.s32 $0x8F2B, s0  }
0xbd: {  	[sflag:s0] =	ssyncadd.remote.s32 $0x1  }
0xbe: {  	_ =	sfence.sel $0xFFFF  }
0xbf: {  	[dreg:$0x0] =	wrdreg $0xFFFFFFFF;
	(pc) =	sbr.abs _section_cstart, $3  }
0xc0: {  	[dreg:$0x1] =	wrdreg $0xFFFFFFFF  }
0xc1: {  	_ =	task.clear_ibuf [dreg:s6], $0x2FFFF;
	_ =	strace $0x9FFFFFFF  }
0xc2: {  	(tm) =	ssettm $0x7FFFFFFF  }
0xc3: {  	_ =	shalt  }
tec
execute0_lowered:
.L_overlay_start_1:
0x0: {  	(tag) =	ssettag $0x1  }
0x1: {  	s11 =	rddreg [dreg:$0x0]  }
0x2: {  	s2 =	rddreg [dreg:$0x1]  }
0x3: {  	s0 =	rddreg [dreg:$0x2]  }
0x4: {  	s3 =	simm.s32 $0x0;
	s1 =	stileid.u32;
	s10 =	srdreg.scid  }
0x5: {  	s20 =	simm.s32 $0x13C00;
	s21 =	simm.s32 $0x17C00;
	s22 =	simm.s32 $0x50  }
0x6: {  	s23 =	simm.s32 $0x1BC00;
	s24 =	simm.s32 $0x1;
	s25 =	simm.s32 $0x2  }
0x7: {  	s26 =	simm.s32 $0x1BA00;
	s28 =	simm.s32 $0x0;
	[smem:$0x7FF] =	sst s3  }
0x8: {  	s4 =	sshll.u32 s1, $0xB;
	s5 =	sadd.s32 $0x19C00, s11;
	s6 =	sadd.s32 $0x40E00, s11  }
0x9: {  	s7 =	sadd.s32 $0x6A800, s11;
	s8 =	sadd.s32 $0x91A00, s11;
	s9 =	smul.u32 $0x2780, s1  }
0xa: {  	s12 =	sand.u32 $0x1, s10;
	s10 =	sadd.s32 $0xE0400, s11;
	s15 =	smul.u32 $0x4F000, s1  }
0xb: {  	s19 =	sshll.u32 s1, $0x6;
	_ =	strace $0x8000004D;
	s13 =	sadd.s32 s4, s11  }
0xc: {  	s4 =	sadd.s32 $0x68000, s11;
	s14 =	ssub.s32 $0x2, s12;
	p0 =	seq.s32 s12, $0x1  }
.Ltmp0:
0xd: {  	s16 =	sadd.s32 s9, s11;
	s11 =	sadd.s32 $0x12F400, s11;
	(pc) =	sbr.rel .LBB2_1-.Ltmp0, $4  }
0xe: {  	s17 =	sshrl.u32 s14, $0x1;
	s31 =	sshrl.u32 s15, $0x2;
	s12 =	sadd.s32 $0x9C00, s13  }
0xf: {  	s13 =	sadd.s32 $0x11C00, s13;
	s17 =	ssub.s32 s14, s17;
	s18 =	sadd.s32 s31, s2  }
0x10: {  	s14 =	sadd.s32 $0xB8C00, s16;
	s15 =	sadd.s32 $0x107C00, s16;
	s16 =	smax.u32 s17, $0x1  }
0x11: {  	s17 =	sor.u32 $0x1C03, s19;
	s18 =	sshrl.u32 s18, $0x3;
	s19 =	simm.s32 $0x3  }
.LBB2_11:
0x12: {  	[tilespmem:s23], [sflag:$0x1] =	stream.indirect.gather [hbm4b:s8+s22], $0x80, s30, s22, $0xb8;
	[tilespmem:$0x1E400] =	vst v63  }
0x13: {  	s29 =	smov.u32 s11  }
.LBB2_12:
0x14: {  	_ =	swait.ge [sflag:s24], $0x2800  }
0x15: {  	[sflag:s24] =	ssyncset.done $0x0  }
0x16: {  	[sflag:s24] =	ssyncadd.s32 $0xFFFFD800  }
0x17: {  	[spmem:s2] =	stream.indirect.scatter.add.f32 [tilespmem:s23], [sflag:$0x2], $0x80, s26, s22, $0xb8;
	[tilespmem:$0x1E400] =	vst v63  }
0x18: {  	_ =	swait.ge [sflag:s25], $0x2800  }
0x19: {  	[sflag:s25] =	ssyncset.done $0x0  }
0x1a: {  	s28 =	sadd.s32 $0x1, s28;
	[sflag:s25] =	ssyncadd.s32 $0xFFFFD800  }
0x1b: {  	s29 =	sadd.s32 s29, s9;
	p1 =	sne.s32 s28, s16;
	[bflag:$0x0] =	sbarrier.arrive $0xFFFF  }
0x1c: {  	[hbm:s29], [sflag:s17] =	dma.local [spmem:s18], $0x2780  }
.Ltmp1:
0x1d: {  	_ =	swait.ge [sflag:s19], $0x2780;
	(pc) =	sbr.rel @!p1 .LBB2_13-.Ltmp1, $3  }
0x1e: {  	[sflag:s19] =	ssyncset.done $0x0  }
0x1f: {  	[sflag:s19] =	ssyncadd.s32 $0xFFFFD880  }
0x20: {  	[bflag:$0x0] =	sbarrier.arrive $0xFFFF;
	_ =	sdelay $0x1  }
.LBB2_1:
0x21: {  	[spmem:s18], [sflag:s17] =	dma.local [hbm:s4], $0x2780  }
0x22: {  	_ =	swait.ge [sflag:s19], $0x2780  }
0x23: {  	[sflag:s19] =	ssyncset.done $0x0  }
0x24: {  	[sflag:s19] =	ssyncadd.s32 $0xFFFFD880  }
0x25: {  	[bflag:$0x0] =	sbarrier.arrive $0xFFFF  }
0x26: {  	[tilespmem:s20], [sflag:$0x3] =	stream.linear.gather [hbm4b:s12+s3], $0x3E80, $0x38;
	[tilespmem:$0x1E400] =	vst v63  }
0x27: {  	_ =	swait.ge [sflag:s19], $0x3E80  }
0x28: {  	[sflag:s19] =	ssyncset.done $0x0  }
.Ltmp2:
0x29: {  	[sflag:s19] =	ssyncadd.s32 $0xFFFFC180;
	(pc) =	sbr.rel @!p0 .LBB2_2-.Ltmp2, $4  }
0x2a: {  	[tilespmem:s21], [sflag:$0x3] =	stream.linear.gather [hbm4b:s13+s3], $0x3E80, $0x38;
	[tilespmem:$0x1E400] =	vst v63  }
0x2b: {  	_ =	swait.ge [sflag:s19], $0x3E80  }
0x2c: {  	[sflag:s19] =	ssyncset.done $0x0  }
0x2d: {  	[sflag:s19] =	ssyncadd.s32 $0xFFFFC180  }
0x2e: {  	[tilespmem:s23], [sflag:$0x1] =	stream.indirect.gather [hbm4b:s7+s22], $0x80, s20, s22, $0xb8;
	[tilespmem:$0x1E400] =	vst v63  }
0x2f: {  	_ =	swait.ge [sflag:s24], $0x2800  }
0x30: {  	[sflag:s24] =	ssyncset.done $0x0  }
0x31: {  	s29 =	simm.s32 $0x17C00;
	[sflag:s24] =	ssyncadd.s32 $0xFFFFD800  }
0x32: {  	[spmem:s2] =	stream.indirect.scatter.add.f32 [tilespmem:s23], [sflag:$0x2], $0x80, s29, s22, $0xb8;
	[tilespmem:$0x1E400] =	vst v63  }
0x33: {  	_ =	swait.ge [sflag:s25], $0x2800  }
0x34: {  	[sflag:s25] =	ssyncset.done $0x0  }
0x35: {  	s30 =	simm.s32 $0x13C80;
	s29 =	simm.s32 $0x200;
	[sflag:s25] =	ssyncadd.s32 $0xFFFFD800  }
.LBB2_8:
0x36: {  	[tilespmem:s23], [sflag:$0x1] =	stream.indirect.gather [hbm4b:s7+s22], $0x80, s30, s22, $0xb8;
	[tilespmem:$0x1E400] =	vst v63  }
0x37: {  	s30 =	smov.u32 s29  }
0x38: {  	p1 =	sne.s32 s29, $0xF600;
	s29 =	sadd.s32 $0x200, s29;
	_ =	swait.ge [sflag:s24], $0x2800  }
0x39: {  	s30 =	sshra.s32 s30, $0x2;
	[sflag:s24] =	ssyncset.done $0x0  }
.Ltmp3:
0x3a: {  	s31 =	sadd.s32 $0x17C00, s30;
	[sflag:s24] =	ssyncadd.s32 $0xFFFFD800;
	(pc) =	sbr.rel @p1 .LBB2_8-.Ltmp3, $4  }
0x3b: {  	[spmem:s2] =	stream.indirect.scatter.add.f32 [tilespmem:s23], [sflag:$0x2], $0x80, s31, s22, $0xb8;
	[tilespmem:$0x1E400] =	vst v63  }
0x3c: {  	_ =	swait.ge [sflag:s25], $0x2800  }
0x3d: {  	[sflag:s25] =	ssyncset.done $0x0  }
0x3e: {  	s30 =	sadd.s32 $0x13C80, s30;
	[sflag:s25] =	ssyncadd.s32 $0xFFFFD800  }
0x3f: {  	[tilespmem:s23], [sflag:$0x1] =	stream.indirect.gather [hbm4b:s7+s22], $0x80, s30, s22, $0xb8;
	[tilespmem:$0x1E400] =	vst v63  }
0x40: {  	_ =	swait.ge [sflag:s24], $0x2800  }
0x41: {  	[sflag:s24] =	ssyncset.done $0x0  }
0x42: {  	[sflag:s24] =	ssyncadd.s32 $0xFFFFD800  }
0x43: {  	[spmem:s2] =	stream.indirect.scatter.add.f32 [tilespmem:s23], [sflag:$0x2], $0x80, s26, s22, $0xb8;
	[tilespmem:$0x1E400] =	vst v63  }
0x44: {  	_ =	swait.ge [sflag:s25], $0x2800  }
0x45: {  	[sflag:s25] =	ssyncset.done $0x0  }
0x46: {  	[sflag:s25] =	ssyncadd.s32 $0xFFFFD800  }
0x47: {  	[bflag:$0x0] =	sbarrier.arrive $0xFFFF  }
0x48: {  	[hbm:s15], [sflag:s17] =	dma.local [spmem:s18], $0x2780  }
0x49: {  	_ =	swait.ge [sflag:s19], $0x2780  }
0x4a: {  	[sflag:s19] =	ssyncset.done $0x0  }
0x4b: {  	[sflag:s19] =	ssyncadd.s32 $0xFFFFD880  }
0x4c: {  	[bflag:$0x0] =	sbarrier.arrive $0xFFFF  }
0x4d: {  	[spmem:s18], [sflag:s17] =	dma.local [hbm:s4], $0x2780  }
0x4e: {  	_ =	swait.ge [sflag:s19], $0x2780  }
0x4f: {  	[sflag:s19] =	ssyncset.done $0x0  }
0x50: {  	[sflag:s19] =	ssyncadd.s32 $0xFFFFD880  }
0x51: {  	s29 =	simm.s32 $0x0;
	[bflag:$0x0] =	sbarrier.arrive $0xFFFF  }
0x52: {  	[tilespmem:s20], [sflag:$0x3] =	stream.linear.gather [hbm4b:s12+s29], $0x3E80, $0x38;
	[tilespmem:$0x1E400] =	vst v63  }
0x53: {  	_ =	swait.ge [sflag:s19], $0x3E80  }
0x54: {  	[sflag:s19] =	ssyncset.done $0x0  }
0x55: {  	[sflag:s19] =	ssyncadd.s32 $0xFFFFC180  }
0x56: {  	[tilespmem:s21], [sflag:$0x3] =	stream.linear.gather [hbm4b:s13+s29], $0x3E80, $0x38;
	[tilespmem:$0x1E400] =	vst v63  }
0x57: {  	_ =	swait.ge [sflag:s19], $0x3E80  }
0x58: {  	[sflag:s19] =	ssyncset.done $0x0  }
0x59: {  	[sflag:s19] =	ssyncadd.s32 $0xFFFFC180  }
0x5a: {  	[tilespmem:s23], [sflag:$0x1] =	stream.indirect.gather [hbm4b:s8+s22], $0x80, s20, s22, $0xb8;
	[tilespmem:$0x1E400] =	vst v63  }
0x5b: {  	_ =	swait.ge [sflag:s24], $0x2800  }
0x5c: {  	[sflag:s24] =	ssyncset.done $0x0  }
0x5d: {  	s29 =	simm.s32 $0x17C00;
	[sflag:s24] =	ssyncadd.s32 $0xFFFFD800  }
0x5e: {  	[spmem:s2] =	stream.indirect.scatter.add.f32 [tilespmem:s23], [sflag:$0x2], $0x80, s29, s22, $0xb8;
	[tilespmem:$0x1E400] =	vst v63  }
0x5f: {  	_ =	swait.ge [sflag:s25], $0x2800  }
0x60: {  	[sflag:s25] =	ssyncset.done $0x0  }
0x61: {  	s30 =	simm.s32 $0x13C80;
	s29 =	simm.s32 $0x200;
	[sflag:s25] =	ssyncadd.s32 $0xFFFFD800  }
.LBB2_10:
0x62: {  	[tilespmem:s23], [sflag:$0x1] =	stream.indirect.gather [hbm4b:s8+s22], $0x80, s30, s22, $0xb8;
	[tilespmem:$0x1E400] =	vst v63  }
0x63: {  	s30 =	smov.u32 s29  }
0x64: {  	p1 =	sne.s32 s29, $0xF600;
	s29 =	sadd.s32 $0x200, s29;
	_ =	swait.ge [sflag:s24], $0x2800  }
0x65: {  	s30 =	sshra.s32 s30, $0x2;
	[sflag:s24] =	ssyncset.done $0x0  }
.Ltmp4:
0x66: {  	s31 =	sadd.s32 $0x17C00, s30;
	[sflag:s24] =	ssyncadd.s32 $0xFFFFD800;
	(pc) =	sbr.rel @p1 .LBB2_10-.Ltmp4, $4  }
0x67: {  	[spmem:s2] =	stream.indirect.scatter.add.f32 [tilespmem:s23], [sflag:$0x2], $0x80, s31, s22, $0xb8;
	[tilespmem:$0x1E400] =	vst v63  }
0x68: {  	_ =	swait.ge [sflag:s25], $0x2800  }
0x69: {  	[sflag:s25] =	ssyncset.done $0x0  }
0x6a: {  	s30 =	sadd.s32 $0x13C80, s30;
	[sflag:s25] =	ssyncadd.s32 $0xFFFFD800  }
.Ltmp5:
0x6b: {  	_ = 	snop;
	(pc) =	sbr.rel .LBB2_11-.Ltmp5, $1  }
0x6c: {  	_ =	sdelay $0x3  }
.LBB2_2:
0x6d: {  	[tilespmem:s23], [sflag:$0x1] =	stream.indirect.gather [hbm4b:s5+s22], $0x80, s20, s22, $0xb8;
	[tilespmem:$0x1E400] =	vst v63  }
0x6e: {  	_ =	swait.ge [sflag:s24], $0x2800  }
0x6f: {  	[sflag:s24] =	ssyncset.done $0x0  }
0x70: {  	s29 =	simm.s32 $0x17C00;
	[sflag:s24] =	ssyncadd.s32 $0xFFFFD800  }
0x71: {  	[spmem:s2] =	stream.indirect.scatter.add.f32 [tilespmem:s23], [sflag:$0x2], $0x80, s29, s22, $0xb8;
	[tilespmem:$0x1E400] =	vst v63  }
0x72: {  	_ =	swait.ge [sflag:s25], $0x2800  }
0x73: {  	[sflag:s25] =	ssyncset.done $0x0  }
0x74: {  	s30 =	simm.s32 $0x13C80;
	s29 =	simm.s32 $0x200;
	[sflag:s25] =	ssyncadd.s32 $0xFFFFD800  }
.LBB2_3:
0x75: {  	[tilespmem:s23], [sflag:$0x1] =	stream.indirect.gather [hbm4b:s5+s22], $0x80, s30, s22, $0xb8;
	[tilespmem:$0x1E400] =	vst v63  }
0x76: {  	s30 =	smov.u32 s29  }
0x77: {  	p1 =	sne.s32 s29, $0xF600;
	s29 =	sadd.s32 $0x200, s29;
	_ =	swait.ge [sflag:s24], $0x2800  }
0x78: {  	s30 =	sshra.s32 s30, $0x2;
	[sflag:s24] =	ssyncset.done $0x0  }
.Ltmp6:
0x79: {  	s31 =	sadd.s32 $0x17C00, s30;
	[sflag:s24] =	ssyncadd.s32 $0xFFFFD800;
	(pc) =	sbr.rel @p1 .LBB2_3-.Ltmp6, $4  }
0x7a: {  	[spmem:s2] =	stream.indirect.scatter.add.f32 [tilespmem:s23], [sflag:$0x2], $0x80, s31, s22, $0xb8;
	[tilespmem:$0x1E400] =	vst v63  }
0x7b: {  	_ =	swait.ge [sflag:s25], $0x2800  }
0x7c: {  	[sflag:s25] =	ssyncset.done $0x0  }
0x7d: {  	s30 =	sadd.s32 $0x13C80, s30;
	[sflag:s25] =	ssyncadd.s32 $0xFFFFD800  }
0x7e: {  	[tilespmem:s23], [sflag:$0x1] =	stream.indirect.gather [hbm4b:s5+s22], $0x80, s30, s22, $0xb8;
	[tilespmem:$0x1E400] =	vst v63  }
0x7f: {  	_ =	swait.ge [sflag:s24], $0x2800  }
0x80: {  	[sflag:s24] =	ssyncset.done $0x0  }
0x81: {  	[sflag:s24] =	ssyncadd.s32 $0xFFFFD800  }
0x82: {  	[spmem:s2] =	stream.indirect.scatter.add.f32 [tilespmem:s23], [sflag:$0x2], $0x80, s26, s22, $0xb8;
	[tilespmem:$0x1E400] =	vst v63  }
0x83: {  	_ =	swait.ge [sflag:s25], $0x2800  }
0x84: {  	[sflag:s25] =	ssyncset.done $0x0  }
0x85: {  	[sflag:s25] =	ssyncadd.s32 $0xFFFFD800  }
0x86: {  	[bflag:$0x0] =	sbarrier.arrive $0xFFFF  }
0x87: {  	[hbm:s14], [sflag:s17] =	dma.local [spmem:s18], $0x2780  }
0x88: {  	_ =	swait.ge [sflag:s19], $0x2780  }
0x89: {  	[sflag:s19] =	ssyncset.done $0x0  }
0x8a: {  	[sflag:s19] =	ssyncadd.s32 $0xFFFFD880  }
0x8b: {  	[bflag:$0x0] =	sbarrier.arrive $0xFFFF  }
0x8c: {  	[spmem:s18], [sflag:s17] =	dma.local [hbm:s4], $0x2780  }
0x8d: {  	_ =	swait.ge [sflag:s19], $0x2780  }
0x8e: {  	[sflag:s19] =	ssyncset.done $0x0  }
0x8f: {  	[sflag:s19] =	ssyncadd.s32 $0xFFFFD880  }
0x90: {  	s29 =	simm.s32 $0x0;
	[bflag:$0x0] =	sbarrier.arrive $0xFFFF  }
0x91: {  	[tilespmem:s20], [sflag:$0x3] =	stream.linear.gather [hbm4b:s12+s29], $0x3E80, $0x38;
	[tilespmem:$0x1E400] =	vst v63  }
0x92: {  	_ =	swait.ge [sflag:s19], $0x3E80  }
0x93: {  	[sflag:s19] =	ssyncset.done $0x0  }
0x94: {  	[sflag:s19] =	ssyncadd.s32 $0xFFFFC180  }
0x95: {  	[tilespmem:s21], [sflag:$0x3] =	stream.linear.gather [hbm4b:s13+s29], $0x3E80, $0x38;
	[tilespmem:$0x1E400] =	vst v63  }
0x96: {  	_ =	swait.ge [sflag:s19], $0x3E80  }
0x97: {  	[sflag:s19] =	ssyncset.done $0x0  }
0x98: {  	[sflag:s19] =	ssyncadd.s32 $0xFFFFC180  }
0x99: {  	[tilespmem:s23], [sflag:$0x1] =	stream.indirect.gather [hbm4b:s6+s22], $0x80, s20, s22, $0xb8;
	[tilespmem:$0x1E400] =	vst v63  }
0x9a: {  	_ =	swait.ge [sflag:s24], $0x2800  }
0x9b: {  	[sflag:s24] =	ssyncset.done $0x0  }
0x9c: {  	s29 =	simm.s32 $0x17C00;
	[sflag:s24] =	ssyncadd.s32 $0xFFFFD800  }
0x9d: {  	[spmem:s2] =	stream.indirect.scatter.add.f32 [tilespmem:s23], [sflag:$0x2], $0x80, s29, s22, $0xb8;
	[tilespmem:$0x1E400] =	vst v63  }
0x9e: {  	_ =	swait.ge [sflag:s25], $0x2800  }
0x9f: {  	[sflag:s25] =	ssyncset.done $0x0  }
0xa0: {  	s30 =	simm.s32 $0x13C80;
	s29 =	simm.s32 $0x200;
	[sflag:s25] =	ssyncadd.s32 $0xFFFFD800  }
.LBB2_5:
0xa1: {  	[tilespmem:s23], [sflag:$0x1] =	stream.indirect.gather [hbm4b:s6+s22], $0x80, s30, s22, $0xb8;
	[tilespmem:$0x1E400] =	vst v63  }
0xa2: {  	s30 =	smov.u32 s29  }
0xa3: {  	p1 =	seq.s32 s29, $0xF600;
	s29 =	sadd.s32 $0x200, s29;
	_ =	swait.ge [sflag:s24], $0x2800  }
0xa4: {  	s30 =	sshra.s32 s30, $0x2;
	[sflag:s24] =	ssyncset.done $0x0  }
.Ltmp7:
0xa5: {  	s31 =	sadd.s32 $0x17C00, s30;
	[sflag:s24] =	ssyncadd.s32 $0xFFFFD800;
	(pc) =	sbr.rel @!p1 .LBB2_5-.Ltmp7, $4  }
0xa6: {  	[spmem:s2] =	stream.indirect.scatter.add.f32 [tilespmem:s23], [sflag:$0x2], $0x80, s31, s22, $0xb8;
	[tilespmem:$0x1E400] =	vst v63  }
0xa7: {  	_ =	swait.ge [sflag:s25], $0x2800  }
0xa8: {  	[sflag:s25] =	ssyncset.done $0x0  }
0xa9: {  	s30 =	sadd.s32 $0x13C80, s30;
	[sflag:s25] =	ssyncadd.s32 $0xFFFFD800  }
.Ltmp8:
0xaa: {  	(pc) =	sbr.rel .LBB2_12-.Ltmp8, $3  }
0xab: {  	_ =	sdelay $0x1  }
0xac: {  	[tilespmem:s23], [sflag:$0x1] =	stream.indirect.gather [hbm4b:s6+s22], $0x80, s30, s22, $0xb8;
	[tilespmem:$0x1E400] =	vst v63  }
0xad: {  	s29 =	smov.u32 s10  }
.LBB2_13:
0xae: {  	_ =	sfence.sel $0x180000  }
0xaf: {  	[bflag:$0x0] =	sbarrier.arrive $0xFFFF  }
0xb0: {  	p0 =	sne.s32 s1, $0x0;
	_ =	strace $0x9000004D  }
0xb1: {  	s0 =	sadd.s32 @!p0 $0x100000, s0;
	[bflag:$0x2] =	sbarrier.arrive $0xFFFF  }
0xb2: {  	[sflag:s0] =	ssyncadd.tile.s32 @!p0 $0x1;
	_ =	shalt  }
.Lfunc_end2:
_tile_overlayer_lowered:
.L_overlay_start_2:
0xb3: {  	(tag) =	ssettag $0x2  }
0xb4: {  	s0 =	rddreg [dreg:$0x0];
	s2 =	stileid.u32  }
0xb5: {  	s1 =	rddreg [dreg:$0x1];
	p0 =	sne.s32 s2, $0x0  }
0xb6: {  	s3 =	rddreg [dreg:$0x2];
	[bflag:$0x3] =	sbarrier.arrive $0xFFFF;
	s2 =	simm.s32 @!p0 $0x1C03  }
0xb7: {  	[timem:s3], [sflag:s2] =	dma.local @!p0 [hbm:s0], s1  }
0xb8: {  	s0 =	simm.s32 @!p0 $0x3  }
0xb9: {  	_ =	swait.ge @!p0 [sflag:s0], s1  }
0xba: {  	s1 =	ssub.s32 @!p0 $0x0, s1;
	[sflag:s0] =	ssyncset.done @!p0 $0x0  }
0xbb: {  	[sflag:s0] =	ssyncadd.s32 @!p0 s1  }
0xbc: {  	[bflag:$0x3] =	sbarrier.arrive $0xFFFF  }
0xbd: {  	_ =	shalt  }

// kernel: kernel.23.cloned.1.call-start
scs
__scs_entry_jumppad:
0x0: {  	(pc) =	sbr.rel $0x88, $3  }
0x1: {  	(tag) =	ssettag $0x0;
	lr =	simm.s32 $0x1  }
0x2: {  	[smem:$0x3F82] =	sst lr;
	_ =	strace $0xD0000000  }
0x3: {  	_ = 	snop  }
0x4: {  	_ = 	snop  }
0x5: {  	_ = 	snop  }
0x6: {  	_ = 	snop  }
0x7: {  	_ = 	snop  }
__scs_overlays_trampoline_lowered:
0x8: {  	[smem:$0x3F91] =	sst s0  }
0x9: {  	[smem:$0x3F92] =	sst s1  }
0xa: {  	[smem:$0x3F93] =	sst s2  }
0xb: {  	[smem:$0x3F94] =	sst s3  }
0xc: {  	[smem:$0x3F95] =	sst s4  }
0xd: {  	[smem:$0x3F96] =	sst s5  }
0xe: {  	[smem:$0x3F97] =	sst s6  }
0xf: {  	[smem:$0x3F98] =	sst s7  }
0x10: {  	[smem:$0x3F99] =	sst s8  }
0x11: {  	[smem:$0x3F9A] =	sst s9;
	s0 =	simm.s32 @!p0 $0x0  }
0x12: {  	s1 =	sld [smem:$0x3F80];
	s0 =	simm.s32 @p0 $0x1  }
0x13: {  	[smem:$0x3F9B] =	sst s0;
	s0 =	simm.s32 @!p1 $0x0  }
0x14: {  	s2 =	sld [smem:$0x3F7F];
	s0 =	simm.s32 @p1 $0x1  }
0x15: {  	[smem:$0x3F9C] =	sst s0;
	s0 =	simm.s32 @!p2 $0x0  }
0x16: {  	s3 =	sld [smem:$0x3FDB];
	s0 =	simm.s32 @p2 $0x1  }
0x17: {  	s4 =	simm.s32 $0x1BF5;
	[smem:$0x3F9E] =	sst s0  }
0x18: {  	s0 =	sld [smem:$0x3F81];
	_ =	swait.ge [sflag:s4], $0x0  }
0x19: {  	s7 =	sld [smem:$0x3F82]  }
0x1a: {  	s8 =	sadd.s32 $0xFFFFE003, lr  }
0x1b: {  	s9 =	sadd.s32 $0xFFFFFEF7, lr;
	s5 =	simm.s32 $0xFFFFFFFF;
	p2 =	slt.u32 s8, $0xFFFFF086  }
0x1c: {  	p1 =	slt.u32 s9, $0xF7A;
	s5 =	simm.s32 @!p2 $0x0  }
0x1d: {  	s5 =	simm.s32 @p1 $0x1;
	p0 =	seq.s32 s7, s2  }
0x1e: {  	s7 =	smul.u32 @!p0 $0xF7A, s2;
	p2 =	seq.s32 @!p0 s5, $0x0  }
0x1f: {  	s9 =	smul.u32 $0xF7A, s1;
	s8 =	simm.s32 @!p0 $0x1BF5;
	p2 =	por !p2, p0  }
0x20: {  	[sflag:s8] =	ssyncset.s32 @!p0 $0xFFFFF086;
	s6 =	sadd.s32 @!p0 s3, s7;
	s7 =	simm.s32 @!p0 $0x108  }
0x21: {  	s3 =	sadd.s32 s3, s9;
	s6 =	sadd.s32 @!p0 $0x88, s6;
	s7 =	simm.s32 @p2 $0x1082  }
0x22: {  	[simem:s7], [sflag:s8] =	dma.local @!p0 [hbm:s6], $0xF7A  }
0x23: {  	s9 =	sor.u32 $0xD0000000, s2;
	s6 =	simm.s32 $0x108;
	_ =	swait.ge @!p0 [sflag:s8], $0x0  }
0x24: {  	s3 =	sadd.s32 $0x88, s3;
	s6 =	simm.s32 @!p1 $0x1082;
	[sflag:s4] =	ssyncset.s32 $0xFFFFF086  }
0x25: {  	[simem:s6], [sflag:s4] =	dma.local [hbm:s3], $0xF7A  }
0x26: {  	[smem:$0x3F82] =	sst s1;
	(tag) =	ssettag s2;
	_ =	strace s9  }
0x27: {  	s1 =	sld [smem:$0x3F92]  }
0x28: {  	s2 =	sld [smem:$0x3F93]  }
0x29: {  	s4 =	sld [smem:$0x3F95]  }
0x2a: {  	p0 =	seq.s32 s5, $0x0;
	s5 =	sld [smem:$0x3F96]  }
0x2b: {  	s6 =	sld [smem:$0x3F97]  }
0x2c: {  	s7 =	sld [smem:$0x3F98]  }
0x2d: {  	s3 =	simm.s32 $0x108;
	s8 =	sld [smem:$0x3F99]  }
0x2e: {  	s3 =	simm.s32 @!p0 $0x1082;
	s9 =	sld [smem:$0x3F9A]  }
0x2f: {  	lr =	sadd.s32 s0, s3;
	s0 =	sld [smem:$0x3F91]  }
0x30: {  	s3 =	sld [smem:$0x3F94]  }
0x31: {  	[smem:$0x3F9D] =	sst s10  }
0x32: {  	s10 =	sld [smem:$0x3F9B];
	_ =	sdelay $0x3  }
0x33: {  	p0 =	seq.s32 s10, $0x1;
	s10 =	sld [smem:$0x3F9D];
	_ =	sdelay $0x3  }
0x34: {  	[smem:$0x3F9D] =	sst s10  }
0x35: {  	s10 =	sld [smem:$0x3F9C];
	_ =	sdelay $0x3  }
0x36: {  	p1 =	seq.s32 s10, $0x1;
	s10 =	sld [smem:$0x3F9D];
	_ =	sdelay $0x3  }
0x37: {  	[smem:$0x3F9D] =	sst s10  }
0x38: {  	s10 =	sld [smem:$0x3F9E]  }
0x39: {  	_ = 	snop;
	(pc) =	sbr.ind lr, $3  }
0x3a: {  	_ = 	snop  }
0x3b: {  	_ = 	snop  }
0x3c: {  	p2 =	seq.s32 s10, $0x1;
	s10 =	sld [smem:$0x3F9D]  }
0x3d: {  	_ =	shalt  }
0x3e: {  	_ =	shalt  }
0x3f: {  	_ =	shalt  }
0x40: {  	_ =	shalt  }
0x41: {  	_ =	shalt  }
0x42: {  	_ =	shalt  }
0x43: {  	_ =	shalt  }
0x44: {  	_ =	shalt  }
0x45: {  	_ =	shalt  }
0x46: {  	_ =	shalt  }
0x47: {  	_ =	shalt  }
0x48: {  	_ =	shalt  }
0x49: {  	_ =	shalt  }
0x4a: {  	_ =	shalt  }
0x4b: {  	_ =	shalt  }
0x4c: {  	_ =	shalt  }
0x4d: {  	_ =	shalt  }
0x4e: {  	_ =	shalt  }
0x4f: {  	_ =	shalt  }
0x50: {  	_ =	shalt  }
0x51: {  	_ =	shalt  }
0x52: {  	_ =	shalt  }
0x53: {  	_ =	shalt  }
0x54: {  	_ =	shalt  }
0x55: {  	_ =	shalt  }
0x56: {  	_ =	shalt  }
0x57: {  	_ =	shalt  }
0x58: {  	_ =	shalt  }
0x59: {  	_ =	shalt  }
0x5a: {  	_ =	shalt  }
0x5b: {  	_ =	shalt  }
0x5c: {  	_ =	shalt  }
0x5d: {  	_ =	shalt  }
0x5e: {  	_ =	shalt  }
0x5f: {  	_ =	shalt  }
0x60: {  	_ =	shalt  }
0x61: {  	_ =	shalt  }
0x62: {  	_ =	shalt  }
0x63: {  	_ =	shalt  }
0x64: {  	_ =	shalt  }
0x65: {  	_ =	shalt  }
0x66: {  	_ =	shalt  }
0x67: {  	_ =	shalt  }
0x68: {  	_ =	shalt  }
0x69: {  	_ =	shalt  }
0x6a: {  	_ =	shalt  }
0x6b: {  	_ =	shalt  }
0x6c: {  	_ =	shalt  }
0x6d: {  	_ =	shalt  }
0x6e: {  	_ =	shalt  }
0x6f: {  	_ =	shalt  }
0x70: {  	_ =	shalt  }
0x71: {  	_ =	shalt  }
0x72: {  	_ =	shalt  }
0x73: {  	_ =	shalt  }
0x74: {  	_ =	shalt  }
0x75: {  	_ =	shalt  }
0x76: {  	_ =	shalt  }
0x77: {  	_ =	shalt  }
0x78: {  	_ =	shalt  }
0x79: {  	_ =	shalt  }
0x7a: {  	_ =	shalt  }
0x7b: {  	_ =	shalt  }
0x7c: {  	_ =	shalt  }
0x7d: {  	_ =	shalt  }
0x7e: {  	_ =	shalt  }
0x7f: {  	_ =	shalt  }
0x80: {  	_ =	shalt  }
0x81: {  	_ =	shalt  }
0x82: {  	_ =	shalt  }
0x83: {  	_ =	shalt  }
0x84: {  	_ =	shalt  }
0x85: {  	_ =	shalt  }
0x86: {  	_ =	shalt  }
0x87: {  	_ =	shalt  }
.Lfunc_end0:
.L_simem_size_0:
called_computation.3_lowered:
.L_overlay_start_0:
0x88: {  	s2 =	sld [smem:$0x3FD9]  }
0x89: {  	s3 =	sld [smem:$0x3FFE];
	_ =	sdelay $0x1  }
0x8a: {  	s1 =	srdreg.scid  }
0x8b: {  	s0 =	sand.u32 $0x1, s1  }
0x8c: {  	s16 =	sshll.u32 s0, $0xA;
	s2 =	sadd.s32 s3, s2  }
0x8d: {  	s2 =	sadd.s32 s2, s16  }
0x8e: {  	[smem:$0x3FA9] =	sst s2  }
0x8f: {  	_ = 	snop  }
0x90: {  	(tm) =	ssettm $0x1  }
0x91: {  	s17 =	sld [smem:$0x3FFB];
	_ =	sdelay $0x3  }
0x92: {  	_ =	strace s17  }
0x93: {  	s2 =	sld [smem:$0x3FFC];
	_ =	sdelay $0x3  }
0x94: {  	_ =	strace s2  }
0x95: {  	s2 =	sld [smem:$0x3FFD];
	_ =	sdelay $0x3  }
0x96: {  	_ =	strace s2  }
0x97: {  	_ =	strace $0x8FFFFFFF  }
0x98: {  	s18 =	sld [smem:$0x3FDB];
	_ =	sdelay $0x1  }
0x99: {  	s19 =	simm.s32 $_scs_section_size  }
0x9a: {  	s4 =	simm.s32 $_size__tile_overlayer_lowered;
	s5 =	simm.s32 $_tile_overlayer_lowered  }
0x9b: {  	s22 =	simm.s32 $0x1BFF;
	s21 =	sshll.u32 s5, $0x1;
	s2 =	sadd.s32 s19, s18  }
0x9c: {  	s6 =	simm.s32 $0x0;
	s20 =	sshll.u32 s4, $0x1;
	s4 =	sadd.s32 s21, s2  }
0x9d: {  	[timem:s6], [sflag:s22] =	dma.local [hbm:s4], s20  }
0x9e: {  	_ =	swait.ge [sflag:s22], s20  }
0x9f: {  	s3 =	ssub.s32 $0x0, s20;
	[sflag:s22] =	ssyncset.done $0x0  }
0xa0: {  	[sflag:s22] =	ssyncadd.s32 s3;
	_ =	sdelay $0x1  }
0xa1: {  	s23 =	simm.s32 $0x1B8B  }
0xa2: {  	_ =	swait.ge [sflag:s23], $0x1  }
0xa3: {  	[sflag:s23] =	ssyncset.done $0x0  }
0xa4: {  	s25 =	simm.s32 $0x1B8E;
	s24 =	sld [smem:$0x3FFE];
	[sflag:s23] =	ssyncadd.s32 $0xFFFFFFFF  }
0xa5: {  	s26 =	simm.s32 $execute0_lowered;
	[smem:$0x3FD2] =	sst s25  }
0xa6: {  	s4 =	sshll.u32 s26, $0x1;
	_ =	strace $0x8000004F;
	[dreg:$0x1] =	wrdreg $0xFFFFFFFF  }
0xa7: {  	s28 =	simm.s32 $_size_execute0_lowered;
	s2 =	sadd.s32 s2, s4;
	[dreg:$0x0] =	wrdreg $0x0  }
0xa8: {  	s4 =	sshll.u32 s28, $0x1;
	[dreg:$0x2] =	wrdreg s2  }
0xa9: {  	[dreg:$0x3] =	wrdreg s4  }
0xaa: {  	[dreg:$0x4] =	wrdreg $0xC0  }
0xab: {  	_ =	task [dreg:s6], $0x5FFFF  }
0xac: {  	[dreg:$0x1] =	wrdreg $0xFFFFFFFF  }
0xad: {  	[dreg:$0x0] =	wrdreg $0x60  }
0xae: {  	[dreg:$0x2] =	wrdreg s24  }
0xaf: {  	[dreg:$0x3] =	wrdreg $0x0  }
0xb0: {  	[dreg:$0x4] =	wrdreg $0x9  }
0xb1: {  	_ =	task.clear_ibuf [dreg:s6], $0x5FFFF;
	_ =	strace $0x9000004F  }
0xb2: {  	s29 =	simm.s32 $0x9;
	_ =	strace $0x80000051  }
0xb3: {  	_ =	swait.ge [sflag:s29], $0x1  }
0xb4: {  	[sflag:s29] =	ssyncadd.s32 $0xFFFFFFFF  }
0xb5: {  	_ =	strace $0x90000051  }
0xb6: {  	_ =	sfence  }
0xb7: {  	s30 =	sld [smem:$0x0];
	_ =	sdelay $0x2  }
0xb8: {  	s31 =	sshll.u32 s1, $0xD;
	s1 =	sshrl.u32 s1, $0x2  }
0xb9: {  	s3 =	sand.u32 $0x4000, s31;
	s1 =	sadd.s32 s1, s30  }
0xba: {  	s0 =	sor.u32 s3, s0;
	s1 =	sshll.u32 s1, $0x11  }
0xbb: {  	s0 =	sor.u32 s1, s0  }
0xbc: {  	s0 =	sadd.s32 $0x8F2B, s0  }
0xbd: {  	[sflag:s0] =	ssyncadd.remote.s32 $0x1  }
0xbe: {  	_ =	sfence.sel $0xFFFF  }
0xbf: {  	[dreg:$0x0] =	wrdreg $0xFFFFFFFF;
	(pc) =	sbr.abs _section_cstart, $3  }
0xc0: {  	[dreg:$0x1] =	wrdreg $0xFFFFFFFF  }
0xc1: {  	_ =	task.clear_ibuf [dreg:s6], $0x2FFFF;
	_ =	strace $0x9FFFFFFF  }
0xc2: {  	(tm) =	ssettm $0x7FFFFFFF  }
0xc3: {  	_ =	shalt  }
tec
execute0_lowered:
.L_overlay_start_1:
0x0: {  	(tag) =	ssettag $0x1  }
0x1: {  	s11 =	rddreg [dreg:$0x0]  }
0x2: {  	s2 =	rddreg [dreg:$0x1]  }
0x3: {  	s0 =	rddreg [dreg:$0x2]  }
0x4: {  	s3 =	simm.s32 $0x0;
	s1 =	stileid.u32;
	s10 =	srdreg.scid  }
0x5: {  	s20 =	simm.s32 $0x13C00;
	s21 =	simm.s32 $0x17C00;
	s22 =	simm.s32 $0x50  }
0x6: {  	s23 =	simm.s32 $0x1BC00;
	s24 =	simm.s32 $0x1;
	s25 =	simm.s32 $0x2  }
0x7: {  	s26 =	simm.s32 $0x1BA00;
	s28 =	simm.s32 $0x0;
	[smem:$0x7FF] =	sst s3  }
0x8: {  	s4 =	sshll.u32 s1, $0xB;
	s5 =	sadd.s32 $0x19C00, s11;
	s6 =	sadd.s32 $0x40E00, s11  }
0x9: {  	s7 =	sadd.s32 $0x6A800, s11;
	s8 =	sadd.s32 $0x91A00, s11;
	s9 =	smul.u32 $0x2780, s1  }
0xa: {  	s12 =	sand.u32 $0x1, s10;
	s10 =	sadd.s32 $0xE0400, s11;
	s15 =	smul.u32 $0x4F000, s1  }
0xb: {  	s19 =	sshll.u32 s1, $0x6;
	_ =	strace $0x80000050;
	s13 =	sadd.s32 s4, s11  }
0xc: {  	s4 =	sadd.s32 $0x68000, s11;
	s14 =	ssub.s32 $0x2, s12;
	p0 =	seq.s32 s12, $0x1  }
.Ltmp0:
0xd: {  	s16 =	sadd.s32 s9, s11;
	s11 =	sadd.s32 $0x12F400, s11;
	(pc) =	sbr.rel .LBB2_1-.Ltmp0, $4  }
0xe: {  	s17 =	sshrl.u32 s14, $0x1;
	s31 =	sshrl.u32 s15, $0x2;
	s12 =	sadd.s32 $0x9C00, s13  }
0xf: {  	s13 =	sadd.s32 $0x11C00, s13;
	s17 =	ssub.s32 s14, s17;
	s18 =	sadd.s32 s31, s2  }
0x10: {  	s14 =	sadd.s32 $0xB8C00, s16;
	s15 =	sadd.s32 $0x107C00, s16;
	s16 =	smax.u32 s17, $0x1  }
0x11: {  	s17 =	sor.u32 $0x1C03, s19;
	s18 =	sshrl.u32 s18, $0x3;
	s19 =	simm.s32 $0x3  }
.LBB2_11:
0x12: {  	[tilespmem:s23], [sflag:$0x1] =	stream.indirect.gather [hbm4b:s8+s22], $0x80, s30, s22, $0xb8;
	[tilespmem:$0x1E400] =	vst v63  }
0x13: {  	s29 =	smov.u32 s11  }
.LBB2_12:
0x14: {  	_ =	swait.ge [sflag:s24], $0x2800  }
0x15: {  	[sflag:s24] =	ssyncset.done $0x0  }
0x16: {  	[sflag:s24] =	ssyncadd.s32 $0xFFFFD800  }
0x17: {  	[spmem:s2] =	stream.indirect.scatter.add.f32 [tilespmem:s23], [sflag:$0x2], $0x80, s26, s22, $0xb8;
	[tilespmem:$0x1E400] =	vst v63  }
0x18: {  	_ =	swait.ge [sflag:s25], $0x2800  }
0x19: {  	[sflag:s25] =	ssyncset.done $0x0  }
0x1a: {  	s28 =	sadd.s32 $0x1, s28;
	[sflag:s25] =	ssyncadd.s32 $0xFFFFD800  }
0x1b: {  	s29 =	sadd.s32 s29, s9;
	p1 =	sne.s32 s28, s16;
	[bflag:$0x0] =	sbarrier.arrive $0xFFFF  }
0x1c: {  	[hbm:s29], [sflag:s17] =	dma.local [spmem:s18], $0x2780  }
.Ltmp1:
0x1d: {  	_ =	swait.ge [sflag:s19], $0x2780;
	(pc) =	sbr.rel @!p1 .LBB2_13-.Ltmp1, $3  }
0x1e: {  	[sflag:s19] =	ssyncset.done $0x0  }
0x1f: {  	[sflag:s19] =	ssyncadd.s32 $0xFFFFD880  }
0x20: {  	[bflag:$0x0] =	sbarrier.arrive $0xFFFF;
	_ =	sdelay $0x1  }
.LBB2_1:
0x21: {  	[spmem:s18], [sflag:s17] =	dma.local [hbm:s4], $0x2780  }
0x22: {  	_ =	swait.ge [sflag:s19], $0x2780  }
0x23: {  	[sflag:s19] =	ssyncset.done $0x0  }
0x24: {  	[sflag:s19] =	ssyncadd.s32 $0xFFFFD880  }
0x25: {  	[bflag:$0x0] =	sbarrier.arrive $0xFFFF  }
0x26: {  	[tilespmem:s20], [sflag:$0x3] =	stream.linear.gather [hbm4b:s12+s3], $0x3E80, $0x38;
	[tilespmem:$0x1E400] =	vst v63  }
0x27: {  	_ =	swait.ge [sflag:s19], $0x3E80  }
0x28: {  	[sflag:s19] =	ssyncset.done $0x0  }
.Ltmp2:
0x29: {  	[sflag:s19] =	ssyncadd.s32 $0xFFFFC180;
	(pc) =	sbr.rel @!p0 .LBB2_2-.Ltmp2, $4  }
0x2a: {  	[tilespmem:s21], [sflag:$0x3] =	stream.linear.gather [hbm4b:s13+s3], $0x3E80, $0x38;
	[tilespmem:$0x1E400] =	vst v63  }
0x2b: {  	_ =	swait.ge [sflag:s19], $0x3E80  }
0x2c: {  	[sflag:s19] =	ssyncset.done $0x0  }
0x2d: {  	[sflag:s19] =	ssyncadd.s32 $0xFFFFC180  }
0x2e: {  	[tilespmem:s23], [sflag:$0x1] =	stream.indirect.gather [hbm4b:s7+s22], $0x80, s20, s22, $0xb8;
	[tilespmem:$0x1E400] =	vst v63  }
0x2f: {  	_ =	swait.ge [sflag:s24], $0x2800  }
0x30: {  	[sflag:s24] =	ssyncset.done $0x0  }
0x31: {  	s29 =	simm.s32 $0x17C00;
	[sflag:s24] =	ssyncadd.s32 $0xFFFFD800  }
0x32: {  	[spmem:s2] =	stream.indirect.scatter.add.f32 [tilespmem:s23], [sflag:$0x2], $0x80, s29, s22, $0xb8;
	[tilespmem:$0x1E400] =	vst v63  }
0x33: {  	_ =	swait.ge [sflag:s25], $0x2800  }
0x34: {  	[sflag:s25] =	ssyncset.done $0x0  }
0x35: {  	s30 =	simm.s32 $0x13C80;
	s29 =	simm.s32 $0x200;
	[sflag:s25] =	ssyncadd.s32 $0xFFFFD800  }
.LBB2_8:
0x36: {  	[tilespmem:s23], [sflag:$0x1] =	stream.indirect.gather [hbm4b:s7+s22], $0x80, s30, s22, $0xb8;
	[tilespmem:$0x1E400] =	vst v63  }
0x37: {  	s30 =	smov.u32 s29  }
0x38: {  	p1 =	sne.s32 s29, $0xF600;
	s29 =	sadd.s32 $0x200, s29;
	_ =	swait.ge [sflag:s24], $0x2800  }
0x39: {  	s30 =	sshra.s32 s30, $0x2;
	[sflag:s24] =	ssyncset.done $0x0  }
.Ltmp3:
0x3a: {  	s31 =	sadd.s32 $0x17C00, s30;
	[sflag:s24] =	ssyncadd.s32 $0xFFFFD800;
	(pc) =	sbr.rel @p1 .LBB2_8-.Ltmp3, $4  }
0x3b: {  	[spmem:s2] =	stream.indirect.scatter.add.f32 [tilespmem:s23], [sflag:$0x2], $0x80, s31, s22, $0xb8;
	[tilespmem:$0x1E400] =	vst v63  }
0x3c: {  	_ =	swait.ge [sflag:s25], $0x2800  }
0x3d: {  	[sflag:s25] =	ssyncset.done $0x0  }
0x3e: {  	s30 =	sadd.s32 $0x13C80, s30;
	[sflag:s25] =	ssyncadd.s32 $0xFFFFD800  }
0x3f: {  	[tilespmem:s23], [sflag:$0x1] =	stream.indirect.gather [hbm4b:s7+s22], $0x80, s30, s22, $0xb8;
	[tilespmem:$0x1E400] =	vst v63  }
0x40: {  	_ =	swait.ge [sflag:s24], $0x2800  }
0x41: {  	[sflag:s24] =	ssyncset.done $0x0  }
0x42: {  	[sflag:s24] =	ssyncadd.s32 $0xFFFFD800  }
0x43: {  	[spmem:s2] =	stream.indirect.scatter.add.f32 [tilespmem:s23], [sflag:$0x2], $0x80, s26, s22, $0xb8;
	[tilespmem:$0x1E400] =	vst v63  }
0x44: {  	_ =	swait.ge [sflag:s25], $0x2800  }
0x45: {  	[sflag:s25] =	ssyncset.done $0x0  }
0x46: {  	[sflag:s25] =	ssyncadd.s32 $0xFFFFD800  }
0x47: {  	[bflag:$0x0] =	sbarrier.arrive $0xFFFF  }
0x48: {  	[hbm:s15], [sflag:s17] =	dma.local [spmem:s18], $0x2780  }
0x49: {  	_ =	swait.ge [sflag:s19], $0x2780  }
0x4a: {  	[sflag:s19] =	ssyncset.done $0x0  }
0x4b: {  	[sflag:s19] =	ssyncadd.s32 $0xFFFFD880  }
0x4c: {  	[bflag:$0x0] =	sbarrier.arrive $0xFFFF  }
0x4d: {  	[spmem:s18], [sflag:s17] =	dma.local [hbm:s4], $0x2780  }
0x4e: {  	_ =	swait.ge [sflag:s19], $0x2780  }
0x4f: {  	[sflag:s19] =	ssyncset.done $0x0  }
0x50: {  	[sflag:s19] =	ssyncadd.s32 $0xFFFFD880  }
0x51: {  	s29 =	simm.s32 $0x0;
	[bflag:$0x0] =	sbarrier.arrive $0xFFFF  }
0x52: {  	[tilespmem:s20], [sflag:$0x3] =	stream.linear.gather [hbm4b:s12+s29], $0x3E80, $0x38;
	[tilespmem:$0x1E400] =	vst v63  }
0x53: {  	_ =	swait.ge [sflag:s19], $0x3E80  }
0x54: {  	[sflag:s19] =	ssyncset.done $0x0  }
0x55: {  	[sflag:s19] =	ssyncadd.s32 $0xFFFFC180  }
0x56: {  	[tilespmem:s21], [sflag:$0x3] =	stream.linear.gather [hbm4b:s13+s29], $0x3E80, $0x38;
	[tilespmem:$0x1E400] =	vst v63  }
0x57: {  	_ =	swait.ge [sflag:s19], $0x3E80  }
0x58: {  	[sflag:s19] =	ssyncset.done $0x0  }
0x59: {  	[sflag:s19] =	ssyncadd.s32 $0xFFFFC180  }
0x5a: {  	[tilespmem:s23], [sflag:$0x1] =	stream.indirect.gather [hbm4b:s8+s22], $0x80, s20, s22, $0xb8;
	[tilespmem:$0x1E400] =	vst v63  }
0x5b: {  	_ =	swait.ge [sflag:s24], $0x2800  }
0x5c: {  	[sflag:s24] =	ssyncset.done $0x0  }
0x5d: {  	s29 =	simm.s32 $0x17C00;
	[sflag:s24] =	ssyncadd.s32 $0xFFFFD800  }
0x5e: {  	[spmem:s2] =	stream.indirect.scatter.add.f32 [tilespmem:s23], [sflag:$0x2], $0x80, s29, s22, $0xb8;
	[tilespmem:$0x1E400] =	vst v63  }
0x5f: {  	_ =	swait.ge [sflag:s25], $0x2800  }
0x60: {  	[sflag:s25] =	ssyncset.done $0x0  }
0x61: {  	s30 =	simm.s32 $0x13C80;
	s29 =	simm.s32 $0x200;
	[sflag:s25] =	ssyncadd.s32 $0xFFFFD800  }
.LBB2_10:
0x62: {  	[tilespmem:s23], [sflag:$0x1] =	stream.indirect.gather [hbm4b:s8+s22], $0x80, s30, s22, $0xb8;
	[tilespmem:$0x1E400] =	vst v63  }
0x63: {  	s30 =	smov.u32 s29  }
0x64: {  	p1 =	sne.s32 s29, $0xF600;
	s29 =	sadd.s32 $0x200, s29;
	_ =	swait.ge [sflag:s24], $0x2800  }
0x65: {  	s30 =	sshra.s32 s30, $0x2;
	[sflag:s24] =	ssyncset.done $0x0  }
.Ltmp4:
0x66: {  	s31 =	sadd.s32 $0x17C00, s30;
	[sflag:s24] =	ssyncadd.s32 $0xFFFFD800;
	(pc) =	sbr.rel @p1 .LBB2_10-.Ltmp4, $4  }
0x67: {  	[spmem:s2] =	stream.indirect.scatter.add.f32 [tilespmem:s23], [sflag:$0x2], $0x80, s31, s22, $0xb8;
	[tilespmem:$0x1E400] =	vst v63  }
0x68: {  	_ =	swait.ge [sflag:s25], $0x2800  }
0x69: {  	[sflag:s25] =	ssyncset.done $0x0  }
0x6a: {  	s30 =	sadd.s32 $0x13C80, s30;
	[sflag:s25] =	ssyncadd.s32 $0xFFFFD800  }
.Ltmp5:
0x6b: {  	_ = 	snop;
	(pc) =	sbr.rel .LBB2_11-.Ltmp5, $1  }
0x6c: {  	_ =	sdelay $0x3  }
.LBB2_2:
0x6d: {  	[tilespmem:s23], [sflag:$0x1] =	stream.indirect.gather [hbm4b:s5+s22], $0x80, s20, s22, $0xb8;
	[tilespmem:$0x1E400] =	vst v63  }
0x6e: {  	_ =	swait.ge [sflag:s24], $0x2800  }
0x6f: {  	[sflag:s24] =	ssyncset.done $0x0  }
0x70: {  	s29 =	simm.s32 $0x17C00;
	[sflag:s24] =	ssyncadd.s32 $0xFFFFD800  }
0x71: {  	[spmem:s2] =	stream.indirect.scatter.add.f32 [tilespmem:s23], [sflag:$0x2], $0x80, s29, s22, $0xb8;
	[tilespmem:$0x1E400] =	vst v63  }
0x72: {  	_ =	swait.ge [sflag:s25], $0x2800  }
0x73: {  	[sflag:s25] =	ssyncset.done $0x0  }
0x74: {  	s30 =	simm.s32 $0x13C80;
	s29 =	simm.s32 $0x200;
	[sflag:s25] =	ssyncadd.s32 $0xFFFFD800  }
.LBB2_3:
0x75: {  	[tilespmem:s23], [sflag:$0x1] =	stream.indirect.gather [hbm4b:s5+s22], $0x80, s30, s22, $0xb8;
	[tilespmem:$0x1E400] =	vst v63  }
0x76: {  	s30 =	smov.u32 s29  }
0x77: {  	p1 =	sne.s32 s29, $0xF600;
	s29 =	sadd.s32 $0x200, s29;
	_ =	swait.ge [sflag:s24], $0x2800  }
0x78: {  	s30 =	sshra.s32 s30, $0x2;
	[sflag:s24] =	ssyncset.done $0x0  }
.Ltmp6:
0x79: {  	s31 =	sadd.s32 $0x17C00, s30;
	[sflag:s24] =	ssyncadd.s32 $0xFFFFD800;
	(pc) =	sbr.rel @p1 .LBB2_3-.Ltmp6, $4  }
0x7a: {  	[spmem:s2] =	stream.indirect.scatter.add.f32 [tilespmem:s23], [sflag:$0x2], $0x80, s31, s22, $0xb8;
	[tilespmem:$0x1E400] =	vst v63  }
0x7b: {  	_ =	swait.ge [sflag:s25], $0x2800  }
0x7c: {  	[sflag:s25] =	ssyncset.done $0x0  }
0x7d: {  	s30 =	sadd.s32 $0x13C80, s30;
	[sflag:s25] =	ssyncadd.s32 $0xFFFFD800  }
0x7e: {  	[tilespmem:s23], [sflag:$0x1] =	stream.indirect.gather [hbm4b:s5+s22], $0x80, s30, s22, $0xb8;
	[tilespmem:$0x1E400] =	vst v63  }
0x7f: {  	_ =	swait.ge [sflag:s24], $0x2800  }
0x80: {  	[sflag:s24] =	ssyncset.done $0x0  }
0x81: {  	[sflag:s24] =	ssyncadd.s32 $0xFFFFD800  }
0x82: {  	[spmem:s2] =	stream.indirect.scatter.add.f32 [tilespmem:s23], [sflag:$0x2], $0x80, s26, s22, $0xb8;
	[tilespmem:$0x1E400] =	vst v63  }
0x83: {  	_ =	swait.ge [sflag:s25], $0x2800  }
0x84: {  	[sflag:s25] =	ssyncset.done $0x0  }
0x85: {  	[sflag:s25] =	ssyncadd.s32 $0xFFFFD800  }
0x86: {  	[bflag:$0x0] =	sbarrier.arrive $0xFFFF  }
0x87: {  	[hbm:s14], [sflag:s17] =	dma.local [spmem:s18], $0x2780  }
0x88: {  	_ =	swait.ge [sflag:s19], $0x2780  }
0x89: {  	[sflag:s19] =	ssyncset.done $0x0  }
0x8a: {  	[sflag:s19] =	ssyncadd.s32 $0xFFFFD880  }
0x8b: {  	[bflag:$0x0] =	sbarrier.arrive $0xFFFF  }
0x8c: {  	[spmem:s18], [sflag:s17] =	dma.local [hbm:s4], $0x2780  }
0x8d: {  	_ =	swait.ge [sflag:s19], $0x2780  }
0x8e: {  	[sflag:s19] =	ssyncset.done $0x0  }
0x8f: {  	[sflag:s19] =	ssyncadd.s32 $0xFFFFD880  }
0x90: {  	s29 =	simm.s32 $0x0;
	[bflag:$0x0] =	sbarrier.arrive $0xFFFF  }
0x91: {  	[tilespmem:s20], [sflag:$0x3] =	stream.linear.gather [hbm4b:s12+s29], $0x3E80, $0x38;
	[tilespmem:$0x1E400] =	vst v63  }
0x92: {  	_ =	swait.ge [sflag:s19], $0x3E80  }
0x93: {  	[sflag:s19] =	ssyncset.done $0x0  }
0x94: {  	[sflag:s19] =	ssyncadd.s32 $0xFFFFC180  }
0x95: {  	[tilespmem:s21], [sflag:$0x3] =	stream.linear.gather [hbm4b:s13+s29], $0x3E80, $0x38;
	[tilespmem:$0x1E400] =	vst v63  }
0x96: {  	_ =	swait.ge [sflag:s19], $0x3E80  }
0x97: {  	[sflag:s19] =	ssyncset.done $0x0  }
0x98: {  	[sflag:s19] =	ssyncadd.s32 $0xFFFFC180  }
0x99: {  	[tilespmem:s23], [sflag:$0x1] =	stream.indirect.gather [hbm4b:s6+s22], $0x80, s20, s22, $0xb8;
	[tilespmem:$0x1E400] =	vst v63  }
0x9a: {  	_ =	swait.ge [sflag:s24], $0x2800  }
0x9b: {  	[sflag:s24] =	ssyncset.done $0x0  }
0x9c: {  	s29 =	simm.s32 $0x17C00;
	[sflag:s24] =	ssyncadd.s32 $0xFFFFD800  }
0x9d: {  	[spmem:s2] =	stream.indirect.scatter.add.f32 [tilespmem:s23], [sflag:$0x2], $0x80, s29, s22, $0xb8;
	[tilespmem:$0x1E400] =	vst v63  }
0x9e: {  	_ =	swait.ge [sflag:s25], $0x2800  }
0x9f: {  	[sflag:s25] =	ssyncset.done $0x0  }
0xa0: {  	s30 =	simm.s32 $0x13C80;
	s29 =	simm.s32 $0x200;
	[sflag:s25] =	ssyncadd.s32 $0xFFFFD800  }
.LBB2_5:
0xa1: {  	[tilespmem:s23], [sflag:$0x1] =	stream.indirect.gather [hbm4b:s6+s22], $0x80, s30, s22, $0xb8;
	[tilespmem:$0x1E400] =	vst v63  }
0xa2: {  	s30 =	smov.u32 s29  }
0xa3: {  	p1 =	seq.s32 s29, $0xF600;
	s29 =	sadd.s32 $0x200, s29;
	_ =	swait.ge [sflag:s24], $0x2800  }
0xa4: {  	s30 =	sshra.s32 s30, $0x2;
	[sflag:s24] =	ssyncset.done $0x0  }
.Ltmp7:
0xa5: {  	s31 =	sadd.s32 $0x17C00, s30;
	[sflag:s24] =	ssyncadd.s32 $0xFFFFD800;
	(pc) =	sbr.rel @!p1 .LBB2_5-.Ltmp7, $4  }
0xa6: {  	[spmem:s2] =	stream.indirect.scatter.add.f32 [tilespmem:s23], [sflag:$0x2], $0x80, s31, s22, $0xb8;
	[tilespmem:$0x1E400] =	vst v63  }
0xa7: {  	_ =	swait.ge [sflag:s25], $0x2800  }
0xa8: {  	[sflag:s25] =	ssyncset.done $0x0  }
0xa9: {  	s30 =	sadd.s32 $0x13C80, s30;
	[sflag:s25] =	ssyncadd.s32 $0xFFFFD800  }
.Ltmp8:
0xaa: {  	(pc) =	sbr.rel .LBB2_12-.Ltmp8, $3  }
0xab: {  	_ =	sdelay $0x1  }
0xac: {  	[tilespmem:s23], [sflag:$0x1] =	stream.indirect.gather [hbm4b:s6+s22], $0x80, s30, s22, $0xb8;
	[tilespmem:$0x1E400] =	vst v63  }
0xad: {  	s29 =	smov.u32 s10  }
.LBB2_13:
0xae: {  	_ =	sfence.sel $0x180000  }
0xaf: {  	[bflag:$0x0] =	sbarrier.arrive $0xFFFF  }
0xb0: {  	p0 =	sne.s32 s1, $0x0;
	_ =	strace $0x90000050  }
0xb1: {  	s0 =	sadd.s32 @!p0 $0x100000, s0;
	[bflag:$0x2] =	sbarrier.arrive $0xFFFF  }
0xb2: {  	[sflag:s0] =	ssyncadd.tile.s32 @!p0 $0x1;
	_ =	shalt  }
.Lfunc_end2:
_tile_overlayer_lowered:
.L_overlay_start_2:
0xb3: {  	(tag) =	ssettag $0x2  }
0xb4: {  	s0 =	rddreg [dreg:$0x0];
	s2 =	stileid.u32  }
0xb5: {  	s1 =	rddreg [dreg:$0x1];
	p0 =	sne.s32 s2, $0x0  }
0xb6: {  	s3 =	rddreg [dreg:$0x2];
	[bflag:$0x3] =	sbarrier.arrive $0xFFFF;
	s2 =	simm.s32 @!p0 $0x1C03  }
0xb7: {  	[timem:s3], [sflag:s2] =	dma.local @!p0 [hbm:s0], s1  }
0xb8: {  	s0 =	simm.s32 @!p0 $0x3  }
0xb9: {  	_ =	swait.ge @!p0 [sflag:s0], s1  }
0xba: {  	s1 =	ssub.s32 @!p0 $0x0, s1;
	[sflag:s0] =	ssyncset.done @!p0 $0x0  }
0xbb: {  	[sflag:s0] =	ssyncadd.s32 @!p0 s1  }
0xbc: {  	[bflag:$0x3] =	sbarrier.arrive $0xFFFF  }
0xbd: {  	_ =	shalt  }

</sc_bundles>
